<compile_context>
chip_gen: v7x
topology: tpu7x:2x2x1
jax: 0.10.2.dev20260603
libtpu: 0.0.44.dev20260713+nightly
codegen_flags: <defaults>
</compile_context>

<pallas_src>
import dataclasses
import functools

import jax
import jax.numpy as jnp
from jax import lax
from jax.experimental import pallas as pl
from jax.experimental.pallas import tpu as pltpu
from jax.experimental.pallas import tpu_sc as plsc

N_NODES = 10000
DIM = 128
NPAD = 10240
ROWS_PER_TILE = NPAD // 16
NW = 32
CHUNK = 128
NBUF = 2

_MESH = plsc.VectorSubcoreMesh(core_axis_name="c", subcore_axis_name="s")


def _sc_prop(hs, src_f, dst_f, zeros, cpw0, cpw1):
    init2 = jnp.concatenate([hs, zeros], axis=0)
    halfmax = max(cpw0, cpw1) // 2

    @functools.partial(
        pl.kernel,
        mesh=_MESH,
        out_type=jax.ShapeDtypeStruct((2 * NPAD, DIM), jnp.float32),
        scratch_types=[
            pltpu.VMEM((halfmax, CHUNK), jnp.int32),
            pltpu.VMEM((halfmax, CHUNK), jnp.int32),
            pltpu.VMEM_SHARED((NPAD, DIM), jnp.float32),
        ] + [pltpu.VMEM((CHUNK, DIM), jnp.float32)] * NBUF
          + [pltpu.SemaphoreType.DMA] * (2 * NBUF),
    )
    def prop_kernel(hs_hbm, src_hbm, dst_hbm, init_hbm, out_hbm,
                    src_v, dst_v, acc_s, *bufs_and_sems):
        bufs = bufs_and_sems[:NBUF]
        gsem = bufs_and_sems[NBUF:2 * NBUF]
        ssem = bufs_and_sems[2 * NBUF:]
        c = lax.axis_index("c")
        s = lax.axis_index("s")
        rows = pl.ds(s * ROWS_PER_TILE, ROWS_PER_TILE)
        io_rows = pl.ds(c * NPAD + s * ROWS_PER_TILE, ROWS_PER_TILE)

        def run_half(base, half, h):
            start = base + h * half
            pltpu.sync_copy(src_hbm.at[pl.ds(start, half)],
                            src_v.at[pl.ds(0, half)])
            pltpu.sync_copy(dst_hbm.at[pl.ds(start, half)],
                            dst_v.at[pl.ds(0, half)])
            for b in range(NBUF):
                pltpu.async_copy(hs_hbm.at[src_v.at[b]], bufs[b], gsem[b])

            @pl.loop(0, half - NBUF, step=NBUF)
            def _(j):
                for b in range(NBUF):
                    pltpu.make_async_copy(
                        hs_hbm.at[src_v.at[j + b]], bufs[b], gsem[b]).wait()
                    pltpu.async_copy(
                        bufs[b], acc_s.at[dst_v.at[j + b]], ssem[b], add=True)
                for b in range(NBUF):
                    pltpu.make_async_copy(
                        bufs[b], acc_s.at[dst_v.at[j + b]], ssem[b]).wait()
                    pltpu.async_copy(
                        hs_hbm.at[src_v.at[j + NBUF + b]], bufs[b], gsem[b])

            for b in range(NBUF):
                jb = half - NBUF + b
                pltpu.make_async_copy(
                    hs_hbm.at[src_v.at[jb]], bufs[b], gsem[b]).wait()
                pltpu.async_copy(
                    bufs[b], acc_s.at[dst_v.at[jb]], ssem[b], add=True)
            for b in range(NBUF):
                jb = half - NBUF + b
                pltpu.make_async_copy(
                    bufs[b], acc_s.at[dst_v.at[jb]], ssem[b]).wait()

        pltpu.sync_copy(init_hbm.at[io_rows], acc_s.at[rows])
        plsc.subcore_barrier()

        @pl.when(c == 0)
        def _():
            run_half(s * cpw0, cpw0 // 2, 0)
            run_half(s * cpw0, cpw0 // 2, 1)

        @pl.when(c == 1)
        def _():
            base = 16 * cpw0 + s * cpw1
            run_half(base, cpw1 // 2, 0)
            run_half(base, cpw1 // 2, 1)

        plsc.subcore_barrier()
        pltpu.sync_copy(acc_s.at[rows], out_hbm.at[io_rows])

    return prop_kernel(hs, src_f, dst_f, init2).reshape(2, NPAD, DIM)


def _sc_degree(dst_r, cpw):
    cp = pltpu.CompilerParams()
    if "needs_layout_passes" in pltpu.CompilerParams.__dataclass_fields__:
        cp = dataclasses.replace(cp, needs_layout_passes=False)

    @functools.partial(
        pl.kernel,
        mesh=_MESH,
        out_type=jax.ShapeDtypeStruct((NW, NPAD), jnp.float32),
        scratch_types=[
            pltpu.VMEM((cpw, CHUNK), jnp.int32),
            pltpu.VMEM((NPAD,), jnp.float32),
        ],
        compiler_params=cp,
    )
    def deg_kernel(dst_hbm, out_hbm, dst_v, histo):
        c = lax.axis_index("c")
        s = lax.axis_index("s")
        wid = c * 16 + s
        pltpu.sync_copy(dst_hbm.at[wid], dst_v)
        zero16 = jnp.zeros((16,), jnp.float32)
        ones16 = jnp.ones((16,), jnp.float32)

        @pl.loop(0, NPAD // 16)
        def _(i):
            histo[pl.ds(i * 16, 16)] = zero16

        @pl.loop(0, cpw)
        def _(j):
            @pl.loop(0, CHUNK // 16)
            def _(k):
                idx = dst_v[j, pl.ds(k * 16, 16)]
                plsc.addupdate_scatter(histo, [idx], ones16)

        pltpu.sync_copy(histo, out_hbm.at[wid])

    return deg_kernel(dst_r)


def _tc_prep(deg32, x_pad):
    rb = 2048
    qn = rb // DIM

    def body(deg_ref, x_ref, dinv_ref, hs_ref):
        i = pl.program_id(0)
        d = jnp.sum(deg_ref[...], axis=0) + 1.0
        node = (i * rb + lax.broadcasted_iota(jnp.int32, (qn, DIM), 0) * DIM
                + lax.broadcasted_iota(jnp.int32, (qn, DIM), 1))
        dinv = jnp.where(node < N_NODES, lax.rsqrt(d), 0.0)
        eye = jnp.where(
            lax.broadcasted_iota(jnp.int32, (DIM, DIM), 0)
            == lax.broadcasted_iota(jnp.int32, (DIM, DIM), 1), 1.0, 0.0)
        parts = []
        for q in range(qn):
            m = jnp.broadcast_to(dinv[q:q + 1, :], (DIM, DIM)) * eye
            col = jnp.sum(m, axis=1, keepdims=True)
            parts.append(jnp.broadcast_to(col, (DIM, DIM)))
        dinvb = jnp.concatenate(parts, axis=0)
        dinv_ref[...] = dinvb
        hs_ref[...] = x_ref[...] * dinvb

    return pl.pallas_call(
        body,
        grid=(NPAD // rb,),
        in_specs=[
            pl.BlockSpec((NW, qn, DIM), lambda i: (0, i, 0)),
            pl.BlockSpec((rb, DIM), lambda i: (i, 0)),
        ],
        out_specs=[
            pl.BlockSpec((rb, DIM), lambda i: (i, 0)),
            pl.BlockSpec((rb, DIM), lambda i: (i, 0)),
        ],
        out_shape=[
            jax.ShapeDtypeStruct((NPAD, DIM), jnp.float32),
            jax.ShapeDtypeStruct((NPAD, DIM), jnp.float32),
        ],
    )(deg32, x_pad)


def _tc_layer(acc, dinvb, w, b2d, relu_scale):
    rb = ROWS_PER_TILE

    def body(acc_ref, dinv_ref, w_ref, b_ref, o_ref):
        dinv = dinv_ref[...]
        y = (acc_ref[0] + acc_ref[1]) * dinv
        h = jnp.dot(y, w_ref[...], preferred_element_type=jnp.float32,
                    precision=lax.Precision.HIGHEST) + b_ref[...]
        if relu_scale:
            o_ref[...] = jnp.maximum(h, 0.0) * dinv
        else:
            o_ref[...] = h

    return pl.pallas_call(
        body,
        grid=(NPAD // rb,),
        in_specs=[
            pl.BlockSpec((2, rb, DIM), lambda i: (0, i, 0)),
            pl.BlockSpec((rb, DIM), lambda i: (i, 0)),
            pl.BlockSpec((DIM, DIM), lambda i: (0, 0)),
            pl.BlockSpec((1, DIM), lambda i: (0, 0)),
        ],
        out_specs=pl.BlockSpec((rb, DIM), lambda i: (i, 0)),
        out_shape=jax.ShapeDtypeStruct((NPAD, DIM), jnp.float32),
    )(acc, dinvb, w, b2d)


def kernel(x, edge_index, W1, b1, W2, b2, W3, b3):
    n, d = x.shape
    e = edge_index.shape[1]
    cpw = -(-e // (NW * CHUNK))
    cpw = -(-cpw // (2 * NBUF)) * 2 * NBUF
    epad = NW * cpw * CHUNK
    cpw0 = int(round(2 * cpw * 0.79 / 8)) * 8
    cpw1 = 2 * cpw - cpw0

    src = edge_index[0].astype(jnp.int32)
    dst = edge_index[1].astype(jnp.int32)
    padv = jnp.full((epad - e,), n, dtype=jnp.int32)
    src_f = jnp.concatenate([src, padv]).reshape(epad // CHUNK, CHUNK)
    dst_f = jnp.concatenate([dst, padv]).reshape(epad // CHUNK, CHUNK)
    dst_r = dst_f.reshape(NW, cpw, CHUNK)

    x_pad = jnp.pad(x.astype(jnp.float32), ((0, NPAD - n), (0, 0)))
    zeros = jnp.zeros((NPAD, DIM), jnp.float32)

    deg32 = _sc_degree(dst_r, cpw).reshape(NW, NPAD // DIM, DIM)
    dinvb, hs = _tc_prep(deg32, x_pad)

    acc = _sc_prop(hs, src_f, dst_f, zeros, cpw0, cpw1)
    hs = _tc_layer(acc, dinvb, W1, b1.reshape(1, DIM), True)
    acc = _sc_prop(hs, src_f, dst_f, zeros, cpw0, cpw1)
    hs = _tc_layer(acc, dinvb, W2, b2.reshape(1, DIM), True)
    acc = _sc_prop(hs, src_f, dst_f, zeros, cpw0, cpw1)
    out = _tc_layer(acc, dinvb, W3, b3.reshape(1, DIM), False)
    return out[:n]

# --- scband reference (transcript-rebuilt; emitter-appended) ---
"""Pipeline reference for scband-sgc-40020505264510 (READ-ONLY COPY).

The authoritative reference and input builder live on the scoring server;
editing this copy changes nothing except your own understanding.
"""

import jax, jax.numpy as jnp
import numpy as np

N = 10000
E = 320000
D = 128


def setup_inputs(seed: int = 0) -> dict:
    key = jax.random.key(seed)
    k1, k2, k3, k4, k5 = jax.random.split(key, 5)
    x = jax.random.normal(k1, (N, D), dtype=jnp.float32)
    edge_index = jax.random.randint(k2, (2, E), 0, N)
    scale = 1.0 / np.sqrt(D)
    W1 = jax.random.normal(k3, (D, D), dtype=jnp.float32) * scale
    b1 = jnp.zeros((D,), dtype=jnp.float32)
    W2 = jax.random.normal(k4, (D, D), dtype=jnp.float32) * scale
    b2 = jnp.zeros((D,), dtype=jnp.float32)
    W3 = jax.random.normal(k5, (D, D), dtype=jnp.float32) * scale
    b3 = jnp.zeros((D,), dtype=jnp.float32)
    return {"x": x, "edge_index": edge_index, "W1": W1, "b1": b1, "W2": W2, "b2": b2, "W3": W3, "b3": b3}


def sg_conv(x, src, dst, W, b, num_nodes):
    # SGConv (K=1) with GCN normalization and self-loops, then linear.
    loop = jnp.arange(num_nodes, dtype=src.dtype)
    src2 = jnp.concatenate([src, loop])
    dst2 = jnp.concatenate([dst, loop])
    deg = jnp.zeros((num_nodes,), dtype=jnp.float32).at[dst2].add(1.0)
    dinv = jnp.where(deg > 0, jax.lax.rsqrt(jnp.maximum(deg, 1e-12)), 0.0)
    norm = dinv[src2] * dinv[dst2]
    msg = x[src2] * norm[:, None]
    agg = jax.ops.segment_sum(msg, dst2, num_segments=num_nodes)
    return agg @ W + b


def reference(x, edge_index, W1, b1, W2, b2, W3, b3):
    # SGC forward (eval mode: dropout is identity)
    src = edge_index[0]
    dst = edge_index[1]
    n = x.shape[0]
    h = jax.nn.relu(sg_conv(x, src, dst, W1, b1, n))
    h = jax.nn.relu(sg_conv(h, src, dst, W2, b2, n))
    out = sg_conv(h, src, dst, W3, b3, n)
    return out

if __name__ == "__main__":
    import jax
    _d = setup_inputs()
    print(jax.jit(kernel)(*tuple(_d.values())))

</pallas_src>

<mosaic_0001>
#map = affine_map<(d0, d1) -> (0, 0)>
module attributes {stable_mosaic.version = 14 : i64} {
  func.func @prop_kernel(%arg0: i32, %arg1: i32, %arg2: memref<10240x128xf32, #tpu.memory_space<hbm>>, %arg3: memref<2560x128xi32, #tpu.memory_space<hbm>>, %arg4: memref<2560x128xi32, #tpu.memory_space<hbm>>, %arg5: memref<20480x128xf32, #tpu.memory_space<hbm>>, %arg6: memref<20480x128xf32, #tpu.memory_space<hbm>>, %arg7: memref<64x128xi32, #tpu.memory_space<vmem>>, %arg8: memref<64x128xi32, #tpu.memory_space<vmem>>, %arg9: memref<10240x128xf32, #tpu.memory_space<vmem_shared>>, %arg10: memref<128x128xf32, #tpu.memory_space<vmem>>, %arg11: memref<128x128xf32, #tpu.memory_space<vmem>>, %arg12: memref<!tpu.dma_semaphore, #tpu.memory_space<semaphore_mem>>, %arg13: memref<!tpu.dma_semaphore, #tpu.memory_space<semaphore_mem>>, %arg14: memref<!tpu.dma_semaphore, #tpu.memory_space<semaphore_mem>>, %arg15: memref<!tpu.dma_semaphore, #tpu.memory_space<semaphore_mem>>) attributes {dimension_semantics = [#tpu.dimension_semantics<core_parallel>, #tpu.dimension_semantics<subcore_parallel>], iteration_bounds = array<i64: 2, 16>, scalar_prefetch = 0 : i64, scratch_operands = 9 : i64, tpu.core_type = #tpu.core_type<sc_vector_subcore>, window_params = [{transform_indices = #map}, {transform_indices = #map}, {transform_indices = #map}, {transform_indices = #map}, {transform_indices = #map}]} {
    %mul3A = arith.constant 640 : i32
    %mul3A_0 = arith.muli %arg1, %mul3A : i32
    %mul3A_1 = arith.constant 10240 : i32
    %mul3A_2 = arith.muli %arg0, %mul3A_1 : i32
    %mul3A_3 = arith.constant 640 : i32
    %mul3A_4 = arith.muli %arg1, %mul3A_3 : i32
    %add3A = arith.addi %mul3A_2, %mul3A_4 : i32
    "tpu.region"() ({
      %run_scoped3A = tpu.sem_alloc : memref<!tpu.dma_semaphore, #tpu.memory_space<semaphore_mem>>
      %dma_start3A = arith.constant 0 : i32
      %dma_start3A_13 = tpu.memref_slice %arg9[%mul3A_0, %dma_start3A] : memref<10240x128xf32, #tpu.memory_space<vmem_shared>> -> memref<640x128xf32, #tpu.memory_space<vmem_shared>>
      %dma_start3A_14 = arith.constant 0 : i32
      %dma_start3A_15 = tpu.memref_slice %arg5[%add3A, %dma_start3A_14] : memref<20480x128xf32, #tpu.memory_space<hbm>> -> memref<640x128xf32, #tpu.memory_space<hbm>>
      tpu.enqueue_dma source(%dma_start3A_15 : memref<640x128xf32, #tpu.memory_space<hbm>>) target(%dma_start3A_13 : memref<640x128xf32, #tpu.memory_space<vmem_shared>>) target_semaphore(%run_scoped3A : memref<!tpu.dma_semaphore, #tpu.memory_space<semaphore_mem>>)
      %dma_wait3A = arith.constant 0 : i32
      %dma_wait3A_16 = tpu.memref_slice %arg9[%mul3A_0, %dma_wait3A] : memref<10240x128xf32, #tpu.memory_space<vmem_shared>> -> memref<640x128xf32, #tpu.memory_space<vmem_shared>>
      %dma_wait3A_17 = arith.constant 0 : i32
      %dma_wait3A_18 = tpu.memref_slice %arg5[%add3A, %dma_wait3A_17] : memref<20480x128xf32, #tpu.memory_space<hbm>> -> memref<640x128xf32, #tpu.memory_space<hbm>>
      tpu.wait_dma2 semaphore(%run_scoped3A : memref<!tpu.dma_semaphore, #tpu.memory_space<semaphore_mem>>) src(%dma_wait3A_18 : memref<640x128xf32, #tpu.memory_space<hbm>>) dst(%dma_wait3A_16 : memref<640x128xf32, #tpu.memory_space<vmem_shared>>)
      tpu.yield
    }) : () -> ()
    %barrier3A = arith.constant 0 : index
    tpu.barrier barrier_id(%barrier3A)
    %eq3A = arith.constant 0 : i32
    %eq3A_5 = arith.cmpi eq, %arg0, %eq3A : i32
    %convert_element_type3A = arith.extui %eq3A_5 : i1 to i32
    %cond3A = arith.constant 0 : i32
    %cond3A_6 = arith.cmpi ne, %convert_element_type3A, %cond3A : i32
    scf.if %cond3A_6 {
      %mul3A_13 = arith.constant 128 : i32
      %mul3A_14 = arith.muli %arg1, %mul3A_13 : i32
      %add3A_15 = arith.constant 0 : i32
      %add3A_16 = arith.addi %mul3A_14, %add3A_15 : i32
      "tpu.region"() ({
        %run_scoped3A = tpu.sem_alloc : memref<!tpu.dma_semaphore, #tpu.memory_space<semaphore_mem>>
        %dma_start3A_140 = arith.constant 0 : i32
        %dma_start3A_141 = arith.constant 0 : i32
        %dma_start3A_142 = tpu.memref_slice %arg7[%dma_start3A_140, %dma_start3A_141] : memref<64x128xi32, #tpu.memory_space<vmem>> -> memref<64x128xi32, #tpu.memory_space<vmem>>
        %dma_start3A_143 = arith.constant 0 : i32
        %dma_start3A_144 = tpu.memref_slice %arg3[%add3A_16, %dma_start3A_143] : memref<2560x128xi32, #tpu.memory_space<hbm>> -> memref<64x128xi32, #tpu.memory_space<hbm>>
        %dma_start3A_145 = arith.constant 0 : i32
        %dma_start3A_146 = arith.constant 0 : i32
        %dma_start3A_147 = tpu.memref_slice %arg7[%dma_start3A_145, %dma_start3A_146] : memref<64x128xi32, #tpu.memory_space<vmem>> -> memref<64x128xi32, #tpu.memory_space<vmem>>
        %dma_start3A_148 = arith.constant 0 : i32
        %dma_start3A_149 = tpu.memref_slice %arg3[%add3A_16, %dma_start3A_148] : memref<2560x128xi32, #tpu.memory_space<hbm>> -> memref<64x128xi32, #tpu.memory_space<hbm>>
        tpu.enqueue_dma source(%dma_start3A_149 : memref<64x128xi32, #tpu.memory_space<hbm>>) target(%dma_start3A_147 : memref<64x128xi32, #tpu.memory_space<vmem>>) target_semaphore(%run_scoped3A : memref<!tpu.dma_semaphore, #tpu.memory_space<semaphore_mem>>)
        %dma_wait3A_150 = arith.constant 0 : i32
        %dma_wait3A_151 = arith.constant 0 : i32
        %dma_wait3A_152 = tpu.memref_slice %arg7[%dma_wait3A_150, %dma_wait3A_151] : memref<64x128xi32, #tpu.memory_space<vmem>> -> memref<64x128xi32, #tpu.memory_space<vmem>>
        %dma_wait3A_153 = arith.constant 0 : i32
        %dma_wait3A_154 = tpu.memref_slice %arg3[%add3A_16, %dma_wait3A_153] : memref<2560x128xi32, #tpu.memory_space<hbm>> -> memref<64x128xi32, #tpu.memory_space<hbm>>
        %dma_wait3A_155 = arith.constant 0 : i32
        %dma_wait3A_156 = arith.constant 0 : i32
        %dma_wait3A_157 = tpu.memref_slice %arg7[%dma_wait3A_155, %dma_wait3A_156] : memref<64x128xi32, #tpu.memory_space<vmem>> -> memref<64x128xi32, #tpu.memory_space<vmem>>
        %dma_wait3A_158 = arith.constant 0 : i32
        %dma_wait3A_159 = tpu.memref_slice %arg3[%add3A_16, %dma_wait3A_158] : memref<2560x128xi32, #tpu.memory_space<hbm>> -> memref<64x128xi32, #tpu.memory_space<hbm>>
        tpu.wait_dma2 semaphore(%run_scoped3A : memref<!tpu.dma_semaphore, #tpu.memory_space<semaphore_mem>>) src(%dma_wait3A_159 : memref<64x128xi32, #tpu.memory_space<hbm>>) dst(%dma_wait3A_157 : memref<64x128xi32, #tpu.memory_space<vmem>>)
        tpu.yield
      }) : () -> ()
      "tpu.region"() ({
        %run_scoped3A = tpu.sem_alloc : memref<!tpu.dma_semaphore, #tpu.memory_space<semaphore_mem>>
        %dma_start3A_140 = arith.constant 0 : i32
        %dma_start3A_141 = arith.constant 0 : i32
        %dma_start3A_142 = tpu.memref_slice %arg8[%dma_start3A_140, %dma_start3A_141] : memref<64x128xi32, #tpu.memory_space<vmem>> -> memref<64x128xi32, #tpu.memory_space<vmem>>
        %dma_start3A_143 = arith.constant 0 : i32
        %dma_start3A_144 = tpu.memref_slice %arg4[%add3A_16, %dma_start3A_143] : memref<2560x128xi32, #tpu.memory_space<hbm>> -> memref<64x128xi32, #tpu.memory_space<hbm>>
        %dma_start3A_145 = arith.constant 0 : i32
        %dma_start3A_146 = arith.constant 0 : i32
        %dma_start3A_147 = tpu.memref_slice %arg8[%dma_start3A_145, %dma_start3A_146] : memref<64x128xi32, #tpu.memory_space<vmem>> -> memref<64x128xi32, #tpu.memory_space<vmem>>
        %dma_start3A_148 = arith.constant 0 : i32
        %dma_start3A_149 = tpu.memref_slice %arg4[%add3A_16, %dma_start3A_148] : memref<2560x128xi32, #tpu.memory_space<hbm>> -> memref<64x128xi32, #tpu.memory_space<hbm>>
        tpu.enqueue_dma source(%dma_start3A_149 : memref<64x128xi32, #tpu.memory_space<hbm>>) target(%dma_start3A_147 : memref<64x128xi32, #tpu.memory_space<vmem>>) target_semaphore(%run_scoped3A : memref<!tpu.dma_semaphore, #tpu.memory_space<semaphore_mem>>)
        %dma_wait3A_150 = arith.constant 0 : i32
        %dma_wait3A_151 = arith.constant 0 : i32
        %dma_wait3A_152 = tpu.memref_slice %arg8[%dma_wait3A_150, %dma_wait3A_151] : memref<64x128xi32, #tpu.memory_space<vmem>> -> memref<64x128xi32, #tpu.memory_space<vmem>>
        %dma_wait3A_153 = arith.constant 0 : i32
        %dma_wait3A_154 = tpu.memref_slice %arg4[%add3A_16, %dma_wait3A_153] : memref<2560x128xi32, #tpu.memory_space<hbm>> -> memref<64x128xi32, #tpu.memory_space<hbm>>
        %dma_wait3A_155 = arith.constant 0 : i32
        %dma_wait3A_156 = arith.constant 0 : i32
        %dma_wait3A_157 = tpu.memref_slice %arg8[%dma_wait3A_155, %dma_wait3A_156] : memref<64x128xi32, #tpu.memory_space<vmem>> -> memref<64x128xi32, #tpu.memory_space<vmem>>
        %dma_wait3A_158 = arith.constant 0 : i32
        %dma_wait3A_159 = tpu.memref_slice %arg4[%add3A_16, %dma_wait3A_158] : memref<2560x128xi32, #tpu.memory_space<hbm>> -> memref<64x128xi32, #tpu.memory_space<hbm>>
        tpu.wait_dma2 semaphore(%run_scoped3A : memref<!tpu.dma_semaphore, #tpu.memory_space<semaphore_mem>>) src(%dma_wait3A_159 : memref<64x128xi32, #tpu.memory_space<hbm>>) dst(%dma_wait3A_157 : memref<64x128xi32, #tpu.memory_space<vmem>>)
        tpu.yield
      }) : () -> ()
      %dma_start3A = arith.constant 0 : i32
      %dma_start3A_17 = arith.constant 0 : i32
      %dma_start3A_18 = tpu.memref_slice %arg7[%dma_start3A, %dma_start3A_17] : memref<64x128xi32, #tpu.memory_space<vmem>> -> memref<1x128xi32, #tpu.memory_space<vmem>>
      %dma_start3A_19 = tpu.memref_squeeze %dma_start3A_18 : memref<1x128xi32, #tpu.memory_space<vmem>> -> memref<128xi32, #tpu.memory_space<vmem>>
      %dma_start3A_20 = arith.constant 0 : i32
      %dma_start3A_21 = arith.constant 0 : i32
      %dma_start3A_22 = tpu.memref_slice %arg2[%dma_start3A_20, %dma_start3A_21] : memref<10240x128xf32, #tpu.memory_space<hbm>> -> memref<10240x128xf32, #tpu.memory_space<hbm>>
      tpu.enqueue_indirect_dma source(%dma_start3A_22 : memref<10240x128xf32, #tpu.memory_space<hbm>>) target(%arg10 : memref<128x128xf32, #tpu.memory_space<vmem>>) offsets(%dma_start3A_19 : memref<128xi32, #tpu.memory_space<vmem>>) semaphore(%arg12 : memref<!tpu.dma_semaphore, #tpu.memory_space<semaphore_mem>>)
      %dma_start3A_23 = arith.constant 1 : i32
      %dma_start3A_24 = arith.constant 0 : i32
      %dma_start3A_25 = tpu.memref_slice %arg7[%dma_start3A_23, %dma_start3A_24] : memref<64x128xi32, #tpu.memory_space<vmem>> -> memref<1x128xi32, #tpu.memory_space<vmem>>
      %dma_start3A_26 = tpu.memref_squeeze %dma_start3A_25 : memref<1x128xi32, #tpu.memory_space<vmem>> -> memref<128xi32, #tpu.memory_space<vmem>>
      %dma_start3A_27 = arith.constant 0 : i32
      %dma_start3A_28 = arith.constant 0 : i32
      %dma_start3A_29 = tpu.memref_slice %arg2[%dma_start3A_27, %dma_start3A_28] : memref<10240x128xf32, #tpu.memory_space<hbm>> -> memref<10240x128xf32, #tpu.memory_space<hbm>>
      tpu.enqueue_indirect_dma source(%dma_start3A_29 : memref<10240x128xf32, #tpu.memory_space<hbm>>) target(%arg11 : memref<128x128xf32, #tpu.memory_space<vmem>>) offsets(%dma_start3A_26 : memref<128xi32, #tpu.memory_space<vmem>>) semaphore(%arg13 : memref<!tpu.dma_semaphore, #tpu.memory_space<semaphore_mem>>)
      %scan3A = arith.constant 0 : i32
      %scan3A_30 = arith.constant 31 : i32
      %scan3A_31 = arith.addi %scan3A, %scan3A_30 : i32
      %scan3A_32 = arith.constant 1 : i32
      scf.for %scan3A_140 = %scan3A to %scan3A_31 step %scan3A_32  : i32 {
        %mul3A_141 = arith.constant 2 : i32
        %mul3A_142 = arith.muli %scan3A_140, %mul3A_141 : i32
        %add3A_143 = arith.constant 0 : i32
        %add3A_144 = arith.addi %add3A_143, %mul3A_142 : i32
        %add3A_145 = arith.constant 0 : i32
        %add3A_146 = arith.addi %add3A_144, %add3A_145 : i32
        %dma_wait3A_147 = arith.constant 0 : i32
        %dma_wait3A_148 = tpu.memref_slice %arg7[%add3A_146, %dma_wait3A_147] : memref<64x128xi32, #tpu.memory_space<vmem>> -> memref<1x128xi32, #tpu.memory_space<vmem>>
        %dma_wait3A_149 = tpu.memref_squeeze %dma_wait3A_148 : memref<1x128xi32, #tpu.memory_space<vmem>> -> memref<128xi32, #tpu.memory_space<vmem>>
        %dma_wait3A_150 = arith.constant 0 : i32
        %dma_wait3A_151 = arith.constant 0 : i32
        %dma_wait3A_152 = tpu.memref_slice %arg2[%dma_wait3A_150, %dma_wait3A_151] : memref<10240x128xf32, #tpu.memory_space<hbm>> -> memref<10240x128xf32, #tpu.memory_space<hbm>>
        tpu.wait_indirect_dma semaphore(%arg12 : memref<!tpu.dma_semaphore, #tpu.memory_space<semaphore_mem>>) src(%dma_wait3A_152 : memref<10240x128xf32, #tpu.memory_space<hbm>>) dst(%arg10 : memref<128x128xf32, #tpu.memory_space<vmem>>)
        %add3A_153 = arith.constant 0 : i32
        %add3A_154 = arith.addi %add3A_144, %add3A_153 : i32
        %dma_start3A_155 = arith.constant 0 : i32
        %dma_start3A_156 = tpu.memref_slice %arg8[%add3A_154, %dma_start3A_155] : memref<64x128xi32, #tpu.memory_space<vmem>> -> memref<1x128xi32, #tpu.memory_space<vmem>>
        %dma_start3A_157 = tpu.memref_squeeze %dma_start3A_156 : memref<1x128xi32, #tpu.memory_space<vmem>> -> memref<128xi32, #tpu.memory_space<vmem>>
        %dma_start3A_158 = arith.constant 0 : i32
        %dma_start3A_159 = arith.constant 0 : i32
        %dma_start3A_160 = tpu.memref_slice %arg9[%dma_start3A_158, %dma_start3A_159] : memref<10240x128xf32, #tpu.memory_space<vmem_shared>> -> memref<10240x128xf32, #tpu.memory_space<vmem_shared>>
        tpu.enqueue_indirect_dma source(%arg10 : memref<128x128xf32, #tpu.memory_space<vmem>>) target(%dma_start3A_160 : memref<10240x128xf32, #tpu.memory_space<vmem_shared>>) offsets(%dma_start3A_157 : memref<128xi32, #tpu.memory_space<vmem>>) semaphore(%arg14 : memref<!tpu.dma_semaphore, #tpu.memory_space<semaphore_mem>>) {add = true}
        %add3A_161 = arith.constant 1 : i32
        %add3A_162 = arith.addi %add3A_144, %add3A_161 : i32
        %dma_wait3A_163 = arith.constant 0 : i32
        %dma_wait3A_164 = tpu.memref_slice %arg7[%add3A_162, %dma_wait3A_163] : memref<64x128xi32, #tpu.memory_space<vmem>> -> memref<1x128xi32, #tpu.memory_space<vmem>>
        %dma_wait3A_165 = tpu.memref_squeeze %dma_wait3A_164 : memref<1x128xi32, #tpu.memory_space<vmem>> -> memref<128xi32, #tpu.memory_space<vmem>>
        %dma_wait3A_166 = arith.constant 0 : i32
        %dma_wait3A_167 = arith.constant 0 : i32
        %dma_wait3A_168 = tpu.memref_slice %arg2[%dma_wait3A_166, %dma_wait3A_167] : memref<10240x128xf32, #tpu.memory_space<hbm>> -> memref<10240x128xf32, #tpu.memory_space<hbm>>
        tpu.wait_indirect_dma semaphore(%arg13 : memref<!tpu.dma_semaphore, #tpu.memory_space<semaphore_mem>>) src(%dma_wait3A_168 : memref<10240x128xf32, #tpu.memory_space<hbm>>) dst(%arg11 : memref<128x128xf32, #tpu.memory_space<vmem>>)
        %add3A_169 = arith.constant 1 : i32
        %add3A_170 = arith.addi %add3A_144, %add3A_169 : i32
        %dma_start3A_171 = arith.constant 0 : i32
        %dma_start3A_172 = tpu.memref_slice %arg8[%add3A_170, %dma_start3A_171] : memref<64x128xi32, #tpu.memory_space<vmem>> -> memref<1x128xi32, #tpu.memory_space<vmem>>
        %dma_start3A_173 = tpu.memref_squeeze %dma_start3A_172 : memref<1x128xi32, #tpu.memory_space<vmem>> -> memref<128xi32, #tpu.memory_space<vmem>>
        %dma_start3A_174 = arith.constant 0 : i32
        %dma_start3A_175 = arith.constant 0 : i32
        %dma_start3A_176 = tpu.memref_slice %arg9[%dma_start3A_174, %dma_start3A_175] : memref<10240x128xf32, #tpu.memory_space<vmem_shared>> -> memref<10240x128xf32, #tpu.memory_space<vmem_shared>>
        tpu.enqueue_indirect_dma source(%arg11 : memref<128x128xf32, #tpu.memory_space<vmem>>) target(%dma_start3A_176 : memref<10240x128xf32, #tpu.memory_space<vmem_shared>>) offsets(%dma_start3A_173 : memref<128xi32, #tpu.memory_space<vmem>>) semaphore(%arg15 : memref<!tpu.dma_semaphore, #tpu.memory_space<semaphore_mem>>) {add = true}
        %add3A_177 = arith.constant 0 : i32
        %add3A_178 = arith.addi %add3A_144, %add3A_177 : i32
        %dma_wait3A_179 = arith.constant 0 : i32
        %dma_wait3A_180 = tpu.memref_slice %arg8[%add3A_178, %dma_wait3A_179] : memref<64x128xi32, #tpu.memory_space<vmem>> -> memref<1x128xi32, #tpu.memory_space<vmem>>
        %dma_wait3A_181 = tpu.memref_squeeze %dma_wait3A_180 : memref<1x128xi32, #tpu.memory_space<vmem>> -> memref<128xi32, #tpu.memory_space<vmem>>
        %dma_wait3A_182 = arith.constant 0 : i32
        %dma_wait3A_183 = arith.constant 0 : i32
        %dma_wait3A_184 = tpu.memref_slice %arg9[%dma_wait3A_182, %dma_wait3A_183] : memref<10240x128xf32, #tpu.memory_space<vmem_shared>> -> memref<10240x128xf32, #tpu.memory_space<vmem_shared>>
        tpu.wait_indirect_dma semaphore(%arg14 : memref<!tpu.dma_semaphore, #tpu.memory_space<semaphore_mem>>) src(%arg10 : memref<128x128xf32, #tpu.memory_space<vmem>>) dst(%dma_wait3A_184 : memref<10240x128xf32, #tpu.memory_space<vmem_shared>>)
        %add3A_185 = arith.constant 2 : i32
        %add3A_186 = arith.addi %add3A_144, %add3A_185 : i32
        %add3A_187 = arith.constant 0 : i32
        %add3A_188 = arith.addi %add3A_186, %add3A_187 : i32
        %dma_start3A_189 = arith.constant 0 : i32
        %dma_start3A_190 = tpu.memref_slice %arg7[%add3A_188, %dma_start3A_189] : memref<64x128xi32, #tpu.memory_space<vmem>> -> memref<1x128xi32, #tpu.memory_space<vmem>>
        %dma_start3A_191 = tpu.memref_squeeze %dma_start3A_190 : memref<1x128xi32, #tpu.memory_space<vmem>> -> memref<128xi32, #tpu.memory_space<vmem>>
        %dma_start3A_192 = arith.constant 0 : i32
        %dma_start3A_193 = arith.constant 0 : i32
        %dma_start3A_194 = tpu.memref_slice %arg2[%dma_start3A_192, %dma_start3A_193] : memref<10240x128xf32, #tpu.memory_space<hbm>> -> memref<10240x128xf32, #tpu.memory_space<hbm>>
        tpu.enqueue_indirect_dma source(%dma_start3A_194 : memref<10240x128xf32, #tpu.memory_space<hbm>>) target(%arg10 : memref<128x128xf32, #tpu.memory_space<vmem>>) offsets(%dma_start3A_191 : memref<128xi32, #tpu.memory_space<vmem>>) semaphore(%arg12 : memref<!tpu.dma_semaphore, #tpu.memory_space<semaphore_mem>>)
        %add3A_195 = arith.constant 1 : i32
        %add3A_196 = arith.addi %add3A_144, %add3A_195 : i32
        %dma_wait3A_197 = arith.constant 0 : i32
        %dma_wait3A_198 = tpu.memref_slice %arg8[%add3A_196, %dma_wait3A_197] : memref<64x128xi32, #tpu.memory_space<vmem>> -> memref<1x128xi32, #tpu.memory_space<vmem>>
        %dma_wait3A_199 = tpu.memref_squeeze %dma_wait3A_198 : memref<1x128xi32, #tpu.memory_space<vmem>> -> memref<128xi32, #tpu.memory_space<vmem>>
        %dma_wait3A_200 = arith.constant 0 : i32
        %dma_wait3A_201 = arith.constant 0 : i32
        %dma_wait3A_202 = tpu.memref_slice %arg9[%dma_wait3A_200, %dma_wait3A_201] : memref<10240x128xf32, #tpu.memory_space<vmem_shared>> -> memref<10240x128xf32, #tpu.memory_space<vmem_shared>>
        tpu.wait_indirect_dma semaphore(%arg15 : memref<!tpu.dma_semaphore, #tpu.memory_space<semaphore_mem>>) src(%arg11 : memref<128x128xf32, #tpu.memory_space<vmem>>) dst(%dma_wait3A_202 : memref<10240x128xf32, #tpu.memory_space<vmem_shared>>)
        %add3A_203 = arith.constant 2 : i32
        %add3A_204 = arith.addi %add3A_144, %add3A_203 : i32
        %add3A_205 = arith.constant 1 : i32
        %add3A_206 = arith.addi %add3A_204, %add3A_205 : i32
        %dma_start3A_207 = arith.constant 0 : i32
        %dma_start3A_208 = tpu.memref_slice %arg7[%add3A_206, %dma_start3A_207] : memref<64x128xi32, #tpu.memory_space<vmem>> -> memref<1x128xi32, #tpu.memory_space<vmem>>
        %dma_start3A_209 = tpu.memref_squeeze %dma_start3A_208 : memref<1x128xi32, #tpu.memory_space<vmem>> -> memref<128xi32, #tpu.memory_space<vmem>>
        %dma_start3A_210 = arith.constant 0 : i32
        %dma_start3A_211 = arith.constant 0 : i32
        %dma_start3A_212 = tpu.memref_slice %arg2[%dma_start3A_210, %dma_start3A_211] : memref<10240x128xf32, #tpu.memory_space<hbm>> -> memref<10240x128xf32, #tpu.memory_space<hbm>>
        tpu.enqueue_indirect_dma source(%dma_start3A_212 : memref<10240x128xf32, #tpu.memory_space<hbm>>) target(%arg11 : memref<128x128xf32, #tpu.memory_space<vmem>>) offsets(%dma_start3A_209 : memref<128xi32, #tpu.memory_space<vmem>>) semaphore(%arg13 : memref<!tpu.dma_semaphore, #tpu.memory_space<semaphore_mem>>)
      }
      %scan3A_33 = arith.constant 31 : i32
      %dma_wait3A = arith.constant 62 : i32
      %dma_wait3A_34 = arith.constant 0 : i32
      %dma_wait3A_35 = tpu.memref_slice %arg7[%dma_wait3A, %dma_wait3A_34] : memref<64x128xi32, #tpu.memory_space<vmem>> -> memref<1x128xi32, #tpu.memory_space<vmem>>
      %dma_wait3A_36 = tpu.memref_squeeze %dma_wait3A_35 : memref<1x128xi32, #tpu.memory_space<vmem>> -> memref<128xi32, #tpu.memory_space<vmem>>
      %dma_wait3A_37 = arith.constant 0 : i32
      %dma_wait3A_38 = arith.constant 0 : i32
      %dma_wait3A_39 = tpu.memref_slice %arg2[%dma_wait3A_37, %dma_wait3A_38] : memref<10240x128xf32, #tpu.memory_space<hbm>> -> memref<10240x128xf32, #tpu.memory_space<hbm>>
      tpu.wait_indirect_dma semaphore(%arg12 : memref<!tpu.dma_semaphore, #tpu.memory_space<semaphore_mem>>) src(%dma_wait3A_39 : memref<10240x128xf32, #tpu.memory_space<hbm>>) dst(%arg10 : memref<128x128xf32, #tpu.memory_space<vmem>>)
      %dma_start3A_40 = arith.constant 62 : i32
      %dma_start3A_41 = arith.constant 0 : i32
      %dma_start3A_42 = tpu.memref_slice %arg8[%dma_start3A_40, %dma_start3A_41] : memref<64x128xi32, #tpu.memory_space<vmem>> -> memref<1x128xi32, #tpu.memory_space<vmem>>
      %dma_start3A_43 = tpu.memref_squeeze %dma_start3A_42 : memref<1x128xi32, #tpu.memory_space<vmem>> -> memref<128xi32, #tpu.memory_space<vmem>>
      %dma_start3A_44 = arith.constant 0 : i32
      %dma_start3A_45 = arith.constant 0 : i32
      %dma_start3A_46 = tpu.memref_slice %arg9[%dma_start3A_44, %dma_start3A_45] : memref<10240x128xf32, #tpu.memory_space<vmem_shared>> -> memref<10240x128xf32, #tpu.memory_space<vmem_shared>>
      tpu.enqueue_indirect_dma source(%arg10 : memref<128x128xf32, #tpu.memory_space<vmem>>) target(%dma_start3A_46 : memref<10240x128xf32, #tpu.memory_space<vmem_shared>>) offsets(%dma_start3A_43 : memref<128xi32, #tpu.memory_space<vmem>>) semaphore(%arg14 : memref<!tpu.dma_semaphore, #tpu.memory_space<semaphore_mem>>) {add = true}
      %dma_wait3A_47 = arith.constant 63 : i32
      %dma_wait3A_48 = arith.constant 0 : i32
      %dma_wait3A_49 = tpu.memref_slice %arg7[%dma_wait3A_47, %dma_wait3A_48] : memref<64x128xi32, #tpu.memory_space<vmem>> -> memref<1x128xi32, #tpu.memory_space<vmem>>
      %dma_wait3A_50 = tpu.memref_squeeze %dma_wait3A_49 : memref<1x128xi32, #tpu.memory_space<vmem>> -> memref<128xi32, #tpu.memory_space<vmem>>
      %dma_wait3A_51 = arith.constant 0 : i32
      %dma_wait3A_52 = arith.constant 0 : i32
      %dma_wait3A_53 = tpu.memref_slice %arg2[%dma_wait3A_51, %dma_wait3A_52] : memref<10240x128xf32, #tpu.memory_space<hbm>> -> memref<10240x128xf32, #tpu.memory_space<hbm>>
      tpu.wait_indirect_dma semaphore(%arg13 : memref<!tpu.dma_semaphore, #tpu.memory_space<semaphore_mem>>) src(%dma_wait3A_53 : memref<10240x128xf32, #tpu.memory_space<hbm>>) dst(%arg11 : memref<128x128xf32, #tpu.memory_space<vmem>>)
      %dma_start3A_54 = arith.constant 63 : i32
      %dma_start3A_55 = arith.constant 0 : i32
      %dma_start3A_56 = tpu.memref_slice %arg8[%dma_start3A_54, %dma_start3A_55] : memref<64x128xi32, #tpu.memory_space<vmem>> -> memref<1x128xi32, #tpu.memory_space<vmem>>
      %dma_start3A_57 = tpu.memref_squeeze %dma_start3A_56 : memref<1x128xi32, #tpu.memory_space<vmem>> -> memref<128xi32, #tpu.memory_space<vmem>>
      %dma_start3A_58 = arith.constant 0 : i32
      %dma_start3A_59 = arith.constant 0 : i32
      %dma_start3A_60 = tpu.memref_slice %arg9[%dma_start3A_58, %dma_start3A_59] : memref<10240x128xf32, #tpu.memory_space<vmem_shared>> -> memref<10240x128xf32, #tpu.memory_space<vmem_shared>>
      tpu.enqueue_indirect_dma source(%arg11 : memref<128x128xf32, #tpu.memory_space<vmem>>) target(%dma_start3A_60 : memref<10240x128xf32, #tpu.memory_space<vmem_shared>>) offsets(%dma_start3A_57 : memref<128xi32, #tpu.memory_space<vmem>>) semaphore(%arg15 : memref<!tpu.dma_semaphore, #tpu.memory_space<semaphore_mem>>) {add = true}
      %dma_wait3A_61 = arith.constant 62 : i32
      %dma_wait3A_62 = arith.constant 0 : i32
      %dma_wait3A_63 = tpu.memref_slice %arg8[%dma_wait3A_61, %dma_wait3A_62] : memref<64x128xi32, #tpu.memory_space<vmem>> -> memref<1x128xi32, #tpu.memory_space<vmem>>
      %dma_wait3A_64 = tpu.memref_squeeze %dma_wait3A_63 : memref<1x128xi32, #tpu.memory_space<vmem>> -> memref<128xi32, #tpu.memory_space<vmem>>
      %dma_wait3A_65 = arith.constant 0 : i32
      %dma_wait3A_66 = arith.constant 0 : i32
      %dma_wait3A_67 = tpu.memref_slice %arg9[%dma_wait3A_65, %dma_wait3A_66] : memref<10240x128xf32, #tpu.memory_space<vmem_shared>> -> memref<10240x128xf32, #tpu.memory_space<vmem_shared>>
      tpu.wait_indirect_dma semaphore(%arg14 : memref<!tpu.dma_semaphore, #tpu.memory_space<semaphore_mem>>) src(%arg10 : memref<128x128xf32, #tpu.memory_space<vmem>>) dst(%dma_wait3A_67 : memref<10240x128xf32, #tpu.memory_space<vmem_shared>>)
      %dma_wait3A_68 = arith.constant 63 : i32
      %dma_wait3A_69 = arith.constant 0 : i32
      %dma_wait3A_70 = tpu.memref_slice %arg8[%dma_wait3A_68, %dma_wait3A_69] : memref<64x128xi32, #tpu.memory_space<vmem>> -> memref<1x128xi32, #tpu.memory_space<vmem>>
      %dma_wait3A_71 = tpu.memref_squeeze %dma_wait3A_70 : memref<1x128xi32, #tpu.memory_space<vmem>> -> memref<128xi32, #tpu.memory_space<vmem>>
      %dma_wait3A_72 = arith.constant 0 : i32
      %dma_wait3A_73 = arith.constant 0 : i32
      %dma_wait3A_74 = tpu.memref_slice %arg9[%dma_wait3A_72, %dma_wait3A_73] : memref<10240x128xf32, #tpu.memory_space<vmem_shared>> -> memref<10240x128xf32, #tpu.memory_space<vmem_shared>>
      tpu.wait_indirect_dma semaphore(%arg15 : memref<!tpu.dma_semaphore, #tpu.memory_space<semaphore_mem>>) src(%arg11 : memref<128x128xf32, #tpu.memory_space<vmem>>) dst(%dma_wait3A_74 : memref<10240x128xf32, #tpu.memory_space<vmem_shared>>)
      %mul3A_75 = arith.constant 128 : i32
      %mul3A_76 = arith.muli %arg1, %mul3A_75 : i32
      %add3A_77 = arith.constant 64 : i32
      %add3A_78 = arith.addi %mul3A_76, %add3A_77 : i32
      "tpu.region"() ({
        %run_scoped3A = tpu.sem_alloc : memref<!tpu.dma_semaphore, #tpu.memory_space<semaphore_mem>>
        %dma_start3A_140 = arith.constant 0 : i32
        %dma_start3A_141 = arith.constant 0 : i32
        %dma_start3A_142 = tpu.memref_slice %arg7[%dma_start3A_140, %dma_start3A_141] : memref<64x128xi32, #tpu.memory_space<vmem>> -> memref<64x128xi32, #tpu.memory_space<vmem>>
        %dma_start3A_143 = arith.constant 0 : i32
        %dma_start3A_144 = tpu.memref_slice %arg3[%add3A_78, %dma_start3A_143] : memref<2560x128xi32, #tpu.memory_space<hbm>> -> memref<64x128xi32, #tpu.memory_space<hbm>>
        %dma_start3A_145 = arith.constant 0 : i32
        %dma_start3A_146 = arith.constant 0 : i32
        %dma_start3A_147 = tpu.memref_slice %arg7[%dma_start3A_145, %dma_start3A_146] : memref<64x128xi32, #tpu.memory_space<vmem>> -> memref<64x128xi32, #tpu.memory_space<vmem>>
        %dma_start3A_148 = arith.constant 0 : i32
        %dma_start3A_149 = tpu.memref_slice %arg3[%add3A_78, %dma_start3A_148] : memref<2560x128xi32, #tpu.memory_space<hbm>> -> memref<64x128xi32, #tpu.memory_space<hbm>>
        tpu.enqueue_dma source(%dma_start3A_149 : memref<64x128xi32, #tpu.memory_space<hbm>>) target(%dma_start3A_147 : memref<64x128xi32, #tpu.memory_space<vmem>>) target_semaphore(%run_scoped3A : memref<!tpu.dma_semaphore, #tpu.memory_space<semaphore_mem>>)
        %dma_wait3A_150 = arith.constant 0 : i32
        %dma_wait3A_151 = arith.constant 0 : i32
        %dma_wait3A_152 = tpu.memref_slice %arg7[%dma_wait3A_150, %dma_wait3A_151] : memref<64x128xi32, #tpu.memory_space<vmem>> -> memref<64x128xi32, #tpu.memory_space<vmem>>
        %dma_wait3A_153 = arith.constant 0 : i32
        %dma_wait3A_154 = tpu.memref_slice %arg3[%add3A_78, %dma_wait3A_153] : memref<2560x128xi32, #tpu.memory_space<hbm>> -> memref<64x128xi32, #tpu.memory_space<hbm>>
        %dma_wait3A_155 = arith.constant 0 : i32
        %dma_wait3A_156 = arith.constant 0 : i32
        %dma_wait3A_157 = tpu.memref_slice %arg7[%dma_wait3A_155, %dma_wait3A_156] : memref<64x128xi32, #tpu.memory_space<vmem>> -> memref<64x128xi32, #tpu.memory_space<vmem>>
        %dma_wait3A_158 = arith.constant 0 : i32
        %dma_wait3A_159 = tpu.memref_slice %arg3[%add3A_78, %dma_wait3A_158] : memref<2560x128xi32, #tpu.memory_space<hbm>> -> memref<64x128xi32, #tpu.memory_space<hbm>>
        tpu.wait_dma2 semaphore(%run_scoped3A : memref<!tpu.dma_semaphore, #tpu.memory_space<semaphore_mem>>) src(%dma_wait3A_159 : memref<64x128xi32, #tpu.memory_space<hbm>>) dst(%dma_wait3A_157 : memref<64x128xi32, #tpu.memory_space<vmem>>)
        tpu.yield
      }) : () -> ()
      "tpu.region"() ({
        %run_scoped3A = tpu.sem_alloc : memref<!tpu.dma_semaphore, #tpu.memory_space<semaphore_mem>>
        %dma_start3A_140 = arith.constant 0 : i32
        %dma_start3A_141 = arith.constant 0 : i32
        %dma_start3A_142 = tpu.memref_slice %arg8[%dma_start3A_140, %dma_start3A_141] : memref<64x128xi32, #tpu.memory_space<vmem>> -> memref<64x128xi32, #tpu.memory_space<vmem>>
        %dma_start3A_143 = arith.constant 0 : i32
        %dma_start3A_144 = tpu.memref_slice %arg4[%add3A_78, %dma_start3A_143] : memref<2560x128xi32, #tpu.memory_space<hbm>> -> memref<64x128xi32, #tpu.memory_space<hbm>>
        %dma_start3A_145 = arith.constant 0 : i32
        %dma_start3A_146 = arith.constant 0 : i32
        %dma_start3A_147 = tpu.memref_slice %arg8[%dma_start3A_145, %dma_start3A_146] : memref<64x128xi32, #tpu.memory_space<vmem>> -> memref<64x128xi32, #tpu.memory_space<vmem>>
        %dma_start3A_148 = arith.constant 0 : i32
        %dma_start3A_149 = tpu.memref_slice %arg4[%add3A_78, %dma_start3A_148] : memref<2560x128xi32, #tpu.memory_space<hbm>> -> memref<64x128xi32, #tpu.memory_space<hbm>>
        tpu.enqueue_dma source(%dma_start3A_149 : memref<64x128xi32, #tpu.memory_space<hbm>>) target(%dma_start3A_147 : memref<64x128xi32, #tpu.memory_space<vmem>>) target_semaphore(%run_scoped3A : memref<!tpu.dma_semaphore, #tpu.memory_space<semaphore_mem>>)
        %dma_wait3A_150 = arith.constant 0 : i32
        %dma_wait3A_151 = arith.constant 0 : i32
        %dma_wait3A_152 = tpu.memref_slice %arg8[%dma_wait3A_150, %dma_wait3A_151] : memref<64x128xi32, #tpu.memory_space<vmem>> -> memref<64x128xi32, #tpu.memory_space<vmem>>
        %dma_wait3A_153 = arith.constant 0 : i32
        %dma_wait3A_154 = tpu.memref_slice %arg4[%add3A_78, %dma_wait3A_153] : memref<2560x128xi32, #tpu.memory_space<hbm>> -> memref<64x128xi32, #tpu.memory_space<hbm>>
        %dma_wait3A_155 = arith.constant 0 : i32
        %dma_wait3A_156 = arith.constant 0 : i32
        %dma_wait3A_157 = tpu.memref_slice %arg8[%dma_wait3A_155, %dma_wait3A_156] : memref<64x128xi32, #tpu.memory_space<vmem>> -> memref<64x128xi32, #tpu.memory_space<vmem>>
        %dma_wait3A_158 = arith.constant 0 : i32
        %dma_wait3A_159 = tpu.memref_slice %arg4[%add3A_78, %dma_wait3A_158] : memref<2560x128xi32, #tpu.memory_space<hbm>> -> memref<64x128xi32, #tpu.memory_space<hbm>>
        tpu.wait_dma2 semaphore(%run_scoped3A : memref<!tpu.dma_semaphore, #tpu.memory_space<semaphore_mem>>) src(%dma_wait3A_159 : memref<64x128xi32, #tpu.memory_space<hbm>>) dst(%dma_wait3A_157 : memref<64x128xi32, #tpu.memory_space<vmem>>)
        tpu.yield
      }) : () -> ()
      %dma_start3A_79 = arith.constant 0 : i32
      %dma_start3A_80 = arith.constant 0 : i32
      %dma_start3A_81 = tpu.memref_slice %arg7[%dma_start3A_79, %dma_start3A_80] : memref<64x128xi32, #tpu.memory_space<vmem>> -> memref<1x128xi32, #tpu.memory_space<vmem>>
      %dma_start3A_82 = tpu.memref_squeeze %dma_start3A_81 : memref<1x128xi32, #tpu.memory_space<vmem>> -> memref<128xi32, #tpu.memory_space<vmem>>
      %dma_start3A_83 = arith.constant 0 : i32
      %dma_start3A_84 = arith.constant 0 : i32
      %dma_start3A_85 = tpu.memref_slice %arg2[%dma_start3A_83, %dma_start3A_84] : memref<10240x128xf32, #tpu.memory_space<hbm>> -> memref<10240x128xf32, #tpu.memory_space<hbm>>
      tpu.enqueue_indirect_dma source(%dma_start3A_85 : memref<10240x128xf32, #tpu.memory_space<hbm>>) target(%arg10 : memref<128x128xf32, #tpu.memory_space<vmem>>) offsets(%dma_start3A_82 : memref<128xi32, #tpu.memory_space<vmem>>) semaphore(%arg12 : memref<!tpu.dma_semaphore, #tpu.memory_space<semaphore_mem>>)
      %dma_start3A_86 = arith.constant 1 : i32
      %dma_start3A_87 = arith.constant 0 : i32
      %dma_start3A_88 = tpu.memref_slice %arg7[%dma_start3A_86, %dma_start3A_87] : memref<64x128xi32, #tpu.memory_space<vmem>> -> memref<1x128xi32, #tpu.memory_space<vmem>>
      %dma_start3A_89 = tpu.memref_squeeze %dma_start3A_88 : memref<1x128xi32, #tpu.memory_space<vmem>> -> memref<128xi32, #tpu.memory_space<vmem>>
      %dma_start3A_90 = arith.constant 0 : i32
      %dma_start3A_91 = arith.constant 0 : i32
      %dma_start3A_92 = tpu.memref_slice %arg2[%dma_start3A_90, %dma_start3A_91] : memref<10240x128xf32, #tpu.memory_space<hbm>> -> memref<10240x128xf32, #tpu.memory_space<hbm>>
      tpu.enqueue_indirect_dma source(%dma_start3A_92 : memref<10240x128xf32, #tpu.memory_space<hbm>>) target(%arg11 : memref<128x128xf32, #tpu.memory_space<vmem>>) offsets(%dma_start3A_89 : memref<128xi32, #tpu.memory_space<vmem>>) semaphore(%arg13 : memref<!tpu.dma_semaphore, #tpu.memory_space<semaphore_mem>>)
      %scan3A_93 = arith.constant 0 : i32
      %scan3A_94 = arith.constant 31 : i32
      %scan3A_95 = arith.addi %scan3A_93, %scan3A_94 : i32
      %scan3A_96 = arith.constant 1 : i32
      scf.for %scan3A_140 = %scan3A_93 to %scan3A_95 step %scan3A_96  : i32 {
        %mul3A_141 = arith.constant 2 : i32
        %mul3A_142 = arith.muli %scan3A_140, %mul3A_141 : i32
        %add3A_143 = arith.constant 0 : i32
        %add3A_144 = arith.addi %add3A_143, %mul3A_142 : i32
        %add3A_145 = arith.constant 0 : i32
        %add3A_146 = arith.addi %add3A_144, %add3A_145 : i32
        %dma_wait3A_147 = arith.constant 0 : i32
        %dma_wait3A_148 = tpu.memref_slice %arg7[%add3A_146, %dma_wait3A_147] : memref<64x128xi32, #tpu.memory_space<vmem>> -> memref<1x128xi32, #tpu.memory_space<vmem>>
        %dma_wait3A_149 = tpu.memref_squeeze %dma_wait3A_148 : memref<1x128xi32, #tpu.memory_space<vmem>> -> memref<128xi32, #tpu.memory_space<vmem>>
        %dma_wait3A_150 = arith.constant 0 : i32
        %dma_wait3A_151 = arith.constant 0 : i32
        %dma_wait3A_152 = tpu.memref_slice %arg2[%dma_wait3A_150, %dma_wait3A_151] : memref<10240x128xf32, #tpu.memory_space<hbm>> -> memref<10240x128xf32, #tpu.memory_space<hbm>>
        tpu.wait_indirect_dma semaphore(%arg12 : memref<!tpu.dma_semaphore, #tpu.memory_space<semaphore_mem>>) src(%dma_wait3A_152 : memref<10240x128xf32, #tpu.memory_space<hbm>>) dst(%arg10 : memref<128x128xf32, #tpu.memory_space<vmem>>)
        %add3A_153 = arith.constant 0 : i32
        %add3A_154 = arith.addi %add3A_144, %add3A_153 : i32
        %dma_start3A_155 = arith.constant 0 : i32
        %dma_start3A_156 = tpu.memref_slice %arg8[%add3A_154, %dma_start3A_155] : memref<64x128xi32, #tpu.memory_space<vmem>> -> memref<1x128xi32, #tpu.memory_space<vmem>>
        %dma_start3A_157 = tpu.memref_squeeze %dma_start3A_156 : memref<1x128xi32, #tpu.memory_space<vmem>> -> memref<128xi32, #tpu.memory_space<vmem>>
        %dma_start3A_158 = arith.constant 0 : i32
        %dma_start3A_159 = arith.constant 0 : i32
        %dma_start3A_160 = tpu.memref_slice %arg9[%dma_start3A_158, %dma_start3A_159] : memref<10240x128xf32, #tpu.memory_space<vmem_shared>> -> memref<10240x128xf32, #tpu.memory_space<vmem_shared>>
        tpu.enqueue_indirect_dma source(%arg10 : memref<128x128xf32, #tpu.memory_space<vmem>>) target(%dma_start3A_160 : memref<10240x128xf32, #tpu.memory_space<vmem_shared>>) offsets(%dma_start3A_157 : memref<128xi32, #tpu.memory_space<vmem>>) semaphore(%arg14 : memref<!tpu.dma_semaphore, #tpu.memory_space<semaphore_mem>>) {add = true}
        %add3A_161 = arith.constant 1 : i32
        %add3A_162 = arith.addi %add3A_144, %add3A_161 : i32
        %dma_wait3A_163 = arith.constant 0 : i32
        %dma_wait3A_164 = tpu.memref_slice %arg7[%add3A_162, %dma_wait3A_163] : memref<64x128xi32, #tpu.memory_space<vmem>> -> memref<1x128xi32, #tpu.memory_space<vmem>>
        %dma_wait3A_165 = tpu.memref_squeeze %dma_wait3A_164 : memref<1x128xi32, #tpu.memory_space<vmem>> -> memref<128xi32, #tpu.memory_space<vmem>>
        %dma_wait3A_166 = arith.constant 0 : i32
        %dma_wait3A_167 = arith.constant 0 : i32
        %dma_wait3A_168 = tpu.memref_slice %arg2[%dma_wait3A_166, %dma_wait3A_167] : memref<10240x128xf32, #tpu.memory_space<hbm>> -> memref<10240x128xf32, #tpu.memory_space<hbm>>
        tpu.wait_indirect_dma semaphore(%arg13 : memref<!tpu.dma_semaphore, #tpu.memory_space<semaphore_mem>>) src(%dma_wait3A_168 : memref<10240x128xf32, #tpu.memory_space<hbm>>) dst(%arg11 : memref<128x128xf32, #tpu.memory_space<vmem>>)
        %add3A_169 = arith.constant 1 : i32
        %add3A_170 = arith.addi %add3A_144, %add3A_169 : i32
        %dma_start3A_171 = arith.constant 0 : i32
        %dma_start3A_172 = tpu.memref_slice %arg8[%add3A_170, %dma_start3A_171] : memref<64x128xi32, #tpu.memory_space<vmem>> -> memref<1x128xi32, #tpu.memory_space<vmem>>
        %dma_start3A_173 = tpu.memref_squeeze %dma_start3A_172 : memref<1x128xi32, #tpu.memory_space<vmem>> -> memref<128xi32, #tpu.memory_space<vmem>>
        %dma_start3A_174 = arith.constant 0 : i32
        %dma_start3A_175 = arith.constant 0 : i32
        %dma_start3A_176 = tpu.memref_slice %arg9[%dma_start3A_174, %dma_start3A_175] : memref<10240x128xf32, #tpu.memory_space<vmem_shared>> -> memref<10240x128xf32, #tpu.memory_space<vmem_shared>>
        tpu.enqueue_indirect_dma source(%arg11 : memref<128x128xf32, #tpu.memory_space<vmem>>) target(%dma_start3A_176 : memref<10240x128xf32, #tpu.memory_space<vmem_shared>>) offsets(%dma_start3A_173 : memref<128xi32, #tpu.memory_space<vmem>>) semaphore(%arg15 : memref<!tpu.dma_semaphore, #tpu.memory_space<semaphore_mem>>) {add = true}
        %add3A_177 = arith.constant 0 : i32
        %add3A_178 = arith.addi %add3A_144, %add3A_177 : i32
        %dma_wait3A_179 = arith.constant 0 : i32
        %dma_wait3A_180 = tpu.memref_slice %arg8[%add3A_178, %dma_wait3A_179] : memref<64x128xi32, #tpu.memory_space<vmem>> -> memref<1x128xi32, #tpu.memory_space<vmem>>
        %dma_wait3A_181 = tpu.memref_squeeze %dma_wait3A_180 : memref<1x128xi32, #tpu.memory_space<vmem>> -> memref<128xi32, #tpu.memory_space<vmem>>
        %dma_wait3A_182 = arith.constant 0 : i32
        %dma_wait3A_183 = arith.constant 0 : i32
        %dma_wait3A_184 = tpu.memref_slice %arg9[%dma_wait3A_182, %dma_wait3A_183] : memref<10240x128xf32, #tpu.memory_space<vmem_shared>> -> memref<10240x128xf32, #tpu.memory_space<vmem_shared>>
        tpu.wait_indirect_dma semaphore(%arg14 : memref<!tpu.dma_semaphore, #tpu.memory_space<semaphore_mem>>) src(%arg10 : memref<128x128xf32, #tpu.memory_space<vmem>>) dst(%dma_wait3A_184 : memref<10240x128xf32, #tpu.memory_space<vmem_shared>>)
        %add3A_185 = arith.constant 2 : i32
        %add3A_186 = arith.addi %add3A_144, %add3A_185 : i32
        %add3A_187 = arith.constant 0 : i32
        %add3A_188 = arith.addi %add3A_186, %add3A_187 : i32
        %dma_start3A_189 = arith.constant 0 : i32
        %dma_start3A_190 = tpu.memref_slice %arg7[%add3A_188, %dma_start3A_189] : memref<64x128xi32, #tpu.memory_space<vmem>> -> memref<1x128xi32, #tpu.memory_space<vmem>>
        %dma_start3A_191 = tpu.memref_squeeze %dma_start3A_190 : memref<1x128xi32, #tpu.memory_space<vmem>> -> memref<128xi32, #tpu.memory_space<vmem>>
        %dma_start3A_192 = arith.constant 0 : i32
        %dma_start3A_193 = arith.constant 0 : i32
        %dma_start3A_194 = tpu.memref_slice %arg2[%dma_start3A_192, %dma_start3A_193] : memref<10240x128xf32, #tpu.memory_space<hbm>> -> memref<10240x128xf32, #tpu.memory_space<hbm>>
        tpu.enqueue_indirect_dma source(%dma_start3A_194 : memref<10240x128xf32, #tpu.memory_space<hbm>>) target(%arg10 : memref<128x128xf32, #tpu.memory_space<vmem>>) offsets(%dma_start3A_191 : memref<128xi32, #tpu.memory_space<vmem>>) semaphore(%arg12 : memref<!tpu.dma_semaphore, #tpu.memory_space<semaphore_mem>>)
        %add3A_195 = arith.constant 1 : i32
        %add3A_196 = arith.addi %add3A_144, %add3A_195 : i32
        %dma_wait3A_197 = arith.constant 0 : i32
        %dma_wait3A_198 = tpu.memref_slice %arg8[%add3A_196, %dma_wait3A_197] : memref<64x128xi32, #tpu.memory_space<vmem>> -> memref<1x128xi32, #tpu.memory_space<vmem>>
        %dma_wait3A_199 = tpu.memref_squeeze %dma_wait3A_198 : memref<1x128xi32, #tpu.memory_space<vmem>> -> memref<128xi32, #tpu.memory_space<vmem>>
        %dma_wait3A_200 = arith.constant 0 : i32
        %dma_wait3A_201 = arith.constant 0 : i32
        %dma_wait3A_202 = tpu.memref_slice %arg9[%dma_wait3A_200, %dma_wait3A_201] : memref<10240x128xf32, #tpu.memory_space<vmem_shared>> -> memref<10240x128xf32, #tpu.memory_space<vmem_shared>>
        tpu.wait_indirect_dma semaphore(%arg15 : memref<!tpu.dma_semaphore, #tpu.memory_space<semaphore_mem>>) src(%arg11 : memref<128x128xf32, #tpu.memory_space<vmem>>) dst(%dma_wait3A_202 : memref<10240x128xf32, #tpu.memory_space<vmem_shared>>)
        %add3A_203 = arith.constant 2 : i32
        %add3A_204 = arith.addi %add3A_144, %add3A_203 : i32
        %add3A_205 = arith.constant 1 : i32
        %add3A_206 = arith.addi %add3A_204, %add3A_205 : i32
        %dma_start3A_207 = arith.constant 0 : i32
        %dma_start3A_208 = tpu.memref_slice %arg7[%add3A_206, %dma_start3A_207] : memref<64x128xi32, #tpu.memory_space<vmem>> -> memref<1x128xi32, #tpu.memory_space<vmem>>
        %dma_start3A_209 = tpu.memref_squeeze %dma_start3A_208 : memref<1x128xi32, #tpu.memory_space<vmem>> -> memref<128xi32, #tpu.memory_space<vmem>>
        %dma_start3A_210 = arith.constant 0 : i32
        %dma_start3A_211 = arith.constant 0 : i32
        %dma_start3A_212 = tpu.memref_slice %arg2[%dma_start3A_210, %dma_start3A_211] : memref<10240x128xf32, #tpu.memory_space<hbm>> -> memref<10240x128xf32, #tpu.memory_space<hbm>>
        tpu.enqueue_indirect_dma source(%dma_start3A_212 : memref<10240x128xf32, #tpu.memory_space<hbm>>) target(%arg11 : memref<128x128xf32, #tpu.memory_space<vmem>>) offsets(%dma_start3A_209 : memref<128xi32, #tpu.memory_space<vmem>>) semaphore(%arg13 : memref<!tpu.dma_semaphore, #tpu.memory_space<semaphore_mem>>)
      }
      %scan3A_97 = arith.constant 31 : i32
      %dma_wait3A_98 = arith.constant 62 : i32
      %dma_wait3A_99 = arith.constant 0 : i32
      %dma_wait3A_100 = tpu.memref_slice %arg7[%dma_wait3A_98, %dma_wait3A_99] : memref<64x128xi32, #tpu.memory_space<vmem>> -> memref<1x128xi32, #tpu.memory_space<vmem>>
      %dma_wait3A_101 = tpu.memref_squeeze %dma_wait3A_100 : memref<1x128xi32, #tpu.memory_space<vmem>> -> memref<128xi32, #tpu.memory_space<vmem>>
      %dma_wait3A_102 = arith.constant 0 : i32
      %dma_wait3A_103 = arith.constant 0 : i32
      %dma_wait3A_104 = tpu.memref_slice %arg2[%dma_wait3A_102, %dma_wait3A_103] : memref<10240x128xf32, #tpu.memory_space<hbm>> -> memref<10240x128xf32, #tpu.memory_space<hbm>>
      tpu.wait_indirect_dma semaphore(%arg12 : memref<!tpu.dma_semaphore, #tpu.memory_space<semaphore_mem>>) src(%dma_wait3A_104 : memref<10240x128xf32, #tpu.memory_space<hbm>>) dst(%arg10 : memref<128x128xf32, #tpu.memory_space<vmem>>)
      %dma_start3A_105 = arith.constant 62 : i32
      %dma_start3A_106 = arith.constant 0 : i32
      %dma_start3A_107 = tpu.memref_slice %arg8[%dma_start3A_105, %dma_start3A_106] : memref<64x128xi32, #tpu.memory_space<vmem>> -> memref<1x128xi32, #tpu.memory_space<vmem>>
      %dma_start3A_108 = tpu.memref_squeeze %dma_start3A_107 : memref<1x128xi32, #tpu.memory_space<vmem>> -> memref<128xi32, #tpu.memory_space<vmem>>
      %dma_start3A_109 = arith.constant 0 : i32
      %dma_start3A_110 = arith.constant 0 : i32
      %dma_start3A_111 = tpu.memref_slice %arg9[%dma_start3A_109, %dma_start3A_110] : memref<10240x128xf32, #tpu.memory_space<vmem_shared>> -> memref<10240x128xf32, #tpu.memory_space<vmem_shared>>
      tpu.enqueue_indirect_dma source(%arg10 : memref<128x128xf32, #tpu.memory_space<vmem>>) target(%dma_start3A_111 : memref<10240x128xf32, #tpu.memory_space<vmem_shared>>) offsets(%dma_start3A_108 : memref<128xi32, #tpu.memory_space<vmem>>) semaphore(%arg14 : memref<!tpu.dma_semaphore, #tpu.memory_space<semaphore_mem>>) {add = true}
      %dma_wait3A_112 = arith.constant 63 : i32
      %dma_wait3A_113 = arith.constant 0 : i32
      %dma_wait3A_114 = tpu.memref_slice %arg7[%dma_wait3A_112, %dma_wait3A_113] : memref<64x128xi32, #tpu.memory_space<vmem>> -> memref<1x128xi32, #tpu.memory_space<vmem>>
      %dma_wait3A_115 = tpu.memref_squeeze %dma_wait3A_114 : memref<1x128xi32, #tpu.memory_space<vmem>> -> memref<128xi32, #tpu.memory_space<vmem>>
      %dma_wait3A_116 = arith.constant 0 : i32
      %dma_wait3A_117 = arith.constant 0 : i32
      %dma_wait3A_118 = tpu.memref_slice %arg2[%dma_wait3A_116, %dma_wait3A_117] : memref<10240x128xf32, #tpu.memory_space<hbm>> -> memref<10240x128xf32, #tpu.memory_space<hbm>>
      tpu.wait_indirect_dma semaphore(%arg13 : memref<!tpu.dma_semaphore, #tpu.memory_space<semaphore_mem>>) src(%dma_wait3A_118 : memref<10240x128xf32, #tpu.memory_space<hbm>>) dst(%arg11 : memref<128x128xf32, #tpu.memory_space<vmem>>)
      %dma_start3A_119 = arith.constant 63 : i32
      %dma_start3A_120 = arith.constant 0 : i32
      %dma_start3A_121 = tpu.memref_slice %arg8[%dma_start3A_119, %dma_start3A_120] : memref<64x128xi32, #tpu.memory_space<vmem>> -> memref<1x128xi32, #tpu.memory_space<vmem>>
      %dma_start3A_122 = tpu.memref_squeeze %dma_start3A_121 : memref<1x128xi32, #tpu.memory_space<vmem>> -> memref<128xi32, #tpu.memory_space<vmem>>
      %dma_start3A_123 = arith.constant 0 : i32
      %dma_start3A_124 = arith.constant 0 : i32
      %dma_start3A_125 = tpu.memref_slice %arg9[%dma_start3A_123, %dma_start3A_124] : memref<10240x128xf32, #tpu.memory_space<vmem_shared>> -> memref<10240x128xf32, #tpu.memory_space<vmem_shared>>
      tpu.enqueue_indirect_dma source(%arg11 : memref<128x128xf32, #tpu.memory_space<vmem>>) target(%dma_start3A_125 : memref<10240x128xf32, #tpu.memory_space<vmem_shared>>) offsets(%dma_start3A_122 : memref<128xi32, #tpu.memory_space<vmem>>) semaphore(%arg15 : memref<!tpu.dma_semaphore, #tpu.memory_space<semaphore_mem>>) {add = true}
      %dma_wait3A_126 = arith.constant 62 : i32
      %dma_wait3A_127 = arith.constant 0 : i32
      %dma_wait3A_128 = tpu.memref_slice %arg8[%dma_wait3A_126, %dma_wait3A_127] : memref<64x128xi32, #tpu.memory_space<vmem>> -> memref<1x128xi32, #tpu.memory_space<vmem>>
      %dma_wait3A_129 = tpu.memref_squeeze %dma_wait3A_128 : memref<1x128xi32, #tpu.memory_space<vmem>> -> memref<128xi32, #tpu.memory_space<vmem>>
      %dma_wait3A_130 = arith.constant 0 : i32
      %dma_wait3A_131 = arith.constant 0 : i32
      %dma_wait3A_132 = tpu.memref_slice %arg9[%dma_wait3A_130, %dma_wait3A_131] : memref<10240x128xf32, #tpu.memory_space<vmem_shared>> -> memref<10240x128xf32, #tpu.memory_space<vmem_shared>>
      tpu.wait_indirect_dma semaphore(%arg14 : memref<!tpu.dma_semaphore, #tpu.memory_space<semaphore_mem>>) src(%arg10 : memref<128x128xf32, #tpu.memory_space<vmem>>) dst(%dma_wait3A_132 : memref<10240x128xf32, #tpu.memory_space<vmem_shared>>)
      %dma_wait3A_133 = arith.constant 63 : i32
      %dma_wait3A_134 = arith.constant 0 : i32
      %dma_wait3A_135 = tpu.memref_slice %arg8[%dma_wait3A_133, %dma_wait3A_134] : memref<64x128xi32, #tpu.memory_space<vmem>> -> memref<1x128xi32, #tpu.memory_space<vmem>>
      %dma_wait3A_136 = tpu.memref_squeeze %dma_wait3A_135 : memref<1x128xi32, #tpu.memory_space<vmem>> -> memref<128xi32, #tpu.memory_space<vmem>>
      %dma_wait3A_137 = arith.constant 0 : i32
      %dma_wait3A_138 = arith.constant 0 : i32
      %dma_wait3A_139 = tpu.memref_slice %arg9[%dma_wait3A_137, %dma_wait3A_138] : memref<10240x128xf32, #tpu.memory_space<vmem_shared>> -> memref<10240x128xf32, #tpu.memory_space<vmem_shared>>
      tpu.wait_indirect_dma semaphore(%arg15 : memref<!tpu.dma_semaphore, #tpu.memory_space<semaphore_mem>>) src(%arg11 : memref<128x128xf32, #tpu.memory_space<vmem>>) dst(%dma_wait3A_139 : memref<10240x128xf32, #tpu.memory_space<vmem_shared>>)
    } else {
    }
    %eq3A_7 = arith.constant 1 : i32
    %eq3A_8 = arith.cmpi eq, %arg0, %eq3A_7 : i32
    %convert_element_type3A_9 = arith.extui %eq3A_8 : i1 to i32
    %cond3A_10 = arith.constant 0 : i32
    %cond3A_11 = arith.cmpi ne, %convert_element_type3A_9, %cond3A_10 : i32
    scf.if %cond3A_11 {
      %mul3A_13 = arith.constant 32 : i32
      %mul3A_14 = arith.muli %arg1, %mul3A_13 : i32
      %add3A_15 = arith.constant 2048 : i32
      %add3A_16 = arith.addi %add3A_15, %mul3A_14 : i32
      %add3A_17 = arith.constant 0 : i32
      %add3A_18 = arith.addi %add3A_16, %add3A_17 : i32
      "tpu.region"() ({
        %run_scoped3A = tpu.sem_alloc : memref<!tpu.dma_semaphore, #tpu.memory_space<semaphore_mem>>
        %dma_start3A_140 = arith.constant 0 : i32
        %dma_start3A_141 = arith.constant 0 : i32
        %dma_start3A_142 = tpu.memref_slice %arg7[%dma_start3A_140, %dma_start3A_141] : memref<64x128xi32, #tpu.memory_space<vmem>> -> memref<16x128xi32, #tpu.memory_space<vmem>>
        %dma_start3A_143 = arith.constant 0 : i32
        %dma_start3A_144 = tpu.memref_slice %arg3[%add3A_18, %dma_start3A_143] : memref<2560x128xi32, #tpu.memory_space<hbm>> -> memref<16x128xi32, #tpu.memory_space<hbm>>
        %dma_start3A_145 = arith.constant 0 : i32
        %dma_start3A_146 = arith.constant 0 : i32
        %dma_start3A_147 = tpu.memref_slice %arg7[%dma_start3A_145, %dma_start3A_146] : memref<64x128xi32, #tpu.memory_space<vmem>> -> memref<16x128xi32, #tpu.memory_space<vmem>>
        %dma_start3A_148 = arith.constant 0 : i32
        %dma_start3A_149 = tpu.memref_slice %arg3[%add3A_18, %dma_start3A_148] : memref<2560x128xi32, #tpu.memory_space<hbm>> -> memref<16x128xi32, #tpu.memory_space<hbm>>
        tpu.enqueue_dma source(%dma_start3A_149 : memref<16x128xi32, #tpu.memory_space<hbm>>) target(%dma_start3A_147 : memref<16x128xi32, #tpu.memory_space<vmem>>) target_semaphore(%run_scoped3A : memref<!tpu.dma_semaphore, #tpu.memory_space<semaphore_mem>>)
        %dma_wait3A_150 = arith.constant 0 : i32
        %dma_wait3A_151 = arith.constant 0 : i32
        %dma_wait3A_152 = tpu.memref_slice %arg7[%dma_wait3A_150, %dma_wait3A_151] : memref<64x128xi32, #tpu.memory_space<vmem>> -> memref<16x128xi32, #tpu.memory_space<vmem>>
        %dma_wait3A_153 = arith.constant 0 : i32
        %dma_wait3A_154 = tpu.memref_slice %arg3[%add3A_18, %dma_wait3A_153] : memref<2560x128xi32, #tpu.memory_space<hbm>> -> memref<16x128xi32, #tpu.memory_space<hbm>>
        %dma_wait3A_155 = arith.constant 0 : i32
        %dma_wait3A_156 = arith.constant 0 : i32
        %dma_wait3A_157 = tpu.memref_slice %arg7[%dma_wait3A_155, %dma_wait3A_156] : memref<64x128xi32, #tpu.memory_space<vmem>> -> memref<16x128xi32, #tpu.memory_space<vmem>>
        %dma_wait3A_158 = arith.constant 0 : i32
        %dma_wait3A_159 = tpu.memref_slice %arg3[%add3A_18, %dma_wait3A_158] : memref<2560x128xi32, #tpu.memory_space<hbm>> -> memref<16x128xi32, #tpu.memory_space<hbm>>
        tpu.wait_dma2 semaphore(%run_scoped3A : memref<!tpu.dma_semaphore, #tpu.memory_space<semaphore_mem>>) src(%dma_wait3A_159 : memref<16x128xi32, #tpu.memory_space<hbm>>) dst(%dma_wait3A_157 : memref<16x128xi32, #tpu.memory_space<vmem>>)
        tpu.yield
      }) : () -> ()
      "tpu.region"() ({
        %run_scoped3A = tpu.sem_alloc : memref<!tpu.dma_semaphore, #tpu.memory_space<semaphore_mem>>
        %dma_start3A_140 = arith.constant 0 : i32
        %dma_start3A_141 = arith.constant 0 : i32
        %dma_start3A_142 = tpu.memref_slice %arg8[%dma_start3A_140, %dma_start3A_141] : memref<64x128xi32, #tpu.memory_space<vmem>> -> memref<16x128xi32, #tpu.memory_space<vmem>>
        %dma_start3A_143 = arith.constant 0 : i32
        %dma_start3A_144 = tpu.memref_slice %arg4[%add3A_18, %dma_start3A_143] : memref<2560x128xi32, #tpu.memory_space<hbm>> -> memref<16x128xi32, #tpu.memory_space<hbm>>
        %dma_start3A_145 = arith.constant 0 : i32
        %dma_start3A_146 = arith.constant 0 : i32
        %dma_start3A_147 = tpu.memref_slice %arg8[%dma_start3A_145, %dma_start3A_146] : memref<64x128xi32, #tpu.memory_space<vmem>> -> memref<16x128xi32, #tpu.memory_space<vmem>>
        %dma_start3A_148 = arith.constant 0 : i32
        %dma_start3A_149 = tpu.memref_slice %arg4[%add3A_18, %dma_start3A_148] : memref<2560x128xi32, #tpu.memory_space<hbm>> -> memref<16x128xi32, #tpu.memory_space<hbm>>
        tpu.enqueue_dma source(%dma_start3A_149 : memref<16x128xi32, #tpu.memory_space<hbm>>) target(%dma_start3A_147 : memref<16x128xi32, #tpu.memory_space<vmem>>) target_semaphore(%run_scoped3A : memref<!tpu.dma_semaphore, #tpu.memory_space<semaphore_mem>>)
        %dma_wait3A_150 = arith.constant 0 : i32
        %dma_wait3A_151 = arith.constant 0 : i32
        %dma_wait3A_152 = tpu.memref_slice %arg8[%dma_wait3A_150, %dma_wait3A_151] : memref<64x128xi32, #tpu.memory_space<vmem>> -> memref<16x128xi32, #tpu.memory_space<vmem>>
        %dma_wait3A_153 = arith.constant 0 : i32
        %dma_wait3A_154 = tpu.memref_slice %arg4[%add3A_18, %dma_wait3A_153] : memref<2560x128xi32, #tpu.memory_space<hbm>> -> memref<16x128xi32, #tpu.memory_space<hbm>>
        %dma_wait3A_155 = arith.constant 0 : i32
        %dma_wait3A_156 = arith.constant 0 : i32
        %dma_wait3A_157 = tpu.memref_slice %arg8[%dma_wait3A_155, %dma_wait3A_156] : memref<64x128xi32, #tpu.memory_space<vmem>> -> memref<16x128xi32, #tpu.memory_space<vmem>>
        %dma_wait3A_158 = arith.constant 0 : i32
        %dma_wait3A_159 = tpu.memref_slice %arg4[%add3A_18, %dma_wait3A_158] : memref<2560x128xi32, #tpu.memory_space<hbm>> -> memref<16x128xi32, #tpu.memory_space<hbm>>
        tpu.wait_dma2 semaphore(%run_scoped3A : memref<!tpu.dma_semaphore, #tpu.memory_space<semaphore_mem>>) src(%dma_wait3A_159 : memref<16x128xi32, #tpu.memory_space<hbm>>) dst(%dma_wait3A_157 : memref<16x128xi32, #tpu.memory_space<vmem>>)
        tpu.yield
      }) : () -> ()
      %dma_start3A = arith.constant 0 : i32
      %dma_start3A_19 = arith.constant 0 : i32
      %dma_start3A_20 = tpu.memref_slice %arg7[%dma_start3A, %dma_start3A_19] : memref<64x128xi32, #tpu.memory_space<vmem>> -> memref<1x128xi32, #tpu.memory_space<vmem>>
      %dma_start3A_21 = tpu.memref_squeeze %dma_start3A_20 : memref<1x128xi32, #tpu.memory_space<vmem>> -> memref<128xi32, #tpu.memory_space<vmem>>
      %dma_start3A_22 = arith.constant 0 : i32
      %dma_start3A_23 = arith.constant 0 : i32
      %dma_start3A_24 = tpu.memref_slice %arg2[%dma_start3A_22, %dma_start3A_23] : memref<10240x128xf32, #tpu.memory_space<hbm>> -> memref<10240x128xf32, #tpu.memory_space<hbm>>
      tpu.enqueue_indirect_dma source(%dma_start3A_24 : memref<10240x128xf32, #tpu.memory_space<hbm>>) target(%arg10 : memref<128x128xf32, #tpu.memory_space<vmem>>) offsets(%dma_start3A_21 : memref<128xi32, #tpu.memory_space<vmem>>) semaphore(%arg12 : memref<!tpu.dma_semaphore, #tpu.memory_space<semaphore_mem>>)
      %dma_start3A_25 = arith.constant 1 : i32
      %dma_start3A_26 = arith.constant 0 : i32
      %dma_start3A_27 = tpu.memref_slice %arg7[%dma_start3A_25, %dma_start3A_26] : memref<64x128xi32, #tpu.memory_space<vmem>> -> memref<1x128xi32, #tpu.memory_space<vmem>>
      %dma_start3A_28 = tpu.memref_squeeze %dma_start3A_27 : memref<1x128xi32, #tpu.memory_space<vmem>> -> memref<128xi32, #tpu.memory_space<vmem>>
      %dma_start3A_29 = arith.constant 0 : i32
      %dma_start3A_30 = arith.constant 0 : i32
      %dma_start3A_31 = tpu.memref_slice %arg2[%dma_start3A_29, %dma_start3A_30] : memref<10240x128xf32, #tpu.memory_space<hbm>> -> memref<10240x128xf32, #tpu.memory_space<hbm>>
      tpu.enqueue_indirect_dma source(%dma_start3A_31 : memref<10240x128xf32, #tpu.memory_space<hbm>>) target(%arg11 : memref<128x128xf32, #tpu.memory_space<vmem>>) offsets(%dma_start3A_28 : memref<128xi32, #tpu.memory_space<vmem>>) semaphore(%arg13 : memref<!tpu.dma_semaphore, #tpu.memory_space<semaphore_mem>>)
      %scan3A = arith.constant 0 : i32
      %scan3A_32 = arith.constant 7 : i32
      %scan3A_33 = arith.addi %scan3A, %scan3A_32 : i32
      %scan3A_34 = arith.constant 1 : i32
      scf.for %scan3A_140 = %scan3A to %scan3A_33 step %scan3A_34  : i32 {
        %mul3A_141 = arith.constant 2 : i32
        %mul3A_142 = arith.muli %scan3A_140, %mul3A_141 : i32
        %add3A_143 = arith.constant 0 : i32
        %add3A_144 = arith.addi %add3A_143, %mul3A_142 : i32
        %add3A_145 = arith.constant 0 : i32
        %add3A_146 = arith.addi %add3A_144, %add3A_145 : i32
        %dma_wait3A_147 = arith.constant 0 : i32
        %dma_wait3A_148 = tpu.memref_slice %arg7[%add3A_146, %dma_wait3A_147] : memref<64x128xi32, #tpu.memory_space<vmem>> -> memref<1x128xi32, #tpu.memory_space<vmem>>
        %dma_wait3A_149 = tpu.memref_squeeze %dma_wait3A_148 : memref<1x128xi32, #tpu.memory_space<vmem>> -> memref<128xi32, #tpu.memory_space<vmem>>
        %dma_wait3A_150 = arith.constant 0 : i32
        %dma_wait3A_151 = arith.constant 0 : i32
        %dma_wait3A_152 = tpu.memref_slice %arg2[%dma_wait3A_150, %dma_wait3A_151] : memref<10240x128xf32, #tpu.memory_space<hbm>> -> memref<10240x128xf32, #tpu.memory_space<hbm>>
        tpu.wait_indirect_dma semaphore(%arg12 : memref<!tpu.dma_semaphore, #tpu.memory_space<semaphore_mem>>) src(%dma_wait3A_152 : memref<10240x128xf32, #tpu.memory_space<hbm>>) dst(%arg10 : memref<128x128xf32, #tpu.memory_space<vmem>>)
        %add3A_153 = arith.constant 0 : i32
        %add3A_154 = arith.addi %add3A_144, %add3A_153 : i32
        %dma_start3A_155 = arith.constant 0 : i32
        %dma_start3A_156 = tpu.memref_slice %arg8[%add3A_154, %dma_start3A_155] : memref<64x128xi32, #tpu.memory_space<vmem>> -> memref<1x128xi32, #tpu.memory_space<vmem>>
        %dma_start3A_157 = tpu.memref_squeeze %dma_start3A_156 : memref<1x128xi32, #tpu.memory_space<vmem>> -> memref<128xi32, #tpu.memory_space<vmem>>
        %dma_start3A_158 = arith.constant 0 : i32
        %dma_start3A_159 = arith.constant 0 : i32
        %dma_start3A_160 = tpu.memref_slice %arg9[%dma_start3A_158, %dma_start3A_159] : memref<10240x128xf32, #tpu.memory_space<vmem_shared>> -> memref<10240x128xf32, #tpu.memory_space<vmem_shared>>
        tpu.enqueue_indirect_dma source(%arg10 : memref<128x128xf32, #tpu.memory_space<vmem>>) target(%dma_start3A_160 : memref<10240x128xf32, #tpu.memory_space<vmem_shared>>) offsets(%dma_start3A_157 : memref<128xi32, #tpu.memory_space<vmem>>) semaphore(%arg14 : memref<!tpu.dma_semaphore, #tpu.memory_space<semaphore_mem>>) {add = true}
        %add3A_161 = arith.constant 1 : i32
        %add3A_162 = arith.addi %add3A_144, %add3A_161 : i32
        %dma_wait3A_163 = arith.constant 0 : i32
        %dma_wait3A_164 = tpu.memref_slice %arg7[%add3A_162, %dma_wait3A_163] : memref<64x128xi32, #tpu.memory_space<vmem>> -> memref<1x128xi32, #tpu.memory_space<vmem>>
        %dma_wait3A_165 = tpu.memref_squeeze %dma_wait3A_164 : memref<1x128xi32, #tpu.memory_space<vmem>> -> memref<128xi32, #tpu.memory_space<vmem>>
        %dma_wait3A_166 = arith.constant 0 : i32
        %dma_wait3A_167 = arith.constant 0 : i32
        %dma_wait3A_168 = tpu.memref_slice %arg2[%dma_wait3A_166, %dma_wait3A_167] : memref<10240x128xf32, #tpu.memory_space<hbm>> -> memref<10240x128xf32, #tpu.memory_space<hbm>>
        tpu.wait_indirect_dma semaphore(%arg13 : memref<!tpu.dma_semaphore, #tpu.memory_space<semaphore_mem>>) src(%dma_wait3A_168 : memref<10240x128xf32, #tpu.memory_space<hbm>>) dst(%arg11 : memref<128x128xf32, #tpu.memory_space<vmem>>)
        %add3A_169 = arith.constant 1 : i32
        %add3A_170 = arith.addi %add3A_144, %add3A_169 : i32
        %dma_start3A_171 = arith.constant 0 : i32
        %dma_start3A_172 = tpu.memref_slice %arg8[%add3A_170, %dma_start3A_171] : memref<64x128xi32, #tpu.memory_space<vmem>> -> memref<1x128xi32, #tpu.memory_space<vmem>>
        %dma_start3A_173 = tpu.memref_squeeze %dma_start3A_172 : memref<1x128xi32, #tpu.memory_space<vmem>> -> memref<128xi32, #tpu.memory_space<vmem>>
        %dma_start3A_174 = arith.constant 0 : i32
        %dma_start3A_175 = arith.constant 0 : i32
        %dma_start3A_176 = tpu.memref_slice %arg9[%dma_start3A_174, %dma_start3A_175] : memref<10240x128xf32, #tpu.memory_space<vmem_shared>> -> memref<10240x128xf32, #tpu.memory_space<vmem_shared>>
        tpu.enqueue_indirect_dma source(%arg11 : memref<128x128xf32, #tpu.memory_space<vmem>>) target(%dma_start3A_176 : memref<10240x128xf32, #tpu.memory_space<vmem_shared>>) offsets(%dma_start3A_173 : memref<128xi32, #tpu.memory_space<vmem>>) semaphore(%arg15 : memref<!tpu.dma_semaphore, #tpu.memory_space<semaphore_mem>>) {add = true}
        %add3A_177 = arith.constant 0 : i32
        %add3A_178 = arith.addi %add3A_144, %add3A_177 : i32
        %dma_wait3A_179 = arith.constant 0 : i32
        %dma_wait3A_180 = tpu.memref_slice %arg8[%add3A_178, %dma_wait3A_179] : memref<64x128xi32, #tpu.memory_space<vmem>> -> memref<1x128xi32, #tpu.memory_space<vmem>>
        %dma_wait3A_181 = tpu.memref_squeeze %dma_wait3A_180 : memref<1x128xi32, #tpu.memory_space<vmem>> -> memref<128xi32, #tpu.memory_space<vmem>>
        %dma_wait3A_182 = arith.constant 0 : i32
        %dma_wait3A_183 = arith.constant 0 : i32
        %dma_wait3A_184 = tpu.memref_slice %arg9[%dma_wait3A_182, %dma_wait3A_183] : memref<10240x128xf32, #tpu.memory_space<vmem_shared>> -> memref<10240x128xf32, #tpu.memory_space<vmem_shared>>
        tpu.wait_indirect_dma semaphore(%arg14 : memref<!tpu.dma_semaphore, #tpu.memory_space<semaphore_mem>>) src(%arg10 : memref<128x128xf32, #tpu.memory_space<vmem>>) dst(%dma_wait3A_184 : memref<10240x128xf32, #tpu.memory_space<vmem_shared>>)
        %add3A_185 = arith.constant 2 : i32
        %add3A_186 = arith.addi %add3A_144, %add3A_185 : i32
        %add3A_187 = arith.constant 0 : i32
        %add3A_188 = arith.addi %add3A_186, %add3A_187 : i32
        %dma_start3A_189 = arith.constant 0 : i32
        %dma_start3A_190 = tpu.memref_slice %arg7[%add3A_188, %dma_start3A_189] : memref<64x128xi32, #tpu.memory_space<vmem>> -> memref<1x128xi32, #tpu.memory_space<vmem>>
        %dma_start3A_191 = tpu.memref_squeeze %dma_start3A_190 : memref<1x128xi32, #tpu.memory_space<vmem>> -> memref<128xi32, #tpu.memory_space<vmem>>
        %dma_start3A_192 = arith.constant 0 : i32
        %dma_start3A_193 = arith.constant 0 : i32
        %dma_start3A_194 = tpu.memref_slice %arg2[%dma_start3A_192, %dma_start3A_193] : memref<10240x128xf32, #tpu.memory_space<hbm>> -> memref<10240x128xf32, #tpu.memory_space<hbm>>
        tpu.enqueue_indirect_dma source(%dma_start3A_194 : memref<10240x128xf32, #tpu.memory_space<hbm>>) target(%arg10 : memref<128x128xf32, #tpu.memory_space<vmem>>) offsets(%dma_start3A_191 : memref<128xi32, #tpu.memory_space<vmem>>) semaphore(%arg12 : memref<!tpu.dma_semaphore, #tpu.memory_space<semaphore_mem>>)
        %add3A_195 = arith.constant 1 : i32
        %add3A_196 = arith.addi %add3A_144, %add3A_195 : i32
        %dma_wait3A_197 = arith.constant 0 : i32
        %dma_wait3A_198 = tpu.memref_slice %arg8[%add3A_196, %dma_wait3A_197] : memref<64x128xi32, #tpu.memory_space<vmem>> -> memref<1x128xi32, #tpu.memory_space<vmem>>
        %dma_wait3A_199 = tpu.memref_squeeze %dma_wait3A_198 : memref<1x128xi32, #tpu.memory_space<vmem>> -> memref<128xi32, #tpu.memory_space<vmem>>
        %dma_wait3A_200 = arith.constant 0 : i32
        %dma_wait3A_201 = arith.constant 0 : i32
        %dma_wait3A_202 = tpu.memref_slice %arg9[%dma_wait3A_200, %dma_wait3A_201] : memref<10240x128xf32, #tpu.memory_space<vmem_shared>> -> memref<10240x128xf32, #tpu.memory_space<vmem_shared>>
        tpu.wait_indirect_dma semaphore(%arg15 : memref<!tpu.dma_semaphore, #tpu.memory_space<semaphore_mem>>) src(%arg11 : memref<128x128xf32, #tpu.memory_space<vmem>>) dst(%dma_wait3A_202 : memref<10240x128xf32, #tpu.memory_space<vmem_shared>>)
        %add3A_203 = arith.constant 2 : i32
        %add3A_204 = arith.addi %add3A_144, %add3A_203 : i32
        %add3A_205 = arith.constant 1 : i32
        %add3A_206 = arith.addi %add3A_204, %add3A_205 : i32
        %dma_start3A_207 = arith.constant 0 : i32
        %dma_start3A_208 = tpu.memref_slice %arg7[%add3A_206, %dma_start3A_207] : memref<64x128xi32, #tpu.memory_space<vmem>> -> memref<1x128xi32, #tpu.memory_space<vmem>>
        %dma_start3A_209 = tpu.memref_squeeze %dma_start3A_208 : memref<1x128xi32, #tpu.memory_space<vmem>> -> memref<128xi32, #tpu.memory_space<vmem>>
        %dma_start3A_210 = arith.constant 0 : i32
        %dma_start3A_211 = arith.constant 0 : i32
        %dma_start3A_212 = tpu.memref_slice %arg2[%dma_start3A_210, %dma_start3A_211] : memref<10240x128xf32, #tpu.memory_space<hbm>> -> memref<10240x128xf32, #tpu.memory_space<hbm>>
        tpu.enqueue_indirect_dma source(%dma_start3A_212 : memref<10240x128xf32, #tpu.memory_space<hbm>>) target(%arg11 : memref<128x128xf32, #tpu.memory_space<vmem>>) offsets(%dma_start3A_209 : memref<128xi32, #tpu.memory_space<vmem>>) semaphore(%arg13 : memref<!tpu.dma_semaphore, #tpu.memory_space<semaphore_mem>>)
      }
      %scan3A_35 = arith.constant 7 : i32
      %dma_wait3A = arith.constant 14 : i32
      %dma_wait3A_36 = arith.constant 0 : i32
      %dma_wait3A_37 = tpu.memref_slice %arg7[%dma_wait3A, %dma_wait3A_36] : memref<64x128xi32, #tpu.memory_space<vmem>> -> memref<1x128xi32, #tpu.memory_space<vmem>>
      %dma_wait3A_38 = tpu.memref_squeeze %dma_wait3A_37 : memref<1x128xi32, #tpu.memory_space<vmem>> -> memref<128xi32, #tpu.memory_space<vmem>>
      %dma_wait3A_39 = arith.constant 0 : i32
      %dma_wait3A_40 = arith.constant 0 : i32
      %dma_wait3A_41 = tpu.memref_slice %arg2[%dma_wait3A_39, %dma_wait3A_40] : memref<10240x128xf32, #tpu.memory_space<hbm>> -> memref<10240x128xf32, #tpu.memory_space<hbm>>
      tpu.wait_indirect_dma semaphore(%arg12 : memref<!tpu.dma_semaphore, #tpu.memory_space<semaphore_mem>>) src(%dma_wait3A_41 : memref<10240x128xf32, #tpu.memory_space<hbm>>) dst(%arg10 : memref<128x128xf32, #tpu.memory_space<vmem>>)
      %dma_start3A_42 = arith.constant 14 : i32
      %dma_start3A_43 = arith.constant 0 : i32
      %dma_start3A_44 = tpu.memref_slice %arg8[%dma_start3A_42, %dma_start3A_43] : memref<64x128xi32, #tpu.memory_space<vmem>> -> memref<1x128xi32, #tpu.memory_space<vmem>>
      %dma_start3A_45 = tpu.memref_squeeze %dma_start3A_44 : memref<1x128xi32, #tpu.memory_space<vmem>> -> memref<128xi32, #tpu.memory_space<vmem>>
      %dma_start3A_46 = arith.constant 0 : i32
      %dma_start3A_47 = arith.constant 0 : i32
      %dma_start3A_48 = tpu.memref_slice %arg9[%dma_start3A_46, %dma_start3A_47] : memref<10240x128xf32, #tpu.memory_space<vmem_shared>> -> memref<10240x128xf32, #tpu.memory_space<vmem_shared>>
      tpu.enqueue_indirect_dma source(%arg10 : memref<128x128xf32, #tpu.memory_space<vmem>>) target(%dma_start3A_48 : memref<10240x128xf32, #tpu.memory_space<vmem_shared>>) offsets(%dma_start3A_45 : memref<128xi32, #tpu.memory_space<vmem>>) semaphore(%arg14 : memref<!tpu.dma_semaphore, #tpu.memory_space<semaphore_mem>>) {add = true}
      %dma_wait3A_49 = arith.constant 15 : i32
      %dma_wait3A_50 = arith.constant 0 : i32
      %dma_wait3A_51 = tpu.memref_slice %arg7[%dma_wait3A_49, %dma_wait3A_50] : memref<64x128xi32, #tpu.memory_space<vmem>> -> memref<1x128xi32, #tpu.memory_space<vmem>>
      %dma_wait3A_52 = tpu.memref_squeeze %dma_wait3A_51 : memref<1x128xi32, #tpu.memory_space<vmem>> -> memref<128xi32, #tpu.memory_space<vmem>>
      %dma_wait3A_53 = arith.constant 0 : i32
      %dma_wait3A_54 = arith.constant 0 : i32
      %dma_wait3A_55 = tpu.memref_slice %arg2[%dma_wait3A_53, %dma_wait3A_54] : memref<10240x128xf32, #tpu.memory_space<hbm>> -> memref<10240x128xf32, #tpu.memory_space<hbm>>
      tpu.wait_indirect_dma semaphore(%arg13 : memref<!tpu.dma_semaphore, #tpu.memory_space<semaphore_mem>>) src(%dma_wait3A_55 : memref<10240x128xf32, #tpu.memory_space<hbm>>) dst(%arg11 : memref<128x128xf32, #tpu.memory_space<vmem>>)
      %dma_start3A_56 = arith.constant 15 : i32
      %dma_start3A_57 = arith.constant 0 : i32
      %dma_start3A_58 = tpu.memref_slice %arg8[%dma_start3A_56, %dma_start3A_57] : memref<64x128xi32, #tpu.memory_space<vmem>> -> memref<1x128xi32, #tpu.memory_space<vmem>>
      %dma_start3A_59 = tpu.memref_squeeze %dma_start3A_58 : memref<1x128xi32, #tpu.memory_space<vmem>> -> memref<128xi32, #tpu.memory_space<vmem>>
      %dma_start3A_60 = arith.constant 0 : i32
      %dma_start3A_61 = arith.constant 0 : i32
      %dma_start3A_62 = tpu.memref_slice %arg9[%dma_start3A_60, %dma_start3A_61] : memref<10240x128xf32, #tpu.memory_space<vmem_shared>> -> memref<10240x128xf32, #tpu.memory_space<vmem_shared>>
      tpu.enqueue_indirect_dma source(%arg11 : memref<128x128xf32, #tpu.memory_space<vmem>>) target(%dma_start3A_62 : memref<10240x128xf32, #tpu.memory_space<vmem_shared>>) offsets(%dma_start3A_59 : memref<128xi32, #tpu.memory_space<vmem>>) semaphore(%arg15 : memref<!tpu.dma_semaphore, #tpu.memory_space<semaphore_mem>>) {add = true}
      %dma_wait3A_63 = arith.constant 14 : i32
      %dma_wait3A_64 = arith.constant 0 : i32
      %dma_wait3A_65 = tpu.memref_slice %arg8[%dma_wait3A_63, %dma_wait3A_64] : memref<64x128xi32, #tpu.memory_space<vmem>> -> memref<1x128xi32, #tpu.memory_space<vmem>>
      %dma_wait3A_66 = tpu.memref_squeeze %dma_wait3A_65 : memref<1x128xi32, #tpu.memory_space<vmem>> -> memref<128xi32, #tpu.memory_space<vmem>>
      %dma_wait3A_67 = arith.constant 0 : i32
      %dma_wait3A_68 = arith.constant 0 : i32
      %dma_wait3A_69 = tpu.memref_slice %arg9[%dma_wait3A_67, %dma_wait3A_68] : memref<10240x128xf32, #tpu.memory_space<vmem_shared>> -> memref<10240x128xf32, #tpu.memory_space<vmem_shared>>
      tpu.wait_indirect_dma semaphore(%arg14 : memref<!tpu.dma_semaphore, #tpu.memory_space<semaphore_mem>>) src(%arg10 : memref<128x128xf32, #tpu.memory_space<vmem>>) dst(%dma_wait3A_69 : memref<10240x128xf32, #tpu.memory_space<vmem_shared>>)
      %dma_wait3A_70 = arith.constant 15 : i32
      %dma_wait3A_71 = arith.constant 0 : i32
      %dma_wait3A_72 = tpu.memref_slice %arg8[%dma_wait3A_70, %dma_wait3A_71] : memref<64x128xi32, #tpu.memory_space<vmem>> -> memref<1x128xi32, #tpu.memory_space<vmem>>
      %dma_wait3A_73 = tpu.memref_squeeze %dma_wait3A_72 : memref<1x128xi32, #tpu.memory_space<vmem>> -> memref<128xi32, #tpu.memory_space<vmem>>
      %dma_wait3A_74 = arith.constant 0 : i32
      %dma_wait3A_75 = arith.constant 0 : i32
      %dma_wait3A_76 = tpu.memref_slice %arg9[%dma_wait3A_74, %dma_wait3A_75] : memref<10240x128xf32, #tpu.memory_space<vmem_shared>> -> memref<10240x128xf32, #tpu.memory_space<vmem_shared>>
      tpu.wait_indirect_dma semaphore(%arg15 : memref<!tpu.dma_semaphore, #tpu.memory_space<semaphore_mem>>) src(%arg11 : memref<128x128xf32, #tpu.memory_space<vmem>>) dst(%dma_wait3A_76 : memref<10240x128xf32, #tpu.memory_space<vmem_shared>>)
      %add3A_77 = arith.constant 16 : i32
      %add3A_78 = arith.addi %add3A_16, %add3A_77 : i32
      "tpu.region"() ({
        %run_scoped3A = tpu.sem_alloc : memref<!tpu.dma_semaphore, #tpu.memory_space<semaphore_mem>>
        %dma_start3A_140 = arith.constant 0 : i32
        %dma_start3A_141 = arith.constant 0 : i32
        %dma_start3A_142 = tpu.memref_slice %arg7[%dma_start3A_140, %dma_start3A_141] : memref<64x128xi32, #tpu.memory_space<vmem>> -> memref<16x128xi32, #tpu.memory_space<vmem>>
        %dma_start3A_143 = arith.constant 0 : i32
        %dma_start3A_144 = tpu.memref_slice %arg3[%add3A_78, %dma_start3A_143] : memref<2560x128xi32, #tpu.memory_space<hbm>> -> memref<16x128xi32, #tpu.memory_space<hbm>>
        %dma_start3A_145 = arith.constant 0 : i32
        %dma_start3A_146 = arith.constant 0 : i32
        %dma_start3A_147 = tpu.memref_slice %arg7[%dma_start3A_145, %dma_start3A_146] : memref<64x128xi32, #tpu.memory_space<vmem>> -> memref<16x128xi32, #tpu.memory_space<vmem>>
        %dma_start3A_148 = arith.constant 0 : i32
        %dma_start3A_149 = tpu.memref_slice %arg3[%add3A_78, %dma_start3A_148] : memref<2560x128xi32, #tpu.memory_space<hbm>> -> memref<16x128xi32, #tpu.memory_space<hbm>>
        tpu.enqueue_dma source(%dma_start3A_149 : memref<16x128xi32, #tpu.memory_space<hbm>>) target(%dma_start3A_147 : memref<16x128xi32, #tpu.memory_space<vmem>>) target_semaphore(%run_scoped3A : memref<!tpu.dma_semaphore, #tpu.memory_space<semaphore_mem>>)
        %dma_wait3A_150 = arith.constant 0 : i32
        %dma_wait3A_151 = arith.constant 0 : i32
        %dma_wait3A_152 = tpu.memref_slice %arg7[%dma_wait3A_150, %dma_wait3A_151] : memref<64x128xi32, #tpu.memory_space<vmem>> -> memref<16x128xi32, #tpu.memory_space<vmem>>
        %dma_wait3A_153 = arith.constant 0 : i32
        %dma_wait3A_154 = tpu.memref_slice %arg3[%add3A_78, %dma_wait3A_153] : memref<2560x128xi32, #tpu.memory_space<hbm>> -> memref<16x128xi32, #tpu.memory_space<hbm>>
        %dma_wait3A_155 = arith.constant 0 : i32
        %dma_wait3A_156 = arith.constant 0 : i32
        %dma_wait3A_157 = tpu.memref_slice %arg7[%dma_wait3A_155, %dma_wait3A_156] : memref<64x128xi32, #tpu.memory_space<vmem>> -> memref<16x128xi32, #tpu.memory_space<vmem>>
        %dma_wait3A_158 = arith.constant 0 : i32
        %dma_wait3A_159 = tpu.memref_slice %arg3[%add3A_78, %dma_wait3A_158] : memref<2560x128xi32, #tpu.memory_space<hbm>> -> memref<16x128xi32, #tpu.memory_space<hbm>>
        tpu.wait_dma2 semaphore(%run_scoped3A : memref<!tpu.dma_semaphore, #tpu.memory_space<semaphore_mem>>) src(%dma_wait3A_159 : memref<16x128xi32, #tpu.memory_space<hbm>>) dst(%dma_wait3A_157 : memref<16x128xi32, #tpu.memory_space<vmem>>)
        tpu.yield
      }) : () -> ()
      "tpu.region"() ({
        %run_scoped3A = tpu.sem_alloc : memref<!tpu.dma_semaphore, #tpu.memory_space<semaphore_mem>>
        %dma_start3A_140 = arith.constant 0 : i32
        %dma_start3A_141 = arith.constant 0 : i32
        %dma_start3A_142 = tpu.memref_slice %arg8[%dma_start3A_140, %dma_start3A_141] : memref<64x128xi32, #tpu.memory_space<vmem>> -> memref<16x128xi32, #tpu.memory_space<vmem>>
        %dma_start3A_143 = arith.constant 0 : i32
        %dma_start3A_144 = tpu.memref_slice %arg4[%add3A_78, %dma_start3A_143] : memref<2560x128xi32, #tpu.memory_space<hbm>> -> memref<16x128xi32, #tpu.memory_space<hbm>>
        %dma_start3A_145 = arith.constant 0 : i32
        %dma_start3A_146 = arith.constant 0 : i32
        %dma_start3A_147 = tpu.memref_slice %arg8[%dma_start3A_145, %dma_start3A_146] : memref<64x128xi32, #tpu.memory_space<vmem>> -> memref<16x128xi32, #tpu.memory_space<vmem>>
        %dma_start3A_148 = arith.constant 0 : i32
        %dma_start3A_149 = tpu.memref_slice %arg4[%add3A_78, %dma_start3A_148] : memref<2560x128xi32, #tpu.memory_space<hbm>> -> memref<16x128xi32, #tpu.memory_space<hbm>>
        tpu.enqueue_dma source(%dma_start3A_149 : memref<16x128xi32, #tpu.memory_space<hbm>>) target(%dma_start3A_147 : memref<16x128xi32, #tpu.memory_space<vmem>>) target_semaphore(%run_scoped3A : memref<!tpu.dma_semaphore, #tpu.memory_space<semaphore_mem>>)
        %dma_wait3A_150 = arith.constant 0 : i32
        %dma_wait3A_151 = arith.constant 0 : i32
        %dma_wait3A_152 = tpu.memref_slice %arg8[%dma_wait3A_150, %dma_wait3A_151] : memref<64x128xi32, #tpu.memory_space<vmem>> -> memref<16x128xi32, #tpu.memory_space<vmem>>
        %dma_wait3A_153 = arith.constant 0 : i32
        %dma_wait3A_154 = tpu.memref_slice %arg4[%add3A_78, %dma_wait3A_153] : memref<2560x128xi32, #tpu.memory_space<hbm>> -> memref<16x128xi32, #tpu.memory_space<hbm>>
        %dma_wait3A_155 = arith.constant 0 : i32
        %dma_wait3A_156 = arith.constant 0 : i32
        %dma_wait3A_157 = tpu.memref_slice %arg8[%dma_wait3A_155, %dma_wait3A_156] : memref<64x128xi32, #tpu.memory_space<vmem>> -> memref<16x128xi32, #tpu.memory_space<vmem>>
        %dma_wait3A_158 = arith.constant 0 : i32
        %dma_wait3A_159 = tpu.memref_slice %arg4[%add3A_78, %dma_wait3A_158] : memref<2560x128xi32, #tpu.memory_space<hbm>> -> memref<16x128xi32, #tpu.memory_space<hbm>>
        tpu.wait_dma2 semaphore(%run_scoped3A : memref<!tpu.dma_semaphore, #tpu.memory_space<semaphore_mem>>) src(%dma_wait3A_159 : memref<16x128xi32, #tpu.memory_space<hbm>>) dst(%dma_wait3A_157 : memref<16x128xi32, #tpu.memory_space<vmem>>)
        tpu.yield
      }) : () -> ()
      %dma_start3A_79 = arith.constant 0 : i32
      %dma_start3A_80 = arith.constant 0 : i32
      %dma_start3A_81 = tpu.memref_slice %arg7[%dma_start3A_79, %dma_start3A_80] : memref<64x128xi32, #tpu.memory_space<vmem>> -> memref<1x128xi32, #tpu.memory_space<vmem>>
      %dma_start3A_82 = tpu.memref_squeeze %dma_start3A_81 : memref<1x128xi32, #tpu.memory_space<vmem>> -> memref<128xi32, #tpu.memory_space<vmem>>
      %dma_start3A_83 = arith.constant 0 : i32
      %dma_start3A_84 = arith.constant 0 : i32
      %dma_start3A_85 = tpu.memref_slice %arg2[%dma_start3A_83, %dma_start3A_84] : memref<10240x128xf32, #tpu.memory_space<hbm>> -> memref<10240x128xf32, #tpu.memory_space<hbm>>
      tpu.enqueue_indirect_dma source(%dma_start3A_85 : memref<10240x128xf32, #tpu.memory_space<hbm>>) target(%arg10 : memref<128x128xf32, #tpu.memory_space<vmem>>) offsets(%dma_start3A_82 : memref<128xi32, #tpu.memory_space<vmem>>) semaphore(%arg12 : memref<!tpu.dma_semaphore, #tpu.memory_space<semaphore_mem>>)
      %dma_start3A_86 = arith.constant 1 : i32
      %dma_start3A_87 = arith.constant 0 : i32
      %dma_start3A_88 = tpu.memref_slice %arg7[%dma_start3A_86, %dma_start3A_87] : memref<64x128xi32, #tpu.memory_space<vmem>> -> memref<1x128xi32, #tpu.memory_space<vmem>>
      %dma_start3A_89 = tpu.memref_squeeze %dma_start3A_88 : memref<1x128xi32, #tpu.memory_space<vmem>> -> memref<128xi32, #tpu.memory_space<vmem>>
      %dma_start3A_90 = arith.constant 0 : i32
      %dma_start3A_91 = arith.constant 0 : i32
      %dma_start3A_92 = tpu.memref_slice %arg2[%dma_start3A_90, %dma_start3A_91] : memref<10240x128xf32, #tpu.memory_space<hbm>> -> memref<10240x128xf32, #tpu.memory_space<hbm>>
      tpu.enqueue_indirect_dma source(%dma_start3A_92 : memref<10240x128xf32, #tpu.memory_space<hbm>>) target(%arg11 : memref<128x128xf32, #tpu.memory_space<vmem>>) offsets(%dma_start3A_89 : memref<128xi32, #tpu.memory_space<vmem>>) semaphore(%arg13 : memref<!tpu.dma_semaphore, #tpu.memory_space<semaphore_mem>>)
      %scan3A_93 = arith.constant 0 : i32
      %scan3A_94 = arith.constant 7 : i32
      %scan3A_95 = arith.addi %scan3A_93, %scan3A_94 : i32
      %scan3A_96 = arith.constant 1 : i32
      scf.for %scan3A_140 = %scan3A_93 to %scan3A_95 step %scan3A_96  : i32 {
        %mul3A_141 = arith.constant 2 : i32
        %mul3A_142 = arith.muli %scan3A_140, %mul3A_141 : i32
        %add3A_143 = arith.constant 0 : i32
        %add3A_144 = arith.addi %add3A_143, %mul3A_142 : i32
        %add3A_145 = arith.constant 0 : i32
        %add3A_146 = arith.addi %add3A_144, %add3A_145 : i32
        %dma_wait3A_147 = arith.constant 0 : i32
        %dma_wait3A_148 = tpu.memref_slice %arg7[%add3A_146, %dma_wait3A_147] : memref<64x128xi32, #tpu.memory_space<vmem>> -> memref<1x128xi32, #tpu.memory_space<vmem>>
        %dma_wait3A_149 = tpu.memref_squeeze %dma_wait3A_148 : memref<1x128xi32, #tpu.memory_space<vmem>> -> memref<128xi32, #tpu.memory_space<vmem>>
        %dma_wait3A_150 = arith.constant 0 : i32
        %dma_wait3A_151 = arith.constant 0 : i32
        %dma_wait3A_152 = tpu.memref_slice %arg2[%dma_wait3A_150, %dma_wait3A_151] : memref<10240x128xf32, #tpu.memory_space<hbm>> -> memref<10240x128xf32, #tpu.memory_space<hbm>>
        tpu.wait_indirect_dma semaphore(%arg12 : memref<!tpu.dma_semaphore, #tpu.memory_space<semaphore_mem>>) src(%dma_wait3A_152 : memref<10240x128xf32, #tpu.memory_space<hbm>>) dst(%arg10 : memref<128x128xf32, #tpu.memory_space<vmem>>)
        %add3A_153 = arith.constant 0 : i32
        %add3A_154 = arith.addi %add3A_144, %add3A_153 : i32
        %dma_start3A_155 = arith.constant 0 : i32
        %dma_start3A_156 = tpu.memref_slice %arg8[%add3A_154, %dma_start3A_155] : memref<64x128xi32, #tpu.memory_space<vmem>> -> memref<1x128xi32, #tpu.memory_space<vmem>>
        %dma_start3A_157 = tpu.memref_squeeze %dma_start3A_156 : memref<1x128xi32, #tpu.memory_space<vmem>> -> memref<128xi32, #tpu.memory_space<vmem>>
        %dma_start3A_158 = arith.constant 0 : i32
        %dma_start3A_159 = arith.constant 0 : i32
        %dma_start3A_160 = tpu.memref_slice %arg9[%dma_start3A_158, %dma_start3A_159] : memref<10240x128xf32, #tpu.memory_space<vmem_shared>> -> memref<10240x128xf32, #tpu.memory_space<vmem_shared>>
        tpu.enqueue_indirect_dma source(%arg10 : memref<128x128xf32, #tpu.memory_space<vmem>>) target(%dma_start3A_160 : memref<10240x128xf32, #tpu.memory_space<vmem_shared>>) offsets(%dma_start3A_157 : memref<128xi32, #tpu.memory_space<vmem>>) semaphore(%arg14 : memref<!tpu.dma_semaphore, #tpu.memory_space<semaphore_mem>>) {add = true}
        %add3A_161 = arith.constant 1 : i32
        %add3A_162 = arith.addi %add3A_144, %add3A_161 : i32
        %dma_wait3A_163 = arith.constant 0 : i32
        %dma_wait3A_164 = tpu.memref_slice %arg7[%add3A_162, %dma_wait3A_163] : memref<64x128xi32, #tpu.memory_space<vmem>> -> memref<1x128xi32, #tpu.memory_space<vmem>>
        %dma_wait3A_165 = tpu.memref_squeeze %dma_wait3A_164 : memref<1x128xi32, #tpu.memory_space<vmem>> -> memref<128xi32, #tpu.memory_space<vmem>>
        %dma_wait3A_166 = arith.constant 0 : i32
        %dma_wait3A_167 = arith.constant 0 : i32
        %dma_wait3A_168 = tpu.memref_slice %arg2[%dma_wait3A_166, %dma_wait3A_167] : memref<10240x128xf32, #tpu.memory_space<hbm>> -> memref<10240x128xf32, #tpu.memory_space<hbm>>
        tpu.wait_indirect_dma semaphore(%arg13 : memref<!tpu.dma_semaphore, #tpu.memory_space<semaphore_mem>>) src(%dma_wait3A_168 : memref<10240x128xf32, #tpu.memory_space<hbm>>) dst(%arg11 : memref<128x128xf32, #tpu.memory_space<vmem>>)
        %add3A_169 = arith.constant 1 : i32
        %add3A_170 = arith.addi %add3A_144, %add3A_169 : i32
        %dma_start3A_171 = arith.constant 0 : i32
        %dma_start3A_172 = tpu.memref_slice %arg8[%add3A_170, %dma_start3A_171] : memref<64x128xi32, #tpu.memory_space<vmem>> -> memref<1x128xi32, #tpu.memory_space<vmem>>
        %dma_start3A_173 = tpu.memref_squeeze %dma_start3A_172 : memref<1x128xi32, #tpu.memory_space<vmem>> -> memref<128xi32, #tpu.memory_space<vmem>>
        %dma_start3A_174 = arith.constant 0 : i32
        %dma_start3A_175 = arith.constant 0 : i32
        %dma_start3A_176 = tpu.memref_slice %arg9[%dma_start3A_174, %dma_start3A_175] : memref<10240x128xf32, #tpu.memory_space<vmem_shared>> -> memref<10240x128xf32, #tpu.memory_space<vmem_shared>>
        tpu.enqueue_indirect_dma source(%arg11 : memref<128x128xf32, #tpu.memory_space<vmem>>) target(%dma_start3A_176 : memref<10240x128xf32, #tpu.memory_space<vmem_shared>>) offsets(%dma_start3A_173 : memref<128xi32, #tpu.memory_space<vmem>>) semaphore(%arg15 : memref<!tpu.dma_semaphore, #tpu.memory_space<semaphore_mem>>) {add = true}
        %add3A_177 = arith.constant 0 : i32
        %add3A_178 = arith.addi %add3A_144, %add3A_177 : i32
        %dma_wait3A_179 = arith.constant 0 : i32
        %dma_wait3A_180 = tpu.memref_slice %arg8[%add3A_178, %dma_wait3A_179] : memref<64x128xi32, #tpu.memory_space<vmem>> -> memref<1x128xi32, #tpu.memory_space<vmem>>
        %dma_wait3A_181 = tpu.memref_squeeze %dma_wait3A_180 : memref<1x128xi32, #tpu.memory_space<vmem>> -> memref<128xi32, #tpu.memory_space<vmem>>
        %dma_wait3A_182 = arith.constant 0 : i32
        %dma_wait3A_183 = arith.constant 0 : i32
        %dma_wait3A_184 = tpu.memref_slice %arg9[%dma_wait3A_182, %dma_wait3A_183] : memref<10240x128xf32, #tpu.memory_space<vmem_shared>> -> memref<10240x128xf32, #tpu.memory_space<vmem_shared>>
        tpu.wait_indirect_dma semaphore(%arg14 : memref<!tpu.dma_semaphore, #tpu.memory_space<semaphore_mem>>) src(%arg10 : memref<128x128xf32, #tpu.memory_space<vmem>>) dst(%dma_wait3A_184 : memref<10240x128xf32, #tpu.memory_space<vmem_shared>>)
        %add3A_185 = arith.constant 2 : i32
        %add3A_186 = arith.addi %add3A_144, %add3A_185 : i32
        %add3A_187 = arith.constant 0 : i32
        %add3A_188 = arith.addi %add3A_186, %add3A_187 : i32
        %dma_start3A_189 = arith.constant 0 : i32
        %dma_start3A_190 = tpu.memref_slice %arg7[%add3A_188, %dma_start3A_189] : memref<64x128xi32, #tpu.memory_space<vmem>> -> memref<1x128xi32, #tpu.memory_space<vmem>>
        %dma_start3A_191 = tpu.memref_squeeze %dma_start3A_190 : memref<1x128xi32, #tpu.memory_space<vmem>> -> memref<128xi32, #tpu.memory_space<vmem>>
        %dma_start3A_192 = arith.constant 0 : i32
        %dma_start3A_193 = arith.constant 0 : i32
        %dma_start3A_194 = tpu.memref_slice %arg2[%dma_start3A_192, %dma_start3A_193] : memref<10240x128xf32, #tpu.memory_space<hbm>> -> memref<10240x128xf32, #tpu.memory_space<hbm>>
        tpu.enqueue_indirect_dma source(%dma_start3A_194 : memref<10240x128xf32, #tpu.memory_space<hbm>>) target(%arg10 : memref<128x128xf32, #tpu.memory_space<vmem>>) offsets(%dma_start3A_191 : memref<128xi32, #tpu.memory_space<vmem>>) semaphore(%arg12 : memref<!tpu.dma_semaphore, #tpu.memory_space<semaphore_mem>>)
        %add3A_195 = arith.constant 1 : i32
        %add3A_196 = arith.addi %add3A_144, %add3A_195 : i32
        %dma_wait3A_197 = arith.constant 0 : i32
        %dma_wait3A_198 = tpu.memref_slice %arg8[%add3A_196, %dma_wait3A_197] : memref<64x128xi32, #tpu.memory_space<vmem>> -> memref<1x128xi32, #tpu.memory_space<vmem>>
        %dma_wait3A_199 = tpu.memref_squeeze %dma_wait3A_198 : memref<1x128xi32, #tpu.memory_space<vmem>> -> memref<128xi32, #tpu.memory_space<vmem>>
        %dma_wait3A_200 = arith.constant 0 : i32
        %dma_wait3A_201 = arith.constant 0 : i32
        %dma_wait3A_202 = tpu.memref_slice %arg9[%dma_wait3A_200, %dma_wait3A_201] : memref<10240x128xf32, #tpu.memory_space<vmem_shared>> -> memref<10240x128xf32, #tpu.memory_space<vmem_shared>>
        tpu.wait_indirect_dma semaphore(%arg15 : memref<!tpu.dma_semaphore, #tpu.memory_space<semaphore_mem>>) src(%arg11 : memref<128x128xf32, #tpu.memory_space<vmem>>) dst(%dma_wait3A_202 : memref<10240x128xf32, #tpu.memory_space<vmem_shared>>)
        %add3A_203 = arith.constant 2 : i32
        %add3A_204 = arith.addi %add3A_144, %add3A_203 : i32
        %add3A_205 = arith.constant 1 : i32
        %add3A_206 = arith.addi %add3A_204, %add3A_205 : i32
        %dma_start3A_207 = arith.constant 0 : i32
        %dma_start3A_208 = tpu.memref_slice %arg7[%add3A_206, %dma_start3A_207] : memref<64x128xi32, #tpu.memory_space<vmem>> -> memref<1x128xi32, #tpu.memory_space<vmem>>
        %dma_start3A_209 = tpu.memref_squeeze %dma_start3A_208 : memref<1x128xi32, #tpu.memory_space<vmem>> -> memref<128xi32, #tpu.memory_space<vmem>>
        %dma_start3A_210 = arith.constant 0 : i32
        %dma_start3A_211 = arith.constant 0 : i32
        %dma_start3A_212 = tpu.memref_slice %arg2[%dma_start3A_210, %dma_start3A_211] : memref<10240x128xf32, #tpu.memory_space<hbm>> -> memref<10240x128xf32, #tpu.memory_space<hbm>>
        tpu.enqueue_indirect_dma source(%dma_start3A_212 : memref<10240x128xf32, #tpu.memory_space<hbm>>) target(%arg11 : memref<128x128xf32, #tpu.memory_space<vmem>>) offsets(%dma_start3A_209 : memref<128xi32, #tpu.memory_space<vmem>>) semaphore(%arg13 : memref<!tpu.dma_semaphore, #tpu.memory_space<semaphore_mem>>)
      }
      %scan3A_97 = arith.constant 7 : i32
      %dma_wait3A_98 = arith.constant 14 : i32
      %dma_wait3A_99 = arith.constant 0 : i32
      %dma_wait3A_100 = tpu.memref_slice %arg7[%dma_wait3A_98, %dma_wait3A_99] : memref<64x128xi32, #tpu.memory_space<vmem>> -> memref<1x128xi32, #tpu.memory_space<vmem>>
      %dma_wait3A_101 = tpu.memref_squeeze %dma_wait3A_100 : memref<1x128xi32, #tpu.memory_space<vmem>> -> memref<128xi32, #tpu.memory_space<vmem>>
      %dma_wait3A_102 = arith.constant 0 : i32
      %dma_wait3A_103 = arith.constant 0 : i32
      %dma_wait3A_104 = tpu.memref_slice %arg2[%dma_wait3A_102, %dma_wait3A_103] : memref<10240x128xf32, #tpu.memory_space<hbm>> -> memref<10240x128xf32, #tpu.memory_space<hbm>>
      tpu.wait_indirect_dma semaphore(%arg12 : memref<!tpu.dma_semaphore, #tpu.memory_space<semaphore_mem>>) src(%dma_wait3A_104 : memref<10240x128xf32, #tpu.memory_space<hbm>>) dst(%arg10 : memref<128x128xf32, #tpu.memory_space<vmem>>)
      %dma_start3A_105 = arith.constant 14 : i32
      %dma_start3A_106 = arith.constant 0 : i32
      %dma_start3A_107 = tpu.memref_slice %arg8[%dma_start3A_105, %dma_start3A_106] : memref<64x128xi32, #tpu.memory_space<vmem>> -> memref<1x128xi32, #tpu.memory_space<vmem>>
      %dma_start3A_108 = tpu.memref_squeeze %dma_start3A_107 : memref<1x128xi32, #tpu.memory_space<vmem>> -> memref<128xi32, #tpu.memory_space<vmem>>
      %dma_start3A_109 = arith.constant 0 : i32
      %dma_start3A_110 = arith.constant 0 : i32
      %dma_start3A_111 = tpu.memref_slice %arg9[%dma_start3A_109, %dma_start3A_110] : memref<10240x128xf32, #tpu.memory_space<vmem_shared>> -> memref<10240x128xf32, #tpu.memory_space<vmem_shared>>
      tpu.enqueue_indirect_dma source(%arg10 : memref<128x128xf32, #tpu.memory_space<vmem>>) target(%dma_start3A_111 : memref<10240x128xf32, #tpu.memory_space<vmem_shared>>) offsets(%dma_start3A_108 : memref<128xi32, #tpu.memory_space<vmem>>) semaphore(%arg14 : memref<!tpu.dma_semaphore, #tpu.memory_space<semaphore_mem>>) {add = true}
      %dma_wait3A_112 = arith.constant 15 : i32
      %dma_wait3A_113 = arith.constant 0 : i32
      %dma_wait3A_114 = tpu.memref_slice %arg7[%dma_wait3A_112, %dma_wait3A_113] : memref<64x128xi32, #tpu.memory_space<vmem>> -> memref<1x128xi32, #tpu.memory_space<vmem>>
      %dma_wait3A_115 = tpu.memref_squeeze %dma_wait3A_114 : memref<1x128xi32, #tpu.memory_space<vmem>> -> memref<128xi32, #tpu.memory_space<vmem>>
      %dma_wait3A_116 = arith.constant 0 : i32
      %dma_wait3A_117 = arith.constant 0 : i32
      %dma_wait3A_118 = tpu.memref_slice %arg2[%dma_wait3A_116, %dma_wait3A_117] : memref<10240x128xf32, #tpu.memory_space<hbm>> -> memref<10240x128xf32, #tpu.memory_space<hbm>>
      tpu.wait_indirect_dma semaphore(%arg13 : memref<!tpu.dma_semaphore, #tpu.memory_space<semaphore_mem>>) src(%dma_wait3A_118 : memref<10240x128xf32, #tpu.memory_space<hbm>>) dst(%arg11 : memref<128x128xf32, #tpu.memory_space<vmem>>)
      %dma_start3A_119 = arith.constant 15 : i32
      %dma_start3A_120 = arith.constant 0 : i32
      %dma_start3A_121 = tpu.memref_slice %arg8[%dma_start3A_119, %dma_start3A_120] : memref<64x128xi32, #tpu.memory_space<vmem>> -> memref<1x128xi32, #tpu.memory_space<vmem>>
      %dma_start3A_122 = tpu.memref_squeeze %dma_start3A_121 : memref<1x128xi32, #tpu.memory_space<vmem>> -> memref<128xi32, #tpu.memory_space<vmem>>
      %dma_start3A_123 = arith.constant 0 : i32
      %dma_start3A_124 = arith.constant 0 : i32
      %dma_start3A_125 = tpu.memref_slice %arg9[%dma_start3A_123, %dma_start3A_124] : memref<10240x128xf32, #tpu.memory_space<vmem_shared>> -> memref<10240x128xf32, #tpu.memory_space<vmem_shared>>
      tpu.enqueue_indirect_dma source(%arg11 : memref<128x128xf32, #tpu.memory_space<vmem>>) target(%dma_start3A_125 : memref<10240x128xf32, #tpu.memory_space<vmem_shared>>) offsets(%dma_start3A_122 : memref<128xi32, #tpu.memory_space<vmem>>) semaphore(%arg15 : memref<!tpu.dma_semaphore, #tpu.memory_space<semaphore_mem>>) {add = true}
      %dma_wait3A_126 = arith.constant 14 : i32
      %dma_wait3A_127 = arith.constant 0 : i32
      %dma_wait3A_128 = tpu.memref_slice %arg8[%dma_wait3A_126, %dma_wait3A_127] : memref<64x128xi32, #tpu.memory_space<vmem>> -> memref<1x128xi32, #tpu.memory_space<vmem>>
      %dma_wait3A_129 = tpu.memref_squeeze %dma_wait3A_128 : memref<1x128xi32, #tpu.memory_space<vmem>> -> memref<128xi32, #tpu.memory_space<vmem>>
      %dma_wait3A_130 = arith.constant 0 : i32
      %dma_wait3A_131 = arith.constant 0 : i32
      %dma_wait3A_132 = tpu.memref_slice %arg9[%dma_wait3A_130, %dma_wait3A_131] : memref<10240x128xf32, #tpu.memory_space<vmem_shared>> -> memref<10240x128xf32, #tpu.memory_space<vmem_shared>>
      tpu.wait_indirect_dma semaphore(%arg14 : memref<!tpu.dma_semaphore, #tpu.memory_space<semaphore_mem>>) src(%arg10 : memref<128x128xf32, #tpu.memory_space<vmem>>) dst(%dma_wait3A_132 : memref<10240x128xf32, #tpu.memory_space<vmem_shared>>)
      %dma_wait3A_133 = arith.constant 15 : i32
      %dma_wait3A_134 = arith.constant 0 : i32
      %dma_wait3A_135 = tpu.memref_slice %arg8[%dma_wait3A_133, %dma_wait3A_134] : memref<64x128xi32, #tpu.memory_space<vmem>> -> memref<1x128xi32, #tpu.memory_space<vmem>>
      %dma_wait3A_136 = tpu.memref_squeeze %dma_wait3A_135 : memref<1x128xi32, #tpu.memory_space<vmem>> -> memref<128xi32, #tpu.memory_space<vmem>>
      %dma_wait3A_137 = arith.constant 0 : i32
      %dma_wait3A_138 = arith.constant 0 : i32
      %dma_wait3A_139 = tpu.memref_slice %arg9[%dma_wait3A_137, %dma_wait3A_138] : memref<10240x128xf32, #tpu.memory_space<vmem_shared>> -> memref<10240x128xf32, #tpu.memory_space<vmem_shared>>
      tpu.wait_indirect_dma semaphore(%arg15 : memref<!tpu.dma_semaphore, #tpu.memory_space<semaphore_mem>>) src(%arg11 : memref<128x128xf32, #tpu.memory_space<vmem>>) dst(%dma_wait3A_139 : memref<10240x128xf32, #tpu.memory_space<vmem_shared>>)
    } else {
    }
    %barrier3A_12 = arith.constant 0 : index
    tpu.barrier barrier_id(%barrier3A_12)
    "tpu.region"() ({
      %run_scoped3A = tpu.sem_alloc : memref<!tpu.dma_semaphore, #tpu.memory_space<semaphore_mem>>
      %dma_start3A = arith.constant 0 : i32
      %dma_start3A_13 = tpu.memref_slice %arg6[%add3A, %dma_start3A] : memref<20480x128xf32, #tpu.memory_space<hbm>> -> memref<640x128xf32, #tpu.memory_space<hbm>>
      %dma_start3A_14 = arith.constant 0 : i32
      %dma_start3A_15 = tpu.memref_slice %arg9[%mul3A_0, %dma_start3A_14] : memref<10240x128xf32, #tpu.memory_space<vmem_shared>> -> memref<640x128xf32, #tpu.memory_space<vmem_shared>>
      tpu.enqueue_dma source(%dma_start3A_15 : memref<640x128xf32, #tpu.memory_space<vmem_shared>>) target(%dma_start3A_13 : memref<640x128xf32, #tpu.memory_space<hbm>>) target_semaphore(%run_scoped3A : memref<!tpu.dma_semaphore, #tpu.memory_space<semaphore_mem>>)
      %dma_wait3A = arith.constant 0 : i32
      %dma_wait3A_16 = tpu.memref_slice %arg6[%add3A, %dma_wait3A] : memref<20480x128xf32, #tpu.memory_space<hbm>> -> memref<640x128xf32, #tpu.memory_space<hbm>>
      %dma_wait3A_17 = arith.constant 0 : i32
      %dma_wait3A_18 = tpu.memref_slice %arg9[%mul3A_0, %dma_wait3A_17] : memref<10240x128xf32, #tpu.memory_space<vmem_shared>> -> memref<640x128xf32, #tpu.memory_space<vmem_shared>>
      tpu.wait_dma2 semaphore(%run_scoped3A : memref<!tpu.dma_semaphore, #tpu.memory_space<semaphore_mem>>) src(%dma_wait3A_18 : memref<640x128xf32, #tpu.memory_space<vmem_shared>>) dst(%dma_wait3A_16 : memref<640x128xf32, #tpu.memory_space<hbm>>)
      tpu.yield
    }) : () -> ()
    return
  }
}

#map = affine_map<(d0, d1) -> (0, 0, 0)>
#map1 = affine_map<(d0, d1) -> (0, 0)>
module attributes {stable_mosaic.version = 14 : i64} {
  func.func @deg_kernel(%arg0: i32, %arg1: i32, %arg2: memref<32x80x128xi32, #tpu.memory_space<hbm>>, %arg3: memref<32x10240xf32, #tpu.memory_space<hbm>>, %arg4: memref<80x128xi32, #tpu.memory_space<vmem>>, %arg5: memref<10240xf32, #tpu.memory_space<vmem>>) attributes {dimension_semantics = [#tpu.dimension_semantics<core_parallel>, #tpu.dimension_semantics<subcore_parallel>], iteration_bounds = array<i64: 2, 16>, scalar_prefetch = 0 : i64, scratch_operands = 2 : i64, tpu.core_type = #tpu.core_type<sc_vector_subcore>, window_params = [{transform_indices = #map}, {transform_indices = #map1}]} {
    %mul3A = arith.constant 16 : i32
    %mul3A_0 = arith.muli %arg0, %mul3A : i32
    %add3A = arith.addi %mul3A_0, %arg1 : i32
    "tpu.region"() ({
      %run_scoped3A = tpu.sem_alloc : memref<!tpu.dma_semaphore, #tpu.memory_space<semaphore_mem>>
      %dma_start3A = arith.constant 0 : i32
      %dma_start3A_13 = arith.constant 0 : i32
      %dma_start3A_14 = tpu.memref_slice %arg2[%add3A, %dma_start3A, %dma_start3A_13] : memref<32x80x128xi32, #tpu.memory_space<hbm>> -> memref<1x80x128xi32, #tpu.memory_space<hbm>>
      %dma_start3A_15 = tpu.memref_squeeze %dma_start3A_14 : memref<1x80x128xi32, #tpu.memory_space<hbm>> -> memref<80x128xi32, #tpu.memory_space<hbm>>
      %dma_start3A_16 = arith.constant 0 : i32
      %dma_start3A_17 = arith.constant 0 : i32
      %dma_start3A_18 = tpu.memref_slice %arg2[%add3A, %dma_start3A_16, %dma_start3A_17] : memref<32x80x128xi32, #tpu.memory_space<hbm>> -> memref<1x80x128xi32, #tpu.memory_space<hbm>>
      %dma_start3A_19 = tpu.memref_squeeze %dma_start3A_18 : memref<1x80x128xi32, #tpu.memory_space<hbm>> -> memref<80x128xi32, #tpu.memory_space<hbm>>
      tpu.enqueue_dma source(%dma_start3A_19 : memref<80x128xi32, #tpu.memory_space<hbm>>) target(%arg4 : memref<80x128xi32, #tpu.memory_space<vmem>>) target_semaphore(%run_scoped3A : memref<!tpu.dma_semaphore, #tpu.memory_space<semaphore_mem>>)
      %dma_wait3A = arith.constant 0 : i32
      %dma_wait3A_20 = arith.constant 0 : i32
      %dma_wait3A_21 = tpu.memref_slice %arg2[%add3A, %dma_wait3A, %dma_wait3A_20] : memref<32x80x128xi32, #tpu.memory_space<hbm>> -> memref<1x80x128xi32, #tpu.memory_space<hbm>>
      %dma_wait3A_22 = tpu.memref_squeeze %dma_wait3A_21 : memref<1x80x128xi32, #tpu.memory_space<hbm>> -> memref<80x128xi32, #tpu.memory_space<hbm>>
      %dma_wait3A_23 = arith.constant 0 : i32
      %dma_wait3A_24 = arith.constant 0 : i32
      %dma_wait3A_25 = tpu.memref_slice %arg2[%add3A, %dma_wait3A_23, %dma_wait3A_24] : memref<32x80x128xi32, #tpu.memory_space<hbm>> -> memref<1x80x128xi32, #tpu.memory_space<hbm>>
      %dma_wait3A_26 = tpu.memref_squeeze %dma_wait3A_25 : memref<1x80x128xi32, #tpu.memory_space<hbm>> -> memref<80x128xi32, #tpu.memory_space<hbm>>
      tpu.wait_dma2 semaphore(%run_scoped3A : memref<!tpu.dma_semaphore, #tpu.memory_space<semaphore_mem>>) src(%dma_wait3A_26 : memref<80x128xi32, #tpu.memory_space<hbm>>) dst(%arg4 : memref<80x128xi32, #tpu.memory_space<vmem>>)
      tpu.yield
    }) : () -> ()
    %broadcast_in_dim3A = arith.constant 0.000000e+00 : f32
    %broadcast_in_dim3A_1 = vector.broadcast %broadcast_in_dim3A : f32 to vector<16xf32>
    %broadcast_in_dim3A_2 = arith.constant 1.000000e+00 : f32
    %broadcast_in_dim3A_3 = vector.broadcast %broadcast_in_dim3A_2 : f32 to vector<16xf32>
    %scan3A = arith.constant 0 : i32
    %scan3A_4 = arith.constant 640 : i32
    %scan3A_5 = arith.addi %scan3A, %scan3A_4 : i32
    %scan3A_6 = arith.constant 1 : i32
    scf.for %scan3A_13 = %scan3A to %scan3A_5 step %scan3A_6  : i32 {
      %mul3A_14 = arith.constant 1 : i32
      %mul3A_15 = arith.muli %scan3A_13, %mul3A_14 : i32
      %add3A_16 = arith.constant 0 : i32
      %add3A_17 = arith.addi %add3A_16, %mul3A_15 : i32
      %mul3A_18 = arith.constant 16 : i32
      %mul3A_19 = arith.muli %add3A_17, %mul3A_18 : i32
      %swap3A = arith.index_cast %mul3A_19 : i32 to index
      %swap3A_20 = tpu.vector_load %arg5[%swap3A] {strides = array<i32>} : memref<10240xf32, #tpu.memory_space<vmem>>, vector<16xf32>,
      tpu.vector_store %arg5[%swap3A], %broadcast_in_dim3A_1 {strides = array<i32>} : memref<10240xf32, #tpu.memory_space<vmem>>, vector<16xf32>,
    }
    %scan3A_7 = arith.constant 640 : i32
    %scan3A_8 = arith.constant 0 : i32
    %scan3A_9 = arith.constant 80 : i32
    %scan3A_10 = arith.addi %scan3A_8, %scan3A_9 : i32
    %scan3A_11 = arith.constant 1 : i32
    scf.for %scan3A_13 = %scan3A_8 to %scan3A_10 step %scan3A_11  : i32 {
      %mul3A_14 = arith.constant 1 : i32
      %mul3A_15 = arith.muli %scan3A_13, %mul3A_14 : i32
      %add3A_16 = arith.constant 0 : i32
      %add3A_17 = arith.addi %add3A_16, %mul3A_15 : i32
      %scan3A_18 = arith.constant 0 : i32
      %scan3A_19 = arith.constant 8 : i32
      %scan3A_20 = arith.addi %scan3A_18, %scan3A_19 : i32
      %scan3A_21 = arith.constant 1 : i32
      scf.for %scan3A_23 = %scan3A_18 to %scan3A_20 step %scan3A_21  : i32 {
        %mul3A_24 = arith.constant 1 : i32
        %mul3A_25 = arith.muli %scan3A_23, %mul3A_24 : i32
        %add3A_26 = arith.constant 0 : i32
        %add3A_27 = arith.addi %add3A_26, %mul3A_25 : i32
        %mul3A_28 = arith.constant 16 : i32
        %mul3A_29 = arith.muli %add3A_27, %mul3A_28 : i32
        %get3A = arith.index_cast %add3A_17 : i32 to index
        %get3A_30 = arith.index_cast %mul3A_29 : i32 to index
        %get3A_31 = tpu.vector_load %arg4[%get3A, %get3A_30] {strides = array<i32>} : memref<80x128xi32, #tpu.memory_space<vmem>>, vector<16xi32>,
        tpu.vector_store_idx %arg5[%get3A_31], %broadcast_in_dim3A_3 {add = true} : memref<10240xf32, #tpu.memory_space<vmem>>[vector<16xi32>], vector<16xf32>,
      }
      %scan3A_22 = arith.constant 8 : i32
    }
    %scan3A_12 = arith.constant 80 : i32
    "tpu.region"() ({
      %run_scoped3A = tpu.sem_alloc : memref<!tpu.dma_semaphore, #tpu.memory_space<semaphore_mem>>
      %dma_start3A = arith.constant 0 : i32
      %dma_start3A_13 = tpu.memref_slice %arg3[%add3A, %dma_start3A] : memref<32x10240xf32, #tpu.memory_space<hbm>> -> memref<1x10240xf32, #tpu.memory_space<hbm>>
      %dma_start3A_14 = tpu.memref_squeeze %dma_start3A_13 : memref<1x10240xf32, #tpu.memory_space<hbm>> -> memref<10240xf32, #tpu.memory_space<hbm>>
      %dma_start3A_15 = arith.constant 0 : i32
      %dma_start3A_16 = tpu.memref_slice %arg3[%add3A, %dma_start3A_15] : memref<32x10240xf32, #tpu.memory_space<hbm>> -> memref<1x10240xf32, #tpu.memory_space<hbm>>
      %dma_start3A_17 = tpu.memref_squeeze %dma_start3A_16 : memref<1x10240xf32, #tpu.memory_space<hbm>> -> memref<10240xf32, #tpu.memory_space<hbm>>
      tpu.enqueue_dma source(%arg5 : memref<10240xf32, #tpu.memory_space<vmem>>) target(%dma_start3A_17 : memref<10240xf32, #tpu.memory_space<hbm>>) target_semaphore(%run_scoped3A : memref<!tpu.dma_semaphore, #tpu.memory_space<semaphore_mem>>)
      %dma_wait3A = arith.constant 0 : i32
      %dma_wait3A_18 = tpu.memref_slice %arg3[%add3A, %dma_wait3A] : memref<32x10240xf32, #tpu.memory_space<hbm>> -> memref<1x10240xf32, #tpu.memory_space<hbm>>
      %dma_wait3A_19 = tpu.memref_squeeze %dma_wait3A_18 : memref<1x10240xf32, #tpu.memory_space<hbm>> -> memref<10240xf32, #tpu.memory_space<hbm>>
      %dma_wait3A_20 = arith.constant 0 : i32
      %dma_wait3A_21 = tpu.memref_slice %arg3[%add3A, %dma_wait3A_20] : memref<32x10240xf32, #tpu.memory_space<hbm>> -> memref<1x10240xf32, #tpu.memory_space<hbm>>
      %dma_wait3A_22 = tpu.memref_squeeze %dma_wait3A_21 : memref<1x10240xf32, #tpu.memory_space<hbm>> -> memref<10240xf32, #tpu.memory_space<hbm>>
      tpu.wait_dma2 semaphore(%run_scoped3A : memref<!tpu.dma_semaphore, #tpu.memory_space<semaphore_mem>>) src(%arg5 : memref<10240xf32, #tpu.memory_space<vmem>>) dst(%dma_wait3A_22 : memref<10240xf32, #tpu.memory_space<hbm>>)
      tpu.yield
    }) : () -> ()
    return
  }
}

#map = affine_map<(d0, d1) -> (0, 0)>
module attributes {stable_mosaic.version = 14 : i64} {
  func.func @prop_kernel(%arg0: i32, %arg1: i32, %arg2: memref<10240x128xf32, #tpu.memory_space<hbm>>, %arg3: memref<2560x128xi32, #tpu.memory_space<hbm>>, %arg4: memref<2560x128xi32, #tpu.memory_space<hbm>>, %arg5: memref<20480x128xf32, #tpu.memory_space<hbm>>, %arg6: memref<20480x128xf32, #tpu.memory_space<hbm>>, %arg7: memref<64x128xi32, #tpu.memory_space<vmem>>, %arg8: memref<64x128xi32, #tpu.memory_space<vmem>>, %arg9: memref<10240x128xf32, #tpu.memory_space<vmem_shared>>, %arg10: memref<128x128xf32, #tpu.memory_space<vmem>>, %arg11: memref<128x128xf32, #tpu.memory_space<vmem>>, %arg12: memref<!tpu.dma_semaphore, #tpu.memory_space<semaphore_mem>>, %arg13: memref<!tpu.dma_semaphore, #tpu.memory_space<semaphore_mem>>, %arg14: memref<!tpu.dma_semaphore, #tpu.memory_space<semaphore_mem>>, %arg15: memref<!tpu.dma_semaphore, #tpu.memory_space<semaphore_mem>>) attributes {dimension_semantics = [#tpu.dimension_semantics<core_parallel>, #tpu.dimension_semantics<subcore_parallel>], iteration_bounds = array<i64: 2, 16>, scalar_prefetch = 0 : i64, scratch_operands = 9 : i64, tpu.core_type = #tpu.core_type<sc_vector_subcore>, window_params = [{transform_indices = #map}, {transform_indices = #map}, {transform_indices = #map}, {transform_indices = #map}, {transform_indices = #map}]} {
    %mul3A = arith.constant 640 : i32
    %mul3A_0 = arith.muli %arg1, %mul3A : i32
    %mul3A_1 = arith.constant 10240 : i32
    %mul3A_2 = arith.muli %arg0, %mul3A_1 : i32
    %mul3A_3 = arith.constant 640 : i32
    %mul3A_4 = arith.muli %arg1, %mul3A_3 : i32
    %add3A = arith.addi %mul3A_2, %mul3A_4 : i32
    "tpu.region"() ({
      %run_scoped3A = tpu.sem_alloc : memref<!tpu.dma_semaphore, #tpu.memory_space<semaphore_mem>>
      %dma_start3A = arith.constant 0 : i32
      %dma_start3A_13 = tpu.memref_slice %arg9[%mul3A_0, %dma_start3A] : memref<10240x128xf32, #tpu.memory_space<vmem_shared>> -> memref<640x128xf32, #tpu.memory_space<vmem_shared>>
      %dma_start3A_14 = arith.constant 0 : i32
      %dma_start3A_15 = tpu.memref_slice %arg5[%add3A, %dma_start3A_14] : memref<20480x128xf32, #tpu.memory_space<hbm>> -> memref<640x128xf32, #tpu.memory_space<hbm>>
      tpu.enqueue_dma source(%dma_start3A_15 : memref<640x128xf32, #tpu.memory_space<hbm>>) target(%dma_start3A_13 : memref<640x128xf32, #tpu.memory_space<vmem_shared>>) target_semaphore(%run_scoped3A : memref<!tpu.dma_semaphore, #tpu.memory_space<semaphore_mem>>)
      %dma_wait3A = arith.constant 0 : i32
      %dma_wait3A_16 = tpu.memref_slice %arg9[%mul3A_0, %dma_wait3A] : memref<10240x128xf32, #tpu.memory_space<vmem_shared>> -> memref<640x128xf32, #tpu.memory_space<vmem_shared>>
      %dma_wait3A_17 = arith.constant 0 : i32
      %dma_wait3A_18 = tpu.memref_slice %arg5[%add3A, %dma_wait3A_17] : memref<20480x128xf32, #tpu.memory_space<hbm>> -> memref<640x128xf32, #tpu.memory_space<hbm>>
      tpu.wait_dma2 semaphore(%run_scoped3A : memref<!tpu.dma_semaphore, #tpu.memory_space<semaphore_mem>>) src(%dma_wait3A_18 : memref<640x128xf32, #tpu.memory_space<hbm>>) dst(%dma_wait3A_16 : memref<640x128xf32, #tpu.memory_space<vmem_shared>>)
      tpu.yield
    }) : () -> ()
    %barrier3A = arith.constant 0 : index
    tpu.barrier barrier_id(%barrier3A)
    %eq3A = arith.constant 0 : i32
    %eq3A_5 = arith.cmpi eq, %arg0, %eq3A : i32
    %convert_element_type3A = arith.extui %eq3A_5 : i1 to i32
    %cond3A = arith.constant 0 : i32
    %cond3A_6 = arith.cmpi ne, %convert_element_type3A, %cond3A : i32
    scf.if %cond3A_6 {
      %mul3A_13 = arith.constant 128 : i32
      %mul3A_14 = arith.muli %arg1, %mul3A_13 : i32
      %add3A_15 = arith.constant 0 : i32
      %add3A_16 = arith.addi %mul3A_14, %add3A_15 : i32
      "tpu.region"() ({
        %run_scoped3A = tpu.sem_alloc : memref<!tpu.dma_semaphore, #tpu.memory_space<semaphore_mem>>
        %dma_start3A_140 = arith.constant 0 : i32
        %dma_start3A_141 = arith.constant 0 : i32
        %dma_start3A_142 = tpu.memref_slice %arg7[%dma_start3A_140, %dma_start3A_141] : memref<64x128xi32, #tpu.memory_space<vmem>> -> memref<64x128xi32, #tpu.memory_space<vmem>>
        %dma_start3A_143 = arith.constant 0 : i32
        %dma_start3A_144 = tpu.memref_slice %arg3[%add3A_16, %dma_start3A_143] : memref<2560x128xi32, #tpu.memory_space<hbm>> -> memref<64x128xi32, #tpu.memory_space<hbm>>
        %dma_start3A_145 = arith.constant 0 : i32
        %dma_start3A_146 = arith.constant 0 : i32
        %dma_start3A_147 = tpu.memref_slice %arg7[%dma_start3A_145, %dma_start3A_146] : memref<64x128xi32, #tpu.memory_space<vmem>> -> memref<64x128xi32, #tpu.memory_space<vmem>>
        %dma_start3A_148 = arith.constant 0 : i32
        %dma_start3A_149 = tpu.memref_slice %arg3[%add3A_16, %dma_start3A_148] : memref<2560x128xi32, #tpu.memory_space<hbm>> -> memref<64x128xi32, #tpu.memory_space<hbm>>
        tpu.enqueue_dma source(%dma_start3A_149 : memref<64x128xi32, #tpu.memory_space<hbm>>) target(%dma_start3A_147 : memref<64x128xi32, #tpu.memory_space<vmem>>) target_semaphore(%run_scoped3A : memref<!tpu.dma_semaphore, #tpu.memory_space<semaphore_mem>>)
        %dma_wait3A_150 = arith.constant 0 : i32
        %dma_wait3A_151 = arith.constant 0 : i32
        %dma_wait3A_152 = tpu.memref_slice %arg7[%dma_wait3A_150, %dma_wait3A_151] : memref<64x128xi32, #tpu.memory_space<vmem>> -> memref<64x128xi32, #tpu.memory_space<vmem>>
        %dma_wait3A_153 = arith.constant 0 : i32
        %dma_wait3A_154 = tpu.memref_slice %arg3[%add3A_16, %dma_wait3A_153] : memref<2560x128xi32, #tpu.memory_space<hbm>> -> memref<64x128xi32, #tpu.memory_space<hbm>>
        %dma_wait3A_155 = arith.constant 0 : i32
        %dma_wait3A_156 = arith.constant 0 : i32
        %dma_wait3A_157 = tpu.memref_slice %arg7[%dma_wait3A_155, %dma_wait3A_156] : memref<64x128xi32, #tpu.memory_space<vmem>> -> memref<64x128xi32, #tpu.memory_space<vmem>>
        %dma_wait3A_158 = arith.constant 0 : i32
        %dma_wait3A_159 = tpu.memref_slice %arg3[%add3A_16, %dma_wait3A_158] : memref<2560x128xi32, #tpu.memory_space<hbm>> -> memref<64x128xi32, #tpu.memory_space<hbm>>
        tpu.wait_dma2 semaphore(%run_scoped3A : memref<!tpu.dma_semaphore, #tpu.memory_space<semaphore_mem>>) src(%dma_wait3A_159 : memref<64x128xi32, #tpu.memory_space<hbm>>) dst(%dma_wait3A_157 : memref<64x128xi32, #tpu.memory_space<vmem>>)
        tpu.yield
      }) : () -> ()
      "tpu.region"() ({
        %run_scoped3A = tpu.sem_alloc : memref<!tpu.dma_semaphore, #tpu.memory_space<semaphore_mem>>
        %dma_start3A_140 = arith.constant 0 : i32
        %dma_start3A_141 = arith.constant 0 : i32
        %dma_start3A_142 = tpu.memref_slice %arg8[%dma_start3A_140, %dma_start3A_141] : memref<64x128xi32, #tpu.memory_space<vmem>> -> memref<64x128xi32, #tpu.memory_space<vmem>>
        %dma_start3A_143 = arith.constant 0 : i32
        %dma_start3A_144 = tpu.memref_slice %arg4[%add3A_16, %dma_start3A_143] : memref<2560x128xi32, #tpu.memory_space<hbm>> -> memref<64x128xi32, #tpu.memory_space<hbm>>
        %dma_start3A_145 = arith.constant 0 : i32
        %dma_start3A_146 = arith.constant 0 : i32
        %dma_start3A_147 = tpu.memref_slice %arg8[%dma_start3A_145, %dma_start3A_146] : memref<64x128xi32, #tpu.memory_space<vmem>> -> memref<64x128xi32, #tpu.memory_space<vmem>>
        %dma_start3A_148 = arith.constant 0 : i32
        %dma_start3A_149 = tpu.memref_slice %arg4[%add3A_16, %dma_start3A_148] : memref<2560x128xi32, #tpu.memory_space<hbm>> -> memref<64x128xi32, #tpu.memory_space<hbm>>
        tpu.enqueue_dma source(%dma_start3A_149 : memref<64x128xi32, #tpu.memory_space<hbm>>) target(%dma_start3A_147 : memref<64x128xi32, #tpu.memory_space<vmem>>) target_semaphore(%run_scoped3A : memref<!tpu.dma_semaphore, #tpu.memory_space<semaphore_mem>>)
        %dma_wait3A_150 = arith.constant 0 : i32
        %dma_wait3A_151 = arith.constant 0 : i32
        %dma_wait3A_152 = tpu.memref_slice %arg8[%dma_wait3A_150, %dma_wait3A_151] : memref<64x128xi32, #tpu.memory_space<vmem>> -> memref<64x128xi32, #tpu.memory_space<vmem>>
        %dma_wait3A_153 = arith.constant 0 : i32
        %dma_wait3A_154 = tpu.memref_slice %arg4[%add3A_16, %dma_wait3A_153] : memref<2560x128xi32, #tpu.memory_space<hbm>> -> memref<64x128xi32, #tpu.memory_space<hbm>>
        %dma_wait3A_155 = arith.constant 0 : i32
        %dma_wait3A_156 = arith.constant 0 : i32
        %dma_wait3A_157 = tpu.memref_slice %arg8[%dma_wait3A_155, %dma_wait3A_156] : memref<64x128xi32, #tpu.memory_space<vmem>> -> memref<64x128xi32, #tpu.memory_space<vmem>>
        %dma_wait3A_158 = arith.constant 0 : i32
        %dma_wait3A_159 = tpu.memref_slice %arg4[%add3A_16, %dma_wait3A_158] : memref<2560x128xi32, #tpu.memory_space<hbm>> -> memref<64x128xi32, #tpu.memory_space<hbm>>
        tpu.wait_dma2 semaphore(%run_scoped3A : memref<!tpu.dma_semaphore, #tpu.memory_space<semaphore_mem>>) src(%dma_wait3A_159 : memref<64x128xi32, #tpu.memory_space<hbm>>) dst(%dma_wait3A_157 : memref<64x128xi32, #tpu.memory_space<vmem>>)
        tpu.yield
      }) : () -> ()
      %dma_start3A = arith.constant 0 : i32
      %dma_start3A_17 = arith.constant 0 : i32
      %dma_start3A_18 = tpu.memref_slice %arg7[%dma_start3A, %dma_start3A_17] : memref<64x128xi32, #tpu.memory_space<vmem>> -> memref<1x128xi32, #tpu.memory_space<vmem>>
      %dma_start3A_19 = tpu.memref_squeeze %dma_start3A_18 : memref<1x128xi32, #tpu.memory_space<vmem>> -> memref<128xi32, #tpu.memory_space<vmem>>
      %dma_start3A_20 = arith.constant 0 : i32
      %dma_start3A_21 = arith.constant 0 : i32
      %dma_start3A_22 = tpu.memref_slice %arg2[%dma_start3A_20, %dma_start3A_21] : memref<10240x128xf32, #tpu.memory_space<hbm>> -> memref<10240x128xf32, #tpu.memory_space<hbm>>
      tpu.enqueue_indirect_dma source(%dma_start3A_22 : memref<10240x128xf32, #tpu.memory_space<hbm>>) target(%arg10 : memref<128x128xf32, #tpu.memory_space<vmem>>) offsets(%dma_start3A_19 : memref<128xi32, #tpu.memory_space<vmem>>) semaphore(%arg12 : memref<!tpu.dma_semaphore, #tpu.memory_space<semaphore_mem>>)
      %dma_start3A_23 = arith.constant 1 : i32
      %dma_start3A_24 = arith.constant 0 : i32
      %dma_start3A_25 = tpu.memref_slice %arg7[%dma_start3A_23, %dma_start3A_24] : memref<64x128xi32, #tpu.memory_space<vmem>> -> memref<1x128xi32, #tpu.memory_space<vmem>>
      %dma_start3A_26 = tpu.memref_squeeze %dma_start3A_25 : memref<1x128xi32, #tpu.memory_space<vmem>> -> memref<128xi32, #tpu.memory_space<vmem>>
      %dma_start3A_27 = arith.constant 0 : i32
      %dma_start3A_28 = arith.constant 0 : i32
      %dma_start3A_29 = tpu.memref_slice %arg2[%dma_start3A_27, %dma_start3A_28] : memref<10240x128xf32, #tpu.memory_space<hbm>> -> memref<10240x128xf32, #tpu.memory_space<hbm>>
      tpu.enqueue_indirect_dma source(%dma_start3A_29 : memref<10240x128xf32, #tpu.memory_space<hbm>>) target(%arg11 : memref<128x128xf32, #tpu.memory_space<vmem>>) offsets(%dma_start3A_26 : memref<128xi32, #tpu.memory_space<vmem>>) semaphore(%arg13 : memref<!tpu.dma_semaphore, #tpu.memory_space<semaphore_mem>>)
      %scan3A = arith.constant 0 : i32
      %scan3A_30 = arith.constant 31 : i32
      %scan3A_31 = arith.addi %scan3A, %scan3A_30 : i32
      %scan3A_32 = arith.constant 1 : i32
      scf.for %scan3A_140 = %scan3A to %scan3A_31 step %scan3A_32  : i32 {
        %mul3A_141 = arith.constant 2 : i32
        %mul3A_142 = arith.muli %scan3A_140, %mul3A_141 : i32
        %add3A_143 = arith.constant 0 : i32
        %add3A_144 = arith.addi %add3A_143, %mul3A_142 : i32
        %add3A_145 = arith.constant 0 : i32
        %add3A_146 = arith.addi %add3A_144, %add3A_145 : i32
        %dma_wait3A_147 = arith.constant 0 : i32
        %dma_wait3A_148 = tpu.memref_slice %arg7[%add3A_146, %dma_wait3A_147] : memref<64x128xi32, #tpu.memory_space<vmem>> -> memref<1x128xi32, #tpu.memory_space<vmem>>
        %dma_wait3A_149 = tpu.memref_squeeze %dma_wait3A_148 : memref<1x128xi32, #tpu.memory_space<vmem>> -> memref<128xi32, #tpu.memory_space<vmem>>
        %dma_wait3A_150 = arith.constant 0 : i32
        %dma_wait3A_151 = arith.constant 0 : i32
        %dma_wait3A_152 = tpu.memref_slice %arg2[%dma_wait3A_150, %dma_wait3A_151] : memref<10240x128xf32, #tpu.memory_space<hbm>> -> memref<10240x128xf32, #tpu.memory_space<hbm>>
        tpu.wait_indirect_dma semaphore(%arg12 : memref<!tpu.dma_semaphore, #tpu.memory_space<semaphore_mem>>) src(%dma_wait3A_152 : memref<10240x128xf32, #tpu.memory_space<hbm>>) dst(%arg10 : memref<128x128xf32, #tpu.memory_space<vmem>>)
        %add3A_153 = arith.constant 0 : i32
        %add3A_154 = arith.addi %add3A_144, %add3A_153 : i32
        %dma_start3A_155 = arith.constant 0 : i32
        %dma_start3A_156 = tpu.memref_slice %arg8[%add3A_154, %dma_start3A_155] : memref<64x128xi32, #tpu.memory_space<vmem>> -> memref<1x128xi32, #tpu.memory_space<vmem>>
        %dma_start3A_157 = tpu.memref_squeeze %dma_start3A_156 : memref<1x128xi32, #tpu.memory_space<vmem>> -> memref<128xi32, #tpu.memory_space<vmem>>
        %dma_start3A_158 = arith.constant 0 : i32
        %dma_start3A_159 = arith.constant 0 : i32
        %dma_start3A_160 = tpu.memref_slice %arg9[%dma_start3A_158, %dma_start3A_159] : memref<10240x128xf32, #tpu.memory_space<vmem_shared>> -> memref<10240x128xf32, #tpu.memory_space<vmem_shared>>
        tpu.enqueue_indirect_dma source(%arg10 : memref<128x128xf32, #tpu.memory_space<vmem>>) target(%dma_start3A_160 : memref<10240x128xf32, #tpu.memory_space<vmem_shared>>) offsets(%dma_start3A_157 : memref<128xi32, #tpu.memory_space<vmem>>) semaphore(%arg14 : memref<!tpu.dma_semaphore, #tpu.memory_space<semaphore_mem>>) {add = true}
        %add3A_161 = arith.constant 1 : i32
        %add3A_162 = arith.addi %add3A_144, %add3A_161 : i32
        %dma_wait3A_163 = arith.constant 0 : i32
        %dma_wait3A_164 = tpu.memref_slice %arg7[%add3A_162, %dma_wait3A_163] : memref<64x128xi32, #tpu.memory_space<vmem>> -> memref<1x128xi32, #tpu.memory_space<vmem>>
        %dma_wait3A_165 = tpu.memref_squeeze %dma_wait3A_164 : memref<1x128xi32, #tpu.memory_space<vmem>> -> memref<128xi32, #tpu.memory_space<vmem>>
        %dma_wait3A_166 = arith.constant 0 : i32
        %dma_wait3A_167 = arith.constant 0 : i32
        %dma_wait3A_168 = tpu.memref_slice %arg2[%dma_wait3A_166, %dma_wait3A_167] : memref<10240x128xf32, #tpu.memory_space<hbm>> -> memref<10240x128xf32, #tpu.memory_space<hbm>>
        tpu.wait_indirect_dma semaphore(%arg13 : memref<!tpu.dma_semaphore, #tpu.memory_space<semaphore_mem>>) src(%dma_wait3A_168 : memref<10240x128xf32, #tpu.memory_space<hbm>>) dst(%arg11 : memref<128x128xf32, #tpu.memory_space<vmem>>)
        %add3A_169 = arith.constant 1 : i32
        %add3A_170 = arith.addi %add3A_144, %add3A_169 : i32
        %dma_start3A_171 = arith.constant 0 : i32
        %dma_start3A_172 = tpu.memref_slice %arg8[%add3A_170, %dma_start3A_171] : memref<64x128xi32, #tpu.memory_space<vmem>> -> memref<1x128xi32, #tpu.memory_space<vmem>>
        %dma_start3A_173 = tpu.memref_squeeze %dma_start3A_172 : memref<1x128xi32, #tpu.memory_space<vmem>> -> memref<128xi32, #tpu.memory_space<vmem>>
        %dma_start3A_174 = arith.constant 0 : i32
        %dma_start3A_175 = arith.constant 0 : i32
        %dma_start3A_176 = tpu.memref_slice %arg9[%dma_start3A_174, %dma_start3A_175] : memref<10240x128xf32, #tpu.memory_space<vmem_shared>> -> memref<10240x128xf32, #tpu.memory_space<vmem_shared>>
        tpu.enqueue_indirect_dma source(%arg11 : memref<128x128xf32, #tpu.memory_space<vmem>>) target(%dma_start3A_176 : memref<10240x128xf32, #tpu.memory_space<vmem_shared>>) offsets(%dma_start3A_173 : memref<128xi32, #tpu.memory_space<vmem>>) semaphore(%arg15 : memref<!tpu.dma_semaphore, #tpu.memory_space<semaphore_mem>>) {add = true}
        %add3A_177 = arith.constant 0 : i32
        %add3A_178 = arith.addi %add3A_144, %add3A_177 : i32
        %dma_wait3A_179 = arith.constant 0 : i32
        %dma_wait3A_180 = tpu.memref_slice %arg8[%add3A_178, %dma_wait3A_179] : memref<64x128xi32, #tpu.memory_space<vmem>> -> memref<1x128xi32, #tpu.memory_space<vmem>>
        %dma_wait3A_181 = tpu.memref_squeeze %dma_wait3A_180 : memref<1x128xi32, #tpu.memory_space<vmem>> -> memref<128xi32, #tpu.memory_space<vmem>>
        %dma_wait3A_182 = arith.constant 0 : i32
        %dma_wait3A_183 = arith.constant 0 : i32
        %dma_wait3A_184 = tpu.memref_slice %arg9[%dma_wait3A_182, %dma_wait3A_183] : memref<10240x128xf32, #tpu.memory_space<vmem_shared>> -> memref<10240x128xf32, #tpu.memory_space<vmem_shared>>
        tpu.wait_indirect_dma semaphore(%arg14 : memref<!tpu.dma_semaphore, #tpu.memory_space<semaphore_mem>>) src(%arg10 : memref<128x128xf32, #tpu.memory_space<vmem>>) dst(%dma_wait3A_184 : memref<10240x128xf32, #tpu.memory_space<vmem_shared>>)
        %add3A_185 = arith.constant 2 : i32
        %add3A_186 = arith.addi %add3A_144, %add3A_185 : i32
        %add3A_187 = arith.constant 0 : i32
        %add3A_188 = arith.addi %add3A_186, %add3A_187 : i32
        %dma_start3A_189 = arith.constant 0 : i32
        %dma_start3A_190 = tpu.memref_slice %arg7[%add3A_188, %dma_start3A_189] : memref<64x128xi32, #tpu.memory_space<vmem>> -> memref<1x128xi32, #tpu.memory_space<vmem>>
        %dma_start3A_191 = tpu.memref_squeeze %dma_start3A_190 : memref<1x128xi32, #tpu.memory_space<vmem>> -> memref<128xi32, #tpu.memory_space<vmem>>
        %dma_start3A_192 = arith.constant 0 : i32
        %dma_start3A_193 = arith.constant 0 : i32
        %dma_start3A_194 = tpu.memref_slice %arg2[%dma_start3A_192, %dma_start3A_193] : memref<10240x128xf32, #tpu.memory_space<hbm>> -> memref<10240x128xf32, #tpu.memory_space<hbm>>
        tpu.enqueue_indirect_dma source(%dma_start3A_194 : memref<10240x128xf32, #tpu.memory_space<hbm>>) target(%arg10 : memref<128x128xf32, #tpu.memory_space<vmem>>) offsets(%dma_start3A_191 : memref<128xi32, #tpu.memory_space<vmem>>) semaphore(%arg12 : memref<!tpu.dma_semaphore, #tpu.memory_space<semaphore_mem>>)
        %add3A_195 = arith.constant 1 : i32
        %add3A_196 = arith.addi %add3A_144, %add3A_195 : i32
        %dma_wait3A_197 = arith.constant 0 : i32
        %dma_wait3A_198 = tpu.memref_slice %arg8[%add3A_196, %dma_wait3A_197] : memref<64x128xi32, #tpu.memory_space<vmem>> -> memref<1x128xi32, #tpu.memory_space<vmem>>
        %dma_wait3A_199 = tpu.memref_squeeze %dma_wait3A_198 : memref<1x128xi32, #tpu.memory_space<vmem>> -> memref<128xi32, #tpu.memory_space<vmem>>
        %dma_wait3A_200 = arith.constant 0 : i32
        %dma_wait3A_201 = arith.constant 0 : i32
        %dma_wait3A_202 = tpu.memref_slice %arg9[%dma_wait3A_200, %dma_wait3A_201] : memref<10240x128xf32, #tpu.memory_space<vmem_shared>> -> memref<10240x128xf32, #tpu.memory_space<vmem_shared>>
        tpu.wait_indirect_dma semaphore(%arg15 : memref<!tpu.dma_semaphore, #tpu.memory_space<semaphore_mem>>) src(%arg11 : memref<128x128xf32, #tpu.memory_space<vmem>>) dst(%dma_wait3A_202 : memref<10240x128xf32, #tpu.memory_space<vmem_shared>>)
        %add3A_203 = arith.constant 2 : i32
        %add3A_204 = arith.addi %add3A_144, %add3A_203 : i32
        %add3A_205 = arith.constant 1 : i32
        %add3A_206 = arith.addi %add3A_204, %add3A_205 : i32
        %dma_start3A_207 = arith.constant 0 : i32
        %dma_start3A_208 = tpu.memref_slice %arg7[%add3A_206, %dma_start3A_207] : memref<64x128xi32, #tpu.memory_space<vmem>> -> memref<1x128xi32, #tpu.memory_space<vmem>>
        %dma_start3A_209 = tpu.memref_squeeze %dma_start3A_208 : memref<1x128xi32, #tpu.memory_space<vmem>> -> memref<128xi32, #tpu.memory_space<vmem>>
        %dma_start3A_210 = arith.constant 0 : i32
        %dma_start3A_211 = arith.constant 0 : i32
        %dma_start3A_212 = tpu.memref_slice %arg2[%dma_start3A_210, %dma_start3A_211] : memref<10240x128xf32, #tpu.memory_space<hbm>> -> memref<10240x128xf32, #tpu.memory_space<hbm>>
        tpu.enqueue_indirect_dma source(%dma_start3A_212 : memref<10240x128xf32, #tpu.memory_space<hbm>>) target(%arg11 : memref<128x128xf32, #tpu.memory_space<vmem>>) offsets(%dma_start3A_209 : memref<128xi32, #tpu.memory_space<vmem>>) semaphore(%arg13 : memref<!tpu.dma_semaphore, #tpu.memory_space<semaphore_mem>>)
      }
      %scan3A_33 = arith.constant 31 : i32
      %dma_wait3A = arith.constant 62 : i32
      %dma_wait3A_34 = arith.constant 0 : i32
      %dma_wait3A_35 = tpu.memref_slice %arg7[%dma_wait3A, %dma_wait3A_34] : memref<64x128xi32, #tpu.memory_space<vmem>> -> memref<1x128xi32, #tpu.memory_space<vmem>>
      %dma_wait3A_36 = tpu.memref_squeeze %dma_wait3A_35 : memref<1x128xi32, #tpu.memory_space<vmem>> -> memref<128xi32, #tpu.memory_space<vmem>>
      %dma_wait3A_37 = arith.constant 0 : i32
      %dma_wait3A_38 = arith.constant 0 : i32
      %dma_wait3A_39 = tpu.memref_slice %arg2[%dma_wait3A_37, %dma_wait3A_38] : memref<10240x128xf32, #tpu.memory_space<hbm>> -> memref<10240x128xf32, #tpu.memory_space<hbm>>
      tpu.wait_indirect_dma semaphore(%arg12 : memref<!tpu.dma_semaphore, #tpu.memory_space<semaphore_mem>>) src(%dma_wait3A_39 : memref<10240x128xf32, #tpu.memory_space<hbm>>) dst(%arg10 : memref<128x128xf32, #tpu.memory_space<vmem>>)
      %dma_start3A_40 = arith.constant 62 : i32
      %dma_start3A_41 = arith.constant 0 : i32
      %dma_start3A_42 = tpu.memref_slice %arg8[%dma_start3A_40, %dma_start3A_41] : memref<64x128xi32, #tpu.memory_space<vmem>> -> memref<1x128xi32, #tpu.memory_space<vmem>>
      %dma_start3A_43 = tpu.memref_squeeze %dma_start3A_42 : memref<1x128xi32, #tpu.memory_space<vmem>> -> memref<128xi32, #tpu.memory_space<vmem>>
      %dma_start3A_44 = arith.constant 0 : i32
      %dma_start3A_45 = arith.constant 0 : i32
      %dma_start3A_46 = tpu.memref_slice %arg9[%dma_start3A_44, %dma_start3A_45] : memref<10240x128xf32, #tpu.memory_space<vmem_shared>> -> memref<10240x128xf32, #tpu.memory_space<vmem_shared>>
      tpu.enqueue_indirect_dma source(%arg10 : memref<128x128xf32, #tpu.memory_space<vmem>>) target(%dma_start3A_46 : memref<10240x128xf32, #tpu.memory_space<vmem_shared>>) offsets(%dma_start3A_43 : memref<128xi32, #tpu.memory_space<vmem>>) semaphore(%arg14 : memref<!tpu.dma_semaphore, #tpu.memory_space<semaphore_mem>>) {add = true}
      %dma_wait3A_47 = arith.constant 63 : i32
      %dma_wait3A_48 = arith.constant 0 : i32
      %dma_wait3A_49 = tpu.memref_slice %arg7[%dma_wait3A_47, %dma_wait3A_48] : memref<64x128xi32, #tpu.memory_space<vmem>> -> memref<1x128xi32, #tpu.memory_space<vmem>>
      %dma_wait3A_50 = tpu.memref_squeeze %dma_wait3A_49 : memref<1x128xi32, #tpu.memory_space<vmem>> -> memref<128xi32, #tpu.memory_space<vmem>>
      %dma_wait3A_51 = arith.constant 0 : i32
      %dma_wait3A_52 = arith.constant 0 : i32
      %dma_wait3A_53 = tpu.memref_slice %arg2[%dma_wait3A_51, %dma_wait3A_52] : memref<10240x128xf32, #tpu.memory_space<hbm>> -> memref<10240x128xf32, #tpu.memory_space<hbm>>
      tpu.wait_indirect_dma semaphore(%arg13 : memref<!tpu.dma_semaphore, #tpu.memory_space<semaphore_mem>>) src(%dma_wait3A_53 : memref<10240x128xf32, #tpu.memory_space<hbm>>) dst(%arg11 : memref<128x128xf32, #tpu.memory_space<vmem>>)
      %dma_start3A_54 = arith.constant 63 : i32
      %dma_start3A_55 = arith.constant 0 : i32
      %dma_start3A_56 = tpu.memref_slice %arg8[%dma_start3A_54, %dma_start3A_55] : memref<64x128xi32, #tpu.memory_space<vmem>> -> memref<1x128xi32, #tpu.memory_space<vmem>>
      %dma_start3A_57 = tpu.memref_squeeze %dma_start3A_56 : memref<1x128xi32, #tpu.memory_space<vmem>> -> memref<128xi32, #tpu.memory_space<vmem>>
      %dma_start3A_58 = arith.constant 0 : i32
      %dma_start3A_59 = arith.constant 0 : i32
      %dma_start3A_60 = tpu.memref_slice %arg9[%dma_start3A_58, %dma_start3A_59] : memref<10240x128xf32, #tpu.memory_space<vmem_shared>> -> memref<10240x128xf32, #tpu.memory_space<vmem_shared>>
      tpu.enqueue_indirect_dma source(%arg11 : memref<128x128xf32, #tpu.memory_space<vmem>>) target(%dma_start3A_60 : memref<10240x128xf32, #tpu.memory_space<vmem_shared>>) offsets(%dma_start3A_57 : memref<128xi32, #tpu.memory_space<vmem>>) semaphore(%arg15 : memref<!tpu.dma_semaphore, #tpu.memory_space<semaphore_mem>>) {add = true}
      %dma_wait3A_61 = arith.constant 62 : i32
      %dma_wait3A_62 = arith.constant 0 : i32
      %dma_wait3A_63 = tpu.memref_slice %arg8[%dma_wait3A_61, %dma_wait3A_62] : memref<64x128xi32, #tpu.memory_space<vmem>> -> memref<1x128xi32, #tpu.memory_space<vmem>>
      %dma_wait3A_64 = tpu.memref_squeeze %dma_wait3A_63 : memref<1x128xi32, #tpu.memory_space<vmem>> -> memref<128xi32, #tpu.memory_space<vmem>>
      %dma_wait3A_65 = arith.constant 0 : i32
      %dma_wait3A_66 = arith.constant 0 : i32
      %dma_wait3A_67 = tpu.memref_slice %arg9[%dma_wait3A_65, %dma_wait3A_66] : memref<10240x128xf32, #tpu.memory_space<vmem_shared>> -> memref<10240x128xf32, #tpu.memory_space<vmem_shared>>
      tpu.wait_indirect_dma semaphore(%arg14 : memref<!tpu.dma_semaphore, #tpu.memory_space<semaphore_mem>>) src(%arg10 : memref<128x128xf32, #tpu.memory_space<vmem>>) dst(%dma_wait3A_67 : memref<10240x128xf32, #tpu.memory_space<vmem_shared>>)
      %dma_wait3A_68 = arith.constant 63 : i32
      %dma_wait3A_69 = arith.constant 0 : i32
      %dma_wait3A_70 = tpu.memref_slice %arg8[%dma_wait3A_68, %dma_wait3A_69] : memref<64x128xi32, #tpu.memory_space<vmem>> -> memref<1x128xi32, #tpu.memory_space<vmem>>
      %dma_wait3A_71 = tpu.memref_squeeze %dma_wait3A_70 : memref<1x128xi32, #tpu.memory_space<vmem>> -> memref<128xi32, #tpu.memory_space<vmem>>
      %dma_wait3A_72 = arith.constant 0 : i32
      %dma_wait3A_73 = arith.constant 0 : i32
      %dma_wait3A_74 = tpu.memref_slice %arg9[%dma_wait3A_72, %dma_wait3A_73] : memref<10240x128xf32, #tpu.memory_space<vmem_shared>> -> memref<10240x128xf32, #tpu.memory_space<vmem_shared>>
      tpu.wait_indirect_dma semaphore(%arg15 : memref<!tpu.dma_semaphore, #tpu.memory_space<semaphore_mem>>) src(%arg11 : memref<128x128xf32, #tpu.memory_space<vmem>>) dst(%dma_wait3A_74 : memref<10240x128xf32, #tpu.memory_space<vmem_shared>>)
      %mul3A_75 = arith.constant 128 : i32
      %mul3A_76 = arith.muli %arg1, %mul3A_75 : i32
      %add3A_77 = arith.constant 64 : i32
      %add3A_78 = arith.addi %mul3A_76, %add3A_77 : i32
      "tpu.region"() ({
        %run_scoped3A = tpu.sem_alloc : memref<!tpu.dma_semaphore, #tpu.memory_space<semaphore_mem>>
        %dma_start3A_140 = arith.constant 0 : i32
        %dma_start3A_141 = arith.constant 0 : i32
        %dma_start3A_142 = tpu.memref_slice %arg7[%dma_start3A_140, %dma_start3A_141] : memref<64x128xi32, #tpu.memory_space<vmem>> -> memref<64x128xi32, #tpu.memory_space<vmem>>
        %dma_start3A_143 = arith.constant 0 : i32
        %dma_start3A_144 = tpu.memref_slice %arg3[%add3A_78, %dma_start3A_143] : memref<2560x128xi32, #tpu.memory_space<hbm>> -> memref<64x128xi32, #tpu.memory_space<hbm>>
        %dma_start3A_145 = arith.constant 0 : i32
        %dma_start3A_146 = arith.constant 0 : i32
        %dma_start3A_147 = tpu.memref_slice %arg7[%dma_start3A_145, %dma_start3A_146] : memref<64x128xi32, #tpu.memory_space<vmem>> -> memref<64x128xi32, #tpu.memory_space<vmem>>
        %dma_start3A_148 = arith.constant 0 : i32
        %dma_start3A_149 = tpu.memref_slice %arg3[%add3A_78, %dma_start3A_148] : memref<2560x128xi32, #tpu.memory_space<hbm>> -> memref<64x128xi32, #tpu.memory_space<hbm>>
        tpu.enqueue_dma source(%dma_start3A_149 : memref<64x128xi32, #tpu.memory_space<hbm>>) target(%dma_start3A_147 : memref<64x128xi32, #tpu.memory_space<vmem>>) target_semaphore(%run_scoped3A : memref<!tpu.dma_semaphore, #tpu.memory_space<semaphore_mem>>)
        %dma_wait3A_150 = arith.constant 0 : i32
        %dma_wait3A_151 = arith.constant 0 : i32
        %dma_wait3A_152 = tpu.memref_slice %arg7[%dma_wait3A_150, %dma_wait3A_151] : memref<64x128xi32, #tpu.memory_space<vmem>> -> memref<64x128xi32, #tpu.memory_space<vmem>>
        %dma_wait3A_153 = arith.constant 0 : i32
        %dma_wait3A_154 = tpu.memref_slice %arg3[%add3A_78, %dma_wait3A_153] : memref<2560x128xi32, #tpu.memory_space<hbm>> -> memref<64x128xi32, #tpu.memory_space<hbm>>
        %dma_wait3A_155 = arith.constant 0 : i32
        %dma_wait3A_156 = arith.constant 0 : i32
        %dma_wait3A_157 = tpu.memref_slice %arg7[%dma_wait3A_155, %dma_wait3A_156] : memref<64x128xi32, #tpu.memory_space<vmem>> -> memref<64x128xi32, #tpu.memory_space<vmem>>
        %dma_wait3A_158 = arith.constant 0 : i32
        %dma_wait3A_159 = tpu.memref_slice %arg3[%add3A_78, %dma_wait3A_158] : memref<2560x128xi32, #tpu.memory_space<hbm>> -> memref<64x128xi32, #tpu.memory_space<hbm>>
        tpu.wait_dma2 semaphore(%run_scoped3A : memref<!tpu.dma_semaphore, #tpu.memory_space<semaphore_mem>>) src(%dma_wait3A_159 : memref<64x128xi32, #tpu.memory_space<hbm>>) dst(%dma_wait3A_157 : memref<64x128xi32, #tpu.memory_space<vmem>>)
        tpu.yield
      }) : () -> ()
      "tpu.region"() ({
        %run_scoped3A = tpu.sem_alloc : memref<!tpu.dma_semaphore, #tpu.memory_space<semaphore_mem>>
        %dma_start3A_140 = arith.constant 0 : i32
        %dma_start3A_141 = arith.constant 0 : i32
        %dma_start3A_142 = tpu.memref_slice %arg8[%dma_start3A_140, %dma_start3A_141] : memref<64x128xi32, #tpu.memory_space<vmem>> -> memref<64x128xi32, #tpu.memory_space<vmem>>
        %dma_start3A_143 = arith.constant 0 : i32
        %dma_start3A_144 = tpu.memref_slice %arg4[%add3A_78, %dma_start3A_143] : memref<2560x128xi32, #tpu.memory_space<hbm>> -> memref<64x128xi32, #tpu.memory_space<hbm>>
        %dma_start3A_145 = arith.constant 0 : i32
        %dma_start3A_146 = arith.constant 0 : i32
        %dma_start3A_147 = tpu.memref_slice %arg8[%dma_start3A_145, %dma_start3A_146] : memref<64x128xi32, #tpu.memory_space<vmem>> -> memref<64x128xi32, #tpu.memory_space<vmem>>
        %dma_start3A_148 = arith.constant 0 : i32
        %dma_start3A_149 = tpu.memref_slice %arg4[%add3A_78, %dma_start3A_148] : memref<2560x128xi32, #tpu.memory_space<hbm>> -> memref<64x128xi32, #tpu.memory_space<hbm>>
        tpu.enqueue_dma source(%dma_start3A_149 : memref<64x128xi32, #tpu.memory_space<hbm>>) target(%dma_start3A_147 : memref<64x128xi32, #tpu.memory_space<vmem>>) target_semaphore(%run_scoped3A : memref<!tpu.dma_semaphore, #tpu.memory_space<semaphore_mem>>)
        %dma_wait3A_150 = arith.constant 0 : i32
        %dma_wait3A_151 = arith.constant 0 : i32
        %dma_wait3A_152 = tpu.memref_slice %arg8[%dma_wait3A_150, %dma_wait3A_151] : memref<64x128xi32, #tpu.memory_space<vmem>> -> memref<64x128xi32, #tpu.memory_space<vmem>>
        %dma_wait3A_153 = arith.constant 0 : i32
        %dma_wait3A_154 = tpu.memref_slice %arg4[%add3A_78, %dma_wait3A_153] : memref<2560x128xi32, #tpu.memory_space<hbm>> -> memref<64x128xi32, #tpu.memory_space<hbm>>
        %dma_wait3A_155 = arith.constant 0 : i32
        %dma_wait3A_156 = arith.constant 0 : i32
        %dma_wait3A_157 = tpu.memref_slice %arg8[%dma_wait3A_155, %dma_wait3A_156] : memref<64x128xi32, #tpu.memory_space<vmem>> -> memref<64x128xi32, #tpu.memory_space<vmem>>
        %dma_wait3A_158 = arith.constant 0 : i32
        %dma_wait3A_159 = tpu.memref_slice %arg4[%add3A_78, %dma_wait3A_158] : memref<2560x128xi32, #tpu.memory_space<hbm>> -> memref<64x128xi32, #tpu.memory_space<hbm>>
        tpu.wait_dma2 semaphore(%run_scoped3A : memref<!tpu.dma_semaphore, #tpu.memory_space<semaphore_mem>>) src(%dma_wait3A_159 : memref<64x128xi32, #tpu.memory_space<hbm>>) dst(%dma_wait3A_157 : memref<64x128xi32, #tpu.memory_space<vmem>>)
        tpu.yield
      }) : () -> ()
      %dma_start3A_79 = arith.constant 0 : i32
      %dma_start3A_80 = arith.constant 0 : i32
      %dma_start3A_81 = tpu.memref_slice %arg7[%dma_start3A_79, %dma_start3A_80] : memref<64x128xi32, #tpu.memory_space<vmem>> -> memref<1x128xi32, #tpu.memory_space<vmem>>
      %dma_start3A_82 = tpu.memref_squeeze %dma_start3A_81 : memref<1x128xi32, #tpu.memory_space<vmem>> -> memref<128xi32, #tpu.memory_space<vmem>>
      %dma_start3A_83 = arith.constant 0 : i32
      %dma_start3A_84 = arith.constant 0 : i32
      %dma_start3A_85 = tpu.memref_slice %arg2[%dma_start3A_83, %dma_start3A_84] : memref<10240x128xf32, #tpu.memory_space<hbm>> -> memref<10240x128xf32, #tpu.memory_space<hbm>>
      tpu.enqueue_indirect_dma source(%dma_start3A_85 : memref<10240x128xf32, #tpu.memory_space<hbm>>) target(%arg10 : memref<128x128xf32, #tpu.memory_space<vmem>>) offsets(%dma_start3A_82 : memref<128xi32, #tpu.memory_space<vmem>>) semaphore(%arg12 : memref<!tpu.dma_semaphore, #tpu.memory_space<semaphore_mem>>)
      %dma_start3A_86 = arith.constant 1 : i32
      %dma_start3A_87 = arith.constant 0 : i32
      %dma_start3A_88 = tpu.memref_slice %arg7[%dma_start3A_86, %dma_start3A_87] : memref<64x128xi32, #tpu.memory_space<vmem>> -> memref<1x128xi32, #tpu.memory_space<vmem>>
      %dma_start3A_89 = tpu.memref_squeeze %dma_start3A_88 : memref<1x128xi32, #tpu.memory_space<vmem>> -> memref<128xi32, #tpu.memory_space<vmem>>
      %dma_start3A_90 = arith.constant 0 : i32
      %dma_start3A_91 = arith.constant 0 : i32
      %dma_start3A_92 = tpu.memref_slice %arg2[%dma_start3A_90, %dma_start3A_91] : memref<10240x128xf32, #tpu.memory_space<hbm>> -> memref<10240x128xf32, #tpu.memory_space<hbm>>
      tpu.enqueue_indirect_dma source(%dma_start3A_92 : memref<10240x128xf32, #tpu.memory_space<hbm>>) target(%arg11 : memref<128x128xf32, #tpu.memory_space<vmem>>) offsets(%dma_start3A_89 : memref<128xi32, #tpu.memory_space<vmem>>) semaphore(%arg13 : memref<!tpu.dma_semaphore, #tpu.memory_space<semaphore_mem>>)
      %scan3A_93 = arith.constant 0 : i32
      %scan3A_94 = arith.constant 31 : i32
      %scan3A_95 = arith.addi %scan3A_93, %scan3A_94 : i32
      %scan3A_96 = arith.constant 1 : i32
      scf.for %scan3A_140 = %scan3A_93 to %scan3A_95 step %scan3A_96  : i32 {
        %mul3A_141 = arith.constant 2 : i32
        %mul3A_142 = arith.muli %scan3A_140, %mul3A_141 : i32
        %add3A_143 = arith.constant 0 : i32
        %add3A_144 = arith.addi %add3A_143, %mul3A_142 : i32
        %add3A_145 = arith.constant 0 : i32
        %add3A_146 = arith.addi %add3A_144, %add3A_145 : i32
        %dma_wait3A_147 = arith.constant 0 : i32
        %dma_wait3A_148 = tpu.memref_slice %arg7[%add3A_146, %dma_wait3A_147] : memref<64x128xi32, #tpu.memory_space<vmem>> -> memref<1x128xi32, #tpu.memory_space<vmem>>
        %dma_wait3A_149 = tpu.memref_squeeze %dma_wait3A_148 : memref<1x128xi32, #tpu.memory_space<vmem>> -> memref<128xi32, #tpu.memory_space<vmem>>
        %dma_wait3A_150 = arith.constant 0 : i32
        %dma_wait3A_151 = arith.constant 0 : i32
        %dma_wait3A_152 = tpu.memref_slice %arg2[%dma_wait3A_150, %dma_wait3A_151] : memref<10240x128xf32, #tpu.memory_space<hbm>> -> memref<10240x128xf32, #tpu.memory_space<hbm>>
        tpu.wait_indirect_dma semaphore(%arg12 : memref<!tpu.dma_semaphore, #tpu.memory_space<semaphore_mem>>) src(%dma_wait3A_152 : memref<10240x128xf32, #tpu.memory_space<hbm>>) dst(%arg10 : memref<128x128xf32, #tpu.memory_space<vmem>>)
        %add3A_153 = arith.constant 0 : i32
        %add3A_154 = arith.addi %add3A_144, %add3A_153 : i32
        %dma_start3A_155 = arith.constant 0 : i32
        %dma_start3A_156 = tpu.memref_slice %arg8[%add3A_154, %dma_start3A_155] : memref<64x128xi32, #tpu.memory_space<vmem>> -> memref<1x128xi32, #tpu.memory_space<vmem>>
        %dma_start3A_157 = tpu.memref_squeeze %dma_start3A_156 : memref<1x128xi32, #tpu.memory_space<vmem>> -> memref<128xi32, #tpu.memory_space<vmem>>
        %dma_start3A_158 = arith.constant 0 : i32
        %dma_start3A_159 = arith.constant 0 : i32
        %dma_start3A_160 = tpu.memref_slice %arg9[%dma_start3A_158, %dma_start3A_159] : memref<10240x128xf32, #tpu.memory_space<vmem_shared>> -> memref<10240x128xf32, #tpu.memory_space<vmem_shared>>
        tpu.enqueue_indirect_dma source(%arg10 : memref<128x128xf32, #tpu.memory_space<vmem>>) target(%dma_start3A_160 : memref<10240x128xf32, #tpu.memory_space<vmem_shared>>) offsets(%dma_start3A_157 : memref<128xi32, #tpu.memory_space<vmem>>) semaphore(%arg14 : memref<!tpu.dma_semaphore, #tpu.memory_space<semaphore_mem>>) {add = true}
        %add3A_161 = arith.constant 1 : i32
        %add3A_162 = arith.addi %add3A_144, %add3A_161 : i32
        %dma_wait3A_163 = arith.constant 0 : i32
        %dma_wait3A_164 = tpu.memref_slice %arg7[%add3A_162, %dma_wait3A_163] : memref<64x128xi32, #tpu.memory_space<vmem>> -> memref<1x128xi32, #tpu.memory_space<vmem>>
        %dma_wait3A_165 = tpu.memref_squeeze %dma_wait3A_164 : memref<1x128xi32, #tpu.memory_space<vmem>> -> memref<128xi32, #tpu.memory_space<vmem>>
        %dma_wait3A_166 = arith.constant 0 : i32
        %dma_wait3A_167 = arith.constant 0 : i32
        %dma_wait3A_168 = tpu.memref_slice %arg2[%dma_wait3A_166, %dma_wait3A_167] : memref<10240x128xf32, #tpu.memory_space<hbm>> -> memref<10240x128xf32, #tpu.memory_space<hbm>>
        tpu.wait_indirect_dma semaphore(%arg13 : memref<!tpu.dma_semaphore, #tpu.memory_space<semaphore_mem>>) src(%dma_wait3A_168 : memref<10240x128xf32, #tpu.memory_space<hbm>>) dst(%arg11 : memref<128x128xf32, #tpu.memory_space<vmem>>)
        %add3A_169 = arith.constant 1 : i32
        %add3A_170 = arith.addi %add3A_144, %add3A_169 : i32
        %dma_start3A_171 = arith.constant 0 : i32
        %dma_start3A_172 = tpu.memref_slice %arg8[%add3A_170, %dma_start3A_171] : memref<64x128xi32, #tpu.memory_space<vmem>> -> memref<1x128xi32, #tpu.memory_space<vmem>>
        %dma_start3A_173 = tpu.memref_squeeze %dma_start3A_172 : memref<1x128xi32, #tpu.memory_space<vmem>> -> memref<128xi32, #tpu.memory_space<vmem>>
        %dma_start3A_174 = arith.constant 0 : i32
        %dma_start3A_175 = arith.constant 0 : i32
        %dma_start3A_176 = tpu.memref_slice %arg9[%dma_start3A_174, %dma_start3A_175] : memref<10240x128xf32, #tpu.memory_space<vmem_shared>> -> memref<10240x128xf32, #tpu.memory_space<vmem_shared>>
        tpu.enqueue_indirect_dma source(%arg11 : memref<128x128xf32, #tpu.memory_space<vmem>>) target(%dma_start3A_176 : memref<10240x128xf32, #tpu.memory_space<vmem_shared>>) offsets(%dma_start3A_173 : memref<128xi32, #tpu.memory_space<vmem>>) semaphore(%arg15 : memref<!tpu.dma_semaphore, #tpu.memory_space<semaphore_mem>>) {add = true}
        %add3A_177 = arith.constant 0 : i32
        %add3A_178 = arith.addi %add3A_144, %add3A_177 : i32
        %dma_wait3A_179 = arith.constant 0 : i32
        %dma_wait3A_180 = tpu.memref_slice %arg8[%add3A_178, %dma_wait3A_179] : memref<64x128xi32, #tpu.memory_space<vmem>> -> memref<1x128xi32, #tpu.memory_space<vmem>>
        %dma_wait3A_181 = tpu.memref_squeeze %dma_wait3A_180 : memref<1x128xi32, #tpu.memory_space<vmem>> -> memref<128xi32, #tpu.memory_space<vmem>>
        %dma_wait3A_182 = arith.constant 0 : i32
        %dma_wait3A_183 = arith.constant 0 : i32
        %dma_wait3A_184 = tpu.memref_slice %arg9[%dma_wait3A_182, %dma_wait3A_183] : memref<10240x128xf32, #tpu.memory_space<vmem_shared>> -> memref<10240x128xf32, #tpu.memory_space<vmem_shared>>
        tpu.wait_indirect_dma semaphore(%arg14 : memref<!tpu.dma_semaphore, #tpu.memory_space<semaphore_mem>>) src(%arg10 : memref<128x128xf32, #tpu.memory_space<vmem>>) dst(%dma_wait3A_184 : memref<10240x128xf32, #tpu.memory_space<vmem_shared>>)
        %add3A_185 = arith.constant 2 : i32
        %add3A_186 = arith.addi %add3A_144, %add3A_185 : i32
        %add3A_187 = arith.constant 0 : i32
        %add3A_188 = arith.addi %add3A_186, %add3A_187 : i32
        %dma_start3A_189 = arith.constant 0 : i32
        %dma_start3A_190 = tpu.memref_slice %arg7[%add3A_188, %dma_start3A_189] : memref<64x128xi32, #tpu.memory_space<vmem>> -> memref<1x128xi32, #tpu.memory_space<vmem>>
        %dma_start3A_191 = tpu.memref_squeeze %dma_start3A_190 : memref<1x128xi32, #tpu.memory_space<vmem>> -> memref<128xi32, #tpu.memory_space<vmem>>
        %dma_start3A_192 = arith.constant 0 : i32
        %dma_start3A_193 = arith.constant 0 : i32
        %dma_start3A_194 = tpu.memref_slice %arg2[%dma_start3A_192, %dma_start3A_193] : memref<10240x128xf32, #tpu.memory_space<hbm>> -> memref<10240x128xf32, #tpu.memory_space<hbm>>
        tpu.enqueue_indirect_dma source(%dma_start3A_194 : memref<10240x128xf32, #tpu.memory_space<hbm>>) target(%arg10 : memref<128x128xf32, #tpu.memory_space<vmem>>) offsets(%dma_start3A_191 : memref<128xi32, #tpu.memory_space<vmem>>) semaphore(%arg12 : memref<!tpu.dma_semaphore, #tpu.memory_space<semaphore_mem>>)
        %add3A_195 = arith.constant 1 : i32
        %add3A_196 = arith.addi %add3A_144, %add3A_195 : i32
        %dma_wait3A_197 = arith.constant 0 : i32
        %dma_wait3A_198 = tpu.memref_slice %arg8[%add3A_196, %dma_wait3A_197] : memref<64x128xi32, #tpu.memory_space<vmem>> -> memref<1x128xi32, #tpu.memory_space<vmem>>
        %dma_wait3A_199 = tpu.memref_squeeze %dma_wait3A_198 : memref<1x128xi32, #tpu.memory_space<vmem>> -> memref<128xi32, #tpu.memory_space<vmem>>
        %dma_wait3A_200 = arith.constant 0 : i32
        %dma_wait3A_201 = arith.constant 0 : i32
        %dma_wait3A_202 = tpu.memref_slice %arg9[%dma_wait3A_200, %dma_wait3A_201] : memref<10240x128xf32, #tpu.memory_space<vmem_shared>> -> memref<10240x128xf32, #tpu.memory_space<vmem_shared>>
        tpu.wait_indirect_dma semaphore(%arg15 : memref<!tpu.dma_semaphore, #tpu.memory_space<semaphore_mem>>) src(%arg11 : memref<128x128xf32, #tpu.memory_space<vmem>>) dst(%dma_wait3A_202 : memref<10240x128xf32, #tpu.memory_space<vmem_shared>>)
        %add3A_203 = arith.constant 2 : i32
        %add3A_204 = arith.addi %add3A_144, %add3A_203 : i32
        %add3A_205 = arith.constant 1 : i32
        %add3A_206 = arith.addi %add3A_204, %add3A_205 : i32
        %dma_start3A_207 = arith.constant 0 : i32
        %dma_start3A_208 = tpu.memref_slice %arg7[%add3A_206, %dma_start3A_207] : memref<64x128xi32, #tpu.memory_space<vmem>> -> memref<1x128xi32, #tpu.memory_space<vmem>>
        %dma_start3A_209 = tpu.memref_squeeze %dma_start3A_208 : memref<1x128xi32, #tpu.memory_space<vmem>> -> memref<128xi32, #tpu.memory_space<vmem>>
        %dma_start3A_210 = arith.constant 0 : i32
        %dma_start3A_211 = arith.constant 0 : i32
        %dma_start3A_212 = tpu.memref_slice %arg2[%dma_start3A_210, %dma_start3A_211] : memref<10240x128xf32, #tpu.memory_space<hbm>> -> memref<10240x128xf32, #tpu.memory_space<hbm>>
        tpu.enqueue_indirect_dma source(%dma_start3A_212 : memref<10240x128xf32, #tpu.memory_space<hbm>>) target(%arg11 : memref<128x128xf32, #tpu.memory_space<vmem>>) offsets(%dma_start3A_209 : memref<128xi32, #tpu.memory_space<vmem>>) semaphore(%arg13 : memref<!tpu.dma_semaphore, #tpu.memory_space<semaphore_mem>>)
      }
      %scan3A_97 = arith.constant 31 : i32
      %dma_wait3A_98 = arith.constant 62 : i32
      %dma_wait3A_99 = arith.constant 0 : i32
      %dma_wait3A_100 = tpu.memref_slice %arg7[%dma_wait3A_98, %dma_wait3A_99] : memref<64x128xi32, #tpu.memory_space<vmem>> -> memref<1x128xi32, #tpu.memory_space<vmem>>
      %dma_wait3A_101 = tpu.memref_squeeze %dma_wait3A_100 : memref<1x128xi32, #tpu.memory_space<vmem>> -> memref<128xi32, #tpu.memory_space<vmem>>
      %dma_wait3A_102 = arith.constant 0 : i32
      %dma_wait3A_103 = arith.constant 0 : i32
      %dma_wait3A_104 = tpu.memref_slice %arg2[%dma_wait3A_102, %dma_wait3A_103] : memref<10240x128xf32, #tpu.memory_space<hbm>> -> memref<10240x128xf32, #tpu.memory_space<hbm>>
      tpu.wait_indirect_dma semaphore(%arg12 : memref<!tpu.dma_semaphore, #tpu.memory_space<semaphore_mem>>) src(%dma_wait3A_104 : memref<10240x128xf32, #tpu.memory_space<hbm>>) dst(%arg10 : memref<128x128xf32, #tpu.memory_space<vmem>>)
      %dma_start3A_105 = arith.constant 62 : i32
      %dma_start3A_106 = arith.constant 0 : i32
      %dma_start3A_107 = tpu.memref_slice %arg8[%dma_start3A_105, %dma_start3A_106] : memref<64x128xi32, #tpu.memory_space<vmem>> -> memref<1x128xi32, #tpu.memory_space<vmem>>
      %dma_start3A_108 = tpu.memref_squeeze %dma_start3A_107 : memref<1x128xi32, #tpu.memory_space<vmem>> -> memref<128xi32, #tpu.memory_space<vmem>>
      %dma_start3A_109 = arith.constant 0 : i32
      %dma_start3A_110 = arith.constant 0 : i32
      %dma_start3A_111 = tpu.memref_slice %arg9[%dma_start3A_109, %dma_start3A_110] : memref<10240x128xf32, #tpu.memory_space<vmem_shared>> -> memref<10240x128xf32, #tpu.memory_space<vmem_shared>>
      tpu.enqueue_indirect_dma source(%arg10 : memref<128x128xf32, #tpu.memory_space<vmem>>) target(%dma_start3A_111 : memref<10240x128xf32, #tpu.memory_space<vmem_shared>>) offsets(%dma_start3A_108 : memref<128xi32, #tpu.memory_space<vmem>>) semaphore(%arg14 : memref<!tpu.dma_semaphore, #tpu.memory_space<semaphore_mem>>) {add = true}
      %dma_wait3A_112 = arith.constant 63 : i32
      %dma_wait3A_113 = arith.constant 0 : i32
      %dma_wait3A_114 = tpu.memref_slice %arg7[%dma_wait3A_112, %dma_wait3A_113] : memref<64x128xi32, #tpu.memory_space<vmem>> -> memref<1x128xi32, #tpu.memory_space<vmem>>
      %dma_wait3A_115 = tpu.memref_squeeze %dma_wait3A_114 : memref<1x128xi32, #tpu.memory_space<vmem>> -> memref<128xi32, #tpu.memory_space<vmem>>
      %dma_wait3A_116 = arith.constant 0 : i32
      %dma_wait3A_117 = arith.constant 0 : i32
      %dma_wait3A_118 = tpu.memref_slice %arg2[%dma_wait3A_116, %dma_wait3A_117] : memref<10240x128xf32, #tpu.memory_space<hbm>> -> memref<10240x128xf32, #tpu.memory_space<hbm>>
      tpu.wait_indirect_dma semaphore(%arg13 : memref<!tpu.dma_semaphore, #tpu.memory_space<semaphore_mem>>) src(%dma_wait3A_118 : memref<10240x128xf32, #tpu.memory_space<hbm>>) dst(%arg11 : memref<128x128xf32, #tpu.memory_space<vmem>>)
      %dma_start3A_119 = arith.constant 63 : i32
      %dma_start3A_120 = arith.constant 0 : i32
      %dma_start3A_121 = tpu.memref_slice %arg8[%dma_start3A_119, %dma_start3A_120] : memref<64x128xi32, #tpu.memory_space<vmem>> -> memref<1x128xi32, #tpu.memory_space<vmem>>
      %dma_start3A_122 = tpu.memref_squeeze %dma_start3A_121 : memref<1x128xi32, #tpu.memory_space<vmem>> -> memref<128xi32, #tpu.memory_space<vmem>>
      %dma_start3A_123 = arith.constant 0 : i32
      %dma_start3A_124 = arith.constant 0 : i32
      %dma_start3A_125 = tpu.memref_slice %arg9[%dma_start3A_123, %dma_start3A_124] : memref<10240x128xf32, #tpu.memory_space<vmem_shared>> -> memref<10240x128xf32, #tpu.memory_space<vmem_shared>>
      tpu.enqueue_indirect_dma source(%arg11 : memref<128x128xf32, #tpu.memory_space<vmem>>) target(%dma_start3A_125 : memref<10240x128xf32, #tpu.memory_space<vmem_shared>>) offsets(%dma_start3A_122 : memref<128xi32, #tpu.memory_space<vmem>>) semaphore(%arg15 : memref<!tpu.dma_semaphore, #tpu.memory_space<semaphore_mem>>) {add = true}
      %dma_wait3A_126 = arith.constant 62 : i32
      %dma_wait3A_127 = arith.constant 0 : i32
      %dma_wait3A_128 = tpu.memref_slice %arg8[%dma_wait3A_126, %dma_wait3A_127] : memref<64x128xi32, #tpu.memory_space<vmem>> -> memref<1x128xi32, #tpu.memory_space<vmem>>
      %dma_wait3A_129 = tpu.memref_squeeze %dma_wait3A_128 : memref<1x128xi32, #tpu.memory_space<vmem>> -> memref<128xi32, #tpu.memory_space<vmem>>
      %dma_wait3A_130 = arith.constant 0 : i32
      %dma_wait3A_131 = arith.constant 0 : i32
      %dma_wait3A_132 = tpu.memref_slice %arg9[%dma_wait3A_130, %dma_wait3A_131] : memref<10240x128xf32, #tpu.memory_space<vmem_shared>> -> memref<10240x128xf32, #tpu.memory_space<vmem_shared>>
      tpu.wait_indirect_dma semaphore(%arg14 : memref<!tpu.dma_semaphore, #tpu.memory_space<semaphore_mem>>) src(%arg10 : memref<128x128xf32, #tpu.memory_space<vmem>>) dst(%dma_wait3A_132 : memref<10240x128xf32, #tpu.memory_space<vmem_shared>>)
      %dma_wait3A_133 = arith.constant 63 : i32
      %dma_wait3A_134 = arith.constant 0 : i32
      %dma_wait3A_135 = tpu.memref_slice %arg8[%dma_wait3A_133, %dma_wait3A_134] : memref<64x128xi32, #tpu.memory_space<vmem>> -> memref<1x128xi32, #tpu.memory_space<vmem>>
      %dma_wait3A_136 = tpu.memref_squeeze %dma_wait3A_135 : memref<1x128xi32, #tpu.memory_space<vmem>> -> memref<128xi32, #tpu.memory_space<vmem>>
      %dma_wait3A_137 = arith.constant 0 : i32
      %dma_wait3A_138 = arith.constant 0 : i32
      %dma_wait3A_139 = tpu.memref_slice %arg9[%dma_wait3A_137, %dma_wait3A_138] : memref<10240x128xf32, #tpu.memory_space<vmem_shared>> -> memref<10240x128xf32, #tpu.memory_space<vmem_shared>>
      tpu.wait_indirect_dma semaphore(%arg15 : memref<!tpu.dma_semaphore, #tpu.memory_space<semaphore_mem>>) src(%arg11 : memref<128x128xf32, #tpu.memory_space<vmem>>) dst(%dma_wait3A_139 : memref<10240x128xf32, #tpu.memory_space<vmem_shared>>)
    } else {
    }
    %eq3A_7 = arith.constant 1 : i32
    %eq3A_8 = arith.cmpi eq, %arg0, %eq3A_7 : i32
    %convert_element_type3A_9 = arith.extui %eq3A_8 : i1 to i32
    %cond3A_10 = arith.constant 0 : i32
    %cond3A_11 = arith.cmpi ne, %convert_element_type3A_9, %cond3A_10 : i32
    scf.if %cond3A_11 {
      %mul3A_13 = arith.constant 32 : i32
      %mul3A_14 = arith.muli %arg1, %mul3A_13 : i32
      %add3A_15 = arith.constant 2048 : i32
      %add3A_16 = arith.addi %add3A_15, %mul3A_14 : i32
      %add3A_17 = arith.constant 0 : i32
      %add3A_18 = arith.addi %add3A_16, %add3A_17 : i32
      "tpu.region"() ({
        %run_scoped3A = tpu.sem_alloc : memref<!tpu.dma_semaphore, #tpu.memory_space<semaphore_mem>>
        %dma_start3A_140 = arith.constant 0 : i32
        %dma_start3A_141 = arith.constant 0 : i32
        %dma_start3A_142 = tpu.memref_slice %arg7[%dma_start3A_140, %dma_start3A_141] : memref<64x128xi32, #tpu.memory_space<vmem>> -> memref<16x128xi32, #tpu.memory_space<vmem>>
        %dma_start3A_143 = arith.constant 0 : i32
        %dma_start3A_144 = tpu.memref_slice %arg3[%add3A_18, %dma_start3A_143] : memref<2560x128xi32, #tpu.memory_space<hbm>> -> memref<16x128xi32, #tpu.memory_space<hbm>>
        %dma_start3A_145 = arith.constant 0 : i32
        %dma_start3A_146 = arith.constant 0 : i32
        %dma_start3A_147 = tpu.memref_slice %arg7[%dma_start3A_145, %dma_start3A_146] : memref<64x128xi32, #tpu.memory_space<vmem>> -> memref<16x128xi32, #tpu.memory_space<vmem>>
        %dma_start3A_148 = arith.constant 0 : i32
        %dma_start3A_149 = tpu.memref_slice %arg3[%add3A_18, %dma_start3A_148] : memref<2560x128xi32, #tpu.memory_space<hbm>> -> memref<16x128xi32, #tpu.memory_space<hbm>>
        tpu.enqueue_dma source(%dma_start3A_149 : memref<16x128xi32, #tpu.memory_space<hbm>>) target(%dma_start3A_147 : memref<16x128xi32, #tpu.memory_space<vmem>>) target_semaphore(%run_scoped3A : memref<!tpu.dma_semaphore, #tpu.memory_space<semaphore_mem>>)
        %dma_wait3A_150 = arith.constant 0 : i32
        %dma_wait3A_151 = arith.constant 0 : i32
        %dma_wait3A_152 = tpu.memref_slice %arg7[%dma_wait3A_150, %dma_wait3A_151] : memref<64x128xi32, #tpu.memory_space<vmem>> -> memref<16x128xi32, #tpu.memory_space<vmem>>
        %dma_wait3A_153 = arith.constant 0 : i32
        %dma_wait3A_154 = tpu.memref_slice %arg3[%add3A_18, %dma_wait3A_153] : memref<2560x128xi32, #tpu.memory_space<hbm>> -> memref<16x128xi32, #tpu.memory_space<hbm>>
        %dma_wait3A_155 = arith.constant 0 : i32
        %dma_wait3A_156 = arith.constant 0 : i32
        %dma_wait3A_157 = tpu.memref_slice %arg7[%dma_wait3A_155, %dma_wait3A_156] : memref<64x128xi32, #tpu.memory_space<vmem>> -> memref<16x128xi32, #tpu.memory_space<vmem>>
        %dma_wait3A_158 = arith.constant 0 : i32
        %dma_wait3A_159 = tpu.memref_slice %arg3[%add3A_18, %dma_wait3A_158] : memref<2560x128xi32, #tpu.memory_space<hbm>> -> memref<16x128xi32, #tpu.memory_space<hbm>>
        tpu.wait_dma2 semaphore(%run_scoped3A : memref<!tpu.dma_semaphore, #tpu.memory_space<semaphore_mem>>) src(%dma_wait3A_159 : memref<16x128xi32, #tpu.memory_space<hbm>>) dst(%dma_wait3A_157 : memref<16x128xi32, #tpu.memory_space<vmem>>)
        tpu.yield
      }) : () -> ()
      "tpu.region"() ({
        %run_scoped3A = tpu.sem_alloc : memref<!tpu.dma_semaphore, #tpu.memory_space<semaphore_mem>>
        %dma_start3A_140 = arith.constant 0 : i32
        %dma_start3A_141 = arith.constant 0 : i32
        %dma_start3A_142 = tpu.memref_slice %arg8[%dma_start3A_140, %dma_start3A_141] : memref<64x128xi32, #tpu.memory_space<vmem>> -> memref<16x128xi32, #tpu.memory_space<vmem>>
        %dma_start3A_143 = arith.constant 0 : i32
        %dma_start3A_144 = tpu.memref_slice %arg4[%add3A_18, %dma_start3A_143] : memref<2560x128xi32, #tpu.memory_space<hbm>> -> memref<16x128xi32, #tpu.memory_space<hbm>>
        %dma_start3A_145 = arith.constant 0 : i32
        %dma_start3A_146 = arith.constant 0 : i32
        %dma_start3A_147 = tpu.memref_slice %arg8[%dma_start3A_145, %dma_start3A_146] : memref<64x128xi32, #tpu.memory_space<vmem>> -> memref<16x128xi32, #tpu.memory_space<vmem>>
        %dma_start3A_148 = arith.constant 0 : i32
        %dma_start3A_149 = tpu.memref_slice %arg4[%add3A_18, %dma_start3A_148] : memref<2560x128xi32, #tpu.memory_space<hbm>> -> memref<16x128xi32, #tpu.memory_space<hbm>>
        tpu.enqueue_dma source(%dma_start3A_149 : memref<16x128xi32, #tpu.memory_space<hbm>>) target(%dma_start3A_147 : memref<16x128xi32, #tpu.memory_space<vmem>>) target_semaphore(%run_scoped3A : memref<!tpu.dma_semaphore, #tpu.memory_space<semaphore_mem>>)
        %dma_wait3A_150 = arith.constant 0 : i32
        %dma_wait3A_151 = arith.constant 0 : i32
        %dma_wait3A_152 = tpu.memref_slice %arg8[%dma_wait3A_150, %dma_wait3A_151] : memref<64x128xi32, #tpu.memory_space<vmem>> -> memref<16x128xi32, #tpu.memory_space<vmem>>
        %dma_wait3A_153 = arith.constant 0 : i32
        %dma_wait3A_154 = tpu.memref_slice %arg4[%add3A_18, %dma_wait3A_153] : memref<2560x128xi32, #tpu.memory_space<hbm>> -> memref<16x128xi32, #tpu.memory_space<hbm>>
        %dma_wait3A_155 = arith.constant 0 : i32
        %dma_wait3A_156 = arith.constant 0 : i32
        %dma_wait3A_157 = tpu.memref_slice %arg8[%dma_wait3A_155, %dma_wait3A_156] : memref<64x128xi32, #tpu.memory_space<vmem>> -> memref<16x128xi32, #tpu.memory_space<vmem>>
        %dma_wait3A_158 = arith.constant 0 : i32
        %dma_wait3A_159 = tpu.memref_slice %arg4[%add3A_18, %dma_wait3A_158] : memref<2560x128xi32, #tpu.memory_space<hbm>> -> memref<16x128xi32, #tpu.memory_space<hbm>>
        tpu.wait_dma2 semaphore(%run_scoped3A : memref<!tpu.dma_semaphore, #tpu.memory_space<semaphore_mem>>) src(%dma_wait3A_159 : memref<16x128xi32, #tpu.memory_space<hbm>>) dst(%dma_wait3A_157 : memref<16x128xi32, #tpu.memory_space<vmem>>)
        tpu.yield
      }) : () -> ()
      %dma_start3A = arith.constant 0 : i32
      %dma_start3A_19 = arith.constant 0 : i32
      %dma_start3A_20 = tpu.memref_slice %arg7[%dma_start3A, %dma_start3A_19] : memref<64x128xi32, #tpu.memory_space<vmem>> -> memref<1x128xi32, #tpu.memory_space<vmem>>
      %dma_start3A_21 = tpu.memref_squeeze %dma_start3A_20 : memref<1x128xi32, #tpu.memory_space<vmem>> -> memref<128xi32, #tpu.memory_space<vmem>>
      %dma_start3A_22 = arith.constant 0 : i32
      %dma_start3A_23 = arith.constant 0 : i32
      %dma_start3A_24 = tpu.memref_slice %arg2[%dma_start3A_22, %dma_start3A_23] : memref<10240x128xf32, #tpu.memory_space<hbm>> -> memref<10240x128xf32, #tpu.memory_space<hbm>>
      tpu.enqueue_indirect_dma source(%dma_start3A_24 : memref<10240x128xf32, #tpu.memory_space<hbm>>) target(%arg10 : memref<128x128xf32, #tpu.memory_space<vmem>>) offsets(%dma_start3A_21 : memref<128xi32, #tpu.memory_space<vmem>>) semaphore(%arg12 : memref<!tpu.dma_semaphore, #tpu.memory_space<semaphore_mem>>)
      %dma_start3A_25 = arith.constant 1 : i32
      %dma_start3A_26 = arith.constant 0 : i32
      %dma_start3A_27 = tpu.memref_slice %arg7[%dma_start3A_25, %dma_start3A_26] : memref<64x128xi32, #tpu.memory_space<vmem>> -> memref<1x128xi32, #tpu.memory_space<vmem>>
      %dma_start3A_28 = tpu.memref_squeeze %dma_start3A_27 : memref<1x128xi32, #tpu.memory_space<vmem>> -> memref<128xi32, #tpu.memory_space<vmem>>
      %dma_start3A_29 = arith.constant 0 : i32
      %dma_start3A_30 = arith.constant 0 : i32
      %dma_start3A_31 = tpu.memref_slice %arg2[%dma_start3A_29, %dma_start3A_30] : memref<10240x128xf32, #tpu.memory_space<hbm>> -> memref<10240x128xf32, #tpu.memory_space<hbm>>
      tpu.enqueue_indirect_dma source(%dma_start3A_31 : memref<10240x128xf32, #tpu.memory_space<hbm>>) target(%arg11 : memref<128x128xf32, #tpu.memory_space<vmem>>) offsets(%dma_start3A_28 : memref<128xi32, #tpu.memory_space<vmem>>) semaphore(%arg13 : memref<!tpu.dma_semaphore, #tpu.memory_space<semaphore_mem>>)
      %scan3A = arith.constant 0 : i32
      %scan3A_32 = arith.constant 7 : i32
      %scan3A_33 = arith.addi %scan3A, %scan3A_32 : i32
      %scan3A_34 = arith.constant 1 : i32
      scf.for %scan3A_140 = %scan3A to %scan3A_33 step %scan3A_34  : i32 {
        %mul3A_141 = arith.constant 2 : i32
        %mul3A_142 = arith.muli %scan3A_140, %mul3A_141 : i32
        %add3A_143 = arith.constant 0 : i32
        %add3A_144 = arith.addi %add3A_143, %mul3A_142 : i32
        %add3A_145 = arith.constant 0 : i32
        %add3A_146 = arith.addi %add3A_144, %add3A_145 : i32
        %dma_wait3A_147 = arith.constant 0 : i32
        %dma_wait3A_148 = tpu.memref_slice %arg7[%add3A_146, %dma_wait3A_147] : memref<64x128xi32, #tpu.memory_space<vmem>> -> memref<1x128xi32, #tpu.memory_space<vmem>>
        %dma_wait3A_149 = tpu.memref_squeeze %dma_wait3A_148 : memref<1x128xi32, #tpu.memory_space<vmem>> -> memref<128xi32, #tpu.memory_space<vmem>>
        %dma_wait3A_150 = arith.constant 0 : i32
        %dma_wait3A_151 = arith.constant 0 : i32
        %dma_wait3A_152 = tpu.memref_slice %arg2[%dma_wait3A_150, %dma_wait3A_151] : memref<10240x128xf32, #tpu.memory_space<hbm>> -> memref<10240x128xf32, #tpu.memory_space<hbm>>
        tpu.wait_indirect_dma semaphore(%arg12 : memref<!tpu.dma_semaphore, #tpu.memory_space<semaphore_mem>>) src(%dma_wait3A_152 : memref<10240x128xf32, #tpu.memory_space<hbm>>) dst(%arg10 : memref<128x128xf32, #tpu.memory_space<vmem>>)
        %add3A_153 = arith.constant 0 : i32
        %add3A_154 = arith.addi %add3A_144, %add3A_153 : i32
        %dma_start3A_155 = arith.constant 0 : i32
        %dma_start3A_156 = tpu.memref_slice %arg8[%add3A_154, %dma_start3A_155] : memref<64x128xi32, #tpu.memory_space<vmem>> -> memref<1x128xi32, #tpu.memory_space<vmem>>
        %dma_start3A_157 = tpu.memref_squeeze %dma_start3A_156 : memref<1x128xi32, #tpu.memory_space<vmem>> -> memref<128xi32, #tpu.memory_space<vmem>>
        %dma_start3A_158 = arith.constant 0 : i32
        %dma_start3A_159 = arith.constant 0 : i32
        %dma_start3A_160 = tpu.memref_slice %arg9[%dma_start3A_158, %dma_start3A_159] : memref<10240x128xf32, #tpu.memory_space<vmem_shared>> -> memref<10240x128xf32, #tpu.memory_space<vmem_shared>>
        tpu.enqueue_indirect_dma source(%arg10 : memref<128x128xf32, #tpu.memory_space<vmem>>) target(%dma_start3A_160 : memref<10240x128xf32, #tpu.memory_space<vmem_shared>>) offsets(%dma_start3A_157 : memref<128xi32, #tpu.memory_space<vmem>>) semaphore(%arg14 : memref<!tpu.dma_semaphore, #tpu.memory_space<semaphore_mem>>) {add = true}
        %add3A_161 = arith.constant 1 : i32
        %add3A_162 = arith.addi %add3A_144, %add3A_161 : i32
        %dma_wait3A_163 = arith.constant 0 : i32
        %dma_wait3A_164 = tpu.memref_slice %arg7[%add3A_162, %dma_wait3A_163] : memref<64x128xi32, #tpu.memory_space<vmem>> -> memref<1x128xi32, #tpu.memory_space<vmem>>
        %dma_wait3A_165 = tpu.memref_squeeze %dma_wait3A_164 : memref<1x128xi32, #tpu.memory_space<vmem>> -> memref<128xi32, #tpu.memory_space<vmem>>
        %dma_wait3A_166 = arith.constant 0 : i32
        %dma_wait3A_167 = arith.constant 0 : i32
        %dma_wait3A_168 = tpu.memref_slice %arg2[%dma_wait3A_166, %dma_wait3A_167] : memref<10240x128xf32, #tpu.memory_space<hbm>> -> memref<10240x128xf32, #tpu.memory_space<hbm>>
        tpu.wait_indirect_dma semaphore(%arg13 : memref<!tpu.dma_semaphore, #tpu.memory_space<semaphore_mem>>) src(%dma_wait3A_168 : memref<10240x128xf32, #tpu.memory_space<hbm>>) dst(%arg11 : memref<128x128xf32, #tpu.memory_space<vmem>>)
        %add3A_169 = arith.constant 1 : i32
        %add3A_170 = arith.addi %add3A_144, %add3A_169 : i32
        %dma_start3A_171 = arith.constant 0 : i32
        %dma_start3A_172 = tpu.memref_slice %arg8[%add3A_170, %dma_start3A_171] : memref<64x128xi32, #tpu.memory_space<vmem>> -> memref<1x128xi32, #tpu.memory_space<vmem>>
        %dma_start3A_173 = tpu.memref_squeeze %dma_start3A_172 : memref<1x128xi32, #tpu.memory_space<vmem>> -> memref<128xi32, #tpu.memory_space<vmem>>
        %dma_start3A_174 = arith.constant 0 : i32
        %dma_start3A_175 = arith.constant 0 : i32
        %dma_start3A_176 = tpu.memref_slice %arg9[%dma_start3A_174, %dma_start3A_175] : memref<10240x128xf32, #tpu.memory_space<vmem_shared>> -> memref<10240x128xf32, #tpu.memory_space<vmem_shared>>
        tpu.enqueue_indirect_dma source(%arg11 : memref<128x128xf32, #tpu.memory_space<vmem>>) target(%dma_start3A_176 : memref<10240x128xf32, #tpu.memory_space<vmem_shared>>) offsets(%dma_start3A_173 : memref<128xi32, #tpu.memory_space<vmem>>) semaphore(%arg15 : memref<!tpu.dma_semaphore, #tpu.memory_space<semaphore_mem>>) {add = true}
        %add3A_177 = arith.constant 0 : i32
        %add3A_178 = arith.addi %add3A_144, %add3A_177 : i32
        %dma_wait3A_179 = arith.constant 0 : i32
        %dma_wait3A_180 = tpu.memref_slice %arg8[%add3A_178, %dma_wait3A_179] : memref<64x128xi32, #tpu.memory_space<vmem>> -> memref<1x128xi32, #tpu.memory_space<vmem>>
        %dma_wait3A_181 = tpu.memref_squeeze %dma_wait3A_180 : memref<1x128xi32, #tpu.memory_space<vmem>> -> memref<128xi32, #tpu.memory_space<vmem>>
        %dma_wait3A_182 = arith.constant 0 : i32
        %dma_wait3A_183 = arith.constant 0 : i32
        %dma_wait3A_184 = tpu.memref_slice %arg9[%dma_wait3A_182, %dma_wait3A_183] : memref<10240x128xf32, #tpu.memory_space<vmem_shared>> -> memref<10240x128xf32, #tpu.memory_space<vmem_shared>>
        tpu.wait_indirect_dma semaphore(%arg14 : memref<!tpu.dma_semaphore, #tpu.memory_space<semaphore_mem>>) src(%arg10 : memref<128x128xf32, #tpu.memory_space<vmem>>) dst(%dma_wait3A_184 : memref<10240x128xf32, #tpu.memory_space<vmem_shared>>)
        %add3A_185 = arith.constant 2 : i32
        %add3A_186 = arith.addi %add3A_144, %add3A_185 : i32
        %add3A_187 = arith.constant 0 : i32
        %add3A_188 = arith.addi %add3A_186, %add3A_187 : i32
        %dma_start3A_189 = arith.constant 0 : i32
        %dma_start3A_190 = tpu.memref_slice %arg7[%add3A_188, %dma_start3A_189] : memref<64x128xi32, #tpu.memory_space<vmem>> -> memref<1x128xi32, #tpu.memory_space<vmem>>
        %dma_start3A_191 = tpu.memref_squeeze %dma_start3A_190 : memref<1x128xi32, #tpu.memory_space<vmem>> -> memref<128xi32, #tpu.memory_space<vmem>>
        %dma_start3A_192 = arith.constant 0 : i32
        %dma_start3A_193 = arith.constant 0 : i32
        %dma_start3A_194 = tpu.memref_slice %arg2[%dma_start3A_192, %dma_start3A_193] : memref<10240x128xf32, #tpu.memory_space<hbm>> -> memref<10240x128xf32, #tpu.memory_space<hbm>>
        tpu.enqueue_indirect_dma source(%dma_start3A_194 : memref<10240x128xf32, #tpu.memory_space<hbm>>) target(%arg10 : memref<128x128xf32, #tpu.memory_space<vmem>>) offsets(%dma_start3A_191 : memref<128xi32, #tpu.memory_space<vmem>>) semaphore(%arg12 : memref<!tpu.dma_semaphore, #tpu.memory_space<semaphore_mem>>)
        %add3A_195 = arith.constant 1 : i32
        %add3A_196 = arith.addi %add3A_144, %add3A_195 : i32
        %dma_wait3A_197 = arith.constant 0 : i32
        %dma_wait3A_198 = tpu.memref_slice %arg8[%add3A_196, %dma_wait3A_197] : memref<64x128xi32, #tpu.memory_space<vmem>> -> memref<1x128xi32, #tpu.memory_space<vmem>>
        %dma_wait3A_199 = tpu.memref_squeeze %dma_wait3A_198 : memref<1x128xi32, #tpu.memory_space<vmem>> -> memref<128xi32, #tpu.memory_space<vmem>>
        %dma_wait3A_200 = arith.constant 0 : i32
        %dma_wait3A_201 = arith.constant 0 : i32
        %dma_wait3A_202 = tpu.memref_slice %arg9[%dma_wait3A_200, %dma_wait3A_201] : memref<10240x128xf32, #tpu.memory_space<vmem_shared>> -> memref<10240x128xf32, #tpu.memory_space<vmem_shared>>
        tpu.wait_indirect_dma semaphore(%arg15 : memref<!tpu.dma_semaphore, #tpu.memory_space<semaphore_mem>>) src(%arg11 : memref<128x128xf32, #tpu.memory_space<vmem>>) dst(%dma_wait3A_202 : memref<10240x128xf32, #tpu.memory_space<vmem_shared>>)
        %add3A_203 = arith.constant 2 : i32
        %add3A_204 = arith.addi %add3A_144, %add3A_203 : i32
        %add3A_205 = arith.constant 1 : i32
        %add3A_206 = arith.addi %add3A_204, %add3A_205 : i32
        %dma_start3A_207 = arith.constant 0 : i32
        %dma_start3A_208 = tpu.memref_slice %arg7[%add3A_206, %dma_start3A_207] : memref<64x128xi32, #tpu.memory_space<vmem>> -> memref<1x128xi32, #tpu.memory_space<vmem>>
        %dma_start3A_209 = tpu.memref_squeeze %dma_start3A_208 : memref<1x128xi32, #tpu.memory_space<vmem>> -> memref<128xi32, #tpu.memory_space<vmem>>
        %dma_start3A_210 = arith.constant 0 : i32
        %dma_start3A_211 = arith.constant 0 : i32
        %dma_start3A_212 = tpu.memref_slice %arg2[%dma_start3A_210, %dma_start3A_211] : memref<10240x128xf32, #tpu.memory_space<hbm>> -> memref<10240x128xf32, #tpu.memory_space<hbm>>
        tpu.enqueue_indirect_dma source(%dma_start3A_212 : memref<10240x128xf32, #tpu.memory_space<hbm>>) target(%arg11 : memref<128x128xf32, #tpu.memory_space<vmem>>) offsets(%dma_start3A_209 : memref<128xi32, #tpu.memory_space<vmem>>) semaphore(%arg13 : memref<!tpu.dma_semaphore, #tpu.memory_space<semaphore_mem>>)
      }
      %scan3A_35 = arith.constant 7 : i32
      %dma_wait3A = arith.constant 14 : i32
      %dma_wait3A_36 = arith.constant 0 : i32
      %dma_wait3A_37 = tpu.memref_slice %arg7[%dma_wait3A, %dma_wait3A_36] : memref<64x128xi32, #tpu.memory_space<vmem>> -> memref<1x128xi32, #tpu.memory_space<vmem>>
      %dma_wait3A_38 = tpu.memref_squeeze %dma_wait3A_37 : memref<1x128xi32, #tpu.memory_space<vmem>> -> memref<128xi32, #tpu.memory_space<vmem>>
      %dma_wait3A_39 = arith.constant 0 : i32
      %dma_wait3A_40 = arith.constant 0 : i32
      %dma_wait3A_41 = tpu.memref_slice %arg2[%dma_wait3A_39, %dma_wait3A_40] : memref<10240x128xf32, #tpu.memory_space<hbm>> -> memref<10240x128xf32, #tpu.memory_space<hbm>>
      tpu.wait_indirect_dma semaphore(%arg12 : memref<!tpu.dma_semaphore, #tpu.memory_space<semaphore_mem>>) src(%dma_wait3A_41 : memref<10240x128xf32, #tpu.memory_space<hbm>>) dst(%arg10 : memref<128x128xf32, #tpu.memory_space<vmem>>)
      %dma_start3A_42 = arith.constant 14 : i32
      %dma_start3A_43 = arith.constant 0 : i32
      %dma_start3A_44 = tpu.memref_slice %arg8[%dma_start3A_42, %dma_start3A_43] : memref<64x128xi32, #tpu.memory_space<vmem>> -> memref<1x128xi32, #tpu.memory_space<vmem>>
      %dma_start3A_45 = tpu.memref_squeeze %dma_start3A_44 : memref<1x128xi32, #tpu.memory_space<vmem>> -> memref<128xi32, #tpu.memory_space<vmem>>
      %dma_start3A_46 = arith.constant 0 : i32
      %dma_start3A_47 = arith.constant 0 : i32
      %dma_start3A_48 = tpu.memref_slice %arg9[%dma_start3A_46, %dma_start3A_47] : memref<10240x128xf32, #tpu.memory_space<vmem_shared>> -> memref<10240x128xf32, #tpu.memory_space<vmem_shared>>
      tpu.enqueue_indirect_dma source(%arg10 : memref<128x128xf32, #tpu.memory_space<vmem>>) target(%dma_start3A_48 : memref<10240x128xf32, #tpu.memory_space<vmem_shared>>) offsets(%dma_start3A_45 : memref<128xi32, #tpu.memory_space<vmem>>) semaphore(%arg14 : memref<!tpu.dma_semaphore, #tpu.memory_space<semaphore_mem>>) {add = true}
      %dma_wait3A_49 = arith.constant 15 : i32
      %dma_wait3A_50 = arith.constant 0 : i32
      %dma_wait3A_51 = tpu.memref_slice %arg7[%dma_wait3A_49, %dma_wait3A_50] : memref<64x128xi32, #tpu.memory_space<vmem>> -> memref<1x128xi32, #tpu.memory_space<vmem>>
      %dma_wait3A_52 = tpu.memref_squeeze %dma_wait3A_51 : memref<1x128xi32, #tpu.memory_space<vmem>> -> memref<128xi32, #tpu.memory_space<vmem>>
      %dma_wait3A_53 = arith.constant 0 : i32
      %dma_wait3A_54 = arith.constant 0 : i32
      %dma_wait3A_55 = tpu.memref_slice %arg2[%dma_wait3A_53, %dma_wait3A_54] : memref<10240x128xf32, #tpu.memory_space<hbm>> -> memref<10240x128xf32, #tpu.memory_space<hbm>>
      tpu.wait_indirect_dma semaphore(%arg13 : memref<!tpu.dma_semaphore, #tpu.memory_space<semaphore_mem>>) src(%dma_wait3A_55 : memref<10240x128xf32, #tpu.memory_space<hbm>>) dst(%arg11 : memref<128x128xf32, #tpu.memory_space<vmem>>)
      %dma_start3A_56 = arith.constant 15 : i32
      %dma_start3A_57 = arith.constant 0 : i32
      %dma_start3A_58 = tpu.memref_slice %arg8[%dma_start3A_56, %dma_start3A_57] : memref<64x128xi32, #tpu.memory_space<vmem>> -> memref<1x128xi32, #tpu.memory_space<vmem>>
      %dma_start3A_59 = tpu.memref_squeeze %dma_start3A_58 : memref<1x128xi32, #tpu.memory_space<vmem>> -> memref<128xi32, #tpu.memory_space<vmem>>
      %dma_start3A_60 = arith.constant 0 : i32
      %dma_start3A_61 = arith.constant 0 : i32
      %dma_start3A_62 = tpu.memref_slice %arg9[%dma_start3A_60, %dma_start3A_61] : memref<10240x128xf32, #tpu.memory_space<vmem_shared>> -> memref<10240x128xf32, #tpu.memory_space<vmem_shared>>
      tpu.enqueue_indirect_dma source(%arg11 : memref<128x128xf32, #tpu.memory_space<vmem>>) target(%dma_start3A_62 : memref<10240x128xf32, #tpu.memory_space<vmem_shared>>) offsets(%dma_start3A_59 : memref<128xi32, #tpu.memory_space<vmem>>) semaphore(%arg15 : memref<!tpu.dma_semaphore, #tpu.memory_space<semaphore_mem>>) {add = true}
      %dma_wait3A_63 = arith.constant 14 : i32
      %dma_wait3A_64 = arith.constant 0 : i32
      %dma_wait3A_65 = tpu.memref_slice %arg8[%dma_wait3A_63, %dma_wait3A_64] : memref<64x128xi32, #tpu.memory_space<vmem>> -> memref<1x128xi32, #tpu.memory_space<vmem>>
      %dma_wait3A_66 = tpu.memref_squeeze %dma_wait3A_65 : memref<1x128xi32, #tpu.memory_space<vmem>> -> memref<128xi32, #tpu.memory_space<vmem>>
      %dma_wait3A_67 = arith.constant 0 : i32
      %dma_wait3A_68 = arith.constant 0 : i32
      %dma_wait3A_69 = tpu.memref_slice %arg9[%dma_wait3A_67, %dma_wait3A_68] : memref<10240x128xf32, #tpu.memory_space<vmem_shared>> -> memref<10240x128xf32, #tpu.memory_space<vmem_shared>>
      tpu.wait_indirect_dma semaphore(%arg14 : memref<!tpu.dma_semaphore, #tpu.memory_space<semaphore_mem>>) src(%arg10 : memref<128x128xf32, #tpu.memory_space<vmem>>) dst(%dma_wait3A_69 : memref<10240x128xf32, #tpu.memory_space<vmem_shared>>)
      %dma_wait3A_70 = arith.constant 15 : i32
      %dma_wait3A_71 = arith.constant 0 : i32
      %dma_wait3A_72 = tpu.memref_slice %arg8[%dma_wait3A_70, %dma_wait3A_71] : memref<64x128xi32, #tpu.memory_space<vmem>> -> memref<1x128xi32, #tpu.memory_space<vmem>>
      %dma_wait3A_73 = tpu.memref_squeeze %dma_wait3A_72 : memref<1x128xi32, #tpu.memory_space<vmem>> -> memref<128xi32, #tpu.memory_space<vmem>>
      %dma_wait3A_74 = arith.constant 0 : i32
      %dma_wait3A_75 = arith.constant 0 : i32
      %dma_wait3A_76 = tpu.memref_slice %arg9[%dma_wait3A_74, %dma_wait3A_75] : memref<10240x128xf32, #tpu.memory_space<vmem_shared>> -> memref<10240x128xf32, #tpu.memory_space<vmem_shared>>
      tpu.wait_indirect_dma semaphore(%arg15 : memref<!tpu.dma_semaphore, #tpu.memory_space<semaphore_mem>>) src(%arg11 : memref<128x128xf32, #tpu.memory_space<vmem>>) dst(%dma_wait3A_76 : memref<10240x128xf32, #tpu.memory_space<vmem_shared>>)
      %add3A_77 = arith.constant 16 : i32
      %add3A_78 = arith.addi %add3A_16, %add3A_77 : i32
      "tpu.region"() ({
        %run_scoped3A = tpu.sem_alloc : memref<!tpu.dma_semaphore, #tpu.memory_space<semaphore_mem>>
        %dma_start3A_140 = arith.constant 0 : i32
        %dma_start3A_141 = arith.constant 0 : i32
        %dma_start3A_142 = tpu.memref_slice %arg7[%dma_start3A_140, %dma_start3A_141] : memref<64x128xi32, #tpu.memory_space<vmem>> -> memref<16x128xi32, #tpu.memory_space<vmem>>
        %dma_start3A_143 = arith.constant 0 : i32
        %dma_start3A_144 = tpu.memref_slice %arg3[%add3A_78, %dma_start3A_143] : memref<2560x128xi32, #tpu.memory_space<hbm>> -> memref<16x128xi32, #tpu.memory_space<hbm>>
        %dma_start3A_145 = arith.constant 0 : i32
        %dma_start3A_146 = arith.constant 0 : i32
        %dma_start3A_147 = tpu.memref_slice %arg7[%dma_start3A_145, %dma_start3A_146] : memref<64x128xi32, #tpu.memory_space<vmem>> -> memref<16x128xi32, #tpu.memory_space<vmem>>
        %dma_start3A_148 = arith.constant 0 : i32
        %dma_start3A_149 = tpu.memref_slice %arg3[%add3A_78, %dma_start3A_148] : memref<2560x128xi32, #tpu.memory_space<hbm>> -> memref<16x128xi32, #tpu.memory_space<hbm>>
        tpu.enqueue_dma source(%dma_start3A_149 : memref<16x128xi32, #tpu.memory_space<hbm>>) target(%dma_start3A_147 : memref<16x128xi32, #tpu.memory_space<vmem>>) target_semaphore(%run_scoped3A : memref<!tpu.dma_semaphore, #tpu.memory_space<semaphore_mem>>)
        %dma_wait3A_150 = arith.constant 0 : i32
        %dma_wait3A_151 = arith.constant 0 : i32
        %dma_wait3A_152 = tpu.memref_slice %arg7[%dma_wait3A_150, %dma_wait3A_151] : memref<64x128xi32, #tpu.memory_space<vmem>> -> memref<16x128xi32, #tpu.memory_space<vmem>>
        %dma_wait3A_153 = arith.constant 0 : i32
        %dma_wait3A_154 = tpu.memref_slice %arg3[%add3A_78, %dma_wait3A_153] : memref<2560x128xi32, #tpu.memory_space<hbm>> -> memref<16x128xi32, #tpu.memory_space<hbm>>
        %dma_wait3A_155 = arith.constant 0 : i32
        %dma_wait3A_156 = arith.constant 0 : i32
        %dma_wait3A_157 = tpu.memref_slice %arg7[%dma_wait3A_155, %dma_wait3A_156] : memref<64x128xi32, #tpu.memory_space<vmem>> -> memref<16x128xi32, #tpu.memory_space<vmem>>
        %dma_wait3A_158 = arith.constant 0 : i32
        %dma_wait3A_159 = tpu.memref_slice %arg3[%add3A_78, %dma_wait3A_158] : memref<2560x128xi32, #tpu.memory_space<hbm>> -> memref<16x128xi32, #tpu.memory_space<hbm>>
        tpu.wait_dma2 semaphore(%run_scoped3A : memref<!tpu.dma_semaphore, #tpu.memory_space<semaphore_mem>>) src(%dma_wait3A_159 : memref<16x128xi32, #tpu.memory_space<hbm>>) dst(%dma_wait3A_157 : memref<16x128xi32, #tpu.memory_space<vmem>>)
        tpu.yield
      }) : () -> ()
      "tpu.region"() ({
        %run_scoped3A = tpu.sem_alloc : memref<!tpu.dma_semaphore, #tpu.memory_space<semaphore_mem>>
        %dma_start3A_140 = arith.constant 0 : i32
        %dma_start3A_141 = arith.constant 0 : i32
        %dma_start3A_142 = tpu.memref_slice %arg8[%dma_start3A_140, %dma_start3A_141] : memref<64x128xi32, #tpu.memory_space<vmem>> -> memref<16x128xi32, #tpu.memory_space<vmem>>
        %dma_start3A_143 = arith.constant 0 : i32
        %dma_start3A_144 = tpu.memref_slice %arg4[%add3A_78, %dma_start3A_143] : memref<2560x128xi32, #tpu.memory_space<hbm>> -> memref<16x128xi32, #tpu.memory_space<hbm>>
        %dma_start3A_145 = arith.constant 0 : i32
        %dma_start3A_146 = arith.constant 0 : i32
        %dma_start3A_147 = tpu.memref_slice %arg8[%dma_start3A_145, %dma_start3A_146] : memref<64x128xi32, #tpu.memory_space<vmem>> -> memref<16x128xi32, #tpu.memory_space<vmem>>
        %dma_start3A_148 = arith.constant 0 : i32
        %dma_start3A_149 = tpu.memref_slice %arg4[%add3A_78, %dma_start3A_148] : memref<2560x128xi32, #tpu.memory_space<hbm>> -> memref<16x128xi32, #tpu.memory_space<hbm>>
        tpu.enqueue_dma source(%dma_start3A_149 : memref<16x128xi32, #tpu.memory_space<hbm>>) target(%dma_start3A_147 : memref<16x128xi32, #tpu.memory_space<vmem>>) target_semaphore(%run_scoped3A : memref<!tpu.dma_semaphore, #tpu.memory_space<semaphore_mem>>)
        %dma_wait3A_150 = arith.constant 0 : i32
        %dma_wait3A_151 = arith.constant 0 : i32
        %dma_wait3A_152 = tpu.memref_slice %arg8[%dma_wait3A_150, %dma_wait3A_151] : memref<64x128xi32, #tpu.memory_space<vmem>> -> memref<16x128xi32, #tpu.memory_space<vmem>>
        %dma_wait3A_153 = arith.constant 0 : i32
        %dma_wait3A_154 = tpu.memref_slice %arg4[%add3A_78, %dma_wait3A_153] : memref<2560x128xi32, #tpu.memory_space<hbm>> -> memref<16x128xi32, #tpu.memory_space<hbm>>
        %dma_wait3A_155 = arith.constant 0 : i32
        %dma_wait3A_156 = arith.constant 0 : i32
        %dma_wait3A_157 = tpu.memref_slice %arg8[%dma_wait3A_155, %dma_wait3A_156] : memref<64x128xi32, #tpu.memory_space<vmem>> -> memref<16x128xi32, #tpu.memory_space<vmem>>
        %dma_wait3A_158 = arith.constant 0 : i32
        %dma_wait3A_159 = tpu.memref_slice %arg4[%add3A_78, %dma_wait3A_158] : memref<2560x128xi32, #tpu.memory_space<hbm>> -> memref<16x128xi32, #tpu.memory_space<hbm>>
        tpu.wait_dma2 semaphore(%run_scoped3A : memref<!tpu.dma_semaphore, #tpu.memory_space<semaphore_mem>>) src(%dma_wait3A_159 : memref<16x128xi32, #tpu.memory_space<hbm>>) dst(%dma_wait3A_157 : memref<16x128xi32, #tpu.memory_space<vmem>>)
        tpu.yield
      }) : () -> ()
      %dma_start3A_79 = arith.constant 0 : i32
      %dma_start3A_80 = arith.constant 0 : i32
      %dma_start3A_81 = tpu.memref_slice %arg7[%dma_start3A_79, %dma_start3A_80] : memref<64x128xi32, #tpu.memory_space<vmem>> -> memref<1x128xi32, #tpu.memory_space<vmem>>
      %dma_start3A_82 = tpu.memref_squeeze %dma_start3A_81 : memref<1x128xi32, #tpu.memory_space<vmem>> -> memref<128xi32, #tpu.memory_space<vmem>>
      %dma_start3A_83 = arith.constant 0 : i32
      %dma_start3A_84 = arith.constant 0 : i32
      %dma_start3A_85 = tpu.memref_slice %arg2[%dma_start3A_83, %dma_start3A_84] : memref<10240x128xf32, #tpu.memory_space<hbm>> -> memref<10240x128xf32, #tpu.memory_space<hbm>>
      tpu.enqueue_indirect_dma source(%dma_start3A_85 : memref<10240x128xf32, #tpu.memory_space<hbm>>) target(%arg10 : memref<128x128xf32, #tpu.memory_space<vmem>>) offsets(%dma_start3A_82 : memref<128xi32, #tpu.memory_space<vmem>>) semaphore(%arg12 : memref<!tpu.dma_semaphore, #tpu.memory_space<semaphore_mem>>)
      %dma_start3A_86 = arith.constant 1 : i32
      %dma_start3A_87 = arith.constant 0 : i32
      %dma_start3A_88 = tpu.memref_slice %arg7[%dma_start3A_86, %dma_start3A_87] : memref<64x128xi32, #tpu.memory_space<vmem>> -> memref<1x128xi32, #tpu.memory_space<vmem>>
      %dma_start3A_89 = tpu.memref_squeeze %dma_start3A_88 : memref<1x128xi32, #tpu.memory_space<vmem>> -> memref<128xi32, #tpu.memory_space<vmem>>
      %dma_start3A_90 = arith.constant 0 : i32
      %dma_start3A_91 = arith.constant 0 : i32
      %dma_start3A_92 = tpu.memref_slice %arg2[%dma_start3A_90, %dma_start3A_91] : memref<10240x128xf32, #tpu.memory_space<hbm>> -> memref<10240x128xf32, #tpu.memory_space<hbm>>
      tpu.enqueue_indirect_dma source(%dma_start3A_92 : memref<10240x128xf32, #tpu.memory_space<hbm>>) target(%arg11 : memref<128x128xf32, #tpu.memory_space<vmem>>) offsets(%dma_start3A_89 : memref<128xi32, #tpu.memory_space<vmem>>) semaphore(%arg13 : memref<!tpu.dma_semaphore, #tpu.memory_space<semaphore_mem>>)
      %scan3A_93 = arith.constant 0 : i32
      %scan3A_94 = arith.constant 7 : i32
      %scan3A_95 = arith.addi %scan3A_93, %scan3A_94 : i32
      %scan3A_96 = arith.constant 1 : i32
      scf.for %scan3A_140 = %scan3A_93 to %scan3A_95 step %scan3A_96  : i32 {
        %mul3A_141 = arith.constant 2 : i32
        %mul3A_142 = arith.muli %scan3A_140, %mul3A_141 : i32
        %add3A_143 = arith.constant 0 : i32
        %add3A_144 = arith.addi %add3A_143, %mul3A_142 : i32
        %add3A_145 = arith.constant 0 : i32
        %add3A_146 = arith.addi %add3A_144, %add3A_145 : i32
        %dma_wait3A_147 = arith.constant 0 : i32
        %dma_wait3A_148 = tpu.memref_slice %arg7[%add3A_146, %dma_wait3A_147] : memref<64x128xi32, #tpu.memory_space<vmem>> -> memref<1x128xi32, #tpu.memory_space<vmem>>
        %dma_wait3A_149 = tpu.memref_squeeze %dma_wait3A_148 : memref<1x128xi32, #tpu.memory_space<vmem>> -> memref<128xi32, #tpu.memory_space<vmem>>
        %dma_wait3A_150 = arith.constant 0 : i32
        %dma_wait3A_151 = arith.constant 0 : i32
        %dma_wait3A_152 = tpu.memref_slice %arg2[%dma_wait3A_150, %dma_wait3A_151] : memref<10240x128xf32, #tpu.memory_space<hbm>> -> memref<10240x128xf32, #tpu.memory_space<hbm>>
        tpu.wait_indirect_dma semaphore(%arg12 : memref<!tpu.dma_semaphore, #tpu.memory_space<semaphore_mem>>) src(%dma_wait3A_152 : memref<10240x128xf32, #tpu.memory_space<hbm>>) dst(%arg10 : memref<128x128xf32, #tpu.memory_space<vmem>>)
        %add3A_153 = arith.constant 0 : i32
        %add3A_154 = arith.addi %add3A_144, %add3A_153 : i32
        %dma_start3A_155 = arith.constant 0 : i32
        %dma_start3A_156 = tpu.memref_slice %arg8[%add3A_154, %dma_start3A_155] : memref<64x128xi32, #tpu.memory_space<vmem>> -> memref<1x128xi32, #tpu.memory_space<vmem>>
        %dma_start3A_157 = tpu.memref_squeeze %dma_start3A_156 : memref<1x128xi32, #tpu.memory_space<vmem>> -> memref<128xi32, #tpu.memory_space<vmem>>
        %dma_start3A_158 = arith.constant 0 : i32
        %dma_start3A_159 = arith.constant 0 : i32
        %dma_start3A_160 = tpu.memref_slice %arg9[%dma_start3A_158, %dma_start3A_159] : memref<10240x128xf32, #tpu.memory_space<vmem_shared>> -> memref<10240x128xf32, #tpu.memory_space<vmem_shared>>
        tpu.enqueue_indirect_dma source(%arg10 : memref<128x128xf32, #tpu.memory_space<vmem>>) target(%dma_start3A_160 : memref<10240x128xf32, #tpu.memory_space<vmem_shared>>) offsets(%dma_start3A_157 : memref<128xi32, #tpu.memory_space<vmem>>) semaphore(%arg14 : memref<!tpu.dma_semaphore, #tpu.memory_space<semaphore_mem>>) {add = true}
        %add3A_161 = arith.constant 1 : i32
        %add3A_162 = arith.addi %add3A_144, %add3A_161 : i32
        %dma_wait3A_163 = arith.constant 0 : i32
        %dma_wait3A_164 = tpu.memref_slice %arg7[%add3A_162, %dma_wait3A_163] : memref<64x128xi32, #tpu.memory_space<vmem>> -> memref<1x128xi32, #tpu.memory_space<vmem>>
        %dma_wait3A_165 = tpu.memref_squeeze %dma_wait3A_164 : memref<1x128xi32, #tpu.memory_space<vmem>> -> memref<128xi32, #tpu.memory_space<vmem>>
        %dma_wait3A_166 = arith.constant 0 : i32
        %dma_wait3A_167 = arith.constant 0 : i32
        %dma_wait3A_168 = tpu.memref_slice %arg2[%dma_wait3A_166, %dma_wait3A_167] : memref<10240x128xf32, #tpu.memory_space<hbm>> -> memref<10240x128xf32, #tpu.memory_space<hbm>>
        tpu.wait_indirect_dma semaphore(%arg13 : memref<!tpu.dma_semaphore, #tpu.memory_space<semaphore_mem>>) src(%dma_wait3A_168 : memref<10240x128xf32, #tpu.memory_space<hbm>>) dst(%arg11 : memref<128x128xf32, #tpu.memory_space<vmem>>)
        %add3A_169 = arith.constant 1 : i32
        %add3A_170 = arith.addi %add3A_144, %add3A_169 : i32
        %dma_start3A_171 = arith.constant 0 : i32
        %dma_start3A_172 = tpu.memref_slice %arg8[%add3A_170, %dma_start3A_171] : memref<64x128xi32, #tpu.memory_space<vmem>> -> memref<1x128xi32, #tpu.memory_space<vmem>>
        %dma_start3A_173 = tpu.memref_squeeze %dma_start3A_172 : memref<1x128xi32, #tpu.memory_space<vmem>> -> memref<128xi32, #tpu.memory_space<vmem>>
        %dma_start3A_174 = arith.constant 0 : i32
        %dma_start3A_175 = arith.constant 0 : i32
        %dma_start3A_176 = tpu.memref_slice %arg9[%dma_start3A_174, %dma_start3A_175] : memref<10240x128xf32, #tpu.memory_space<vmem_shared>> -> memref<10240x128xf32, #tpu.memory_space<vmem_shared>>
        tpu.enqueue_indirect_dma source(%arg11 : memref<128x128xf32, #tpu.memory_space<vmem>>) target(%dma_start3A_176 : memref<10240x128xf32, #tpu.memory_space<vmem_shared>>) offsets(%dma_start3A_173 : memref<128xi32, #tpu.memory_space<vmem>>) semaphore(%arg15 : memref<!tpu.dma_semaphore, #tpu.memory_space<semaphore_mem>>) {add = true}
        %add3A_177 = arith.constant 0 : i32
        %add3A_178 = arith.addi %add3A_144, %add3A_177 : i32
        %dma_wait3A_179 = arith.constant 0 : i32
        %dma_wait3A_180 = tpu.memref_slice %arg8[%add3A_178, %dma_wait3A_179] : memref<64x128xi32, #tpu.memory_space<vmem>> -> memref<1x128xi32, #tpu.memory_space<vmem>>
        %dma_wait3A_181 = tpu.memref_squeeze %dma_wait3A_180 : memref<1x128xi32, #tpu.memory_space<vmem>> -> memref<128xi32, #tpu.memory_space<vmem>>
        %dma_wait3A_182 = arith.constant 0 : i32
        %dma_wait3A_183 = arith.constant 0 : i32
        %dma_wait3A_184 = tpu.memref_slice %arg9[%dma_wait3A_182, %dma_wait3A_183] : memref<10240x128xf32, #tpu.memory_space<vmem_shared>> -> memref<10240x128xf32, #tpu.memory_space<vmem_shared>>
        tpu.wait_indirect_dma semaphore(%arg14 : memref<!tpu.dma_semaphore, #tpu.memory_space<semaphore_mem>>) src(%arg10 : memref<128x128xf32, #tpu.memory_space<vmem>>) dst(%dma_wait3A_184 : memref<10240x128xf32, #tpu.memory_space<vmem_shared>>)
        %add3A_185 = arith.constant 2 : i32
        %add3A_186 = arith.addi %add3A_144, %add3A_185 : i32
        %add3A_187 = arith.constant 0 : i32
        %add3A_188 = arith.addi %add3A_186, %add3A_187 : i32
        %dma_start3A_189 = arith.constant 0 : i32
        %dma_start3A_190 = tpu.memref_slice %arg7[%add3A_188, %dma_start3A_189] : memref<64x128xi32, #tpu.memory_space<vmem>> -> memref<1x128xi32, #tpu.memory_space<vmem>>
        %dma_start3A_191 = tpu.memref_squeeze %dma_start3A_190 : memref<1x128xi32, #tpu.memory_space<vmem>> -> memref<128xi32, #tpu.memory_space<vmem>>
        %dma_start3A_192 = arith.constant 0 : i32
        %dma_start3A_193 = arith.constant 0 : i32
        %dma_start3A_194 = tpu.memref_slice %arg2[%dma_start3A_192, %dma_start3A_193] : memref<10240x128xf32, #tpu.memory_space<hbm>> -> memref<10240x128xf32, #tpu.memory_space<hbm>>
        tpu.enqueue_indirect_dma source(%dma_start3A_194 : memref<10240x128xf32, #tpu.memory_space<hbm>>) target(%arg10 : memref<128x128xf32, #tpu.memory_space<vmem>>) offsets(%dma_start3A_191 : memref<128xi32, #tpu.memory_space<vmem>>) semaphore(%arg12 : memref<!tpu.dma_semaphore, #tpu.memory_space<semaphore_mem>>)
        %add3A_195 = arith.constant 1 : i32
        %add3A_196 = arith.addi %add3A_144, %add3A_195 : i32
        %dma_wait3A_197 = arith.constant 0 : i32
        %dma_wait3A_198 = tpu.memref_slice %arg8[%add3A_196, %dma_wait3A_197] : memref<64x128xi32, #tpu.memory_space<vmem>> -> memref<1x128xi32, #tpu.memory_space<vmem>>
        %dma_wait3A_199 = tpu.memref_squeeze %dma_wait3A_198 : memref<1x128xi32, #tpu.memory_space<vmem>> -> memref<128xi32, #tpu.memory_space<vmem>>
        %dma_wait3A_200 = arith.constant 0 : i32
        %dma_wait3A_201 = arith.constant 0 : i32
        %dma_wait3A_202 = tpu.memref_slice %arg9[%dma_wait3A_200, %dma_wait3A_201] : memref<10240x128xf32, #tpu.memory_space<vmem_shared>> -> memref<10240x128xf32, #tpu.memory_space<vmem_shared>>
        tpu.wait_indirect_dma semaphore(%arg15 : memref<!tpu.dma_semaphore, #tpu.memory_space<semaphore_mem>>) src(%arg11 : memref<128x128xf32, #tpu.memory_space<vmem>>) dst(%dma_wait3A_202 : memref<10240x128xf32, #tpu.memory_space<vmem_shared>>)
        %add3A_203 = arith.constant 2 : i32
        %add3A_204 = arith.addi %add3A_144, %add3A_203 : i32
        %add3A_205 = arith.constant 1 : i32
        %add3A_206 = arith.addi %add3A_204, %add3A_205 : i32
        %dma_start3A_207 = arith.constant 0 : i32
        %dma_start3A_208 = tpu.memref_slice %arg7[%add3A_206, %dma_start3A_207] : memref<64x128xi32, #tpu.memory_space<vmem>> -> memref<1x128xi32, #tpu.memory_space<vmem>>
        %dma_start3A_209 = tpu.memref_squeeze %dma_start3A_208 : memref<1x128xi32, #tpu.memory_space<vmem>> -> memref<128xi32, #tpu.memory_space<vmem>>
        %dma_start3A_210 = arith.constant 0 : i32
        %dma_start3A_211 = arith.constant 0 : i32
        %dma_start3A_212 = tpu.memref_slice %arg2[%dma_start3A_210, %dma_start3A_211] : memref<10240x128xf32, #tpu.memory_space<hbm>> -> memref<10240x128xf32, #tpu.memory_space<hbm>>
        tpu.enqueue_indirect_dma source(%dma_start3A_212 : memref<10240x128xf32, #tpu.memory_space<hbm>>) target(%arg11 : memref<128x128xf32, #tpu.memory_space<vmem>>) offsets(%dma_start3A_209 : memref<128xi32, #tpu.memory_space<vmem>>) semaphore(%arg13 : memref<!tpu.dma_semaphore, #tpu.memory_space<semaphore_mem>>)
      }
      %scan3A_97 = arith.constant 7 : i32
      %dma_wait3A_98 = arith.constant 14 : i32
      %dma_wait3A_99 = arith.constant 0 : i32
      %dma_wait3A_100 = tpu.memref_slice %arg7[%dma_wait3A_98, %dma_wait3A_99] : memref<64x128xi32, #tpu.memory_space<vmem>> -> memref<1x128xi32, #tpu.memory_space<vmem>>
      %dma_wait3A_101 = tpu.memref_squeeze %dma_wait3A_100 : memref<1x128xi32, #tpu.memory_space<vmem>> -> memref<128xi32, #tpu.memory_space<vmem>>
      %dma_wait3A_102 = arith.constant 0 : i32
      %dma_wait3A_103 = arith.constant 0 : i32
      %dma_wait3A_104 = tpu.memref_slice %arg2[%dma_wait3A_102, %dma_wait3A_103] : memref<10240x128xf32, #tpu.memory_space<hbm>> -> memref<10240x128xf32, #tpu.memory_space<hbm>>
      tpu.wait_indirect_dma semaphore(%arg12 : memref<!tpu.dma_semaphore, #tpu.memory_space<semaphore_mem>>) src(%dma_wait3A_104 : memref<10240x128xf32, #tpu.memory_space<hbm>>) dst(%arg10 : memref<128x128xf32, #tpu.memory_space<vmem>>)
      %dma_start3A_105 = arith.constant 14 : i32
      %dma_start3A_106 = arith.constant 0 : i32
      %dma_start3A_107 = tpu.memref_slice %arg8[%dma_start3A_105, %dma_start3A_106] : memref<64x128xi32, #tpu.memory_space<vmem>> -> memref<1x128xi32, #tpu.memory_space<vmem>>
      %dma_start3A_108 = tpu.memref_squeeze %dma_start3A_107 : memref<1x128xi32, #tpu.memory_space<vmem>> -> memref<128xi32, #tpu.memory_space<vmem>>
      %dma_start3A_109 = arith.constant 0 : i32
      %dma_start3A_110 = arith.constant 0 : i32
      %dma_start3A_111 = tpu.memref_slice %arg9[%dma_start3A_109, %dma_start3A_110] : memref<10240x128xf32, #tpu.memory_space<vmem_shared>> -> memref<10240x128xf32, #tpu.memory_space<vmem_shared>>
      tpu.enqueue_indirect_dma source(%arg10 : memref<128x128xf32, #tpu.memory_space<vmem>>) target(%dma_start3A_111 : memref<10240x128xf32, #tpu.memory_space<vmem_shared>>) offsets(%dma_start3A_108 : memref<128xi32, #tpu.memory_space<vmem>>) semaphore(%arg14 : memref<!tpu.dma_semaphore, #tpu.memory_space<semaphore_mem>>) {add = true}
      %dma_wait3A_112 = arith.constant 15 : i32
      %dma_wait3A_113 = arith.constant 0 : i32
      %dma_wait3A_114 = tpu.memref_slice %arg7[%dma_wait3A_112, %dma_wait3A_113] : memref<64x128xi32, #tpu.memory_space<vmem>> -> memref<1x128xi32, #tpu.memory_space<vmem>>
      %dma_wait3A_115 = tpu.memref_squeeze %dma_wait3A_114 : memref<1x128xi32, #tpu.memory_space<vmem>> -> memref<128xi32, #tpu.memory_space<vmem>>
      %dma_wait3A_116 = arith.constant 0 : i32
      %dma_wait3A_117 = arith.constant 0 : i32
      %dma_wait3A_118 = tpu.memref_slice %arg2[%dma_wait3A_116, %dma_wait3A_117] : memref<10240x128xf32, #tpu.memory_space<hbm>> -> memref<10240x128xf32, #tpu.memory_space<hbm>>
      tpu.wait_indirect_dma semaphore(%arg13 : memref<!tpu.dma_semaphore, #tpu.memory_space<semaphore_mem>>) src(%dma_wait3A_118 : memref<10240x128xf32, #tpu.memory_space<hbm>>) dst(%arg11 : memref<128x128xf32, #tpu.memory_space<vmem>>)
      %dma_start3A_119 = arith.constant 15 : i32
      %dma_start3A_120 = arith.constant 0 : i32
      %dma_start3A_121 = tpu.memref_slice %arg8[%dma_start3A_119, %dma_start3A_120] : memref<64x128xi32, #tpu.memory_space<vmem>> -> memref<1x128xi32, #tpu.memory_space<vmem>>
      %dma_start3A_122 = tpu.memref_squeeze %dma_start3A_121 : memref<1x128xi32, #tpu.memory_space<vmem>> -> memref<128xi32, #tpu.memory_space<vmem>>
      %dma_start3A_123 = arith.constant 0 : i32
      %dma_start3A_124 = arith.constant 0 : i32
      %dma_start3A_125 = tpu.memref_slice %arg9[%dma_start3A_123, %dma_start3A_124] : memref<10240x128xf32, #tpu.memory_space<vmem_shared>> -> memref<10240x128xf32, #tpu.memory_space<vmem_shared>>
      tpu.enqueue_indirect_dma source(%arg11 : memref<128x128xf32, #tpu.memory_space<vmem>>) target(%dma_start3A_125 : memref<10240x128xf32, #tpu.memory_space<vmem_shared>>) offsets(%dma_start3A_122 : memref<128xi32, #tpu.memory_space<vmem>>) semaphore(%arg15 : memref<!tpu.dma_semaphore, #tpu.memory_space<semaphore_mem>>) {add = true}
      %dma_wait3A_126 = arith.constant 14 : i32
      %dma_wait3A_127 = arith.constant 0 : i32
      %dma_wait3A_128 = tpu.memref_slice %arg8[%dma_wait3A_126, %dma_wait3A_127] : memref<64x128xi32, #tpu.memory_space<vmem>> -> memref<1x128xi32, #tpu.memory_space<vmem>>
      %dma_wait3A_129 = tpu.memref_squeeze %dma_wait3A_128 : memref<1x128xi32, #tpu.memory_space<vmem>> -> memref<128xi32, #tpu.memory_space<vmem>>
      %dma_wait3A_130 = arith.constant 0 : i32
      %dma_wait3A_131 = arith.constant 0 : i32
      %dma_wait3A_132 = tpu.memref_slice %arg9[%dma_wait3A_130, %dma_wait3A_131] : memref<10240x128xf32, #tpu.memory_space<vmem_shared>> -> memref<10240x128xf32, #tpu.memory_space<vmem_shared>>
      tpu.wait_indirect_dma semaphore(%arg14 : memref<!tpu.dma_semaphore, #tpu.memory_space<semaphore_mem>>) src(%arg10 : memref<128x128xf32, #tpu.memory_space<vmem>>) dst(%dma_wait3A_132 : memref<10240x128xf32, #tpu.memory_space<vmem_shared>>)
      %dma_wait3A_133 = arith.constant 15 : i32
      %dma_wait3A_134 = arith.constant 0 : i32
      %dma_wait3A_135 = tpu.memref_slice %arg8[%dma_wait3A_133, %dma_wait3A_134] : memref<64x128xi32, #tpu.memory_space<vmem>> -> memref<1x128xi32, #tpu.memory_space<vmem>>
      %dma_wait3A_136 = tpu.memref_squeeze %dma_wait3A_135 : memref<1x128xi32, #tpu.memory_space<vmem>> -> memref<128xi32, #tpu.memory_space<vmem>>
      %dma_wait3A_137 = arith.constant 0 : i32
      %dma_wait3A_138 = arith.constant 0 : i32
      %dma_wait3A_139 = tpu.memref_slice %arg9[%dma_wait3A_137, %dma_wait3A_138] : memref<10240x128xf32, #tpu.memory_space<vmem_shared>> -> memref<10240x128xf32, #tpu.memory_space<vmem_shared>>
      tpu.wait_indirect_dma semaphore(%arg15 : memref<!tpu.dma_semaphore, #tpu.memory_space<semaphore_mem>>) src(%arg11 : memref<128x128xf32, #tpu.memory_space<vmem>>) dst(%dma_wait3A_139 : memref<10240x128xf32, #tpu.memory_space<vmem_shared>>)
    } else {
    }
    %barrier3A_12 = arith.constant 0 : index
    tpu.barrier barrier_id(%barrier3A_12)
    "tpu.region"() ({
      %run_scoped3A = tpu.sem_alloc : memref<!tpu.dma_semaphore, #tpu.memory_space<semaphore_mem>>
      %dma_start3A = arith.constant 0 : i32
      %dma_start3A_13 = tpu.memref_slice %arg6[%add3A, %dma_start3A] : memref<20480x128xf32, #tpu.memory_space<hbm>> -> memref<640x128xf32, #tpu.memory_space<hbm>>
      %dma_start3A_14 = arith.constant 0 : i32
      %dma_start3A_15 = tpu.memref_slice %arg9[%mul3A_0, %dma_start3A_14] : memref<10240x128xf32, #tpu.memory_space<vmem_shared>> -> memref<640x128xf32, #tpu.memory_space<vmem_shared>>
      tpu.enqueue_dma source(%dma_start3A_15 : memref<640x128xf32, #tpu.memory_space<vmem_shared>>) target(%dma_start3A_13 : memref<640x128xf32, #tpu.memory_space<hbm>>) target_semaphore(%run_scoped3A : memref<!tpu.dma_semaphore, #tpu.memory_space<semaphore_mem>>)
      %dma_wait3A = arith.constant 0 : i32
      %dma_wait3A_16 = tpu.memref_slice %arg6[%add3A, %dma_wait3A] : memref<20480x128xf32, #tpu.memory_space<hbm>> -> memref<640x128xf32, #tpu.memory_space<hbm>>
      %dma_wait3A_17 = arith.constant 0 : i32
      %dma_wait3A_18 = tpu.memref_slice %arg9[%mul3A_0, %dma_wait3A_17] : memref<10240x128xf32, #tpu.memory_space<vmem_shared>> -> memref<640x128xf32, #tpu.memory_space<vmem_shared>>
      tpu.wait_dma2 semaphore(%run_scoped3A : memref<!tpu.dma_semaphore, #tpu.memory_space<semaphore_mem>>) src(%dma_wait3A_18 : memref<640x128xf32, #tpu.memory_space<vmem_shared>>) dst(%dma_wait3A_16 : memref<640x128xf32, #tpu.memory_space<hbm>>)
      tpu.yield
    }) : () -> ()
    return
  }
}

#map = affine_map<(d0, d1) -> (0, 0)>
module attributes {stable_mosaic.version = 14 : i64} {
  func.func @prop_kernel(%arg0: i32, %arg1: i32, %arg2: memref<10240x128xf32, #tpu.memory_space<hbm>>, %arg3: memref<2560x128xi32, #tpu.memory_space<hbm>>, %arg4: memref<2560x128xi32, #tpu.memory_space<hbm>>, %arg5: memref<20480x128xf32, #tpu.memory_space<hbm>>, %arg6: memref<20480x128xf32, #tpu.memory_space<hbm>>, %arg7: memref<64x128xi32, #tpu.memory_space<vmem>>, %arg8: memref<64x128xi32, #tpu.memory_space<vmem>>, %arg9: memref<10240x128xf32, #tpu.memory_space<vmem_shared>>, %arg10: memref<128x128xf32, #tpu.memory_space<vmem>>, %arg11: memref<128x128xf32, #tpu.memory_space<vmem>>, %arg12: memref<!tpu.dma_semaphore, #tpu.memory_space<semaphore_mem>>, %arg13: memref<!tpu.dma_semaphore, #tpu.memory_space<semaphore_mem>>, %arg14: memref<!tpu.dma_semaphore, #tpu.memory_space<semaphore_mem>>, %arg15: memref<!tpu.dma_semaphore, #tpu.memory_space<semaphore_mem>>) attributes {dimension_semantics = [#tpu.dimension_semantics<core_parallel>, #tpu.dimension_semantics<subcore_parallel>], iteration_bounds = array<i64: 2, 16>, scalar_prefetch = 0 : i64, scratch_operands = 9 : i64, tpu.core_type = #tpu.core_type<sc_vector_subcore>, window_params = [{transform_indices = #map}, {transform_indices = #map}, {transform_indices = #map}, {transform_indices = #map}, {transform_indices = #map}]} {
    %mul3A = arith.constant 640 : i32
    %mul3A_0 = arith.muli %arg1, %mul3A : i32
    %mul3A_1 = arith.constant 10240 : i32
    %mul3A_2 = arith.muli %arg0, %mul3A_1 : i32
    %mul3A_3 = arith.constant 640 : i32
    %mul3A_4 = arith.muli %arg1, %mul3A_3 : i32
    %add3A = arith.addi %mul3A_2, %mul3A_4 : i32
    "tpu.region"() ({
      %run_scoped3A = tpu.sem_alloc : memref<!tpu.dma_semaphore, #tpu.memory_space<semaphore_mem>>
      %dma_start3A = arith.constant 0 : i32
      %dma_start3A_13 = tpu.memref_slice %arg9[%mul3A_0, %dma_start3A] : memref<10240x128xf32, #tpu.memory_space<vmem_shared>> -> memref<640x128xf32, #tpu.memory_space<vmem_shared>>
      %dma_start3A_14 = arith.constant 0 : i32
      %dma_start3A_15 = tpu.memref_slice %arg5[%add3A, %dma_start3A_14] : memref<20480x128xf32, #tpu.memory_space<hbm>> -> memref<640x128xf32, #tpu.memory_space<hbm>>
      tpu.enqueue_dma source(%dma_start3A_15 : memref<640x128xf32, #tpu.memory_space<hbm>>) target(%dma_start3A_13 : memref<640x128xf32, #tpu.memory_space<vmem_shared>>) target_semaphore(%run_scoped3A : memref<!tpu.dma_semaphore, #tpu.memory_space<semaphore_mem>>)
      %dma_wait3A = arith.constant 0 : i32
      %dma_wait3A_16 = tpu.memref_slice %arg9[%mul3A_0, %dma_wait3A] : memref<10240x128xf32, #tpu.memory_space<vmem_shared>> -> memref<640x128xf32, #tpu.memory_space<vmem_shared>>
      %dma_wait3A_17 = arith.constant 0 : i32
      %dma_wait3A_18 = tpu.memref_slice %arg5[%add3A, %dma_wait3A_17] : memref<20480x128xf32, #tpu.memory_space<hbm>> -> memref<640x128xf32, #tpu.memory_space<hbm>>
      tpu.wait_dma2 semaphore(%run_scoped3A : memref<!tpu.dma_semaphore, #tpu.memory_space<semaphore_mem>>) src(%dma_wait3A_18 : memref<640x128xf32, #tpu.memory_space<hbm>>) dst(%dma_wait3A_16 : memref<640x128xf32, #tpu.memory_space<vmem_shared>>)
      tpu.yield
    }) : () -> ()
    %barrier3A = arith.constant 0 : index
    tpu.barrier barrier_id(%barrier3A)
    %eq3A = arith.constant 0 : i32
    %eq3A_5 = arith.cmpi eq, %arg0, %eq3A : i32
    %convert_element_type3A = arith.extui %eq3A_5 : i1 to i32
    %cond3A = arith.constant 0 : i32
    %cond3A_6 = arith.cmpi ne, %convert_element_type3A, %cond3A : i32
    scf.if %cond3A_6 {
      %mul3A_13 = arith.constant 128 : i32
      %mul3A_14 = arith.muli %arg1, %mul3A_13 : i32
      %add3A_15 = arith.constant 0 : i32
      %add3A_16 = arith.addi %mul3A_14, %add3A_15 : i32
      "tpu.region"() ({
        %run_scoped3A = tpu.sem_alloc : memref<!tpu.dma_semaphore, #tpu.memory_space<semaphore_mem>>
        %dma_start3A_140 = arith.constant 0 : i32
        %dma_start3A_141 = arith.constant 0 : i32
        %dma_start3A_142 = tpu.memref_slice %arg7[%dma_start3A_140, %dma_start3A_141] : memref<64x128xi32, #tpu.memory_space<vmem>> -> memref<64x128xi32, #tpu.memory_space<vmem>>
        %dma_start3A_143 = arith.constant 0 : i32
        %dma_start3A_144 = tpu.memref_slice %arg3[%add3A_16, %dma_start3A_143] : memref<2560x128xi32, #tpu.memory_space<hbm>> -> memref<64x128xi32, #tpu.memory_space<hbm>>
        %dma_start3A_145 = arith.constant 0 : i32
        %dma_start3A_146 = arith.constant 0 : i32
        %dma_start3A_147 = tpu.memref_slice %arg7[%dma_start3A_145, %dma_start3A_146] : memref<64x128xi32, #tpu.memory_space<vmem>> -> memref<64x128xi32, #tpu.memory_space<vmem>>
        %dma_start3A_148 = arith.constant 0 : i32
        %dma_start3A_149 = tpu.memref_slice %arg3[%add3A_16, %dma_start3A_148] : memref<2560x128xi32, #tpu.memory_space<hbm>> -> memref<64x128xi32, #tpu.memory_space<hbm>>
        tpu.enqueue_dma source(%dma_start3A_149 : memref<64x128xi32, #tpu.memory_space<hbm>>) target(%dma_start3A_147 : memref<64x128xi32, #tpu.memory_space<vmem>>) target_semaphore(%run_scoped3A : memref<!tpu.dma_semaphore, #tpu.memory_space<semaphore_mem>>)
        %dma_wait3A_150 = arith.constant 0 : i32
        %dma_wait3A_151 = arith.constant 0 : i32
        %dma_wait3A_152 = tpu.memref_slice %arg7[%dma_wait3A_150, %dma_wait3A_151] : memref<64x128xi32, #tpu.memory_space<vmem>> -> memref<64x128xi32, #tpu.memory_space<vmem>>
        %dma_wait3A_153 = arith.constant 0 : i32
        %dma_wait3A_154 = tpu.memref_slice %arg3[%add3A_16, %dma_wait3A_153] : memref<2560x128xi32, #tpu.memory_space<hbm>> -> memref<64x128xi32, #tpu.memory_space<hbm>>
        %dma_wait3A_155 = arith.constant 0 : i32
        %dma_wait3A_156 = arith.constant 0 : i32
        %dma_wait3A_157 = tpu.memref_slice %arg7[%dma_wait3A_155, %dma_wait3A_156] : memref<64x128xi32, #tpu.memory_space<vmem>> -> memref<64x128xi32, #tpu.memory_space<vmem>>
        %dma_wait3A_158 = arith.constant 0 : i32
        %dma_wait3A_159 = tpu.memref_slice %arg3[%add3A_16, %dma_wait3A_158] : memref<2560x128xi32, #tpu.memory_space<hbm>> -> memref<64x128xi32, #tpu.memory_space<hbm>>
        tpu.wait_dma2 semaphore(%run_scoped3A : memref<!tpu.dma_semaphore, #tpu.memory_space<semaphore_mem>>) src(%dma_wait3A_159 : memref<64x128xi32, #tpu.memory_space<hbm>>) dst(%dma_wait3A_157 : memref<64x128xi32, #tpu.memory_space<vmem>>)
        tpu.yield
      }) : () -> ()
      "tpu.region"() ({
        %run_scoped3A = tpu.sem_alloc : memref<!tpu.dma_semaphore, #tpu.memory_space<semaphore_mem>>
        %dma_start3A_140 = arith.constant 0 : i32
        %dma_start3A_141 = arith.constant 0 : i32
        %dma_start3A_142 = tpu.memref_slice %arg8[%dma_start3A_140, %dma_start3A_141] : memref<64x128xi32, #tpu.memory_space<vmem>> -> memref<64x128xi32, #tpu.memory_space<vmem>>
        %dma_start3A_143 = arith.constant 0 : i32
        %dma_start3A_144 = tpu.memref_slice %arg4[%add3A_16, %dma_start3A_143] : memref<2560x128xi32, #tpu.memory_space<hbm>> -> memref<64x128xi32, #tpu.memory_space<hbm>>
        %dma_start3A_145 = arith.constant 0 : i32
        %dma_start3A_146 = arith.constant 0 : i32
        %dma_start3A_147 = tpu.memref_slice %arg8[%dma_start3A_145, %dma_start3A_146] : memref<64x128xi32, #tpu.memory_space<vmem>> -> memref<64x128xi32, #tpu.memory_space<vmem>>
        %dma_start3A_148 = arith.constant 0 : i32
        %dma_start3A_149 = tpu.memref_slice %arg4[%add3A_16, %dma_start3A_148] : memref<2560x128xi32, #tpu.memory_space<hbm>> -> memref<64x128xi32, #tpu.memory_space<hbm>>
        tpu.enqueue_dma source(%dma_start3A_149 : memref<64x128xi32, #tpu.memory_space<hbm>>) target(%dma_start3A_147 : memref<64x128xi32, #tpu.memory_space<vmem>>) target_semaphore(%run_scoped3A : memref<!tpu.dma_semaphore, #tpu.memory_space<semaphore_mem>>)
        %dma_wait3A_150 = arith.constant 0 : i32
        %dma_wait3A_151 = arith.constant 0 : i32
        %dma_wait3A_152 = tpu.memref_slice %arg8[%dma_wait3A_150, %dma_wait3A_151] : memref<64x128xi32, #tpu.memory_space<vmem>> -> memref<64x128xi32, #tpu.memory_space<vmem>>
        %dma_wait3A_153 = arith.constant 0 : i32
        %dma_wait3A_154 = tpu.memref_slice %arg4[%add3A_16, %dma_wait3A_153] : memref<2560x128xi32, #tpu.memory_space<hbm>> -> memref<64x128xi32, #tpu.memory_space<hbm>>
        %dma_wait3A_155 = arith.constant 0 : i32
        %dma_wait3A_156 = arith.constant 0 : i32
        %dma_wait3A_157 = tpu.memref_slice %arg8[%dma_wait3A_155, %dma_wait3A_156] : memref<64x128xi32, #tpu.memory_space<vmem>> -> memref<64x128xi32, #tpu.memory_space<vmem>>
        %dma_wait3A_158 = arith.constant 0 : i32
        %dma_wait3A_159 = tpu.memref_slice %arg4[%add3A_16, %dma_wait3A_158] : memref<2560x128xi32, #tpu.memory_space<hbm>> -> memref<64x128xi32, #tpu.memory_space<hbm>>
        tpu.wait_dma2 semaphore(%run_scoped3A : memref<!tpu.dma_semaphore, #tpu.memory_space<semaphore_mem>>) src(%dma_wait3A_159 : memref<64x128xi32, #tpu.memory_space<hbm>>) dst(%dma_wait3A_157 : memref<64x128xi32, #tpu.memory_space<vmem>>)
        tpu.yield
      }) : () -> ()
      %dma_start3A = arith.constant 0 : i32
      %dma_start3A_17 = arith.constant 0 : i32
      %dma_start3A_18 = tpu.memref_slice %arg7[%dma_start3A, %dma_start3A_17] : memref<64x128xi32, #tpu.memory_space<vmem>> -> memref<1x128xi32, #tpu.memory_space<vmem>>
      %dma_start3A_19 = tpu.memref_squeeze %dma_start3A_18 : memref<1x128xi32, #tpu.memory_space<vmem>> -> memref<128xi32, #tpu.memory_space<vmem>>
      %dma_start3A_20 = arith.constant 0 : i32
      %dma_start3A_21 = arith.constant 0 : i32
      %dma_start3A_22 = tpu.memref_slice %arg2[%dma_start3A_20, %dma_start3A_21] : memref<10240x128xf32, #tpu.memory_space<hbm>> -> memref<10240x128xf32, #tpu.memory_space<hbm>>
      tpu.enqueue_indirect_dma source(%dma_start3A_22 : memref<10240x128xf32, #tpu.memory_space<hbm>>) target(%arg10 : memref<128x128xf32, #tpu.memory_space<vmem>>) offsets(%dma_start3A_19 : memref<128xi32, #tpu.memory_space<vmem>>) semaphore(%arg12 : memref<!tpu.dma_semaphore, #tpu.memory_space<semaphore_mem>>)
      %dma_start3A_23 = arith.constant 1 : i32
      %dma_start3A_24 = arith.constant 0 : i32
      %dma_start3A_25 = tpu.memref_slice %arg7[%dma_start3A_23, %dma_start3A_24] : memref<64x128xi32, #tpu.memory_space<vmem>> -> memref<1x128xi32, #tpu.memory_space<vmem>>
      %dma_start3A_26 = tpu.memref_squeeze %dma_start3A_25 : memref<1x128xi32, #tpu.memory_space<vmem>> -> memref<128xi32, #tpu.memory_space<vmem>>
      %dma_start3A_27 = arith.constant 0 : i32
      %dma_start3A_28 = arith.constant 0 : i32
      %dma_start3A_29 = tpu.memref_slice %arg2[%dma_start3A_27, %dma_start3A_28] : memref<10240x128xf32, #tpu.memory_space<hbm>> -> memref<10240x128xf32, #tpu.memory_space<hbm>>
      tpu.enqueue_indirect_dma source(%dma_start3A_29 : memref<10240x128xf32, #tpu.memory_space<hbm>>) target(%arg11 : memref<128x128xf32, #tpu.memory_space<vmem>>) offsets(%dma_start3A_26 : memref<128xi32, #tpu.memory_space<vmem>>) semaphore(%arg13 : memref<!tpu.dma_semaphore, #tpu.memory_space<semaphore_mem>>)
      %scan3A = arith.constant 0 : i32
      %scan3A_30 = arith.constant 31 : i32
      %scan3A_31 = arith.addi %scan3A, %scan3A_30 : i32
      %scan3A_32 = arith.constant 1 : i32
      scf.for %scan3A_140 = %scan3A to %scan3A_31 step %scan3A_32  : i32 {
        %mul3A_141 = arith.constant 2 : i32
        %mul3A_142 = arith.muli %scan3A_140, %mul3A_141 : i32
        %add3A_143 = arith.constant 0 : i32
        %add3A_144 = arith.addi %add3A_143, %mul3A_142 : i32
        %add3A_145 = arith.constant 0 : i32
        %add3A_146 = arith.addi %add3A_144, %add3A_145 : i32
        %dma_wait3A_147 = arith.constant 0 : i32
        %dma_wait3A_148 = tpu.memref_slice %arg7[%add3A_146, %dma_wait3A_147] : memref<64x128xi32, #tpu.memory_space<vmem>> -> memref<1x128xi32, #tpu.memory_space<vmem>>
        %dma_wait3A_149 = tpu.memref_squeeze %dma_wait3A_148 : memref<1x128xi32, #tpu.memory_space<vmem>> -> memref<128xi32, #tpu.memory_space<vmem>>
        %dma_wait3A_150 = arith.constant 0 : i32
        %dma_wait3A_151 = arith.constant 0 : i32
        %dma_wait3A_152 = tpu.memref_slice %arg2[%dma_wait3A_150, %dma_wait3A_151] : memref<10240x128xf32, #tpu.memory_space<hbm>> -> memref<10240x128xf32, #tpu.memory_space<hbm>>
        tpu.wait_indirect_dma semaphore(%arg12 : memref<!tpu.dma_semaphore, #tpu.memory_space<semaphore_mem>>) src(%dma_wait3A_152 : memref<10240x128xf32, #tpu.memory_space<hbm>>) dst(%arg10 : memref<128x128xf32, #tpu.memory_space<vmem>>)
        %add3A_153 = arith.constant 0 : i32
        %add3A_154 = arith.addi %add3A_144, %add3A_153 : i32
        %dma_start3A_155 = arith.constant 0 : i32
        %dma_start3A_156 = tpu.memref_slice %arg8[%add3A_154, %dma_start3A_155] : memref<64x128xi32, #tpu.memory_space<vmem>> -> memref<1x128xi32, #tpu.memory_space<vmem>>
        %dma_start3A_157 = tpu.memref_squeeze %dma_start3A_156 : memref<1x128xi32, #tpu.memory_space<vmem>> -> memref<128xi32, #tpu.memory_space<vmem>>
        %dma_start3A_158 = arith.constant 0 : i32
        %dma_start3A_159 = arith.constant 0 : i32
        %dma_start3A_160 = tpu.memref_slice %arg9[%dma_start3A_158, %dma_start3A_159] : memref<10240x128xf32, #tpu.memory_space<vmem_shared>> -> memref<10240x128xf32, #tpu.memory_space<vmem_shared>>
        tpu.enqueue_indirect_dma source(%arg10 : memref<128x128xf32, #tpu.memory_space<vmem>>) target(%dma_start3A_160 : memref<10240x128xf32, #tpu.memory_space<vmem_shared>>) offsets(%dma_start3A_157 : memref<128xi32, #tpu.memory_space<vmem>>) semaphore(%arg14 : memref<!tpu.dma_semaphore, #tpu.memory_space<semaphore_mem>>) {add = true}
        %add3A_161 = arith.constant 1 : i32
        %add3A_162 = arith.addi %add3A_144, %add3A_161 : i32
        %dma_wait3A_163 = arith.constant 0 : i32
        %dma_wait3A_164 = tpu.memref_slice %arg7[%add3A_162, %dma_wait3A_163] : memref<64x128xi32, #tpu.memory_space<vmem>> -> memref<1x128xi32, #tpu.memory_space<vmem>>
        %dma_wait3A_165 = tpu.memref_squeeze %dma_wait3A_164 : memref<1x128xi32, #tpu.memory_space<vmem>> -> memref<128xi32, #tpu.memory_space<vmem>>
        %dma_wait3A_166 = arith.constant 0 : i32
        %dma_wait3A_167 = arith.constant 0 : i32
        %dma_wait3A_168 = tpu.memref_slice %arg2[%dma_wait3A_166, %dma_wait3A_167] : memref<10240x128xf32, #tpu.memory_space<hbm>> -> memref<10240x128xf32, #tpu.memory_space<hbm>>
        tpu.wait_indirect_dma semaphore(%arg13 : memref<!tpu.dma_semaphore, #tpu.memory_space<semaphore_mem>>) src(%dma_wait3A_168 : memref<10240x128xf32, #tpu.memory_space<hbm>>) dst(%arg11 : memref<128x128xf32, #tpu.memory_space<vmem>>)
        %add3A_169 = arith.constant 1 : i32
        %add3A_170 = arith.addi %add3A_144, %add3A_169 : i32
        %dma_start3A_171 = arith.constant 0 : i32
        %dma_start3A_172 = tpu.memref_slice %arg8[%add3A_170, %dma_start3A_171] : memref<64x128xi32, #tpu.memory_space<vmem>> -> memref<1x128xi32, #tpu.memory_space<vmem>>
        %dma_start3A_173 = tpu.memref_squeeze %dma_start3A_172 : memref<1x128xi32, #tpu.memory_space<vmem>> -> memref<128xi32, #tpu.memory_space<vmem>>
        %dma_start3A_174 = arith.constant 0 : i32
        %dma_start3A_175 = arith.constant 0 : i32
        %dma_start3A_176 = tpu.memref_slice %arg9[%dma_start3A_174, %dma_start3A_175] : memref<10240x128xf32, #tpu.memory_space<vmem_shared>> -> memref<10240x128xf32, #tpu.memory_space<vmem_shared>>
        tpu.enqueue_indirect_dma source(%arg11 : memref<128x128xf32, #tpu.memory_space<vmem>>) target(%dma_start3A_176 : memref<10240x128xf32, #tpu.memory_space<vmem_shared>>) offsets(%dma_start3A_173 : memref<128xi32, #tpu.memory_space<vmem>>) semaphore(%arg15 : memref<!tpu.dma_semaphore, #tpu.memory_space<semaphore_mem>>) {add = true}
        %add3A_177 = arith.constant 0 : i32
        %add3A_178 = arith.addi %add3A_144, %add3A_177 : i32
        %dma_wait3A_179 = arith.constant 0 : i32
        %dma_wait3A_180 = tpu.memref_slice %arg8[%add3A_178, %dma_wait3A_179] : memref<64x128xi32, #tpu.memory_space<vmem>> -> memref<1x128xi32, #tpu.memory_space<vmem>>
        %dma_wait3A_181 = tpu.memref_squeeze %dma_wait3A_180 : memref<1x128xi32, #tpu.memory_space<vmem>> -> memref<128xi32, #tpu.memory_space<vmem>>
        %dma_wait3A_182 = arith.constant 0 : i32
        %dma_wait3A_183 = arith.constant 0 : i32
        %dma_wait3A_184 = tpu.memref_slice %arg9[%dma_wait3A_182, %dma_wait3A_183] : memref<10240x128xf32, #tpu.memory_space<vmem_shared>> -> memref<10240x128xf32, #tpu.memory_space<vmem_shared>>
        tpu.wait_indirect_dma semaphore(%arg14 : memref<!tpu.dma_semaphore, #tpu.memory_space<semaphore_mem>>) src(%arg10 : memref<128x128xf32, #tpu.memory_space<vmem>>) dst(%dma_wait3A_184 : memref<10240x128xf32, #tpu.memory_space<vmem_shared>>)
        %add3A_185 = arith.constant 2 : i32
        %add3A_186 = arith.addi %add3A_144, %add3A_185 : i32
        %add3A_187 = arith.constant 0 : i32
        %add3A_188 = arith.addi %add3A_186, %add3A_187 : i32
        %dma_start3A_189 = arith.constant 0 : i32
        %dma_start3A_190 = tpu.memref_slice %arg7[%add3A_188, %dma_start3A_189] : memref<64x128xi32, #tpu.memory_space<vmem>> -> memref<1x128xi32, #tpu.memory_space<vmem>>
        %dma_start3A_191 = tpu.memref_squeeze %dma_start3A_190 : memref<1x128xi32, #tpu.memory_space<vmem>> -> memref<128xi32, #tpu.memory_space<vmem>>
        %dma_start3A_192 = arith.constant 0 : i32
        %dma_start3A_193 = arith.constant 0 : i32
        %dma_start3A_194 = tpu.memref_slice %arg2[%dma_start3A_192, %dma_start3A_193] : memref<10240x128xf32, #tpu.memory_space<hbm>> -> memref<10240x128xf32, #tpu.memory_space<hbm>>
        tpu.enqueue_indirect_dma source(%dma_start3A_194 : memref<10240x128xf32, #tpu.memory_space<hbm>>) target(%arg10 : memref<128x128xf32, #tpu.memory_space<vmem>>) offsets(%dma_start3A_191 : memref<128xi32, #tpu.memory_space<vmem>>) semaphore(%arg12 : memref<!tpu.dma_semaphore, #tpu.memory_space<semaphore_mem>>)
        %add3A_195 = arith.constant 1 : i32
        %add3A_196 = arith.addi %add3A_144, %add3A_195 : i32
        %dma_wait3A_197 = arith.constant 0 : i32
        %dma_wait3A_198 = tpu.memref_slice %arg8[%add3A_196, %dma_wait3A_197] : memref<64x128xi32, #tpu.memory_space<vmem>> -> memref<1x128xi32, #tpu.memory_space<vmem>>
        %dma_wait3A_199 = tpu.memref_squeeze %dma_wait3A_198 : memref<1x128xi32, #tpu.memory_space<vmem>> -> memref<128xi32, #tpu.memory_space<vmem>>
        %dma_wait3A_200 = arith.constant 0 : i32
        %dma_wait3A_201 = arith.constant 0 : i32
        %dma_wait3A_202 = tpu.memref_slice %arg9[%dma_wait3A_200, %dma_wait3A_201] : memref<10240x128xf32, #tpu.memory_space<vmem_shared>> -> memref<10240x128xf32, #tpu.memory_space<vmem_shared>>
        tpu.wait_indirect_dma semaphore(%arg15 : memref<!tpu.dma_semaphore, #tpu.memory_space<semaphore_mem>>) src(%arg11 : memref<128x128xf32, #tpu.memory_space<vmem>>) dst(%dma_wait3A_202 : memref<10240x128xf32, #tpu.memory_space<vmem_shared>>)
        %add3A_203 = arith.constant 2 : i32
        %add3A_204 = arith.addi %add3A_144, %add3A_203 : i32
        %add3A_205 = arith.constant 1 : i32
        %add3A_206 = arith.addi %add3A_204, %add3A_205 : i32
        %dma_start3A_207 = arith.constant 0 : i32
        %dma_start3A_208 = tpu.memref_slice %arg7[%add3A_206, %dma_start3A_207] : memref<64x128xi32, #tpu.memory_space<vmem>> -> memref<1x128xi32, #tpu.memory_space<vmem>>
        %dma_start3A_209 = tpu.memref_squeeze %dma_start3A_208 : memref<1x128xi32, #tpu.memory_space<vmem>> -> memref<128xi32, #tpu.memory_space<vmem>>
        %dma_start3A_210 = arith.constant 0 : i32
        %dma_start3A_211 = arith.constant 0 : i32
        %dma_start3A_212 = tpu.memref_slice %arg2[%dma_start3A_210, %dma_start3A_211] : memref<10240x128xf32, #tpu.memory_space<hbm>> -> memref<10240x128xf32, #tpu.memory_space<hbm>>
        tpu.enqueue_indirect_dma source(%dma_start3A_212 : memref<10240x128xf32, #tpu.memory_space<hbm>>) target(%arg11 : memref<128x128xf32, #tpu.memory_space<vmem>>) offsets(%dma_start3A_209 : memref<128xi32, #tpu.memory_space<vmem>>) semaphore(%arg13 : memref<!tpu.dma_semaphore, #tpu.memory_space<semaphore_mem>>)
      }
      %scan3A_33 = arith.constant 31 : i32
      %dma_wait3A = arith.constant 62 : i32
      %dma_wait3A_34 = arith.constant 0 : i32
      %dma_wait3A_35 = tpu.memref_slice %arg7[%dma_wait3A, %dma_wait3A_34] : memref<64x128xi32, #tpu.memory_space<vmem>> -> memref<1x128xi32, #tpu.memory_space<vmem>>
      %dma_wait3A_36 = tpu.memref_squeeze %dma_wait3A_35 : memref<1x128xi32, #tpu.memory_space<vmem>> -> memref<128xi32, #tpu.memory_space<vmem>>
      %dma_wait3A_37 = arith.constant 0 : i32
      %dma_wait3A_38 = arith.constant 0 : i32
      %dma_wait3A_39 = tpu.memref_slice %arg2[%dma_wait3A_37, %dma_wait3A_38] : memref<10240x128xf32, #tpu.memory_space<hbm>> -> memref<10240x128xf32, #tpu.memory_space<hbm>>
      tpu.wait_indirect_dma semaphore(%arg12 : memref<!tpu.dma_semaphore, #tpu.memory_space<semaphore_mem>>) src(%dma_wait3A_39 : memref<10240x128xf32, #tpu.memory_space<hbm>>) dst(%arg10 : memref<128x128xf32, #tpu.memory_space<vmem>>)
      %dma_start3A_40 = arith.constant 62 : i32
      %dma_start3A_41 = arith.constant 0 : i32
      %dma_start3A_42 = tpu.memref_slice %arg8[%dma_start3A_40, %dma_start3A_41] : memref<64x128xi32, #tpu.memory_space<vmem>> -> memref<1x128xi32, #tpu.memory_space<vmem>>
      %dma_start3A_43 = tpu.memref_squeeze %dma_start3A_42 : memref<1x128xi32, #tpu.memory_space<vmem>> -> memref<128xi32, #tpu.memory_space<vmem>>
      %dma_start3A_44 = arith.constant 0 : i32
      %dma_start3A_45 = arith.constant 0 : i32
      %dma_start3A_46 = tpu.memref_slice %arg9[%dma_start3A_44, %dma_start3A_45] : memref<10240x128xf32, #tpu.memory_space<vmem_shared>> -> memref<10240x128xf32, #tpu.memory_space<vmem_shared>>
      tpu.enqueue_indirect_dma source(%arg10 : memref<128x128xf32, #tpu.memory_space<vmem>>) target(%dma_start3A_46 : memref<10240x128xf32, #tpu.memory_space<vmem_shared>>) offsets(%dma_start3A_43 : memref<128xi32, #tpu.memory_space<vmem>>) semaphore(%arg14 : memref<!tpu.dma_semaphore, #tpu.memory_space<semaphore_mem>>) {add = true}
      %dma_wait3A_47 = arith.constant 63 : i32
      %dma_wait3A_48 = arith.constant 0 : i32
      %dma_wait3A_49 = tpu.memref_slice %arg7[%dma_wait3A_47, %dma_wait3A_48] : memref<64x128xi32, #tpu.memory_space<vmem>> -> memref<1x128xi32, #tpu.memory_space<vmem>>
      %dma_wait3A_50 = tpu.memref_squeeze %dma_wait3A_49 : memref<1x128xi32, #tpu.memory_space<vmem>> -> memref<128xi32, #tpu.memory_space<vmem>>
      %dma_wait3A_51 = arith.constant 0 : i32
      %dma_wait3A_52 = arith.constant 0 : i32
      %dma_wait3A_53 = tpu.memref_slice %arg2[%dma_wait3A_51, %dma_wait3A_52] : memref<10240x128xf32, #tpu.memory_space<hbm>> -> memref<10240x128xf32, #tpu.memory_space<hbm>>
      tpu.wait_indirect_dma semaphore(%arg13 : memref<!tpu.dma_semaphore, #tpu.memory_space<semaphore_mem>>) src(%dma_wait3A_53 : memref<10240x128xf32, #tpu.memory_space<hbm>>) dst(%arg11 : memref<128x128xf32, #tpu.memory_space<vmem>>)
      %dma_start3A_54 = arith.constant 63 : i32
      %dma_start3A_55 = arith.constant 0 : i32
      %dma_start3A_56 = tpu.memref_slice %arg8[%dma_start3A_54, %dma_start3A_55] : memref<64x128xi32, #tpu.memory_space<vmem>> -> memref<1x128xi32, #tpu.memory_space<vmem>>
      %dma_start3A_57 = tpu.memref_squeeze %dma_start3A_56 : memref<1x128xi32, #tpu.memory_space<vmem>> -> memref<128xi32, #tpu.memory_space<vmem>>
      %dma_start3A_58 = arith.constant 0 : i32
      %dma_start3A_59 = arith.constant 0 : i32
      %dma_start3A_60 = tpu.memref_slice %arg9[%dma_start3A_58, %dma_start3A_59] : memref<10240x128xf32, #tpu.memory_space<vmem_shared>> -> memref<10240x128xf32, #tpu.memory_space<vmem_shared>>
      tpu.enqueue_indirect_dma source(%arg11 : memref<128x128xf32, #tpu.memory_space<vmem>>) target(%dma_start3A_60 : memref<10240x128xf32, #tpu.memory_space<vmem_shared>>) offsets(%dma_start3A_57 : memref<128xi32, #tpu.memory_space<vmem>>) semaphore(%arg15 : memref<!tpu.dma_semaphore, #tpu.memory_space<semaphore_mem>>) {add = true}
      %dma_wait3A_61 = arith.constant 62 : i32
      %dma_wait3A_62 = arith.constant 0 : i32
      %dma_wait3A_63 = tpu.memref_slice %arg8[%dma_wait3A_61, %dma_wait3A_62] : memref<64x128xi32, #tpu.memory_space<vmem>> -> memref<1x128xi32, #tpu.memory_space<vmem>>
      %dma_wait3A_64 = tpu.memref_squeeze %dma_wait3A_63 : memref<1x128xi32, #tpu.memory_space<vmem>> -> memref<128xi32, #tpu.memory_space<vmem>>
      %dma_wait3A_65 = arith.constant 0 : i32
      %dma_wait3A_66 = arith.constant 0 : i32
      %dma_wait3A_67 = tpu.memref_slice %arg9[%dma_wait3A_65, %dma_wait3A_66] : memref<10240x128xf32, #tpu.memory_space<vmem_shared>> -> memref<10240x128xf32, #tpu.memory_space<vmem_shared>>
      tpu.wait_indirect_dma semaphore(%arg14 : memref<!tpu.dma_semaphore, #tpu.memory_space<semaphore_mem>>) src(%arg10 : memref<128x128xf32, #tpu.memory_space<vmem>>) dst(%dma_wait3A_67 : memref<10240x128xf32, #tpu.memory_space<vmem_shared>>)
      %dma_wait3A_68 = arith.constant 63 : i32
      %dma_wait3A_69 = arith.constant 0 : i32
      %dma_wait3A_70 = tpu.memref_slice %arg8[%dma_wait3A_68, %dma_wait3A_69] : memref<64x128xi32, #tpu.memory_space<vmem>> -> memref<1x128xi32, #tpu.memory_space<vmem>>
      %dma_wait3A_71 = tpu.memref_squeeze %dma_wait3A_70 : memref<1x128xi32, #tpu.memory_space<vmem>> -> memref<128xi32, #tpu.memory_space<vmem>>
      %dma_wait3A_72 = arith.constant 0 : i32
      %dma_wait3A_73 = arith.constant 0 : i32
      %dma_wait3A_74 = tpu.memref_slice %arg9[%dma_wait3A_72, %dma_wait3A_73] : memref<10240x128xf32, #tpu.memory_space<vmem_shared>> -> memref<10240x128xf32, #tpu.memory_space<vmem_shared>>
      tpu.wait_indirect_dma semaphore(%arg15 : memref<!tpu.dma_semaphore, #tpu.memory_space<semaphore_mem>>) src(%arg11 : memref<128x128xf32, #tpu.memory_space<vmem>>) dst(%dma_wait3A_74 : memref<10240x128xf32, #tpu.memory_space<vmem_shared>>)
      %mul3A_75 = arith.constant 128 : i32
      %mul3A_76 = arith.muli %arg1, %mul3A_75 : i32
      %add3A_77 = arith.constant 64 : i32
      %add3A_78 = arith.addi %mul3A_76, %add3A_77 : i32
      "tpu.region"() ({
        %run_scoped3A = tpu.sem_alloc : memref<!tpu.dma_semaphore, #tpu.memory_space<semaphore_mem>>
        %dma_start3A_140 = arith.constant 0 : i32
        %dma_start3A_141 = arith.constant 0 : i32
        %dma_start3A_142 = tpu.memref_slice %arg7[%dma_start3A_140, %dma_start3A_141] : memref<64x128xi32, #tpu.memory_space<vmem>> -> memref<64x128xi32, #tpu.memory_space<vmem>>
        %dma_start3A_143 = arith.constant 0 : i32
        %dma_start3A_144 = tpu.memref_slice %arg3[%add3A_78, %dma_start3A_143] : memref<2560x128xi32, #tpu.memory_space<hbm>> -> memref<64x128xi32, #tpu.memory_space<hbm>>
        %dma_start3A_145 = arith.constant 0 : i32
        %dma_start3A_146 = arith.constant 0 : i32
        %dma_start3A_147 = tpu.memref_slice %arg7[%dma_start3A_145, %dma_start3A_146] : memref<64x128xi32, #tpu.memory_space<vmem>> -> memref<64x128xi32, #tpu.memory_space<vmem>>
        %dma_start3A_148 = arith.constant 0 : i32
        %dma_start3A_149 = tpu.memref_slice %arg3[%add3A_78, %dma_start3A_148] : memref<2560x128xi32, #tpu.memory_space<hbm>> -> memref<64x128xi32, #tpu.memory_space<hbm>>
        tpu.enqueue_dma source(%dma_start3A_149 : memref<64x128xi32, #tpu.memory_space<hbm>>) target(%dma_start3A_147 : memref<64x128xi32, #tpu.memory_space<vmem>>) target_semaphore(%run_scoped3A : memref<!tpu.dma_semaphore, #tpu.memory_space<semaphore_mem>>)
        %dma_wait3A_150 = arith.constant 0 : i32
        %dma_wait3A_151 = arith.constant 0 : i32
        %dma_wait3A_152 = tpu.memref_slice %arg7[%dma_wait3A_150, %dma_wait3A_151] : memref<64x128xi32, #tpu.memory_space<vmem>> -> memref<64x128xi32, #tpu.memory_space<vmem>>
        %dma_wait3A_153 = arith.constant 0 : i32
        %dma_wait3A_154 = tpu.memref_slice %arg3[%add3A_78, %dma_wait3A_153] : memref<2560x128xi32, #tpu.memory_space<hbm>> -> memref<64x128xi32, #tpu.memory_space<hbm>>
        %dma_wait3A_155 = arith.constant 0 : i32
        %dma_wait3A_156 = arith.constant 0 : i32
        %dma_wait3A_157 = tpu.memref_slice %arg7[%dma_wait3A_155, %dma_wait3A_156] : memref<64x128xi32, #tpu.memory_space<vmem>> -> memref<64x128xi32, #tpu.memory_space<vmem>>
        %dma_wait3A_158 = arith.constant 0 : i32
        %dma_wait3A_159 = tpu.memref_slice %arg3[%add3A_78, %dma_wait3A_158] : memref<2560x128xi32, #tpu.memory_space<hbm>> -> memref<64x128xi32, #tpu.memory_space<hbm>>
        tpu.wait_dma2 semaphore(%run_scoped3A : memref<!tpu.dma_semaphore, #tpu.memory_space<semaphore_mem>>) src(%dma_wait3A_159 : memref<64x128xi32, #tpu.memory_space<hbm>>) dst(%dma_wait3A_157 : memref<64x128xi32, #tpu.memory_space<vmem>>)
        tpu.yield
      }) : () -> ()
      "tpu.region"() ({
        %run_scoped3A = tpu.sem_alloc : memref<!tpu.dma_semaphore, #tpu.memory_space<semaphore_mem>>
        %dma_start3A_140 = arith.constant 0 : i32
        %dma_start3A_141 = arith.constant 0 : i32
        %dma_start3A_142 = tpu.memref_slice %arg8[%dma_start3A_140, %dma_start3A_141] : memref<64x128xi32, #tpu.memory_space<vmem>> -> memref<64x128xi32, #tpu.memory_space<vmem>>
        %dma_start3A_143 = arith.constant 0 : i32
        %dma_start3A_144 = tpu.memref_slice %arg4[%add3A_78, %dma_start3A_143] : memref<2560x128xi32, #tpu.memory_space<hbm>> -> memref<64x128xi32, #tpu.memory_space<hbm>>
        %dma_start3A_145 = arith.constant 0 : i32
        %dma_start3A_146 = arith.constant 0 : i32
        %dma_start3A_147 = tpu.memref_slice %arg8[%dma_start3A_145, %dma_start3A_146] : memref<64x128xi32, #tpu.memory_space<vmem>> -> memref<64x128xi32, #tpu.memory_space<vmem>>
        %dma_start3A_148 = arith.constant 0 : i32
        %dma_start3A_149 = tpu.memref_slice %arg4[%add3A_78, %dma_start3A_148] : memref<2560x128xi32, #tpu.memory_space<hbm>> -> memref<64x128xi32, #tpu.memory_space<hbm>>
        tpu.enqueue_dma source(%dma_start3A_149 : memref<64x128xi32, #tpu.memory_space<hbm>>) target(%dma_start3A_147 : memref<64x128xi32, #tpu.memory_space<vmem>>) target_semaphore(%run_scoped3A : memref<!tpu.dma_semaphore, #tpu.memory_space<semaphore_mem>>)
        %dma_wait3A_150 = arith.constant 0 : i32
        %dma_wait3A_151 = arith.constant 0 : i32
        %dma_wait3A_152 = tpu.memref_slice %arg8[%dma_wait3A_150, %dma_wait3A_151] : memref<64x128xi32, #tpu.memory_space<vmem>> -> memref<64x128xi32, #tpu.memory_space<vmem>>
        %dma_wait3A_153 = arith.constant 0 : i32
        %dma_wait3A_154 = tpu.memref_slice %arg4[%add3A_78, %dma_wait3A_153] : memref<2560x128xi32, #tpu.memory_space<hbm>> -> memref<64x128xi32, #tpu.memory_space<hbm>>
        %dma_wait3A_155 = arith.constant 0 : i32
        %dma_wait3A_156 = arith.constant 0 : i32
        %dma_wait3A_157 = tpu.memref_slice %arg8[%dma_wait3A_155, %dma_wait3A_156] : memref<64x128xi32, #tpu.memory_space<vmem>> -> memref<64x128xi32, #tpu.memory_space<vmem>>
        %dma_wait3A_158 = arith.constant 0 : i32
        %dma_wait3A_159 = tpu.memref_slice %arg4[%add3A_78, %dma_wait3A_158] : memref<2560x128xi32, #tpu.memory_space<hbm>> -> memref<64x128xi32, #tpu.memory_space<hbm>>
        tpu.wait_dma2 semaphore(%run_scoped3A : memref<!tpu.dma_semaphore, #tpu.memory_space<semaphore_mem>>) src(%dma_wait3A_159 : memref<64x128xi32, #tpu.memory_space<hbm>>) dst(%dma_wait3A_157 : memref<64x128xi32, #tpu.memory_space<vmem>>)
        tpu.yield
      }) : () -> ()
      %dma_start3A_79 = arith.constant 0 : i32
      %dma_start3A_80 = arith.constant 0 : i32
      %dma_start3A_81 = tpu.memref_slice %arg7[%dma_start3A_79, %dma_start3A_80] : memref<64x128xi32, #tpu.memory_space<vmem>> -> memref<1x128xi32, #tpu.memory_space<vmem>>
      %dma_start3A_82 = tpu.memref_squeeze %dma_start3A_81 : memref<1x128xi32, #tpu.memory_space<vmem>> -> memref<128xi32, #tpu.memory_space<vmem>>
      %dma_start3A_83 = arith.constant 0 : i32
      %dma_start3A_84 = arith.constant 0 : i32
      %dma_start3A_85 = tpu.memref_slice %arg2[%dma_start3A_83, %dma_start3A_84] : memref<10240x128xf32, #tpu.memory_space<hbm>> -> memref<10240x128xf32, #tpu.memory_space<hbm>>
      tpu.enqueue_indirect_dma source(%dma_start3A_85 : memref<10240x128xf32, #tpu.memory_space<hbm>>) target(%arg10 : memref<128x128xf32, #tpu.memory_space<vmem>>) offsets(%dma_start3A_82 : memref<128xi32, #tpu.memory_space<vmem>>) semaphore(%arg12 : memref<!tpu.dma_semaphore, #tpu.memory_space<semaphore_mem>>)
      %dma_start3A_86 = arith.constant 1 : i32
      %dma_start3A_87 = arith.constant 0 : i32
      %dma_start3A_88 = tpu.memref_slice %arg7[%dma_start3A_86, %dma_start3A_87] : memref<64x128xi32, #tpu.memory_space<vmem>> -> memref<1x128xi32, #tpu.memory_space<vmem>>
      %dma_start3A_89 = tpu.memref_squeeze %dma_start3A_88 : memref<1x128xi32, #tpu.memory_space<vmem>> -> memref<128xi32, #tpu.memory_space<vmem>>
      %dma_start3A_90 = arith.constant 0 : i32
      %dma_start3A_91 = arith.constant 0 : i32
      %dma_start3A_92 = tpu.memref_slice %arg2[%dma_start3A_90, %dma_start3A_91] : memref<10240x128xf32, #tpu.memory_space<hbm>> -> memref<10240x128xf32, #tpu.memory_space<hbm>>
      tpu.enqueue_indirect_dma source(%dma_start3A_92 : memref<10240x128xf32, #tpu.memory_space<hbm>>) target(%arg11 : memref<128x128xf32, #tpu.memory_space<vmem>>) offsets(%dma_start3A_89 : memref<128xi32, #tpu.memory_space<vmem>>) semaphore(%arg13 : memref<!tpu.dma_semaphore, #tpu.memory_space<semaphore_mem>>)
      %scan3A_93 = arith.constant 0 : i32
      %scan3A_94 = arith.constant 31 : i32
      %scan3A_95 = arith.addi %scan3A_93, %scan3A_94 : i32
      %scan3A_96 = arith.constant 1 : i32
      scf.for %scan3A_140 = %scan3A_93 to %scan3A_95 step %scan3A_96  : i32 {
        %mul3A_141 = arith.constant 2 : i32
        %mul3A_142 = arith.muli %scan3A_140, %mul3A_141 : i32
        %add3A_143 = arith.constant 0 : i32
        %add3A_144 = arith.addi %add3A_143, %mul3A_142 : i32
        %add3A_145 = arith.constant 0 : i32
        %add3A_146 = arith.addi %add3A_144, %add3A_145 : i32
        %dma_wait3A_147 = arith.constant 0 : i32
        %dma_wait3A_148 = tpu.memref_slice %arg7[%add3A_146, %dma_wait3A_147] : memref<64x128xi32, #tpu.memory_space<vmem>> -> memref<1x128xi32, #tpu.memory_space<vmem>>
        %dma_wait3A_149 = tpu.memref_squeeze %dma_wait3A_148 : memref<1x128xi32, #tpu.memory_space<vmem>> -> memref<128xi32, #tpu.memory_space<vmem>>
        %dma_wait3A_150 = arith.constant 0 : i32
        %dma_wait3A_151 = arith.constant 0 : i32
        %dma_wait3A_152 = tpu.memref_slice %arg2[%dma_wait3A_150, %dma_wait3A_151] : memref<10240x128xf32, #tpu.memory_space<hbm>> -> memref<10240x128xf32, #tpu.memory_space<hbm>>
        tpu.wait_indirect_dma semaphore(%arg12 : memref<!tpu.dma_semaphore, #tpu.memory_space<semaphore_mem>>) src(%dma_wait3A_152 : memref<10240x128xf32, #tpu.memory_space<hbm>>) dst(%arg10 : memref<128x128xf32, #tpu.memory_space<vmem>>)
        %add3A_153 = arith.constant 0 : i32
        %add3A_154 = arith.addi %add3A_144, %add3A_153 : i32
        %dma_start3A_155 = arith.constant 0 : i32
        %dma_start3A_156 = tpu.memref_slice %arg8[%add3A_154, %dma_start3A_155] : memref<64x128xi32, #tpu.memory_space<vmem>> -> memref<1x128xi32, #tpu.memory_space<vmem>>
        %dma_start3A_157 = tpu.memref_squeeze %dma_start3A_156 : memref<1x128xi32, #tpu.memory_space<vmem>> -> memref<128xi32, #tpu.memory_space<vmem>>
        %dma_start3A_158 = arith.constant 0 : i32
        %dma_start3A_159 = arith.constant 0 : i32
        %dma_start3A_160 = tpu.memref_slice %arg9[%dma_start3A_158, %dma_start3A_159] : memref<10240x128xf32, #tpu.memory_space<vmem_shared>> -> memref<10240x128xf32, #tpu.memory_space<vmem_shared>>
        tpu.enqueue_indirect_dma source(%arg10 : memref<128x128xf32, #tpu.memory_space<vmem>>) target(%dma_start3A_160 : memref<10240x128xf32, #tpu.memory_space<vmem_shared>>) offsets(%dma_start3A_157 : memref<128xi32, #tpu.memory_space<vmem>>) semaphore(%arg14 : memref<!tpu.dma_semaphore, #tpu.memory_space<semaphore_mem>>) {add = true}
        %add3A_161 = arith.constant 1 : i32
        %add3A_162 = arith.addi %add3A_144, %add3A_161 : i32
        %dma_wait3A_163 = arith.constant 0 : i32
        %dma_wait3A_164 = tpu.memref_slice %arg7[%add3A_162, %dma_wait3A_163] : memref<64x128xi32, #tpu.memory_space<vmem>> -> memref<1x128xi32, #tpu.memory_space<vmem>>
        %dma_wait3A_165 = tpu.memref_squeeze %dma_wait3A_164 : memref<1x128xi32, #tpu.memory_space<vmem>> -> memref<128xi32, #tpu.memory_space<vmem>>
        %dma_wait3A_166 = arith.constant 0 : i32
        %dma_wait3A_167 = arith.constant 0 : i32
        %dma_wait3A_168 = tpu.memref_slice %arg2[%dma_wait3A_166, %dma_wait3A_167] : memref<10240x128xf32, #tpu.memory_space<hbm>> -> memref<10240x128xf32, #tpu.memory_space<hbm>>
        tpu.wait_indirect_dma semaphore(%arg13 : memref<!tpu.dma_semaphore, #tpu.memory_space<semaphore_mem>>) src(%dma_wait3A_168 : memref<10240x128xf32, #tpu.memory_space<hbm>>) dst(%arg11 : memref<128x128xf32, #tpu.memory_space<vmem>>)
        %add3A_169 = arith.constant 1 : i32
        %add3A_170 = arith.addi %add3A_144, %add3A_169 : i32
        %dma_start3A_171 = arith.constant 0 : i32
        %dma_start3A_172 = tpu.memref_slice %arg8[%add3A_170, %dma_start3A_171] : memref<64x128xi32, #tpu.memory_space<vmem>> -> memref<1x128xi32, #tpu.memory_space<vmem>>
        %dma_start3A_173 = tpu.memref_squeeze %dma_start3A_172 : memref<1x128xi32, #tpu.memory_space<vmem>> -> memref<128xi32, #tpu.memory_space<vmem>>
        %dma_start3A_174 = arith.constant 0 : i32
        %dma_start3A_175 = arith.constant 0 : i32
        %dma_start3A_176 = tpu.memref_slice %arg9[%dma_start3A_174, %dma_start3A_175] : memref<10240x128xf32, #tpu.memory_space<vmem_shared>> -> memref<10240x128xf32, #tpu.memory_space<vmem_shared>>
        tpu.enqueue_indirect_dma source(%arg11 : memref<128x128xf32, #tpu.memory_space<vmem>>) target(%dma_start3A_176 : memref<10240x128xf32, #tpu.memory_space<vmem_shared>>) offsets(%dma_start3A_173 : memref<128xi32, #tpu.memory_space<vmem>>) semaphore(%arg15 : memref<!tpu.dma_semaphore, #tpu.memory_space<semaphore_mem>>) {add = true}
        %add3A_177 = arith.constant 0 : i32
        %add3A_178 = arith.addi %add3A_144, %add3A_177 : i32
        %dma_wait3A_179 = arith.constant 0 : i32
        %dma_wait3A_180 = tpu.memref_slice %arg8[%add3A_178, %dma_wait3A_179] : memref<64x128xi32, #tpu.memory_space<vmem>> -> memref<1x128xi32, #tpu.memory_space<vmem>>
        %dma_wait3A_181 = tpu.memref_squeeze %dma_wait3A_180 : memref<1x128xi32, #tpu.memory_space<vmem>> -> memref<128xi32, #tpu.memory_space<vmem>>
        %dma_wait3A_182 = arith.constant 0 : i32
        %dma_wait3A_183 = arith.constant 0 : i32
        %dma_wait3A_184 = tpu.memref_slice %arg9[%dma_wait3A_182, %dma_wait3A_183] : memref<10240x128xf32, #tpu.memory_space<vmem_shared>> -> memref<10240x128xf32, #tpu.memory_space<vmem_shared>>
        tpu.wait_indirect_dma semaphore(%arg14 : memref<!tpu.dma_semaphore, #tpu.memory_space<semaphore_mem>>) src(%arg10 : memref<128x128xf32, #tpu.memory_space<vmem>>) dst(%dma_wait3A_184 : memref<10240x128xf32, #tpu.memory_space<vmem_shared>>)
        %add3A_185 = arith.constant 2 : i32
        %add3A_186 = arith.addi %add3A_144, %add3A_185 : i32
        %add3A_187 = arith.constant 0 : i32
        %add3A_188 = arith.addi %add3A_186, %add3A_187 : i32
        %dma_start3A_189 = arith.constant 0 : i32
        %dma_start3A_190 = tpu.memref_slice %arg7[%add3A_188, %dma_start3A_189] : memref<64x128xi32, #tpu.memory_space<vmem>> -> memref<1x128xi32, #tpu.memory_space<vmem>>
        %dma_start3A_191 = tpu.memref_squeeze %dma_start3A_190 : memref<1x128xi32, #tpu.memory_space<vmem>> -> memref<128xi32, #tpu.memory_space<vmem>>
        %dma_start3A_192 = arith.constant 0 : i32
        %dma_start3A_193 = arith.constant 0 : i32
        %dma_start3A_194 = tpu.memref_slice %arg2[%dma_start3A_192, %dma_start3A_193] : memref<10240x128xf32, #tpu.memory_space<hbm>> -> memref<10240x128xf32, #tpu.memory_space<hbm>>
        tpu.enqueue_indirect_dma source(%dma_start3A_194 : memref<10240x128xf32, #tpu.memory_space<hbm>>) target(%arg10 : memref<128x128xf32, #tpu.memory_space<vmem>>) offsets(%dma_start3A_191 : memref<128xi32, #tpu.memory_space<vmem>>) semaphore(%arg12 : memref<!tpu.dma_semaphore, #tpu.memory_space<semaphore_mem>>)
        %add3A_195 = arith.constant 1 : i32
        %add3A_196 = arith.addi %add3A_144, %add3A_195 : i32
        %dma_wait3A_197 = arith.constant 0 : i32
        %dma_wait3A_198 = tpu.memref_slice %arg8[%add3A_196, %dma_wait3A_197] : memref<64x128xi32, #tpu.memory_space<vmem>> -> memref<1x128xi32, #tpu.memory_space<vmem>>
        %dma_wait3A_199 = tpu.memref_squeeze %dma_wait3A_198 : memref<1x128xi32, #tpu.memory_space<vmem>> -> memref<128xi32, #tpu.memory_space<vmem>>
        %dma_wait3A_200 = arith.constant 0 : i32
        %dma_wait3A_201 = arith.constant 0 : i32
        %dma_wait3A_202 = tpu.memref_slice %arg9[%dma_wait3A_200, %dma_wait3A_201] : memref<10240x128xf32, #tpu.memory_space<vmem_shared>> -> memref<10240x128xf32, #tpu.memory_space<vmem_shared>>
        tpu.wait_indirect_dma semaphore(%arg15 : memref<!tpu.dma_semaphore, #tpu.memory_space<semaphore_mem>>) src(%arg11 : memref<128x128xf32, #tpu.memory_space<vmem>>) dst(%dma_wait3A_202 : memref<10240x128xf32, #tpu.memory_space<vmem_shared>>)
        %add3A_203 = arith.constant 2 : i32
        %add3A_204 = arith.addi %add3A_144, %add3A_203 : i32
        %add3A_205 = arith.constant 1 : i32
        %add3A_206 = arith.addi %add3A_204, %add3A_205 : i32
        %dma_start3A_207 = arith.constant 0 : i32
        %dma_start3A_208 = tpu.memref_slice %arg7[%add3A_206, %dma_start3A_207] : memref<64x128xi32, #tpu.memory_space<vmem>> -> memref<1x128xi32, #tpu.memory_space<vmem>>
        %dma_start3A_209 = tpu.memref_squeeze %dma_start3A_208 : memref<1x128xi32, #tpu.memory_space<vmem>> -> memref<128xi32, #tpu.memory_space<vmem>>
        %dma_start3A_210 = arith.constant 0 : i32
        %dma_start3A_211 = arith.constant 0 : i32
        %dma_start3A_212 = tpu.memref_slice %arg2[%dma_start3A_210, %dma_start3A_211] : memref<10240x128xf32, #tpu.memory_space<hbm>> -> memref<10240x128xf32, #tpu.memory_space<hbm>>
        tpu.enqueue_indirect_dma source(%dma_start3A_212 : memref<10240x128xf32, #tpu.memory_space<hbm>>) target(%arg11 : memref<128x128xf32, #tpu.memory_space<vmem>>) offsets(%dma_start3A_209 : memref<128xi32, #tpu.memory_space<vmem>>) semaphore(%arg13 : memref<!tpu.dma_semaphore, #tpu.memory_space<semaphore_mem>>)
      }
      %scan3A_97 = arith.constant 31 : i32
      %dma_wait3A_98 = arith.constant 62 : i32
      %dma_wait3A_99 = arith.constant 0 : i32
      %dma_wait3A_100 = tpu.memref_slice %arg7[%dma_wait3A_98, %dma_wait3A_99] : memref<64x128xi32, #tpu.memory_space<vmem>> -> memref<1x128xi32, #tpu.memory_space<vmem>>
      %dma_wait3A_101 = tpu.memref_squeeze %dma_wait3A_100 : memref<1x128xi32, #tpu.memory_space<vmem>> -> memref<128xi32, #tpu.memory_space<vmem>>
      %dma_wait3A_102 = arith.constant 0 : i32
      %dma_wait3A_103 = arith.constant 0 : i32
      %dma_wait3A_104 = tpu.memref_slice %arg2[%dma_wait3A_102, %dma_wait3A_103] : memref<10240x128xf32, #tpu.memory_space<hbm>> -> memref<10240x128xf32, #tpu.memory_space<hbm>>
      tpu.wait_indirect_dma semaphore(%arg12 : memref<!tpu.dma_semaphore, #tpu.memory_space<semaphore_mem>>) src(%dma_wait3A_104 : memref<10240x128xf32, #tpu.memory_space<hbm>>) dst(%arg10 : memref<128x128xf32, #tpu.memory_space<vmem>>)
      %dma_start3A_105 = arith.constant 62 : i32
      %dma_start3A_106 = arith.constant 0 : i32
      %dma_start3A_107 = tpu.memref_slice %arg8[%dma_start3A_105, %dma_start3A_106] : memref<64x128xi32, #tpu.memory_space<vmem>> -> memref<1x128xi32, #tpu.memory_space<vmem>>
      %dma_start3A_108 = tpu.memref_squeeze %dma_start3A_107 : memref<1x128xi32, #tpu.memory_space<vmem>> -> memref<128xi32, #tpu.memory_space<vmem>>
      %dma_start3A_109 = arith.constant 0 : i32
      %dma_start3A_110 = arith.constant 0 : i32
      %dma_start3A_111 = tpu.memref_slice %arg9[%dma_start3A_109, %dma_start3A_110] : memref<10240x128xf32, #tpu.memory_space<vmem_shared>> -> memref<10240x128xf32, #tpu.memory_space<vmem_shared>>
      tpu.enqueue_indirect_dma source(%arg10 : memref<128x128xf32, #tpu.memory_space<vmem>>) target(%dma_start3A_111 : memref<10240x128xf32, #tpu.memory_space<vmem_shared>>) offsets(%dma_start3A_108 : memref<128xi32, #tpu.memory_space<vmem>>) semaphore(%arg14 : memref<!tpu.dma_semaphore, #tpu.memory_space<semaphore_mem>>) {add = true}
      %dma_wait3A_112 = arith.constant 63 : i32
      %dma_wait3A_113 = arith.constant 0 : i32
      %dma_wait3A_114 = tpu.memref_slice %arg7[%dma_wait3A_112, %dma_wait3A_113] : memref<64x128xi32, #tpu.memory_space<vmem>> -> memref<1x128xi32, #tpu.memory_space<vmem>>
      %dma_wait3A_115 = tpu.memref_squeeze %dma_wait3A_114 : memref<1x128xi32, #tpu.memory_space<vmem>> -> memref<128xi32, #tpu.memory_space<vmem>>
      %dma_wait3A_116 = arith.constant 0 : i32
      %dma_wait3A_117 = arith.constant 0 : i32
      %dma_wait3A_118 = tpu.memref_slice %arg2[%dma_wait3A_116, %dma_wait3A_117] : memref<10240x128xf32, #tpu.memory_space<hbm>> -> memref<10240x128xf32, #tpu.memory_space<hbm>>
      tpu.wait_indirect_dma semaphore(%arg13 : memref<!tpu.dma_semaphore, #tpu.memory_space<semaphore_mem>>) src(%dma_wait3A_118 : memref<10240x128xf32, #tpu.memory_space<hbm>>) dst(%arg11 : memref<128x128xf32, #tpu.memory_space<vmem>>)
      %dma_start3A_119 = arith.constant 63 : i32
      %dma_start3A_120 = arith.constant 0 : i32
      %dma_start3A_121 = tpu.memref_slice %arg8[%dma_start3A_119, %dma_start3A_120] : memref<64x128xi32, #tpu.memory_space<vmem>> -> memref<1x128xi32, #tpu.memory_space<vmem>>
      %dma_start3A_122 = tpu.memref_squeeze %dma_start3A_121 : memref<1x128xi32, #tpu.memory_space<vmem>> -> memref<128xi32, #tpu.memory_space<vmem>>
      %dma_start3A_123 = arith.constant 0 : i32
      %dma_start3A_124 = arith.constant 0 : i32
      %dma_start3A_125 = tpu.memref_slice %arg9[%dma_start3A_123, %dma_start3A_124] : memref<10240x128xf32, #tpu.memory_space<vmem_shared>> -> memref<10240x128xf32, #tpu.memory_space<vmem_shared>>
      tpu.enqueue_indirect_dma source(%arg11 : memref<128x128xf32, #tpu.memory_space<vmem>>) target(%dma_start3A_125 : memref<10240x128xf32, #tpu.memory_space<vmem_shared>>) offsets(%dma_start3A_122 : memref<128xi32, #tpu.memory_space<vmem>>) semaphore(%arg15 : memref<!tpu.dma_semaphore, #tpu.memory_space<semaphore_mem>>) {add = true}
      %dma_wait3A_126 = arith.constant 62 : i32
      %dma_wait3A_127 = arith.constant 0 : i32
      %dma_wait3A_128 = tpu.memref_slice %arg8[%dma_wait3A_126, %dma_wait3A_127] : memref<64x128xi32, #tpu.memory_space<vmem>> -> memref<1x128xi32, #tpu.memory_space<vmem>>
      %dma_wait3A_129 = tpu.memref_squeeze %dma_wait3A_128 : memref<1x128xi32, #tpu.memory_space<vmem>> -> memref<128xi32, #tpu.memory_space<vmem>>
      %dma_wait3A_130 = arith.constant 0 : i32
      %dma_wait3A_131 = arith.constant 0 : i32
      %dma_wait3A_132 = tpu.memref_slice %arg9[%dma_wait3A_130, %dma_wait3A_131] : memref<10240x128xf32, #tpu.memory_space<vmem_shared>> -> memref<10240x128xf32, #tpu.memory_space<vmem_shared>>
      tpu.wait_indirect_dma semaphore(%arg14 : memref<!tpu.dma_semaphore, #tpu.memory_space<semaphore_mem>>) src(%arg10 : memref<128x128xf32, #tpu.memory_space<vmem>>) dst(%dma_wait3A_132 : memref<10240x128xf32, #tpu.memory_space<vmem_shared>>)
      %dma_wait3A_133 = arith.constant 63 : i32
      %dma_wait3A_134 = arith.constant 0 : i32
      %dma_wait3A_135 = tpu.memref_slice %arg8[%dma_wait3A_133, %dma_wait3A_134] : memref<64x128xi32, #tpu.memory_space<vmem>> -> memref<1x128xi32, #tpu.memory_space<vmem>>
      %dma_wait3A_136 = tpu.memref_squeeze %dma_wait3A_135 : memref<1x128xi32, #tpu.memory_space<vmem>> -> memref<128xi32, #tpu.memory_space<vmem>>
      %dma_wait3A_137 = arith.constant 0 : i32
      %dma_wait3A_138 = arith.constant 0 : i32
      %dma_wait3A_139 = tpu.memref_slice %arg9[%dma_wait3A_137, %dma_wait3A_138] : memref<10240x128xf32, #tpu.memory_space<vmem_shared>> -> memref<10240x128xf32, #tpu.memory_space<vmem_shared>>
      tpu.wait_indirect_dma semaphore(%arg15 : memref<!tpu.dma_semaphore, #tpu.memory_space<semaphore_mem>>) src(%arg11 : memref<128x128xf32, #tpu.memory_space<vmem>>) dst(%dma_wait3A_139 : memref<10240x128xf32, #tpu.memory_space<vmem_shared>>)
    } else {
    }
    %eq3A_7 = arith.constant 1 : i32
    %eq3A_8 = arith.cmpi eq, %arg0, %eq3A_7 : i32
    %convert_element_type3A_9 = arith.extui %eq3A_8 : i1 to i32
    %cond3A_10 = arith.constant 0 : i32
    %cond3A_11 = arith.cmpi ne, %convert_element_type3A_9, %cond3A_10 : i32
    scf.if %cond3A_11 {
      %mul3A_13 = arith.constant 32 : i32
      %mul3A_14 = arith.muli %arg1, %mul3A_13 : i32
      %add3A_15 = arith.constant 2048 : i32
      %add3A_16 = arith.addi %add3A_15, %mul3A_14 : i32
      %add3A_17 = arith.constant 0 : i32
      %add3A_18 = arith.addi %add3A_16, %add3A_17 : i32
      "tpu.region"() ({
        %run_scoped3A = tpu.sem_alloc : memref<!tpu.dma_semaphore, #tpu.memory_space<semaphore_mem>>
        %dma_start3A_140 = arith.constant 0 : i32
        %dma_start3A_141 = arith.constant 0 : i32
        %dma_start3A_142 = tpu.memref_slice %arg7[%dma_start3A_140, %dma_start3A_141] : memref<64x128xi32, #tpu.memory_space<vmem>> -> memref<16x128xi32, #tpu.memory_space<vmem>>
        %dma_start3A_143 = arith.constant 0 : i32
        %dma_start3A_144 = tpu.memref_slice %arg3[%add3A_18, %dma_start3A_143] : memref<2560x128xi32, #tpu.memory_space<hbm>> -> memref<16x128xi32, #tpu.memory_space<hbm>>
        %dma_start3A_145 = arith.constant 0 : i32
        %dma_start3A_146 = arith.constant 0 : i32
        %dma_start3A_147 = tpu.memref_slice %arg7[%dma_start3A_145, %dma_start3A_146] : memref<64x128xi32, #tpu.memory_space<vmem>> -> memref<16x128xi32, #tpu.memory_space<vmem>>
        %dma_start3A_148 = arith.constant 0 : i32
        %dma_start3A_149 = tpu.memref_slice %arg3[%add3A_18, %dma_start3A_148] : memref<2560x128xi32, #tpu.memory_space<hbm>> -> memref<16x128xi32, #tpu.memory_space<hbm>>
        tpu.enqueue_dma source(%dma_start3A_149 : memref<16x128xi32, #tpu.memory_space<hbm>>) target(%dma_start3A_147 : memref<16x128xi32, #tpu.memory_space<vmem>>) target_semaphore(%run_scoped3A : memref<!tpu.dma_semaphore, #tpu.memory_space<semaphore_mem>>)
        %dma_wait3A_150 = arith.constant 0 : i32
        %dma_wait3A_151 = arith.constant 0 : i32
        %dma_wait3A_152 = tpu.memref_slice %arg7[%dma_wait3A_150, %dma_wait3A_151] : memref<64x128xi32, #tpu.memory_space<vmem>> -> memref<16x128xi32, #tpu.memory_space<vmem>>
        %dma_wait3A_153 = arith.constant 0 : i32
        %dma_wait3A_154 = tpu.memref_slice %arg3[%add3A_18, %dma_wait3A_153] : memref<2560x128xi32, #tpu.memory_space<hbm>> -> memref<16x128xi32, #tpu.memory_space<hbm>>
        %dma_wait3A_155 = arith.constant 0 : i32
        %dma_wait3A_156 = arith.constant 0 : i32
        %dma_wait3A_157 = tpu.memref_slice %arg7[%dma_wait3A_155, %dma_wait3A_156] : memref<64x128xi32, #tpu.memory_space<vmem>> -> memref<16x128xi32, #tpu.memory_space<vmem>>
        %dma_wait3A_158 = arith.constant 0 : i32
        %dma_wait3A_159 = tpu.memref_slice %arg3[%add3A_18, %dma_wait3A_158] : memref<2560x128xi32, #tpu.memory_space<hbm>> -> memref<16x128xi32, #tpu.memory_space<hbm>>
        tpu.wait_dma2 semaphore(%run_scoped3A : memref<!tpu.dma_semaphore, #tpu.memory_space<semaphore_mem>>) src(%dma_wait3A_159 : memref<16x128xi32, #tpu.memory_space<hbm>>) dst(%dma_wait3A_157 : memref<16x128xi32, #tpu.memory_space<vmem>>)
        tpu.yield
      }) : () -> ()
      "tpu.region"() ({
        %run_scoped3A = tpu.sem_alloc : memref<!tpu.dma_semaphore, #tpu.memory_space<semaphore_mem>>
        %dma_start3A_140 = arith.constant 0 : i32
        %dma_start3A_141 = arith.constant 0 : i32
        %dma_start3A_142 = tpu.memref_slice %arg8[%dma_start3A_140, %dma_start3A_141] : memref<64x128xi32, #tpu.memory_space<vmem>> -> memref<16x128xi32, #tpu.memory_space<vmem>>
        %dma_start3A_143 = arith.constant 0 : i32
        %dma_start3A_144 = tpu.memref_slice %arg4[%add3A_18, %dma_start3A_143] : memref<2560x128xi32, #tpu.memory_space<hbm>> -> memref<16x128xi32, #tpu.memory_space<hbm>>
        %dma_start3A_145 = arith.constant 0 : i32
        %dma_start3A_146 = arith.constant 0 : i32
        %dma_start3A_147 = tpu.memref_slice %arg8[%dma_start3A_145, %dma_start3A_146] : memref<64x128xi32, #tpu.memory_space<vmem>> -> memref<16x128xi32, #tpu.memory_space<vmem>>
        %dma_start3A_148 = arith.constant 0 : i32
        %dma_start3A_149 = tpu.memref_slice %arg4[%add3A_18, %dma_start3A_148] : memref<2560x128xi32, #tpu.memory_space<hbm>> -> memref<16x128xi32, #tpu.memory_space<hbm>>
        tpu.enqueue_dma source(%dma_start3A_149 : memref<16x128xi32, #tpu.memory_space<hbm>>) target(%dma_start3A_147 : memref<16x128xi32, #tpu.memory_space<vmem>>) target_semaphore(%run_scoped3A : memref<!tpu.dma_semaphore, #tpu.memory_space<semaphore_mem>>)
        %dma_wait3A_150 = arith.constant 0 : i32
        %dma_wait3A_151 = arith.constant 0 : i32
        %dma_wait3A_152 = tpu.memref_slice %arg8[%dma_wait3A_150, %dma_wait3A_151] : memref<64x128xi32, #tpu.memory_space<vmem>> -> memref<16x128xi32, #tpu.memory_space<vmem>>
        %dma_wait3A_153 = arith.constant 0 : i32
        %dma_wait3A_154 = tpu.memref_slice %arg4[%add3A_18, %dma_wait3A_153] : memref<2560x128xi32, #tpu.memory_space<hbm>> -> memref<16x128xi32, #tpu.memory_space<hbm>>
        %dma_wait3A_155 = arith.constant 0 : i32
        %dma_wait3A_156 = arith.constant 0 : i32
        %dma_wait3A_157 = tpu.memref_slice %arg8[%dma_wait3A_155, %dma_wait3A_156] : memref<64x128xi32, #tpu.memory_space<vmem>> -> memref<16x128xi32, #tpu.memory_space<vmem>>
        %dma_wait3A_158 = arith.constant 0 : i32
        %dma_wait3A_159 = tpu.memref_slice %arg4[%add3A_18, %dma_wait3A_158] : memref<2560x128xi32, #tpu.memory_space<hbm>> -> memref<16x128xi32, #tpu.memory_space<hbm>>
        tpu.wait_dma2 semaphore(%run_scoped3A : memref<!tpu.dma_semaphore, #tpu.memory_space<semaphore_mem>>) src(%dma_wait3A_159 : memref<16x128xi32, #tpu.memory_space<hbm>>) dst(%dma_wait3A_157 : memref<16x128xi32, #tpu.memory_space<vmem>>)
        tpu.yield
      }) : () -> ()
      %dma_start3A = arith.constant 0 : i32
      %dma_start3A_19 = arith.constant 0 : i32
      %dma_start3A_20 = tpu.memref_slice %arg7[%dma_start3A, %dma_start3A_19] : memref<64x128xi32, #tpu.memory_space<vmem>> -> memref<1x128xi32, #tpu.memory_space<vmem>>
      %dma_start3A_21 = tpu.memref_squeeze %dma_start3A_20 : memref<1x128xi32, #tpu.memory_space<vmem>> -> memref<128xi32, #tpu.memory_space<vmem>>
      %dma_start3A_22 = arith.constant 0 : i32
      %dma_start3A_23 = arith.constant 0 : i32
      %dma_start3A_24 = tpu.memref_slice %arg2[%dma_start3A_22, %dma_start3A_23] : memref<10240x128xf32, #tpu.memory_space<hbm>> -> memref<10240x128xf32, #tpu.memory_space<hbm>>
      tpu.enqueue_indirect_dma source(%dma_start3A_24 : memref<10240x128xf32, #tpu.memory_space<hbm>>) target(%arg10 : memref<128x128xf32, #tpu.memory_space<vmem>>) offsets(%dma_start3A_21 : memref<128xi32, #tpu.memory_space<vmem>>) semaphore(%arg12 : memref<!tpu.dma_semaphore, #tpu.memory_space<semaphore_mem>>)
      %dma_start3A_25 = arith.constant 1 : i32
      %dma_start3A_26 = arith.constant 0 : i32
      %dma_start3A_27 = tpu.memref_slice %arg7[%dma_start3A_25, %dma_start3A_26] : memref<64x128xi32, #tpu.memory_space<vmem>> -> memref<1x128xi32, #tpu.memory_space<vmem>>
      %dma_start3A_28 = tpu.memref_squeeze %dma_start3A_27 : memref<1x128xi32, #tpu.memory_space<vmem>> -> memref<128xi32, #tpu.memory_space<vmem>>
      %dma_start3A_29 = arith.constant 0 : i32
      %dma_start3A_30 = arith.constant 0 : i32
      %dma_start3A_31 = tpu.memref_slice %arg2[%dma_start3A_29, %dma_start3A_30] : memref<10240x128xf32, #tpu.memory_space<hbm>> -> memref<10240x128xf32, #tpu.memory_space<hbm>>
      tpu.enqueue_indirect_dma source(%dma_start3A_31 : memref<10240x128xf32, #tpu.memory_space<hbm>>) target(%arg11 : memref<128x128xf32, #tpu.memory_space<vmem>>) offsets(%dma_start3A_28 : memref<128xi32, #tpu.memory_space<vmem>>) semaphore(%arg13 : memref<!tpu.dma_semaphore, #tpu.memory_space<semaphore_mem>>)
      %scan3A = arith.constant 0 : i32
      %scan3A_32 = arith.constant 7 : i32
      %scan3A_33 = arith.addi %scan3A, %scan3A_32 : i32
      %scan3A_34 = arith.constant 1 : i32
      scf.for %scan3A_140 = %scan3A to %scan3A_33 step %scan3A_34  : i32 {
        %mul3A_141 = arith.constant 2 : i32
        %mul3A_142 = arith.muli %scan3A_140, %mul3A_141 : i32
        %add3A_143 = arith.constant 0 : i32
        %add3A_144 = arith.addi %add3A_143, %mul3A_142 : i32
        %add3A_145 = arith.constant 0 : i32
        %add3A_146 = arith.addi %add3A_144, %add3A_145 : i32
        %dma_wait3A_147 = arith.constant 0 : i32
        %dma_wait3A_148 = tpu.memref_slice %arg7[%add3A_146, %dma_wait3A_147] : memref<64x128xi32, #tpu.memory_space<vmem>> -> memref<1x128xi32, #tpu.memory_space<vmem>>
        %dma_wait3A_149 = tpu.memref_squeeze %dma_wait3A_148 : memref<1x128xi32, #tpu.memory_space<vmem>> -> memref<128xi32, #tpu.memory_space<vmem>>
        %dma_wait3A_150 = arith.constant 0 : i32
        %dma_wait3A_151 = arith.constant 0 : i32
        %dma_wait3A_152 = tpu.memref_slice %arg2[%dma_wait3A_150, %dma_wait3A_151] : memref<10240x128xf32, #tpu.memory_space<hbm>> -> memref<10240x128xf32, #tpu.memory_space<hbm>>
        tpu.wait_indirect_dma semaphore(%arg12 : memref<!tpu.dma_semaphore, #tpu.memory_space<semaphore_mem>>) src(%dma_wait3A_152 : memref<10240x128xf32, #tpu.memory_space<hbm>>) dst(%arg10 : memref<128x128xf32, #tpu.memory_space<vmem>>)
        %add3A_153 = arith.constant 0 : i32
        %add3A_154 = arith.addi %add3A_144, %add3A_153 : i32
        %dma_start3A_155 = arith.constant 0 : i32
        %dma_start3A_156 = tpu.memref_slice %arg8[%add3A_154, %dma_start3A_155] : memref<64x128xi32, #tpu.memory_space<vmem>> -> memref<1x128xi32, #tpu.memory_space<vmem>>
        %dma_start3A_157 = tpu.memref_squeeze %dma_start3A_156 : memref<1x128xi32, #tpu.memory_space<vmem>> -> memref<128xi32, #tpu.memory_space<vmem>>
        %dma_start3A_158 = arith.constant 0 : i32
        %dma_start3A_159 = arith.constant 0 : i32
        %dma_start3A_160 = tpu.memref_slice %arg9[%dma_start3A_158, %dma_start3A_159] : memref<10240x128xf32, #tpu.memory_space<vmem_shared>> -> memref<10240x128xf32, #tpu.memory_space<vmem_shared>>
        tpu.enqueue_indirect_dma source(%arg10 : memref<128x128xf32, #tpu.memory_space<vmem>>) target(%dma_start3A_160 : memref<10240x128xf32, #tpu.memory_space<vmem_shared>>) offsets(%dma_start3A_157 : memref<128xi32, #tpu.memory_space<vmem>>) semaphore(%arg14 : memref<!tpu.dma_semaphore, #tpu.memory_space<semaphore_mem>>) {add = true}
        %add3A_161 = arith.constant 1 : i32
        %add3A_162 = arith.addi %add3A_144, %add3A_161 : i32
        %dma_wait3A_163 = arith.constant 0 : i32
        %dma_wait3A_164 = tpu.memref_slice %arg7[%add3A_162, %dma_wait3A_163] : memref<64x128xi32, #tpu.memory_space<vmem>> -> memref<1x128xi32, #tpu.memory_space<vmem>>
        %dma_wait3A_165 = tpu.memref_squeeze %dma_wait3A_164 : memref<1x128xi32, #tpu.memory_space<vmem>> -> memref<128xi32, #tpu.memory_space<vmem>>
        %dma_wait3A_166 = arith.constant 0 : i32
        %dma_wait3A_167 = arith.constant 0 : i32
        %dma_wait3A_168 = tpu.memref_slice %arg2[%dma_wait3A_166, %dma_wait3A_167] : memref<10240x128xf32, #tpu.memory_space<hbm>> -> memref<10240x128xf32, #tpu.memory_space<hbm>>
        tpu.wait_indirect_dma semaphore(%arg13 : memref<!tpu.dma_semaphore, #tpu.memory_space<semaphore_mem>>) src(%dma_wait3A_168 : memref<10240x128xf32, #tpu.memory_space<hbm>>) dst(%arg11 : memref<128x128xf32, #tpu.memory_space<vmem>>)
        %add3A_169 = arith.constant 1 : i32
        %add3A_170 = arith.addi %add3A_144, %add3A_169 : i32
        %dma_start3A_171 = arith.constant 0 : i32
        %dma_start3A_172 = tpu.memref_slice %arg8[%add3A_170, %dma_start3A_171] : memref<64x128xi32, #tpu.memory_space<vmem>> -> memref<1x128xi32, #tpu.memory_space<vmem>>
        %dma_start3A_173 = tpu.memref_squeeze %dma_start3A_172 : memref<1x128xi32, #tpu.memory_space<vmem>> -> memref<128xi32, #tpu.memory_space<vmem>>
        %dma_start3A_174 = arith.constant 0 : i32
        %dma_start3A_175 = arith.constant 0 : i32
        %dma_start3A_176 = tpu.memref_slice %arg9[%dma_start3A_174, %dma_start3A_175] : memref<10240x128xf32, #tpu.memory_space<vmem_shared>> -> memref<10240x128xf32, #tpu.memory_space<vmem_shared>>
        tpu.enqueue_indirect_dma source(%arg11 : memref<128x128xf32, #tpu.memory_space<vmem>>) target(%dma_start3A_176 : memref<10240x128xf32, #tpu.memory_space<vmem_shared>>) offsets(%dma_start3A_173 : memref<128xi32, #tpu.memory_space<vmem>>) semaphore(%arg15 : memref<!tpu.dma_semaphore, #tpu.memory_space<semaphore_mem>>) {add = true}
        %add3A_177 = arith.constant 0 : i32
        %add3A_178 = arith.addi %add3A_144, %add3A_177 : i32
        %dma_wait3A_179 = arith.constant 0 : i32
        %dma_wait3A_180 = tpu.memref_slice %arg8[%add3A_178, %dma_wait3A_179] : memref<64x128xi32, #tpu.memory_space<vmem>> -> memref<1x128xi32, #tpu.memory_space<vmem>>
        %dma_wait3A_181 = tpu.memref_squeeze %dma_wait3A_180 : memref<1x128xi32, #tpu.memory_space<vmem>> -> memref<128xi32, #tpu.memory_space<vmem>>
        %dma_wait3A_182 = arith.constant 0 : i32
        %dma_wait3A_183 = arith.constant 0 : i32
        %dma_wait3A_184 = tpu.memref_slice %arg9[%dma_wait3A_182, %dma_wait3A_183] : memref<10240x128xf32, #tpu.memory_space<vmem_shared>> -> memref<10240x128xf32, #tpu.memory_space<vmem_shared>>
        tpu.wait_indirect_dma semaphore(%arg14 : memref<!tpu.dma_semaphore, #tpu.memory_space<semaphore_mem>>) src(%arg10 : memref<128x128xf32, #tpu.memory_space<vmem>>) dst(%dma_wait3A_184 : memref<10240x128xf32, #tpu.memory_space<vmem_shared>>)
        %add3A_185 = arith.constant 2 : i32
        %add3A_186 = arith.addi %add3A_144, %add3A_185 : i32
        %add3A_187 = arith.constant 0 : i32
        %add3A_188 = arith.addi %add3A_186, %add3A_187 : i32
        %dma_start3A_189 = arith.constant 0 : i32
        %dma_start3A_190 = tpu.memref_slice %arg7[%add3A_188, %dma_start3A_189] : memref<64x128xi32, #tpu.memory_space<vmem>> -> memref<1x128xi32, #tpu.memory_space<vmem>>
        %dma_start3A_191 = tpu.memref_squeeze %dma_start3A_190 : memref<1x128xi32, #tpu.memory_space<vmem>> -> memref<128xi32, #tpu.memory_space<vmem>>
        %dma_start3A_192 = arith.constant 0 : i32
        %dma_start3A_193 = arith.constant 0 : i32
        %dma_start3A_194 = tpu.memref_slice %arg2[%dma_start3A_192, %dma_start3A_193] : memref<10240x128xf32, #tpu.memory_space<hbm>> -> memref<10240x128xf32, #tpu.memory_space<hbm>>
        tpu.enqueue_indirect_dma source(%dma_start3A_194 : memref<10240x128xf32, #tpu.memory_space<hbm>>) target(%arg10 : memref<128x128xf32, #tpu.memory_space<vmem>>) offsets(%dma_start3A_191 : memref<128xi32, #tpu.memory_space<vmem>>) semaphore(%arg12 : memref<!tpu.dma_semaphore, #tpu.memory_space<semaphore_mem>>)
        %add3A_195 = arith.constant 1 : i32
        %add3A_196 = arith.addi %add3A_144, %add3A_195 : i32
        %dma_wait3A_197 = arith.constant 0 : i32
        %dma_wait3A_198 = tpu.memref_slice %arg8[%add3A_196, %dma_wait3A_197] : memref<64x128xi32, #tpu.memory_space<vmem>> -> memref<1x128xi32, #tpu.memory_space<vmem>>
        %dma_wait3A_199 = tpu.memref_squeeze %dma_wait3A_198 : memref<1x128xi32, #tpu.memory_space<vmem>> -> memref<128xi32, #tpu.memory_space<vmem>>
        %dma_wait3A_200 = arith.constant 0 : i32
        %dma_wait3A_201 = arith.constant 0 : i32
        %dma_wait3A_202 = tpu.memref_slice %arg9[%dma_wait3A_200, %dma_wait3A_201] : memref<10240x128xf32, #tpu.memory_space<vmem_shared>> -> memref<10240x128xf32, #tpu.memory_space<vmem_shared>>
        tpu.wait_indirect_dma semaphore(%arg15 : memref<!tpu.dma_semaphore, #tpu.memory_space<semaphore_mem>>) src(%arg11 : memref<128x128xf32, #tpu.memory_space<vmem>>) dst(%dma_wait3A_202 : memref<10240x128xf32, #tpu.memory_space<vmem_shared>>)
        %add3A_203 = arith.constant 2 : i32
        %add3A_204 = arith.addi %add3A_144, %add3A_203 : i32
        %add3A_205 = arith.constant 1 : i32
        %add3A_206 = arith.addi %add3A_204, %add3A_205 : i32
        %dma_start3A_207 = arith.constant 0 : i32
        %dma_start3A_208 = tpu.memref_slice %arg7[%add3A_206, %dma_start3A_207] : memref<64x128xi32, #tpu.memory_space<vmem>> -> memref<1x128xi32, #tpu.memory_space<vmem>>
        %dma_start3A_209 = tpu.memref_squeeze %dma_start3A_208 : memref<1x128xi32, #tpu.memory_space<vmem>> -> memref<128xi32, #tpu.memory_space<vmem>>
        %dma_start3A_210 = arith.constant 0 : i32
        %dma_start3A_211 = arith.constant 0 : i32
        %dma_start3A_212 = tpu.memref_slice %arg2[%dma_start3A_210, %dma_start3A_211] : memref<10240x128xf32, #tpu.memory_space<hbm>> -> memref<10240x128xf32, #tpu.memory_space<hbm>>
        tpu.enqueue_indirect_dma source(%dma_start3A_212 : memref<10240x128xf32, #tpu.memory_space<hbm>>) target(%arg11 : memref<128x128xf32, #tpu.memory_space<vmem>>) offsets(%dma_start3A_209 : memref<128xi32, #tpu.memory_space<vmem>>) semaphore(%arg13 : memref<!tpu.dma_semaphore, #tpu.memory_space<semaphore_mem>>)
      }
      %scan3A_35 = arith.constant 7 : i32
      %dma_wait3A = arith.constant 14 : i32
      %dma_wait3A_36 = arith.constant 0 : i32
      %dma_wait3A_37 = tpu.memref_slice %arg7[%dma_wait3A, %dma_wait3A_36] : memref<64x128xi32, #tpu.memory_space<vmem>> -> memref<1x128xi32, #tpu.memory_space<vmem>>
      %dma_wait3A_38 = tpu.memref_squeeze %dma_wait3A_37 : memref<1x128xi32, #tpu.memory_space<vmem>> -> memref<128xi32, #tpu.memory_space<vmem>>
      %dma_wait3A_39 = arith.constant 0 : i32
      %dma_wait3A_40 = arith.constant 0 : i32
      %dma_wait3A_41 = tpu.memref_slice %arg2[%dma_wait3A_39, %dma_wait3A_40] : memref<10240x128xf32, #tpu.memory_space<hbm>> -> memref<10240x128xf32, #tpu.memory_space<hbm>>
      tpu.wait_indirect_dma semaphore(%arg12 : memref<!tpu.dma_semaphore, #tpu.memory_space<semaphore_mem>>) src(%dma_wait3A_41 : memref<10240x128xf32, #tpu.memory_space<hbm>>) dst(%arg10 : memref<128x128xf32, #tpu.memory_space<vmem>>)
      %dma_start3A_42 = arith.constant 14 : i32
      %dma_start3A_43 = arith.constant 0 : i32
      %dma_start3A_44 = tpu.memref_slice %arg8[%dma_start3A_42, %dma_start3A_43] : memref<64x128xi32, #tpu.memory_space<vmem>> -> memref<1x128xi32, #tpu.memory_space<vmem>>
      %dma_start3A_45 = tpu.memref_squeeze %dma_start3A_44 : memref<1x128xi32, #tpu.memory_space<vmem>> -> memref<128xi32, #tpu.memory_space<vmem>>
      %dma_start3A_46 = arith.constant 0 : i32
      %dma_start3A_47 = arith.constant 0 : i32
      %dma_start3A_48 = tpu.memref_slice %arg9[%dma_start3A_46, %dma_start3A_47] : memref<10240x128xf32, #tpu.memory_space<vmem_shared>> -> memref<10240x128xf32, #tpu.memory_space<vmem_shared>>
      tpu.enqueue_indirect_dma source(%arg10 : memref<128x128xf32, #tpu.memory_space<vmem>>) target(%dma_start3A_48 : memref<10240x128xf32, #tpu.memory_space<vmem_shared>>) offsets(%dma_start3A_45 : memref<128xi32, #tpu.memory_space<vmem>>) semaphore(%arg14 : memref<!tpu.dma_semaphore, #tpu.memory_space<semaphore_mem>>) {add = true}
      %dma_wait3A_49 = arith.constant 15 : i32
      %dma_wait3A_50 = arith.constant 0 : i32
      %dma_wait3A_51 = tpu.memref_slice %arg7[%dma_wait3A_49, %dma_wait3A_50] : memref<64x128xi32, #tpu.memory_space<vmem>> -> memref<1x128xi32, #tpu.memory_space<vmem>>
      %dma_wait3A_52 = tpu.memref_squeeze %dma_wait3A_51 : memref<1x128xi32, #tpu.memory_space<vmem>> -> memref<128xi32, #tpu.memory_space<vmem>>
      %dma_wait3A_53 = arith.constant 0 : i32
      %dma_wait3A_54 = arith.constant 0 : i32
      %dma_wait3A_55 = tpu.memref_slice %arg2[%dma_wait3A_53, %dma_wait3A_54] : memref<10240x128xf32, #tpu.memory_space<hbm>> -> memref<10240x128xf32, #tpu.memory_space<hbm>>
      tpu.wait_indirect_dma semaphore(%arg13 : memref<!tpu.dma_semaphore, #tpu.memory_space<semaphore_mem>>) src(%dma_wait3A_55 : memref<10240x128xf32, #tpu.memory_space<hbm>>) dst(%arg11 : memref<128x128xf32, #tpu.memory_space<vmem>>)
      %dma_start3A_56 = arith.constant 15 : i32
      %dma_start3A_57 = arith.constant 0 : i32
      %dma_start3A_58 = tpu.memref_slice %arg8[%dma_start3A_56, %dma_start3A_57] : memref<64x128xi32, #tpu.memory_space<vmem>> -> memref<1x128xi32, #tpu.memory_space<vmem>>
      %dma_start3A_59 = tpu.memref_squeeze %dma_start3A_58 : memref<1x128xi32, #tpu.memory_space<vmem>> -> memref<128xi32, #tpu.memory_space<vmem>>
      %dma_start3A_60 = arith.constant 0 : i32
      %dma_start3A_61 = arith.constant 0 : i32
      %dma_start3A_62 = tpu.memref_slice %arg9[%dma_start3A_60, %dma_start3A_61] : memref<10240x128xf32, #tpu.memory_space<vmem_shared>> -> memref<10240x128xf32, #tpu.memory_space<vmem_shared>>
      tpu.enqueue_indirect_dma source(%arg11 : memref<128x128xf32, #tpu.memory_space<vmem>>) target(%dma_start3A_62 : memref<10240x128xf32, #tpu.memory_space<vmem_shared>>) offsets(%dma_start3A_59 : memref<128xi32, #tpu.memory_space<vmem>>) semaphore(%arg15 : memref<!tpu.dma_semaphore, #tpu.memory_space<semaphore_mem>>) {add = true}
      %dma_wait3A_63 = arith.constant 14 : i32
      %dma_wait3A_64 = arith.constant 0 : i32
      %dma_wait3A_65 = tpu.memref_slice %arg8[%dma_wait3A_63, %dma_wait3A_64] : memref<64x128xi32, #tpu.memory_space<vmem>> -> memref<1x128xi32, #tpu.memory_space<vmem>>
      %dma_wait3A_66 = tpu.memref_squeeze %dma_wait3A_65 : memref<1x128xi32, #tpu.memory_space<vmem>> -> memref<128xi32, #tpu.memory_space<vmem>>
      %dma_wait3A_67 = arith.constant 0 : i32
      %dma_wait3A_68 = arith.constant 0 : i32
      %dma_wait3A_69 = tpu.memref_slice %arg9[%dma_wait3A_67, %dma_wait3A_68] : memref<10240x128xf32, #tpu.memory_space<vmem_shared>> -> memref<10240x128xf32, #tpu.memory_space<vmem_shared>>
      tpu.wait_indirect_dma semaphore(%arg14 : memref<!tpu.dma_semaphore, #tpu.memory_space<semaphore_mem>>) src(%arg10 : memref<128x128xf32, #tpu.memory_space<vmem>>) dst(%dma_wait3A_69 : memref<10240x128xf32, #tpu.memory_space<vmem_shared>>)
      %dma_wait3A_70 = arith.constant 15 : i32
      %dma_wait3A_71 = arith.constant 0 : i32
      %dma_wait3A_72 = tpu.memref_slice %arg8[%dma_wait3A_70, %dma_wait3A_71] : memref<64x128xi32, #tpu.memory_space<vmem>> -> memref<1x128xi32, #tpu.memory_space<vmem>>
      %dma_wait3A_73 = tpu.memref_squeeze %dma_wait3A_72 : memref<1x128xi32, #tpu.memory_space<vmem>> -> memref<128xi32, #tpu.memory_space<vmem>>
      %dma_wait3A_74 = arith.constant 0 : i32
      %dma_wait3A_75 = arith.constant 0 : i32
      %dma_wait3A_76 = tpu.memref_slice %arg9[%dma_wait3A_74, %dma_wait3A_75] : memref<10240x128xf32, #tpu.memory_space<vmem_shared>> -> memref<10240x128xf32, #tpu.memory_space<vmem_shared>>
      tpu.wait_indirect_dma semaphore(%arg15 : memref<!tpu.dma_semaphore, #tpu.memory_space<semaphore_mem>>) src(%arg11 : memref<128x128xf32, #tpu.memory_space<vmem>>) dst(%dma_wait3A_76 : memref<10240x128xf32, #tpu.memory_space<vmem_shared>>)
      %add3A_77 = arith.constant 16 : i32
      %add3A_78 = arith.addi %add3A_16, %add3A_77 : i32
      "tpu.region"() ({
        %run_scoped3A = tpu.sem_alloc : memref<!tpu.dma_semaphore, #tpu.memory_space<semaphore_mem>>
        %dma_start3A_140 = arith.constant 0 : i32
        %dma_start3A_141 = arith.constant 0 : i32
        %dma_start3A_142 = tpu.memref_slice %arg7[%dma_start3A_140, %dma_start3A_141] : memref<64x128xi32, #tpu.memory_space<vmem>> -> memref<16x128xi32, #tpu.memory_space<vmem>>
        %dma_start3A_143 = arith.constant 0 : i32
        %dma_start3A_144 = tpu.memref_slice %arg3[%add3A_78, %dma_start3A_143] : memref<2560x128xi32, #tpu.memory_space<hbm>> -> memref<16x128xi32, #tpu.memory_space<hbm>>
        %dma_start3A_145 = arith.constant 0 : i32
        %dma_start3A_146 = arith.constant 0 : i32
        %dma_start3A_147 = tpu.memref_slice %arg7[%dma_start3A_145, %dma_start3A_146] : memref<64x128xi32, #tpu.memory_space<vmem>> -> memref<16x128xi32, #tpu.memory_space<vmem>>
        %dma_start3A_148 = arith.constant 0 : i32
        %dma_start3A_149 = tpu.memref_slice %arg3[%add3A_78, %dma_start3A_148] : memref<2560x128xi32, #tpu.memory_space<hbm>> -> memref<16x128xi32, #tpu.memory_space<hbm>>
        tpu.enqueue_dma source(%dma_start3A_149 : memref<16x128xi32, #tpu.memory_space<hbm>>) target(%dma_start3A_147 : memref<16x128xi32, #tpu.memory_space<vmem>>) target_semaphore(%run_scoped3A : memref<!tpu.dma_semaphore, #tpu.memory_space<semaphore_mem>>)
        %dma_wait3A_150 = arith.constant 0 : i32
        %dma_wait3A_151 = arith.constant 0 : i32
        %dma_wait3A_152 = tpu.memref_slice %arg7[%dma_wait3A_150, %dma_wait3A_151] : memref<64x128xi32, #tpu.memory_space<vmem>> -> memref<16x128xi32, #tpu.memory_space<vmem>>
        %dma_wait3A_153 = arith.constant 0 : i32
        %dma_wait3A_154 = tpu.memref_slice %arg3[%add3A_78, %dma_wait3A_153] : memref<2560x128xi32, #tpu.memory_space<hbm>> -> memref<16x128xi32, #tpu.memory_space<hbm>>
        %dma_wait3A_155 = arith.constant 0 : i32
        %dma_wait3A_156 = arith.constant 0 : i32
        %dma_wait3A_157 = tpu.memref_slice %arg7[%dma_wait3A_155, %dma_wait3A_156] : memref<64x128xi32, #tpu.memory_space<vmem>> -> memref<16x128xi32, #tpu.memory_space<vmem>>
        %dma_wait3A_158 = arith.constant 0 : i32
        %dma_wait3A_159 = tpu.memref_slice %arg3[%add3A_78, %dma_wait3A_158] : memref<2560x128xi32, #tpu.memory_space<hbm>> -> memref<16x128xi32, #tpu.memory_space<hbm>>
        tpu.wait_dma2 semaphore(%run_scoped3A : memref<!tpu.dma_semaphore, #tpu.memory_space<semaphore_mem>>) src(%dma_wait3A_159 : memref<16x128xi32, #tpu.memory_space<hbm>>) dst(%dma_wait3A_157 : memref<16x128xi32, #tpu.memory_space<vmem>>)
        tpu.yield
      }) : () -> ()
      "tpu.region"() ({
        %run_scoped3A = tpu.sem_alloc : memref<!tpu.dma_semaphore, #tpu.memory_space<semaphore_mem>>
        %dma_start3A_140 = arith.constant 0 : i32
        %dma_start3A_141 = arith.constant 0 : i32
        %dma_start3A_142 = tpu.memref_slice %arg8[%dma_start3A_140, %dma_start3A_141] : memref<64x128xi32, #tpu.memory_space<vmem>> -> memref<16x128xi32, #tpu.memory_space<vmem>>
        %dma_start3A_143 = arith.constant 0 : i32
        %dma_start3A_144 = tpu.memref_slice %arg4[%add3A_78, %dma_start3A_143] : memref<2560x128xi32, #tpu.memory_space<hbm>> -> memref<16x128xi32, #tpu.memory_space<hbm>>
        %dma_start3A_145 = arith.constant 0 : i32
        %dma_start3A_146 = arith.constant 0 : i32
        %dma_start3A_147 = tpu.memref_slice %arg8[%dma_start3A_145, %dma_start3A_146] : memref<64x128xi32, #tpu.memory_space<vmem>> -> memref<16x128xi32, #tpu.memory_space<vmem>>
        %dma_start3A_148 = arith.constant 0 : i32
        %dma_start3A_149 = tpu.memref_slice %arg4[%add3A_78, %dma_start3A_148] : memref<2560x128xi32, #tpu.memory_space<hbm>> -> memref<16x128xi32, #tpu.memory_space<hbm>>
        tpu.enqueue_dma source(%dma_start3A_149 : memref<16x128xi32, #tpu.memory_space<hbm>>) target(%dma_start3A_147 : memref<16x128xi32, #tpu.memory_space<vmem>>) target_semaphore(%run_scoped3A : memref<!tpu.dma_semaphore, #tpu.memory_space<semaphore_mem>>)
        %dma_wait3A_150 = arith.constant 0 : i32
        %dma_wait3A_151 = arith.constant 0 : i32
        %dma_wait3A_152 = tpu.memref_slice %arg8[%dma_wait3A_150, %dma_wait3A_151] : memref<64x128xi32, #tpu.memory_space<vmem>> -> memref<16x128xi32, #tpu.memory_space<vmem>>
        %dma_wait3A_153 = arith.constant 0 : i32
        %dma_wait3A_154 = tpu.memref_slice %arg4[%add3A_78, %dma_wait3A_153] : memref<2560x128xi32, #tpu.memory_space<hbm>> -> memref<16x128xi32, #tpu.memory_space<hbm>>
        %dma_wait3A_155 = arith.constant 0 : i32
        %dma_wait3A_156 = arith.constant 0 : i32
        %dma_wait3A_157 = tpu.memref_slice %arg8[%dma_wait3A_155, %dma_wait3A_156] : memref<64x128xi32, #tpu.memory_space<vmem>> -> memref<16x128xi32, #tpu.memory_space<vmem>>
        %dma_wait3A_158 = arith.constant 0 : i32
        %dma_wait3A_159 = tpu.memref_slice %arg4[%add3A_78, %dma_wait3A_158] : memref<2560x128xi32, #tpu.memory_space<hbm>> -> memref<16x128xi32, #tpu.memory_space<hbm>>
        tpu.wait_dma2 semaphore(%run_scoped3A : memref<!tpu.dma_semaphore, #tpu.memory_space<semaphore_mem>>) src(%dma_wait3A_159 : memref<16x128xi32, #tpu.memory_space<hbm>>) dst(%dma_wait3A_157 : memref<16x128xi32, #tpu.memory_space<vmem>>)
        tpu.yield
      }) : () -> ()
      %dma_start3A_79 = arith.constant 0 : i32
      %dma_start3A_80 = arith.constant 0 : i32
      %dma_start3A_81 = tpu.memref_slice %arg7[%dma_start3A_79, %dma_start3A_80] : memref<64x128xi32, #tpu.memory_space<vmem>> -> memref<1x128xi32, #tpu.memory_space<vmem>>
      %dma_start3A_82 = tpu.memref_squeeze %dma_start3A_81 : memref<1x128xi32, #tpu.memory_space<vmem>> -> memref<128xi32, #tpu.memory_space<vmem>>
      %dma_start3A_83 = arith.constant 0 : i32
      %dma_start3A_84 = arith.constant 0 : i32
      %dma_start3A_85 = tpu.memref_slice %arg2[%dma_start3A_83, %dma_start3A_84] : memref<10240x128xf32, #tpu.memory_space<hbm>> -> memref<10240x128xf32, #tpu.memory_space<hbm>>
      tpu.enqueue_indirect_dma source(%dma_start3A_85 : memref<10240x128xf32, #tpu.memory_space<hbm>>) target(%arg10 : memref<128x128xf32, #tpu.memory_space<vmem>>) offsets(%dma_start3A_82 : memref<128xi32, #tpu.memory_space<vmem>>) semaphore(%arg12 : memref<!tpu.dma_semaphore, #tpu.memory_space<semaphore_mem>>)
      %dma_start3A_86 = arith.constant 1 : i32
      %dma_start3A_87 = arith.constant 0 : i32
      %dma_start3A_88 = tpu.memref_slice %arg7[%dma_start3A_86, %dma_start3A_87] : memref<64x128xi32, #tpu.memory_space<vmem>> -> memref<1x128xi32, #tpu.memory_space<vmem>>
      %dma_start3A_89 = tpu.memref_squeeze %dma_start3A_88 : memref<1x128xi32, #tpu.memory_space<vmem>> -> memref<128xi32, #tpu.memory_space<vmem>>
      %dma_start3A_90 = arith.constant 0 : i32
      %dma_start3A_91 = arith.constant 0 : i32
      %dma_start3A_92 = tpu.memref_slice %arg2[%dma_start3A_90, %dma_start3A_91] : memref<10240x128xf32, #tpu.memory_space<hbm>> -> memref<10240x128xf32, #tpu.memory_space<hbm>>
      tpu.enqueue_indirect_dma source(%dma_start3A_92 : memref<10240x128xf32, #tpu.memory_space<hbm>>) target(%arg11 : memref<128x128xf32, #tpu.memory_space<vmem>>) offsets(%dma_start3A_89 : memref<128xi32, #tpu.memory_space<vmem>>) semaphore(%arg13 : memref<!tpu.dma_semaphore, #tpu.memory_space<semaphore_mem>>)
      %scan3A_93 = arith.constant 0 : i32
      %scan3A_94 = arith.constant 7 : i32
      %scan3A_95 = arith.addi %scan3A_93, %scan3A_94 : i32
      %scan3A_96 = arith.constant 1 : i32
      scf.for %scan3A_140 = %scan3A_93 to %scan3A_95 step %scan3A_96  : i32 {
        %mul3A_141 = arith.constant 2 : i32
        %mul3A_142 = arith.muli %scan3A_140, %mul3A_141 : i32
        %add3A_143 = arith.constant 0 : i32
        %add3A_144 = arith.addi %add3A_143, %mul3A_142 : i32
        %add3A_145 = arith.constant 0 : i32
        %add3A_146 = arith.addi %add3A_144, %add3A_145 : i32
        %dma_wait3A_147 = arith.constant 0 : i32
        %dma_wait3A_148 = tpu.memref_slice %arg7[%add3A_146, %dma_wait3A_147] : memref<64x128xi32, #tpu.memory_space<vmem>> -> memref<1x128xi32, #tpu.memory_space<vmem>>
        %dma_wait3A_149 = tpu.memref_squeeze %dma_wait3A_148 : memref<1x128xi32, #tpu.memory_space<vmem>> -> memref<128xi32, #tpu.memory_space<vmem>>
        %dma_wait3A_150 = arith.constant 0 : i32
        %dma_wait3A_151 = arith.constant 0 : i32
        %dma_wait3A_152 = tpu.memref_slice %arg2[%dma_wait3A_150, %dma_wait3A_151] : memref<10240x128xf32, #tpu.memory_space<hbm>> -> memref<10240x128xf32, #tpu.memory_space<hbm>>
        tpu.wait_indirect_dma semaphore(%arg12 : memref<!tpu.dma_semaphore, #tpu.memory_space<semaphore_mem>>) src(%dma_wait3A_152 : memref<10240x128xf32, #tpu.memory_space<hbm>>) dst(%arg10 : memref<128x128xf32, #tpu.memory_space<vmem>>)
        %add3A_153 = arith.constant 0 : i32
        %add3A_154 = arith.addi %add3A_144, %add3A_153 : i32
        %dma_start3A_155 = arith.constant 0 : i32
        %dma_start3A_156 = tpu.memref_slice %arg8[%add3A_154, %dma_start3A_155] : memref<64x128xi32, #tpu.memory_space<vmem>> -> memref<1x128xi32, #tpu.memory_space<vmem>>
        %dma_start3A_157 = tpu.memref_squeeze %dma_start3A_156 : memref<1x128xi32, #tpu.memory_space<vmem>> -> memref<128xi32, #tpu.memory_space<vmem>>
        %dma_start3A_158 = arith.constant 0 : i32
        %dma_start3A_159 = arith.constant 0 : i32
        %dma_start3A_160 = tpu.memref_slice %arg9[%dma_start3A_158, %dma_start3A_159] : memref<10240x128xf32, #tpu.memory_space<vmem_shared>> -> memref<10240x128xf32, #tpu.memory_space<vmem_shared>>
        tpu.enqueue_indirect_dma source(%arg10 : memref<128x128xf32, #tpu.memory_space<vmem>>) target(%dma_start3A_160 : memref<10240x128xf32, #tpu.memory_space<vmem_shared>>) offsets(%dma_start3A_157 : memref<128xi32, #tpu.memory_space<vmem>>) semaphore(%arg14 : memref<!tpu.dma_semaphore, #tpu.memory_space<semaphore_mem>>) {add = true}
        %add3A_161 = arith.constant 1 : i32
        %add3A_162 = arith.addi %add3A_144, %add3A_161 : i32
        %dma_wait3A_163 = arith.constant 0 : i32
        %dma_wait3A_164 = tpu.memref_slice %arg7[%add3A_162, %dma_wait3A_163] : memref<64x128xi32, #tpu.memory_space<vmem>> -> memref<1x128xi32, #tpu.memory_space<vmem>>
        %dma_wait3A_165 = tpu.memref_squeeze %dma_wait3A_164 : memref<1x128xi32, #tpu.memory_space<vmem>> -> memref<128xi32, #tpu.memory_space<vmem>>
        %dma_wait3A_166 = arith.constant 0 : i32
        %dma_wait3A_167 = arith.constant 0 : i32
        %dma_wait3A_168 = tpu.memref_slice %arg2[%dma_wait3A_166, %dma_wait3A_167] : memref<10240x128xf32, #tpu.memory_space<hbm>> -> memref<10240x128xf32, #tpu.memory_space<hbm>>
        tpu.wait_indirect_dma semaphore(%arg13 : memref<!tpu.dma_semaphore, #tpu.memory_space<semaphore_mem>>) src(%dma_wait3A_168 : memref<10240x128xf32, #tpu.memory_space<hbm>>) dst(%arg11 : memref<128x128xf32, #tpu.memory_space<vmem>>)
        %add3A_169 = arith.constant 1 : i32
        %add3A_170 = arith.addi %add3A_144, %add3A_169 : i32
        %dma_start3A_171 = arith.constant 0 : i32
        %dma_start3A_172 = tpu.memref_slice %arg8[%add3A_170, %dma_start3A_171] : memref<64x128xi32, #tpu.memory_space<vmem>> -> memref<1x128xi32, #tpu.memory_space<vmem>>
        %dma_start3A_173 = tpu.memref_squeeze %dma_start3A_172 : memref<1x128xi32, #tpu.memory_space<vmem>> -> memref<128xi32, #tpu.memory_space<vmem>>
        %dma_start3A_174 = arith.constant 0 : i32
        %dma_start3A_175 = arith.constant 0 : i32
        %dma_start3A_176 = tpu.memref_slice %arg9[%dma_start3A_174, %dma_start3A_175] : memref<10240x128xf32, #tpu.memory_space<vmem_shared>> -> memref<10240x128xf32, #tpu.memory_space<vmem_shared>>
        tpu.enqueue_indirect_dma source(%arg11 : memref<128x128xf32, #tpu.memory_space<vmem>>) target(%dma_start3A_176 : memref<10240x128xf32, #tpu.memory_space<vmem_shared>>) offsets(%dma_start3A_173 : memref<128xi32, #tpu.memory_space<vmem>>) semaphore(%arg15 : memref<!tpu.dma_semaphore, #tpu.memory_space<semaphore_mem>>) {add = true}
        %add3A_177 = arith.constant 0 : i32
        %add3A_178 = arith.addi %add3A_144, %add3A_177 : i32
        %dma_wait3A_179 = arith.constant 0 : i32
        %dma_wait3A_180 = tpu.memref_slice %arg8[%add3A_178, %dma_wait3A_179] : memref<64x128xi32, #tpu.memory_space<vmem>> -> memref<1x128xi32, #tpu.memory_space<vmem>>
        %dma_wait3A_181 = tpu.memref_squeeze %dma_wait3A_180 : memref<1x128xi32, #tpu.memory_space<vmem>> -> memref<128xi32, #tpu.memory_space<vmem>>
        %dma_wait3A_182 = arith.constant 0 : i32
        %dma_wait3A_183 = arith.constant 0 : i32
        %dma_wait3A_184 = tpu.memref_slice %arg9[%dma_wait3A_182, %dma_wait3A_183] : memref<10240x128xf32, #tpu.memory_space<vmem_shared>> -> memref<10240x128xf32, #tpu.memory_space<vmem_shared>>
        tpu.wait_indirect_dma semaphore(%arg14 : memref<!tpu.dma_semaphore, #tpu.memory_space<semaphore_mem>>) src(%arg10 : memref<128x128xf32, #tpu.memory_space<vmem>>) dst(%dma_wait3A_184 : memref<10240x128xf32, #tpu.memory_space<vmem_shared>>)
        %add3A_185 = arith.constant 2 : i32
        %add3A_186 = arith.addi %add3A_144, %add3A_185 : i32
        %add3A_187 = arith.constant 0 : i32
        %add3A_188 = arith.addi %add3A_186, %add3A_187 : i32
        %dma_start3A_189 = arith.constant 0 : i32
        %dma_start3A_190 = tpu.memref_slice %arg7[%add3A_188, %dma_start3A_189] : memref<64x128xi32, #tpu.memory_space<vmem>> -> memref<1x128xi32, #tpu.memory_space<vmem>>
        %dma_start3A_191 = tpu.memref_squeeze %dma_start3A_190 : memref<1x128xi32, #tpu.memory_space<vmem>> -> memref<128xi32, #tpu.memory_space<vmem>>
        %dma_start3A_192 = arith.constant 0 : i32
        %dma_start3A_193 = arith.constant 0 : i32
        %dma_start3A_194 = tpu.memref_slice %arg2[%dma_start3A_192, %dma_start3A_193] : memref<10240x128xf32, #tpu.memory_space<hbm>> -> memref<10240x128xf32, #tpu.memory_space<hbm>>
        tpu.enqueue_indirect_dma source(%dma_start3A_194 : memref<10240x128xf32, #tpu.memory_space<hbm>>) target(%arg10 : memref<128x128xf32, #tpu.memory_space<vmem>>) offsets(%dma_start3A_191 : memref<128xi32, #tpu.memory_space<vmem>>) semaphore(%arg12 : memref<!tpu.dma_semaphore, #tpu.memory_space<semaphore_mem>>)
        %add3A_195 = arith.constant 1 : i32
        %add3A_196 = arith.addi %add3A_144, %add3A_195 : i32
        %dma_wait3A_197 = arith.constant 0 : i32
        %dma_wait3A_198 = tpu.memref_slice %arg8[%add3A_196, %dma_wait3A_197] : memref<64x128xi32, #tpu.memory_space<vmem>> -> memref<1x128xi32, #tpu.memory_space<vmem>>
        %dma_wait3A_199 = tpu.memref_squeeze %dma_wait3A_198 : memref<1x128xi32, #tpu.memory_space<vmem>> -> memref<128xi32, #tpu.memory_space<vmem>>
        %dma_wait3A_200 = arith.constant 0 : i32
        %dma_wait3A_201 = arith.constant 0 : i32
        %dma_wait3A_202 = tpu.memref_slice %arg9[%dma_wait3A_200, %dma_wait3A_201] : memref<10240x128xf32, #tpu.memory_space<vmem_shared>> -> memref<10240x128xf32, #tpu.memory_space<vmem_shared>>
        tpu.wait_indirect_dma semaphore(%arg15 : memref<!tpu.dma_semaphore, #tpu.memory_space<semaphore_mem>>) src(%arg11 : memref<128x128xf32, #tpu.memory_space<vmem>>) dst(%dma_wait3A_202 : memref<10240x128xf32, #tpu.memory_space<vmem_shared>>)
        %add3A_203 = arith.constant 2 : i32
        %add3A_204 = arith.addi %add3A_144, %add3A_203 : i32
        %add3A_205 = arith.constant 1 : i32
        %add3A_206 = arith.addi %add3A_204, %add3A_205 : i32
        %dma_start3A_207 = arith.constant 0 : i32
        %dma_start3A_208 = tpu.memref_slice %arg7[%add3A_206, %dma_start3A_207] : memref<64x128xi32, #tpu.memory_space<vmem>> -> memref<1x128xi32, #tpu.memory_space<vmem>>
        %dma_start3A_209 = tpu.memref_squeeze %dma_start3A_208 : memref<1x128xi32, #tpu.memory_space<vmem>> -> memref<128xi32, #tpu.memory_space<vmem>>
        %dma_start3A_210 = arith.constant 0 : i32
        %dma_start3A_211 = arith.constant 0 : i32
        %dma_start3A_212 = tpu.memref_slice %arg2[%dma_start3A_210, %dma_start3A_211] : memref<10240x128xf32, #tpu.memory_space<hbm>> -> memref<10240x128xf32, #tpu.memory_space<hbm>>
        tpu.enqueue_indirect_dma source(%dma_start3A_212 : memref<10240x128xf32, #tpu.memory_space<hbm>>) target(%arg11 : memref<128x128xf32, #tpu.memory_space<vmem>>) offsets(%dma_start3A_209 : memref<128xi32, #tpu.memory_space<vmem>>) semaphore(%arg13 : memref<!tpu.dma_semaphore, #tpu.memory_space<semaphore_mem>>)
      }
      %scan3A_97 = arith.constant 7 : i32
      %dma_wait3A_98 = arith.constant 14 : i32
      %dma_wait3A_99 = arith.constant 0 : i32
      %dma_wait3A_100 = tpu.memref_slice %arg7[%dma_wait3A_98, %dma_wait3A_99] : memref<64x128xi32, #tpu.memory_space<vmem>> -> memref<1x128xi32, #tpu.memory_space<vmem>>
      %dma_wait3A_101 = tpu.memref_squeeze %dma_wait3A_100 : memref<1x128xi32, #tpu.memory_space<vmem>> -> memref<128xi32, #tpu.memory_space<vmem>>
      %dma_wait3A_102 = arith.constant 0 : i32
      %dma_wait3A_103 = arith.constant 0 : i32
      %dma_wait3A_104 = tpu.memref_slice %arg2[%dma_wait3A_102, %dma_wait3A_103] : memref<10240x128xf32, #tpu.memory_space<hbm>> -> memref<10240x128xf32, #tpu.memory_space<hbm>>
      tpu.wait_indirect_dma semaphore(%arg12 : memref<!tpu.dma_semaphore, #tpu.memory_space<semaphore_mem>>) src(%dma_wait3A_104 : memref<10240x128xf32, #tpu.memory_space<hbm>>) dst(%arg10 : memref<128x128xf32, #tpu.memory_space<vmem>>)
      %dma_start3A_105 = arith.constant 14 : i32
      %dma_start3A_106 = arith.constant 0 : i32
      %dma_start3A_107 = tpu.memref_slice %arg8[%dma_start3A_105, %dma_start3A_106] : memref<64x128xi32, #tpu.memory_space<vmem>> -> memref<1x128xi32, #tpu.memory_space<vmem>>
      %dma_start3A_108 = tpu.memref_squeeze %dma_start3A_107 : memref<1x128xi32, #tpu.memory_space<vmem>> -> memref<128xi32, #tpu.memory_space<vmem>>
      %dma_start3A_109 = arith.constant 0 : i32
      %dma_start3A_110 = arith.constant 0 : i32
      %dma_start3A_111 = tpu.memref_slice %arg9[%dma_start3A_109, %dma_start3A_110] : memref<10240x128xf32, #tpu.memory_space<vmem_shared>> -> memref<10240x128xf32, #tpu.memory_space<vmem_shared>>
      tpu.enqueue_indirect_dma source(%arg10 : memref<128x128xf32, #tpu.memory_space<vmem>>) target(%dma_start3A_111 : memref<10240x128xf32, #tpu.memory_space<vmem_shared>>) offsets(%dma_start3A_108 : memref<128xi32, #tpu.memory_space<vmem>>) semaphore(%arg14 : memref<!tpu.dma_semaphore, #tpu.memory_space<semaphore_mem>>) {add = true}
      %dma_wait3A_112 = arith.constant 15 : i32
      %dma_wait3A_113 = arith.constant 0 : i32
      %dma_wait3A_114 = tpu.memref_slice %arg7[%dma_wait3A_112, %dma_wait3A_113] : memref<64x128xi32, #tpu.memory_space<vmem>> -> memref<1x128xi32, #tpu.memory_space<vmem>>
      %dma_wait3A_115 = tpu.memref_squeeze %dma_wait3A_114 : memref<1x128xi32, #tpu.memory_space<vmem>> -> memref<128xi32, #tpu.memory_space<vmem>>
      %dma_wait3A_116 = arith.constant 0 : i32
      %dma_wait3A_117 = arith.constant 0 : i32
      %dma_wait3A_118 = tpu.memref_slice %arg2[%dma_wait3A_116, %dma_wait3A_117] : memref<10240x128xf32, #tpu.memory_space<hbm>> -> memref<10240x128xf32, #tpu.memory_space<hbm>>
      tpu.wait_indirect_dma semaphore(%arg13 : memref<!tpu.dma_semaphore, #tpu.memory_space<semaphore_mem>>) src(%dma_wait3A_118 : memref<10240x128xf32, #tpu.memory_space<hbm>>) dst(%arg11 : memref<128x128xf32, #tpu.memory_space<vmem>>)
      %dma_start3A_119 = arith.constant 15 : i32
      %dma_start3A_120 = arith.constant 0 : i32
      %dma_start3A_121 = tpu.memref_slice %arg8[%dma_start3A_119, %dma_start3A_120] : memref<64x128xi32, #tpu.memory_space<vmem>> -> memref<1x128xi32, #tpu.memory_space<vmem>>
      %dma_start3A_122 = tpu.memref_squeeze %dma_start3A_121 : memref<1x128xi32, #tpu.memory_space<vmem>> -> memref<128xi32, #tpu.memory_space<vmem>>
      %dma_start3A_123 = arith.constant 0 : i32
      %dma_start3A_124 = arith.constant 0 : i32
      %dma_start3A_125 = tpu.memref_slice %arg9[%dma_start3A_123, %dma_start3A_124] : memref<10240x128xf32, #tpu.memory_space<vmem_shared>> -> memref<10240x128xf32, #tpu.memory_space<vmem_shared>>
      tpu.enqueue_indirect_dma source(%arg11 : memref<128x128xf32, #tpu.memory_space<vmem>>) target(%dma_start3A_125 : memref<10240x128xf32, #tpu.memory_space<vmem_shared>>) offsets(%dma_start3A_122 : memref<128xi32, #tpu.memory_space<vmem>>) semaphore(%arg15 : memref<!tpu.dma_semaphore, #tpu.memory_space<semaphore_mem>>) {add = true}
      %dma_wait3A_126 = arith.constant 14 : i32
      %dma_wait3A_127 = arith.constant 0 : i32
      %dma_wait3A_128 = tpu.memref_slice %arg8[%dma_wait3A_126, %dma_wait3A_127] : memref<64x128xi32, #tpu.memory_space<vmem>> -> memref<1x128xi32, #tpu.memory_space<vmem>>
      %dma_wait3A_129 = tpu.memref_squeeze %dma_wait3A_128 : memref<1x128xi32, #tpu.memory_space<vmem>> -> memref<128xi32, #tpu.memory_space<vmem>>
      %dma_wait3A_130 = arith.constant 0 : i32
      %dma_wait3A_131 = arith.constant 0 : i32
      %dma_wait3A_132 = tpu.memref_slice %arg9[%dma_wait3A_130, %dma_wait3A_131] : memref<10240x128xf32, #tpu.memory_space<vmem_shared>> -> memref<10240x128xf32, #tpu.memory_space<vmem_shared>>
      tpu.wait_indirect_dma semaphore(%arg14 : memref<!tpu.dma_semaphore, #tpu.memory_space<semaphore_mem>>) src(%arg10 : memref<128x128xf32, #tpu.memory_space<vmem>>) dst(%dma_wait3A_132 : memref<10240x128xf32, #tpu.memory_space<vmem_shared>>)
      %dma_wait3A_133 = arith.constant 15 : i32
      %dma_wait3A_134 = arith.constant 0 : i32
      %dma_wait3A_135 = tpu.memref_slice %arg8[%dma_wait3A_133, %dma_wait3A_134] : memref<64x128xi32, #tpu.memory_space<vmem>> -> memref<1x128xi32, #tpu.memory_space<vmem>>
      %dma_wait3A_136 = tpu.memref_squeeze %dma_wait3A_135 : memref<1x128xi32, #tpu.memory_space<vmem>> -> memref<128xi32, #tpu.memory_space<vmem>>
      %dma_wait3A_137 = arith.constant 0 : i32
      %dma_wait3A_138 = arith.constant 0 : i32
      %dma_wait3A_139 = tpu.memref_slice %arg9[%dma_wait3A_137, %dma_wait3A_138] : memref<10240x128xf32, #tpu.memory_space<vmem_shared>> -> memref<10240x128xf32, #tpu.memory_space<vmem_shared>>
      tpu.wait_indirect_dma semaphore(%arg15 : memref<!tpu.dma_semaphore, #tpu.memory_space<semaphore_mem>>) src(%arg11 : memref<128x128xf32, #tpu.memory_space<vmem>>) dst(%dma_wait3A_139 : memref<10240x128xf32, #tpu.memory_space<vmem_shared>>)
    } else {
    }
    %barrier3A_12 = arith.constant 0 : index
    tpu.barrier barrier_id(%barrier3A_12)
    "tpu.region"() ({
      %run_scoped3A = tpu.sem_alloc : memref<!tpu.dma_semaphore, #tpu.memory_space<semaphore_mem>>
      %dma_start3A = arith.constant 0 : i32
      %dma_start3A_13 = tpu.memref_slice %arg6[%add3A, %dma_start3A] : memref<20480x128xf32, #tpu.memory_space<hbm>> -> memref<640x128xf32, #tpu.memory_space<hbm>>
      %dma_start3A_14 = arith.constant 0 : i32
      %dma_start3A_15 = tpu.memref_slice %arg9[%mul3A_0, %dma_start3A_14] : memref<10240x128xf32, #tpu.memory_space<vmem_shared>> -> memref<640x128xf32, #tpu.memory_space<vmem_shared>>
      tpu.enqueue_dma source(%dma_start3A_15 : memref<640x128xf32, #tpu.memory_space<vmem_shared>>) target(%dma_start3A_13 : memref<640x128xf32, #tpu.memory_space<hbm>>) target_semaphore(%run_scoped3A : memref<!tpu.dma_semaphore, #tpu.memory_space<semaphore_mem>>)
      %dma_wait3A = arith.constant 0 : i32
      %dma_wait3A_16 = tpu.memref_slice %arg6[%add3A, %dma_wait3A] : memref<20480x128xf32, #tpu.memory_space<hbm>> -> memref<640x128xf32, #tpu.memory_space<hbm>>
      %dma_wait3A_17 = arith.constant 0 : i32
      %dma_wait3A_18 = tpu.memref_slice %arg9[%mul3A_0, %dma_wait3A_17] : memref<10240x128xf32, #tpu.memory_space<vmem_shared>> -> memref<640x128xf32, #tpu.memory_space<vmem_shared>>
      tpu.wait_dma2 semaphore(%run_scoped3A : memref<!tpu.dma_semaphore, #tpu.memory_space<semaphore_mem>>) src(%dma_wait3A_18 : memref<640x128xf32, #tpu.memory_space<vmem_shared>>) dst(%dma_wait3A_16 : memref<640x128xf32, #tpu.memory_space<hbm>>)
      tpu.yield
    }) : () -> ()
    return
  }
}

module attributes {stable_mosaic.version = 14 : i64} {
  func.func @body(%arg0: i32, %arg1: memref<32x16x128xf32, #tpu.memory_space<vmem>>, %arg2: memref<2048x128xf32, #tpu.memory_space<vmem>>, %arg3: memref<2048x128xf32, #tpu.memory_space<vmem>>, %arg4: memref<2048x128xf32, #tpu.memory_space<vmem>>) attributes {dimension_semantics = [#tpu.dimension_semantics<arbitrary>], iteration_bounds = array<i64: 5>, scalar_prefetch = 0 : i64, scratch_operands = 0 : i64, tpu.core_type = #tpu.core_type<tc>, window_params = [{transform_indices = @transform_0, window_bounds = array<i64: 32, 16, 128>}, {transform_indices = @transform_1, window_bounds = array<i64: 2048, 128>}, {transform_indices = @transform_2, window_bounds = array<i64: 2048, 128>}, {transform_indices = @transform_3, window_bounds = array<i64: 2048, 128>}]} {
    %get3A = arith.constant 0 : index
    %get3A_0 = arith.constant 0 : index
    %get3A_1 = arith.constant 0 : index
    %get3A_2 = vector.load %arg1[%get3A, %get3A_0, %get3A_1] : memref<32x16x128xf32, #tpu.memory_space<vmem>>, vector<32x16x128xf32>
    %reduce_sum3A = arith.constant dense<0.000000e+00> : vector<16x128xf32>
    %reduce_sum3A_3 = vector.multi_reduction <add>, %get3A_2, %reduce_sum3A [0] : vector<32x16x128xf32> to vector<16x128xf32>
    %add3A = arith.constant 1.000000e+00 : f32
    %add3A_4 = vector.broadcast %add3A : f32 to vector<16x128xf32>
    %add3A_5 = arith.addf %reduce_sum3A_3, %add3A_4 : vector<16x128xf32>
    %mul3A = arith.constant 2048 : i32
    %mul3A_6 = arith.muli %arg0, %mul3A : i32
    %iota3A = tpu.iota {dimensions = array<i32: 0>} : vector<16x128xi32>
    %mul3A_7 = arith.constant 128 : i32
    %mul3A_8 = vector.broadcast %mul3A_7 : i32 to vector<16x128xi32>
    %mul3A_9 = arith.muli %iota3A, %mul3A_8 : vector<16x128xi32>
    %add3A_10 = vector.broadcast %mul3A_6 : i32 to vector<16x128xi32>
    %add3A_11 = arith.addi %add3A_10, %mul3A_9 : vector<16x128xi32>
    %iota3A_12 = tpu.iota {dimensions = array<i32: 1>} : vector<16x128xi32>
    %add3A_13 = arith.addi %add3A_11, %iota3A_12 : vector<16x128xi32>
    %lt3A = arith.constant 10000 : i32
    %lt3A_14 = vector.broadcast %lt3A : i32 to vector<16x128xi32>
    %lt3A_15 = arith.cmpi slt, %add3A_13, %lt3A_14 : vector<16x128xi32>
    %rsqrt3A = math.rsqrt %add3A_5 : vector<16x128xf32>
    %jit3A = arith.constant 0.000000e+00 : f32
    %broadcast_in_dim3A = vector.broadcast %jit3A : f32 to vector<16x128xf32>
    %select_n3A = arith.select %lt3A_15, %rsqrt3A, %broadcast_in_dim3A : vector<16x128xi1>, vector<16x128xf32>
    %iota3A_16 = tpu.iota {dimensions = array<i32: 0>} : vector<128x128xi32>
    %iota3A_17 = tpu.iota {dimensions = array<i32: 1>} : vector<128x128xi32>
    %eq3A = arith.cmpi eq, %iota3A_16, %iota3A_17 : vector<128x128xi32>
    %jit3A_18 = arith.constant 1.000000e+00 : f32
    %jit3A_19 = arith.constant 0.000000e+00 : f32
    %broadcast_in_dim3A_20 = vector.broadcast %jit3A_18 : f32 to vector<128x128xf32>
    %broadcast_in_dim3A_21 = vector.broadcast %jit3A_19 : f32 to vector<128x128xf32>
    %select_n3A_22 = arith.select %eq3A, %broadcast_in_dim3A_20, %broadcast_in_dim3A_21 : vector<128x128xi1>, vector<128x128xf32>
    %slice3A = vector.extract_strided_slice %select_n3A {offsets = [0, 0], sizes = [1, 128], strides = [1, 1]} : vector<16x128xf32> to vector<1x128xf32>
    %broadcast_in_dim3A_23 = vector.shape_cast %slice3A : vector<1x128xf32> to vector<1x128xf32>
    %broadcast_in_dim3A_24 = vector.broadcast %broadcast_in_dim3A_23 : vector<1x128xf32> to vector<128x128xf32>
    %mul3A_25 = arith.mulf %broadcast_in_dim3A_24, %select_n3A_22 : vector<128x128xf32>
    %reduce_sum3A_26 = arith.constant dense<0.000000e+00> : vector<128xf32>
    %reduce_sum3A_27 = vector.multi_reduction <add>, %mul3A_25, %reduce_sum3A_26 [1] : vector<128x128xf32> to vector<128xf32>
    %broadcast_in_dim3A_28 = vector.shape_cast %reduce_sum3A_27 : vector<128xf32> to vector<128x1xf32>
    %broadcast_in_dim3A_29 = vector.shape_cast %broadcast_in_dim3A_28 : vector<128x1xf32> to vector<128x1xf32>
    %broadcast_in_dim3A_30 = vector.broadcast %broadcast_in_dim3A_29 : vector<128x1xf32> to vector<128x128xf32>
    %slice3A_31 = vector.extract_strided_slice %select_n3A {offsets = [1, 0], sizes = [1, 128], strides = [1, 1]} : vector<16x128xf32> to vector<1x128xf32>
    %broadcast_in_dim3A_32 = vector.shape_cast %slice3A_31 : vector<1x128xf32> to vector<1x128xf32>
    %broadcast_in_dim3A_33 = vector.broadcast %broadcast_in_dim3A_32 : vector<1x128xf32> to vector<128x128xf32>
    %mul3A_34 = arith.mulf %broadcast_in_dim3A_33, %select_n3A_22 : vector<128x128xf32>
    %reduce_sum3A_35 = arith.constant dense<0.000000e+00> : vector<128xf32>
    %reduce_sum3A_36 = vector.multi_reduction <add>, %mul3A_34, %reduce_sum3A_35 [1] : vector<128x128xf32> to vector<128xf32>
    %broadcast_in_dim3A_37 = vector.shape_cast %reduce_sum3A_36 : vector<128xf32> to vector<128x1xf32>
    %broadcast_in_dim3A_38 = vector.shape_cast %broadcast_in_dim3A_37 : vector<128x1xf32> to vector<128x1xf32>
    %broadcast_in_dim3A_39 = vector.broadcast %broadcast_in_dim3A_38 : vector<128x1xf32> to vector<128x128xf32>
    %slice3A_40 = vector.extract_strided_slice %select_n3A {offsets = [2, 0], sizes = [1, 128], strides = [1, 1]} : vector<16x128xf32> to vector<1x128xf32>
    %broadcast_in_dim3A_41 = vector.shape_cast %slice3A_40 : vector<1x128xf32> to vector<1x128xf32>
    %broadcast_in_dim3A_42 = vector.broadcast %broadcast_in_dim3A_41 : vector<1x128xf32> to vector<128x128xf32>
    %mul3A_43 = arith.mulf %broadcast_in_dim3A_42, %select_n3A_22 : vector<128x128xf32>
    %reduce_sum3A_44 = arith.constant dense<0.000000e+00> : vector<128xf32>
    %reduce_sum3A_45 = vector.multi_reduction <add>, %mul3A_43, %reduce_sum3A_44 [1] : vector<128x128xf32> to vector<128xf32>
    %broadcast_in_dim3A_46 = vector.shape_cast %reduce_sum3A_45 : vector<128xf32> to vector<128x1xf32>
    %broadcast_in_dim3A_47 = vector.shape_cast %broadcast_in_dim3A_46 : vector<128x1xf32> to vector<128x1xf32>
    %broadcast_in_dim3A_48 = vector.broadcast %broadcast_in_dim3A_47 : vector<128x1xf32> to vector<128x128xf32>
    %slice3A_49 = vector.extract_strided_slice %select_n3A {offsets = [3, 0], sizes = [1, 128], strides = [1, 1]} : vector<16x128xf32> to vector<1x128xf32>
    %broadcast_in_dim3A_50 = vector.shape_cast %slice3A_49 : vector<1x128xf32> to vector<1x128xf32>
    %broadcast_in_dim3A_51 = vector.broadcast %broadcast_in_dim3A_50 : vector<1x128xf32> to vector<128x128xf32>
    %mul3A_52 = arith.mulf %broadcast_in_dim3A_51, %select_n3A_22 : vector<128x128xf32>
    %reduce_sum3A_53 = arith.constant dense<0.000000e+00> : vector<128xf32>
    %reduce_sum3A_54 = vector.multi_reduction <add>, %mul3A_52, %reduce_sum3A_53 [1] : vector<128x128xf32> to vector<128xf32>
    %broadcast_in_dim3A_55 = vector.shape_cast %reduce_sum3A_54 : vector<128xf32> to vector<128x1xf32>
    %broadcast_in_dim3A_56 = vector.shape_cast %broadcast_in_dim3A_55 : vector<128x1xf32> to vector<128x1xf32>
    %broadcast_in_dim3A_57 = vector.broadcast %broadcast_in_dim3A_56 : vector<128x1xf32> to vector<128x128xf32>
    %slice3A_58 = vector.extract_strided_slice %select_n3A {offsets = [4, 0], sizes = [1, 128], strides = [1, 1]} : vector<16x128xf32> to vector<1x128xf32>
    %broadcast_in_dim3A_59 = vector.shape_cast %slice3A_58 : vector<1x128xf32> to vector<1x128xf32>
    %broadcast_in_dim3A_60 = vector.broadcast %broadcast_in_dim3A_59 : vector<1x128xf32> to vector<128x128xf32>
    %mul3A_61 = arith.mulf %broadcast_in_dim3A_60, %select_n3A_22 : vector<128x128xf32>
    %reduce_sum3A_62 = arith.constant dense<0.000000e+00> : vector<128xf32>
    %reduce_sum3A_63 = vector.multi_reduction <add>, %mul3A_61, %reduce_sum3A_62 [1] : vector<128x128xf32> to vector<128xf32>
    %broadcast_in_dim3A_64 = vector.shape_cast %reduce_sum3A_63 : vector<128xf32> to vector<128x1xf32>
    %broadcast_in_dim3A_65 = vector.shape_cast %broadcast_in_dim3A_64 : vector<128x1xf32> to vector<128x1xf32>
    %broadcast_in_dim3A_66 = vector.broadcast %broadcast_in_dim3A_65 : vector<128x1xf32> to vector<128x128xf32>
    %slice3A_67 = vector.extract_strided_slice %select_n3A {offsets = [5, 0], sizes = [1, 128], strides = [1, 1]} : vector<16x128xf32> to vector<1x128xf32>
    %broadcast_in_dim3A_68 = vector.shape_cast %slice3A_67 : vector<1x128xf32> to vector<1x128xf32>
    %broadcast_in_dim3A_69 = vector.broadcast %broadcast_in_dim3A_68 : vector<1x128xf32> to vector<128x128xf32>
    %mul3A_70 = arith.mulf %broadcast_in_dim3A_69, %select_n3A_22 : vector<128x128xf32>
    %reduce_sum3A_71 = arith.constant dense<0.000000e+00> : vector<128xf32>
    %reduce_sum3A_72 = vector.multi_reduction <add>, %mul3A_70, %reduce_sum3A_71 [1] : vector<128x128xf32> to vector<128xf32>
    %broadcast_in_dim3A_73 = vector.shape_cast %reduce_sum3A_72 : vector<128xf32> to vector<128x1xf32>
    %broadcast_in_dim3A_74 = vector.shape_cast %broadcast_in_dim3A_73 : vector<128x1xf32> to vector<128x1xf32>
    %broadcast_in_dim3A_75 = vector.broadcast %broadcast_in_dim3A_74 : vector<128x1xf32> to vector<128x128xf32>
    %slice3A_76 = vector.extract_strided_slice %select_n3A {offsets = [6, 0], sizes = [1, 128], strides = [1, 1]} : vector<16x128xf32> to vector<1x128xf32>
    %broadcast_in_dim3A_77 = vector.shape_cast %slice3A_76 : vector<1x128xf32> to vector<1x128xf32>
    %broadcast_in_dim3A_78 = vector.broadcast %broadcast_in_dim3A_77 : vector<1x128xf32> to vector<128x128xf32>
    %mul3A_79 = arith.mulf %broadcast_in_dim3A_78, %select_n3A_22 : vector<128x128xf32>
    %reduce_sum3A_80 = arith.constant dense<0.000000e+00> : vector<128xf32>
    %reduce_sum3A_81 = vector.multi_reduction <add>, %mul3A_79, %reduce_sum3A_80 [1] : vector<128x128xf32> to vector<128xf32>
    %broadcast_in_dim3A_82 = vector.shape_cast %reduce_sum3A_81 : vector<128xf32> to vector<128x1xf32>
    %broadcast_in_dim3A_83 = vector.shape_cast %broadcast_in_dim3A_82 : vector<128x1xf32> to vector<128x1xf32>
    %broadcast_in_dim3A_84 = vector.broadcast %broadcast_in_dim3A_83 : vector<128x1xf32> to vector<128x128xf32>
    %slice3A_85 = vector.extract_strided_slice %select_n3A {offsets = [7, 0], sizes = [1, 128], strides = [1, 1]} : vector<16x128xf32> to vector<1x128xf32>
    %broadcast_in_dim3A_86 = vector.shape_cast %slice3A_85 : vector<1x128xf32> to vector<1x128xf32>
    %broadcast_in_dim3A_87 = vector.broadcast %broadcast_in_dim3A_86 : vector<1x128xf32> to vector<128x128xf32>
    %mul3A_88 = arith.mulf %broadcast_in_dim3A_87, %select_n3A_22 : vector<128x128xf32>
    %reduce_sum3A_89 = arith.constant dense<0.000000e+00> : vector<128xf32>
    %reduce_sum3A_90 = vector.multi_reduction <add>, %mul3A_88, %reduce_sum3A_89 [1] : vector<128x128xf32> to vector<128xf32>
    %broadcast_in_dim3A_91 = vector.shape_cast %reduce_sum3A_90 : vector<128xf32> to vector<128x1xf32>
    %broadcast_in_dim3A_92 = vector.shape_cast %broadcast_in_dim3A_91 : vector<128x1xf32> to vector<128x1xf32>
    %broadcast_in_dim3A_93 = vector.broadcast %broadcast_in_dim3A_92 : vector<128x1xf32> to vector<128x128xf32>
    %slice3A_94 = vector.extract_strided_slice %select_n3A {offsets = [8, 0], sizes = [1, 128], strides = [1, 1]} : vector<16x128xf32> to vector<1x128xf32>
    %broadcast_in_dim3A_95 = vector.shape_cast %slice3A_94 : vector<1x128xf32> to vector<1x128xf32>
    %broadcast_in_dim3A_96 = vector.broadcast %broadcast_in_dim3A_95 : vector<1x128xf32> to vector<128x128xf32>
    %mul3A_97 = arith.mulf %broadcast_in_dim3A_96, %select_n3A_22 : vector<128x128xf32>
    %reduce_sum3A_98 = arith.constant dense<0.000000e+00> : vector<128xf32>
    %reduce_sum3A_99 = vector.multi_reduction <add>, %mul3A_97, %reduce_sum3A_98 [1] : vector<128x128xf32> to vector<128xf32>
    %broadcast_in_dim3A_100 = vector.shape_cast %reduce_sum3A_99 : vector<128xf32> to vector<128x1xf32>
    %broadcast_in_dim3A_101 = vector.shape_cast %broadcast_in_dim3A_100 : vector<128x1xf32> to vector<128x1xf32>
    %broadcast_in_dim3A_102 = vector.broadcast %broadcast_in_dim3A_101 : vector<128x1xf32> to vector<128x128xf32>
    %slice3A_103 = vector.extract_strided_slice %select_n3A {offsets = [9, 0], sizes = [1, 128], strides = [1, 1]} : vector<16x128xf32> to vector<1x128xf32>
    %broadcast_in_dim3A_104 = vector.shape_cast %slice3A_103 : vector<1x128xf32> to vector<1x128xf32>
    %broadcast_in_dim3A_105 = vector.broadcast %broadcast_in_dim3A_104 : vector<1x128xf32> to vector<128x128xf32>
    %mul3A_106 = arith.mulf %broadcast_in_dim3A_105, %select_n3A_22 : vector<128x128xf32>
    %reduce_sum3A_107 = arith.constant dense<0.000000e+00> : vector<128xf32>
    %reduce_sum3A_108 = vector.multi_reduction <add>, %mul3A_106, %reduce_sum3A_107 [1] : vector<128x128xf32> to vector<128xf32>
    %broadcast_in_dim3A_109 = vector.shape_cast %reduce_sum3A_108 : vector<128xf32> to vector<128x1xf32>
    %broadcast_in_dim3A_110 = vector.shape_cast %broadcast_in_dim3A_109 : vector<128x1xf32> to vector<128x1xf32>
    %broadcast_in_dim3A_111 = vector.broadcast %broadcast_in_dim3A_110 : vector<128x1xf32> to vector<128x128xf32>
    %slice3A_112 = vector.extract_strided_slice %select_n3A {offsets = [10, 0], sizes = [1, 128], strides = [1, 1]} : vector<16x128xf32> to vector<1x128xf32>
    %broadcast_in_dim3A_113 = vector.shape_cast %slice3A_112 : vector<1x128xf32> to vector<1x128xf32>
    %broadcast_in_dim3A_114 = vector.broadcast %broadcast_in_dim3A_113 : vector<1x128xf32> to vector<128x128xf32>
    %mul3A_115 = arith.mulf %broadcast_in_dim3A_114, %select_n3A_22 : vector<128x128xf32>
    %reduce_sum3A_116 = arith.constant dense<0.000000e+00> : vector<128xf32>
    %reduce_sum3A_117 = vector.multi_reduction <add>, %mul3A_115, %reduce_sum3A_116 [1] : vector<128x128xf32> to vector<128xf32>
    %broadcast_in_dim3A_118 = vector.shape_cast %reduce_sum3A_117 : vector<128xf32> to vector<128x1xf32>
    %broadcast_in_dim3A_119 = vector.shape_cast %broadcast_in_dim3A_118 : vector<128x1xf32> to vector<128x1xf32>
    %broadcast_in_dim3A_120 = vector.broadcast %broadcast_in_dim3A_119 : vector<128x1xf32> to vector<128x128xf32>
    %slice3A_121 = vector.extract_strided_slice %select_n3A {offsets = [11, 0], sizes = [1, 128], strides = [1, 1]} : vector<16x128xf32> to vector<1x128xf32>
    %broadcast_in_dim3A_122 = vector.shape_cast %slice3A_121 : vector<1x128xf32> to vector<1x128xf32>
    %broadcast_in_dim3A_123 = vector.broadcast %broadcast_in_dim3A_122 : vector<1x128xf32> to vector<128x128xf32>
    %mul3A_124 = arith.mulf %broadcast_in_dim3A_123, %select_n3A_22 : vector<128x128xf32>
    %reduce_sum3A_125 = arith.constant dense<0.000000e+00> : vector<128xf32>
    %reduce_sum3A_126 = vector.multi_reduction <add>, %mul3A_124, %reduce_sum3A_125 [1] : vector<128x128xf32> to vector<128xf32>
    %broadcast_in_dim3A_127 = vector.shape_cast %reduce_sum3A_126 : vector<128xf32> to vector<128x1xf32>
    %broadcast_in_dim3A_128 = vector.shape_cast %broadcast_in_dim3A_127 : vector<128x1xf32> to vector<128x1xf32>
    %broadcast_in_dim3A_129 = vector.broadcast %broadcast_in_dim3A_128 : vector<128x1xf32> to vector<128x128xf32>
    %slice3A_130 = vector.extract_strided_slice %select_n3A {offsets = [12, 0], sizes = [1, 128], strides = [1, 1]} : vector<16x128xf32> to vector<1x128xf32>
    %broadcast_in_dim3A_131 = vector.shape_cast %slice3A_130 : vector<1x128xf32> to vector<1x128xf32>
    %broadcast_in_dim3A_132 = vector.broadcast %broadcast_in_dim3A_131 : vector<1x128xf32> to vector<128x128xf32>
    %mul3A_133 = arith.mulf %broadcast_in_dim3A_132, %select_n3A_22 : vector<128x128xf32>
    %reduce_sum3A_134 = arith.constant dense<0.000000e+00> : vector<128xf32>
    %reduce_sum3A_135 = vector.multi_reduction <add>, %mul3A_133, %reduce_sum3A_134 [1] : vector<128x128xf32> to vector<128xf32>
    %broadcast_in_dim3A_136 = vector.shape_cast %reduce_sum3A_135 : vector<128xf32> to vector<128x1xf32>
    %broadcast_in_dim3A_137 = vector.shape_cast %broadcast_in_dim3A_136 : vector<128x1xf32> to vector<128x1xf32>
    %broadcast_in_dim3A_138 = vector.broadcast %broadcast_in_dim3A_137 : vector<128x1xf32> to vector<128x128xf32>
    %slice3A_139 = vector.extract_strided_slice %select_n3A {offsets = [13, 0], sizes = [1, 128], strides = [1, 1]} : vector<16x128xf32> to vector<1x128xf32>
    %broadcast_in_dim3A_140 = vector.shape_cast %slice3A_139 : vector<1x128xf32> to vector<1x128xf32>
    %broadcast_in_dim3A_141 = vector.broadcast %broadcast_in_dim3A_140 : vector<1x128xf32> to vector<128x128xf32>
    %mul3A_142 = arith.mulf %broadcast_in_dim3A_141, %select_n3A_22 : vector<128x128xf32>
    %reduce_sum3A_143 = arith.constant dense<0.000000e+00> : vector<128xf32>
    %reduce_sum3A_144 = vector.multi_reduction <add>, %mul3A_142, %reduce_sum3A_143 [1] : vector<128x128xf32> to vector<128xf32>
    %broadcast_in_dim3A_145 = vector.shape_cast %reduce_sum3A_144 : vector<128xf32> to vector<128x1xf32>
    %broadcast_in_dim3A_146 = vector.shape_cast %broadcast_in_dim3A_145 : vector<128x1xf32> to vector<128x1xf32>
    %broadcast_in_dim3A_147 = vector.broadcast %broadcast_in_dim3A_146 : vector<128x1xf32> to vector<128x128xf32>
    %slice3A_148 = vector.extract_strided_slice %select_n3A {offsets = [14, 0], sizes = [1, 128], strides = [1, 1]} : vector<16x128xf32> to vector<1x128xf32>
    %broadcast_in_dim3A_149 = vector.shape_cast %slice3A_148 : vector<1x128xf32> to vector<1x128xf32>
    %broadcast_in_dim3A_150 = vector.broadcast %broadcast_in_dim3A_149 : vector<1x128xf32> to vector<128x128xf32>
    %mul3A_151 = arith.mulf %broadcast_in_dim3A_150, %select_n3A_22 : vector<128x128xf32>
    %reduce_sum3A_152 = arith.constant dense<0.000000e+00> : vector<128xf32>
    %reduce_sum3A_153 = vector.multi_reduction <add>, %mul3A_151, %reduce_sum3A_152 [1] : vector<128x128xf32> to vector<128xf32>
    %broadcast_in_dim3A_154 = vector.shape_cast %reduce_sum3A_153 : vector<128xf32> to vector<128x1xf32>
    %broadcast_in_dim3A_155 = vector.shape_cast %broadcast_in_dim3A_154 : vector<128x1xf32> to vector<128x1xf32>
    %broadcast_in_dim3A_156 = vector.broadcast %broadcast_in_dim3A_155 : vector<128x1xf32> to vector<128x128xf32>
    %slice3A_157 = vector.extract_strided_slice %select_n3A {offsets = [15, 0], sizes = [1, 128], strides = [1, 1]} : vector<16x128xf32> to vector<1x128xf32>
    %broadcast_in_dim3A_158 = vector.shape_cast %slice3A_157 : vector<1x128xf32> to vector<1x128xf32>
    %broadcast_in_dim3A_159 = vector.broadcast %broadcast_in_dim3A_158 : vector<1x128xf32> to vector<128x128xf32>
    %mul3A_160 = arith.mulf %broadcast_in_dim3A_159, %select_n3A_22 : vector<128x128xf32>
    %reduce_sum3A_161 = arith.constant dense<0.000000e+00> : vector<128xf32>
    %reduce_sum3A_162 = vector.multi_reduction <add>, %mul3A_160, %reduce_sum3A_161 [1] : vector<128x128xf32> to vector<128xf32>
    %broadcast_in_dim3A_163 = vector.shape_cast %reduce_sum3A_162 : vector<128xf32> to vector<128x1xf32>
    %broadcast_in_dim3A_164 = vector.shape_cast %broadcast_in_dim3A_163 : vector<128x1xf32> to vector<128x1xf32>
    %broadcast_in_dim3A_165 = vector.broadcast %broadcast_in_dim3A_164 : vector<128x1xf32> to vector<128x128xf32>
    %concatenate3A = tpu.concatenate %broadcast_in_dim3A_30, %broadcast_in_dim3A_39, %broadcast_in_dim3A_48, %broadcast_in_dim3A_57, %broadcast_in_dim3A_66, %broadcast_in_dim3A_75, %broadcast_in_dim3A_84, %broadcast_in_dim3A_93, %broadcast_in_dim3A_102, %broadcast_in_dim3A_111, %broadcast_in_dim3A_120, %broadcast_in_dim3A_129, %broadcast_in_dim3A_138, %broadcast_in_dim3A_147, %broadcast_in_dim3A_156, %broadcast_in_dim3A_165 in 0 : vector<128x128xf32>, vector<128x128xf32>, vector<128x128xf32>, vector<128x128xf32>, vector<128x128xf32>, vector<128x128xf32>, vector<128x128xf32>, vector<128x128xf32>, vector<128x128xf32>, vector<128x128xf32>, vector<128x128xf32>, vector<128x128xf32>, vector<128x128xf32>, vector<128x128xf32>, vector<128x128xf32>, vector<128x128xf32> -> vector<2048x128xf32>
    %swap3A = arith.constant 0 : index
    %swap3A_166 = arith.constant 0 : index
    %swap3A_167 = vector.load %arg3[%swap3A, %swap3A_166] : memref<2048x128xf32, #tpu.memory_space<vmem>>, vector<2048x128xf32>
    tpu.vector_store %arg3[%swap3A, %swap3A_166], %concatenate3A {strides = array<i32>} : memref<2048x128xf32, #tpu.memory_space<vmem>>, vector<2048x128xf32>,
    %get3A_168 = arith.constant 0 : index
    %get3A_169 = arith.constant 0 : index
    %get3A_170 = vector.load %arg2[%get3A_168, %get3A_169] : memref<2048x128xf32, #tpu.memory_space<vmem>>, vector<2048x128xf32>
    %mul3A_171 = arith.mulf %get3A_170, %concatenate3A : vector<2048x128xf32>
    %swap3A_172 = arith.constant 0 : index
    %swap3A_173 = arith.constant 0 : index
    %swap3A_174 = vector.load %arg4[%swap3A_172, %swap3A_173] : memref<2048x128xf32, #tpu.memory_space<vmem>>, vector<2048x128xf32>
    tpu.vector_store %arg4[%swap3A_172, %swap3A_173], %mul3A_171 {strides = array<i32>} : memref<2048x128xf32, #tpu.memory_space<vmem>>, vector<2048x128xf32>,
    return
  }
  func.func @transform_0(%arg0: i32) -> (i32, i32, i32) {
    %c0_i32 = arith.constant 0 : i32
    %c0_i32_0 = arith.constant 0 : i32
    %c0_i32_1 = arith.constant 0 : i32
    return %c0_i32, %arg0, %c0_i32_0 : i32, i32, i32
  }
  func.func @transform_1(%arg0: i32) -> (i32, i32) {
    %c0_i32 = arith.constant 0 : i32
    %c0_i32_0 = arith.constant 0 : i32
    return %arg0, %c0_i32 : i32, i32
  }
  func.func @transform_2(%arg0: i32) -> (i32, i32) {
    %c0_i32 = arith.constant 0 : i32
    %c0_i32_0 = arith.constant 0 : i32
    return %arg0, %c0_i32 : i32, i32
  }
  func.func @transform_3(%arg0: i32) -> (i32, i32) {
    %c0_i32 = arith.constant 0 : i32
    %c0_i32_0 = arith.constant 0 : i32
    return %arg0, %c0_i32 : i32, i32
  }
}

module attributes {stable_mosaic.version = 14 : i64} {
  func.func @body(%arg0: i32, %arg1: memref<2x640x128xf32, #tpu.memory_space<vmem>>, %arg2: memref<640x128xf32, #tpu.memory_space<vmem>>, %arg3: memref<128x128xf32, #tpu.memory_space<vmem>>, %arg4: memref<1x128xf32, #tpu.memory_space<vmem>>, %arg5: memref<640x128xf32, #tpu.memory_space<vmem>>) attributes {dimension_semantics = [#tpu.dimension_semantics<arbitrary>], iteration_bounds = array<i64: 16>, scalar_prefetch = 0 : i64, scratch_operands = 0 : i64, tpu.core_type = #tpu.core_type<tc>, window_params = [{transform_indices = @transform_0, window_bounds = array<i64: 2, 640, 128>}, {transform_indices = @transform_1, window_bounds = array<i64: 640, 128>}, {pipeline_mode = #tpu.pipeline_mode<synchronous>, transform_indices = @transform_2, window_bounds = array<i64: 128, 128>}, {pipeline_mode = #tpu.pipeline_mode<synchronous>, transform_indices = @transform_3, window_bounds = array<i64: 1, 128>}, {transform_indices = @transform_4, window_bounds = array<i64: 640, 128>}]} {
    %get3A = arith.constant 0 : index
    %get3A_0 = arith.constant 0 : index
    %get3A_1 = vector.load %arg2[%get3A, %get3A_0] : memref<640x128xf32, #tpu.memory_space<vmem>>, vector<640x128xf32>
    %get3A_2 = arith.constant 0 : index
    %get3A_3 = arith.constant 0 : index
    %get3A_4 = arith.constant 0 : index
    %get3A_5 = vector.load %arg1[%get3A_2, %get3A_3, %get3A_4] : memref<2x640x128xf32, #tpu.memory_space<vmem>>, vector<1x640x128xf32>
    %get3A_6 = vector.shape_cast %get3A_5 : vector<1x640x128xf32> to vector<640x128xf32>
    %get3A_7 = arith.constant 1 : index
    %get3A_8 = arith.constant 0 : index
    %get3A_9 = arith.constant 0 : index
    %get3A_10 = vector.load %arg1[%get3A_7, %get3A_8, %get3A_9] : memref<2x640x128xf32, #tpu.memory_space<vmem>>, vector<1x640x128xf32>
    %get3A_11 = vector.shape_cast %get3A_10 : vector<1x640x128xf32> to vector<640x128xf32>
    %add3A = arith.addf %get3A_6, %get3A_11 : vector<640x128xf32>
    %mul3A = arith.mulf %add3A, %get3A_1 : vector<640x128xf32>
    %get3A_12 = arith.constant 0 : index
    %get3A_13 = arith.constant 0 : index
    %get3A_14 = vector.load %arg3[%get3A_12, %get3A_13] : memref<128x128xf32, #tpu.memory_space<vmem>>, vector<128x128xf32>
    %dot_general3A = arith.constant dense<0.000000e+00> : vector<640x128xf32>
    %dot_general3A_15 = tpu.matmul %mul3A, %get3A_14, %dot_general3A {dimension_numbers = #tpu.dot_dimension_numbers<[1], [0], [0], [1], [0, 0, 1, 1], [], []>, precision = #tpu.contract_precision<fp32>, transpose_lhs_hint = false} : vector<640x128xf32>, vector<128x128xf32>, vector<640x128xf32> -> vector<640x128xf32>
    %get3A_16 = arith.constant 0 : index
    %get3A_17 = arith.constant 0 : index
    %get3A_18 = vector.load %arg4[%get3A_16, %get3A_17] : memref<1x128xf32, #tpu.memory_space<vmem>>, vector<1x128xf32>
    %add3A_19 = vector.broadcast %get3A_18 : vector<1x128xf32> to vector<640x128xf32>
    %add3A_20 = arith.addf %dot_general3A_15, %add3A_19 : vector<640x128xf32>
    %max3A = arith.constant 0.000000e+00 : f32
    %max3A_21 = vector.broadcast %max3A : f32 to vector<640x128xf32>
    %max3A_22 = arith.maximumf %add3A_20, %max3A_21 : vector<640x128xf32>
    %mul3A_23 = arith.mulf %max3A_22, %get3A_1 : vector<640x128xf32>
    %swap3A = arith.constant 0 : index
    %swap3A_24 = arith.constant 0 : index
    %swap3A_25 = vector.load %arg5[%swap3A, %swap3A_24] : memref<640x128xf32, #tpu.memory_space<vmem>>, vector<640x128xf32>
    tpu.vector_store %arg5[%swap3A, %swap3A_24], %mul3A_23 {strides = array<i32>} : memref<640x128xf32, #tpu.memory_space<vmem>>, vector<640x128xf32>,
    return
  }
  func.func @transform_0(%arg0: i32) -> (i32, i32, i32) {
    %c0_i32 = arith.constant 0 : i32
    %c0_i32_0 = arith.constant 0 : i32
    %c0_i32_1 = arith.constant 0 : i32
    return %c0_i32, %arg0, %c0_i32_0 : i32, i32, i32
  }
  func.func @transform_1(%arg0: i32) -> (i32, i32) {
    %c0_i32 = arith.constant 0 : i32
    %c0_i32_0 = arith.constant 0 : i32
    return %arg0, %c0_i32 : i32, i32
  }
  func.func @transform_2(%arg0: i32) -> (i32, i32) {
    %c0_i32 = arith.constant 0 : i32
    %c0_i32_0 = arith.constant 0 : i32
    %c0_i32_1 = arith.constant 0 : i32
    return %c0_i32, %c0_i32_0 : i32, i32
  }
  func.func @transform_3(%arg0: i32) -> (i32, i32) {
    %c0_i32 = arith.constant 0 : i32
    %c0_i32_0 = arith.constant 0 : i32
    %c0_i32_1 = arith.constant 0 : i32
    return %c0_i32, %c0_i32_0 : i32, i32
  }
  func.func @transform_4(%arg0: i32) -> (i32, i32) {
    %c0_i32 = arith.constant 0 : i32
    %c0_i32_0 = arith.constant 0 : i32
    return %arg0, %c0_i32 : i32, i32
  }
}

module attributes {stable_mosaic.version = 14 : i64} {
  func.func @body(%arg0: i32, %arg1: memref<2x640x128xf32, #tpu.memory_space<vmem>>, %arg2: memref<640x128xf32, #tpu.memory_space<vmem>>, %arg3: memref<128x128xf32, #tpu.memory_space<vmem>>, %arg4: memref<1x128xf32, #tpu.memory_space<vmem>>, %arg5: memref<640x128xf32, #tpu.memory_space<vmem>>) attributes {dimension_semantics = [#tpu.dimension_semantics<arbitrary>], iteration_bounds = array<i64: 16>, scalar_prefetch = 0 : i64, scratch_operands = 0 : i64, tpu.core_type = #tpu.core_type<tc>, window_params = [{transform_indices = @transform_0, window_bounds = array<i64: 2, 640, 128>}, {transform_indices = @transform_1, window_bounds = array<i64: 640, 128>}, {pipeline_mode = #tpu.pipeline_mode<synchronous>, transform_indices = @transform_2, window_bounds = array<i64: 128, 128>}, {pipeline_mode = #tpu.pipeline_mode<synchronous>, transform_indices = @transform_3, window_bounds = array<i64: 1, 128>}, {transform_indices = @transform_4, window_bounds = array<i64: 640, 128>}]} {
    %get3A = arith.constant 0 : index
    %get3A_0 = arith.constant 0 : index
    %get3A_1 = vector.load %arg2[%get3A, %get3A_0] : memref<640x128xf32, #tpu.memory_space<vmem>>, vector<640x128xf32>
    %get3A_2 = arith.constant 0 : index
    %get3A_3 = arith.constant 0 : index
    %get3A_4 = arith.constant 0 : index
    %get3A_5 = vector.load %arg1[%get3A_2, %get3A_3, %get3A_4] : memref<2x640x128xf32, #tpu.memory_space<vmem>>, vector<1x640x128xf32>
    %get3A_6 = vector.shape_cast %get3A_5 : vector<1x640x128xf32> to vector<640x128xf32>
    %get3A_7 = arith.constant 1 : index
    %get3A_8 = arith.constant 0 : index
    %get3A_9 = arith.constant 0 : index
    %get3A_10 = vector.load %arg1[%get3A_7, %get3A_8, %get3A_9] : memref<2x640x128xf32, #tpu.memory_space<vmem>>, vector<1x640x128xf32>
    %get3A_11 = vector.shape_cast %get3A_10 : vector<1x640x128xf32> to vector<640x128xf32>
    %add3A = arith.addf %get3A_6, %get3A_11 : vector<640x128xf32>
    %mul3A = arith.mulf %add3A, %get3A_1 : vector<640x128xf32>
    %get3A_12 = arith.constant 0 : index
    %get3A_13 = arith.constant 0 : index
    %get3A_14 = vector.load %arg3[%get3A_12, %get3A_13] : memref<128x128xf32, #tpu.memory_space<vmem>>, vector<128x128xf32>
    %dot_general3A = arith.constant dense<0.000000e+00> : vector<640x128xf32>
    %dot_general3A_15 = tpu.matmul %mul3A, %get3A_14, %dot_general3A {dimension_numbers = #tpu.dot_dimension_numbers<[1], [0], [0], [1], [0, 0, 1, 1], [], []>, precision = #tpu.contract_precision<fp32>, transpose_lhs_hint = false} : vector<640x128xf32>, vector<128x128xf32>, vector<640x128xf32> -> vector<640x128xf32>
    %get3A_16 = arith.constant 0 : index
    %get3A_17 = arith.constant 0 : index
    %get3A_18 = vector.load %arg4[%get3A_16, %get3A_17] : memref<1x128xf32, #tpu.memory_space<vmem>>, vector<1x128xf32>
    %add3A_19 = vector.broadcast %get3A_18 : vector<1x128xf32> to vector<640x128xf32>
    %add3A_20 = arith.addf %dot_general3A_15, %add3A_19 : vector<640x128xf32>
    %swap3A = arith.constant 0 : index
    %swap3A_21 = arith.constant 0 : index
    %swap3A_22 = vector.load %arg5[%swap3A, %swap3A_21] : memref<640x128xf32, #tpu.memory_space<vmem>>, vector<640x128xf32>
    tpu.vector_store %arg5[%swap3A, %swap3A_21], %add3A_20 {strides = array<i32>} : memref<640x128xf32, #tpu.memory_space<vmem>>, vector<640x128xf32>,
    return
  }
  func.func @transform_0(%arg0: i32) -> (i32, i32, i32) {
    %c0_i32 = arith.constant 0 : i32
    %c0_i32_0 = arith.constant 0 : i32
    %c0_i32_1 = arith.constant 0 : i32
    return %c0_i32, %arg0, %c0_i32_0 : i32, i32, i32
  }
  func.func @transform_1(%arg0: i32) -> (i32, i32) {
    %c0_i32 = arith.constant 0 : i32
    %c0_i32_0 = arith.constant 0 : i32
    return %arg0, %c0_i32 : i32, i32
  }
  func.func @transform_2(%arg0: i32) -> (i32, i32) {
    %c0_i32 = arith.constant 0 : i32
    %c0_i32_0 = arith.constant 0 : i32
    %c0_i32_1 = arith.constant 0 : i32
    return %c0_i32, %c0_i32_0 : i32, i32
  }
  func.func @transform_3(%arg0: i32) -> (i32, i32) {
    %c0_i32 = arith.constant 0 : i32
    %c0_i32_0 = arith.constant 0 : i32
    %c0_i32_1 = arith.constant 0 : i32
    return %c0_i32, %c0_i32_0 : i32, i32
  }
  func.func @transform_4(%arg0: i32) -> (i32, i32) {
    %c0_i32 = arith.constant 0 : i32
    %c0_i32_0 = arith.constant 0 : i32
    return %arg0, %c0_i32 : i32, i32
  }
}

</mosaic_0001>

<sc_bundles>
// kernel: kernel.10.cloned.1.call-start
scs
__scs_entry_jumppad:
0x0: {  	(pc) =	sbr.rel $0x88, $3  }
0x1: {  	(tag) =	ssettag $0x0;
	lr =	simm.s32 $0x1  }
0x2: {  	[smem:$0x3F99] =	sst lr;
	_ =	strace $0xD0000000  }
0x3: {  	_ = 	snop  }
0x4: {  	_ = 	snop  }
0x5: {  	_ = 	snop  }
0x6: {  	_ = 	snop  }
0x7: {  	_ = 	snop  }
__scs_overlays_trampoline_lowered:
0x8: {  	[smem:$0x3FA8] =	sst s0  }
0x9: {  	[smem:$0x3FA9] =	sst s1  }
0xa: {  	[smem:$0x3FAA] =	sst s2  }
0xb: {  	[smem:$0x3FAB] =	sst s3  }
0xc: {  	[smem:$0x3FAC] =	sst s4  }
0xd: {  	[smem:$0x3FAD] =	sst s5  }
0xe: {  	[smem:$0x3FAE] =	sst s6  }
0xf: {  	[smem:$0x3FAF] =	sst s7  }
0x10: {  	[smem:$0x3FB0] =	sst s8  }
0x11: {  	[smem:$0x3FB1] =	sst s9;
	s0 =	simm.s32 @!p0 $0x0  }
0x12: {  	s1 =	sld [smem:$0x3F97];
	s0 =	simm.s32 @p0 $0x1  }
0x13: {  	[smem:$0x3FB2] =	sst s0;
	s0 =	simm.s32 @!p1 $0x0  }
0x14: {  	s2 =	sld [smem:$0x3F96];
	s0 =	simm.s32 @p1 $0x1  }
0x15: {  	[smem:$0x3FB3] =	sst s0;
	s0 =	simm.s32 @!p2 $0x0  }
0x16: {  	s3 =	sld [smem:$0x3FDB];
	s0 =	simm.s32 @p2 $0x1  }
0x17: {  	s4 =	simm.s32 $0x1BF5;
	[smem:$0x3FB5] =	sst s0  }
0x18: {  	s0 =	sld [smem:$0x3F98];
	_ =	swait.ge [sflag:s4], $0x0  }
0x19: {  	s7 =	sld [smem:$0x3F99]  }
0x1a: {  	s8 =	sadd.s32 $0xFFFFE003, lr  }
0x1b: {  	s9 =	sadd.s32 $0xFFFFFEF7, lr;
	s5 =	simm.s32 $0xFFFFFFFF;
	p2 =	slt.u32 s8, $0xFFFFF086  }
0x1c: {  	p1 =	slt.u32 s9, $0xF7A;
	s5 =	simm.s32 @!p2 $0x0  }
0x1d: {  	s5 =	simm.s32 @p1 $0x1;
	p0 =	seq.s32 s7, s2  }
0x1e: {  	s7 =	smul.u32 @!p0 $0xF7A, s2;
	p2 =	seq.s32 @!p0 s5, $0x0  }
0x1f: {  	s9 =	smul.u32 $0xF7A, s1;
	s8 =	simm.s32 @!p0 $0x1BF5;
	p2 =	por !p2, p0  }
0x20: {  	[sflag:s8] =	ssyncset.s32 @!p0 $0xFFFFF086;
	s6 =	sadd.s32 @!p0 s3, s7;
	s7 =	simm.s32 @!p0 $0x108  }
0x21: {  	s3 =	sadd.s32 s3, s9;
	s6 =	sadd.s32 @!p0 $0x88, s6;
	s7 =	simm.s32 @p2 $0x1082  }
0x22: {  	[simem:s7], [sflag:s8] =	dma.local @!p0 [hbm:s6], $0xF7A  }
0x23: {  	s9 =	sor.u32 $0xD0000000, s2;
	s6 =	simm.s32 $0x108;
	_ =	swait.ge @!p0 [sflag:s8], $0x0  }
0x24: {  	s3 =	sadd.s32 $0x88, s3;
	s6 =	simm.s32 @!p1 $0x1082;
	[sflag:s4] =	ssyncset.s32 $0xFFFFF086  }
0x25: {  	[simem:s6], [sflag:s4] =	dma.local [hbm:s3], $0xF7A  }
0x26: {  	[smem:$0x3F99] =	sst s1;
	(tag) =	ssettag s2;
	_ =	strace s9  }
0x27: {  	s1 =	sld [smem:$0x3FA9]  }
0x28: {  	s2 =	sld [smem:$0x3FAA]  }
0x29: {  	s4 =	sld [smem:$0x3FAC]  }
0x2a: {  	p0 =	seq.s32 s5, $0x0;
	s5 =	sld [smem:$0x3FAD]  }
0x2b: {  	s6 =	sld [smem:$0x3FAE]  }
0x2c: {  	s7 =	sld [smem:$0x3FAF]  }
0x2d: {  	s3 =	simm.s32 $0x108;
	s8 =	sld [smem:$0x3FB0]  }
0x2e: {  	s3 =	simm.s32 @!p0 $0x1082;
	s9 =	sld [smem:$0x3FB1]  }
0x2f: {  	lr =	sadd.s32 s0, s3;
	s0 =	sld [smem:$0x3FA8]  }
0x30: {  	s3 =	sld [smem:$0x3FAB]  }
0x31: {  	[smem:$0x3FB4] =	sst s10  }
0x32: {  	s10 =	sld [smem:$0x3FB2];
	_ =	sdelay $0x3  }
0x33: {  	p0 =	seq.s32 s10, $0x1;
	s10 =	sld [smem:$0x3FB4];
	_ =	sdelay $0x3  }
0x34: {  	[smem:$0x3FB4] =	sst s10  }
0x35: {  	s10 =	sld [smem:$0x3FB3];
	_ =	sdelay $0x3  }
0x36: {  	p1 =	seq.s32 s10, $0x1;
	s10 =	sld [smem:$0x3FB4];
	_ =	sdelay $0x3  }
0x37: {  	[smem:$0x3FB4] =	sst s10  }
0x38: {  	s10 =	sld [smem:$0x3FB5]  }
0x39: {  	_ = 	snop;
	(pc) =	sbr.ind lr, $3  }
0x3a: {  	_ = 	snop  }
0x3b: {  	_ = 	snop  }
0x3c: {  	p2 =	seq.s32 s10, $0x1;
	s10 =	sld [smem:$0x3FB4]  }
0x3d: {  	_ =	shalt  }
0x3e: {  	_ =	shalt  }
0x3f: {  	_ =	shalt  }
0x40: {  	_ =	shalt  }
0x41: {  	_ =	shalt  }
0x42: {  	_ =	shalt  }
0x43: {  	_ =	shalt  }
0x44: {  	_ =	shalt  }
0x45: {  	_ =	shalt  }
0x46: {  	_ =	shalt  }
0x47: {  	_ =	shalt  }
0x48: {  	_ =	shalt  }
0x49: {  	_ =	shalt  }
0x4a: {  	_ =	shalt  }
0x4b: {  	_ =	shalt  }
0x4c: {  	_ =	shalt  }
0x4d: {  	_ =	shalt  }
0x4e: {  	_ =	shalt  }
0x4f: {  	_ =	shalt  }
0x50: {  	_ =	shalt  }
0x51: {  	_ =	shalt  }
0x52: {  	_ =	shalt  }
0x53: {  	_ =	shalt  }
0x54: {  	_ =	shalt  }
0x55: {  	_ =	shalt  }
0x56: {  	_ =	shalt  }
0x57: {  	_ =	shalt  }
0x58: {  	_ =	shalt  }
0x59: {  	_ =	shalt  }
0x5a: {  	_ =	shalt  }
0x5b: {  	_ =	shalt  }
0x5c: {  	_ =	shalt  }
0x5d: {  	_ =	shalt  }
0x5e: {  	_ =	shalt  }
0x5f: {  	_ =	shalt  }
0x60: {  	_ =	shalt  }
0x61: {  	_ =	shalt  }
0x62: {  	_ =	shalt  }
0x63: {  	_ =	shalt  }
0x64: {  	_ =	shalt  }
0x65: {  	_ =	shalt  }
0x66: {  	_ =	shalt  }
0x67: {  	_ =	shalt  }
0x68: {  	_ =	shalt  }
0x69: {  	_ =	shalt  }
0x6a: {  	_ =	shalt  }
0x6b: {  	_ =	shalt  }
0x6c: {  	_ =	shalt  }
0x6d: {  	_ =	shalt  }
0x6e: {  	_ =	shalt  }
0x6f: {  	_ =	shalt  }
0x70: {  	_ =	shalt  }
0x71: {  	_ =	shalt  }
0x72: {  	_ =	shalt  }
0x73: {  	_ =	shalt  }
0x74: {  	_ =	shalt  }
0x75: {  	_ =	shalt  }
0x76: {  	_ =	shalt  }
0x77: {  	_ =	shalt  }
0x78: {  	_ =	shalt  }
0x79: {  	_ =	shalt  }
0x7a: {  	_ =	shalt  }
0x7b: {  	_ =	shalt  }
0x7c: {  	_ =	shalt  }
0x7d: {  	_ =	shalt  }
0x7e: {  	_ =	shalt  }
0x7f: {  	_ =	shalt  }
0x80: {  	_ =	shalt  }
0x81: {  	_ =	shalt  }
0x82: {  	_ =	shalt  }
0x83: {  	_ =	shalt  }
0x84: {  	_ =	shalt  }
0x85: {  	_ =	shalt  }
0x86: {  	_ =	shalt  }
0x87: {  	_ =	shalt  }
.Lfunc_end0:
.L_simem_size_0:
called_computation_lowered:
.L_overlay_start_0:
0x88: {  	s2 =	sld [smem:$0x3FD9]  }
0x89: {  	s3 =	sld [smem:$0x3FFE];
	_ =	sdelay $0x1  }
0x8a: {  	s1 =	srdreg.scid  }
0x8b: {  	s0 =	sand.u32 $0x1, s1  }
0x8c: {  	s16 =	sshll.u32 s0, $0xA;
	s2 =	sadd.s32 s3, s2  }
0x8d: {  	s2 =	sadd.s32 s2, s16  }
0x8e: {  	[smem:$0x3FC0] =	sst s2  }
0x8f: {  	_ = 	snop  }
0x90: {  	(tm) =	ssettm $0x1  }
0x91: {  	s17 =	sld [smem:$0x3FFB];
	_ =	sdelay $0x3  }
0x92: {  	_ =	strace s17  }
0x93: {  	s2 =	sld [smem:$0x3FFC];
	_ =	sdelay $0x3  }
0x94: {  	_ =	strace s2  }
0x95: {  	s2 =	sld [smem:$0x3FFD];
	_ =	sdelay $0x3  }
0x96: {  	_ =	strace s2  }
0x97: {  	_ =	strace $0x8FFFFFFF  }
0x98: {  	s18 =	sld [smem:$0x3FDB];
	_ =	sdelay $0x1  }
0x99: {  	s19 =	simm.s32 $_scs_section_size  }
0x9a: {  	s4 =	simm.s32 $_size__tile_overlayer_lowered;
	s5 =	simm.s32 $_tile_overlayer_lowered  }
0x9b: {  	s22 =	simm.s32 $0x1BFF;
	s21 =	sshll.u32 s5, $0x1;
	s2 =	sadd.s32 s19, s18  }
0x9c: {  	s6 =	simm.s32 $0x0;
	s20 =	sshll.u32 s4, $0x1;
	s4 =	sadd.s32 s21, s2  }
0x9d: {  	[timem:s6], [sflag:s22] =	dma.local [hbm:s4], s20  }
0x9e: {  	_ =	swait.ge [sflag:s22], s20  }
0x9f: {  	s3 =	ssub.s32 $0x0, s20;
	[sflag:s22] =	ssyncset.done $0x0  }
0xa0: {  	[sflag:s22] =	ssyncadd.s32 s3;
	_ =	sdelay $0x1  }
0xa1: {  	s23 =	simm.s32 $0x1B8B  }
0xa2: {  	_ =	swait.ge [sflag:s23], $0x1  }
0xa3: {  	[sflag:s23] =	ssyncset.done $0x0  }
0xa4: {  	s25 =	simm.s32 $0x1B8E;
	s24 =	sld [smem:$0x3FFE];
	[sflag:s23] =	ssyncadd.s32 $0xFFFFFFFF  }
0xa5: {  	s26 =	simm.s32 $execute0_lowered;
	[smem:$0x3FD2] =	sst s25  }
0xa6: {  	s4 =	sshll.u32 s26, $0x1;
	_ =	strace $0x80000046;
	[dreg:$0x1] =	wrdreg $0xFFFFFFFF  }
0xa7: {  	s28 =	simm.s32 $_size_execute0_lowered;
	s2 =	sadd.s32 s2, s4;
	[dreg:$0x0] =	wrdreg $0x0  }
0xa8: {  	s4 =	sshll.u32 s28, $0x1;
	[dreg:$0x2] =	wrdreg s2  }
0xa9: {  	[dreg:$0x3] =	wrdreg s4  }
0xaa: {  	[dreg:$0x4] =	wrdreg $0xC0  }
0xab: {  	_ =	task [dreg:s6], $0x5FFFF  }
0xac: {  	[dreg:$0x1] =	wrdreg $0xFFFFFFFF  }
0xad: {  	[dreg:$0x0] =	wrdreg $0x60  }
0xae: {  	[dreg:$0x2] =	wrdreg s24  }
0xaf: {  	[dreg:$0x3] =	wrdreg $0x9  }
0xb0: {  	_ =	task.clear_ibuf [dreg:s6], $0x4FFFF;
	_ =	strace $0x90000046  }
0xb1: {  	s29 =	simm.s32 $0x9;
	_ =	strace $0x80000048  }
0xb2: {  	_ =	swait.ge [sflag:s29], $0x1  }
0xb3: {  	[sflag:s29] =	ssyncadd.s32 $0xFFFFFFFF  }
0xb4: {  	_ =	strace $0x90000048  }
0xb5: {  	_ =	sfence  }
0xb6: {  	s30 =	sld [smem:$0x0];
	_ =	sdelay $0x2  }
0xb7: {  	s31 =	sshll.u32 s1, $0xD;
	s1 =	sshrl.u32 s1, $0x2  }
0xb8: {  	s3 =	sand.u32 $0x4000, s31;
	s1 =	sadd.s32 s1, s30  }
0xb9: {  	s0 =	sor.u32 s3, s0;
	s1 =	sshll.u32 s1, $0x11  }
0xba: {  	s0 =	sor.u32 s1, s0  }
0xbb: {  	s0 =	sadd.s32 $0x8F2B, s0  }
0xbc: {  	[sflag:s0] =	ssyncadd.remote.s32 $0x1  }
0xbd: {  	_ =	sfence.sel $0xFFFF  }
0xbe: {  	[dreg:$0x0] =	wrdreg $0xFFFFFFFF;
	(pc) =	sbr.abs _section_cstart, $3  }
0xbf: {  	[dreg:$0x1] =	wrdreg $0xFFFFFFFF  }
0xc0: {  	_ =	task.clear_ibuf [dreg:s6], $0x2FFFF;
	_ =	strace $0x9FFFFFFF  }
0xc1: {  	(tm) =	ssettm $0x7FFFFFFF  }
tec
execute0_lowered:
.L_overlay_start_1:
0x0: {  	(tag) =	ssettag $0x1  }
0x1: {  	s0 =	srdreg.scid  }
0x2: {  	s5 =	rddreg [dreg:$0x0];
	s3 =	sand.u32 $0x1, s0  }
0x3: {  	s2 =	simm.s32 $0x0;
	s0 =	stileid.u32;
	s1 =	sshll.u32 s3, $0x4  }
0x4: {  	s8 =	simm.s32 $0x80;
	s9 =	simm.s32 $0x400;
	s4 =	sor.u32 s0, s1  }
0x5: {  	s10 =	simm.s32 $0x0;
	[smem:$0x7FF] =	sst s2;
	s1 =	sshrl.u32 s4, $0x3  }
0x6: {  	s7 =	sshll.u32 s0, $0x7;
	s3 =	ssub.s32 $0x2, s3;
	s6 =	smul.u32 $0x14000, s1  }
0x7: {  	s7 =	sand.u32 $0x380, s7;
	s31 =	sshrl.u32 s3, $0x1;
	s4 =	smul.u32 $0x500, s4  }
0x8: {  	s1 =	rddreg [dreg:$0x1];
	_ =	strace $0x80000047;
	s6 =	sor.u32 s7, s6  }
0x9: {  	s4 =	sadd.s32 s4, s5;
	s7 =	simm.s32 $0x2800;
	s6 =	sshrl.u32 s6, $0x3  }
0xa: {  	s5 =	sadd.s32 s6, s5;
	s6 =	ssub.s32 s3, s31;
	s3 =	sadd.s32 $0x2C00, s4  }
0xb: {  	v0 =	vimm.f32 $0.0e+00;
	v1 =	vimm.f32 $1.000000000e+00;
	s4 =	sadd.s32 $0xCC00, s5;
	s5 =	smax.u32 s6, $0x1;
	s6 =	simm.s32 $0x1  }
.LBB2_1:
0xc: {  	[tilespmem:s2], [sflag:$0x1] =	stream.linear.gather [hbm4b:s3+s2], $0x2800, $0x38;
	[tilespmem:$0x5000] =	vst v63  }
0xd: {  	_ =	swait.ge [sflag:s6], $0x2800  }
0xe: {  	[sflag:s6] =	ssyncset.done $0x0  }
0xf: {  	s11 =	simm.s32 $0x0;
	[sflag:s6] =	ssyncadd.s32 $0xFFFFD800  }
.LBB2_2:
0x10: {  	p0 =	sne.s32 s11, $0x9FC0  }
.Ltmp0:
0x11: {  	_ = 	snop;
	(pc) =	sbr.rel @p0 .LBB2_2-.Ltmp0, $3  }
0x12: {  	_ =	sdelay $0x1  }
0x13: {  	s12 =	sshra.s32 s11, $0x2  }
0x14: {  	s11 =	sadd.s32 $0x40, s11;
	[tilespmem:s12+$0x2800] =	vst v0  }
0x15: {  	s11 =	simm.s32 $0x1C0  }
.LBB2_4:
0x16: {  	s12 =	sshra.s32 s11, $0x2  }
0x17: {  	v2 =	vld [tilespmem:s12+$0xFFFFFF90];
	_ =	sdelay $0x7  }
0x18: {  	[tilespmem:v2+s7+$0x0] =	vst.idx.add.f32.msk $0xffff, v1  }
0x19: {  	v2 =	vld [tilespmem:s12+$0xFFFFFFA0];
	_ =	sdelay $0x7  }
0x1a: {  	[tilespmem:v2+s7+$0x0] =	vst.idx.add.f32.msk $0xffff, v1  }
0x1b: {  	v2 =	vld [tilespmem:s12+$0xFFFFFFB0];
	_ =	sdelay $0x7  }
0x1c: {  	[tilespmem:v2+s7+$0x0] =	vst.idx.add.f32.msk $0xffff, v1  }
0x1d: {  	v2 =	vld [tilespmem:s12+$0xFFFFFFC0];
	_ =	sdelay $0x7  }
0x1e: {  	[tilespmem:v2+s7+$0x0] =	vst.idx.add.f32.msk $0xffff, v1  }
0x1f: {  	v2 =	vld [tilespmem:s12+$0xFFFFFFD0];
	_ =	sdelay $0x7  }
0x20: {  	[tilespmem:v2+s7+$0x0] =	vst.idx.add.f32.msk $0xffff, v1  }
0x21: {  	v2 =	vld [tilespmem:s12+$0xFFFFFFE0];
	_ =	sdelay $0x7  }
0x22: {  	[tilespmem:v2+s7+$0x0] =	vst.idx.add.f32.msk $0xffff, v1  }
0x23: {  	v2 =	vld [tilespmem:s12+$0xFFFFFFF0];
	_ =	sdelay $0x7  }
0x24: {  	[tilespmem:v2+s7+$0x0] =	vst.idx.add.f32.msk $0xffff, v1  }
0x25: {  	v2 =	vld [tilespmem:s12+$0x0];
	_ =	sdelay $0x2  }
0x26: {  	p0 =	sne.s32 s11, $0x9FC0  }
.Ltmp1:
0x27: {  	_ = 	snop;
	(pc) =	sbr.rel @p0 .LBB2_4-.Ltmp1, $2  }
0x28: {  	_ =	sdelay $0x2  }
0x29: {  	s11 =	sadd.s32 $0x200, s11;
	[tilespmem:v2+s7+$0x0] =	vst.idx.add.f32.msk $0xffff, v1  }
0x2a: {  	s10 =	sadd.s32 $0x1, s10  }
0x2b: {  	p0 =	sne.s32 s10, s5  }
.Ltmp2:
0x2c: {  	_ = 	snop;
	(pc) =	sbr.rel @p0 .LBB2_1-.Ltmp2, $4  }
0x2d: {  	[hbm4b:s4+s8] =	stream.strided.scatter [tilespmem:s7], [sflag:$0x1], $0x2800, s9, s8, $0x38;
	[tilespmem:$0x5000] =	vst v63  }
0x2e: {  	_ =	swait.ge [sflag:s6], $0x2800  }
0x2f: {  	[sflag:s6] =	ssyncset.done $0x0  }
0x30: {  	[sflag:s6] =	ssyncadd.s32 $0xFFFFD800  }
0x31: {  	_ =	sfence.sel $0x180000  }
0x32: {  	[bflag:$0x0] =	sbarrier.arrive $0xFFFF  }
0x33: {  	p0 =	sne.s32 s0, $0x0;
	_ =	strace $0x90000047  }
0x34: {  	s0 =	sadd.s32 @!p0 $0x100000, s1;
	[bflag:$0x2] =	sbarrier.arrive $0xFFFF  }
0x35: {  	[sflag:s0] =	ssyncadd.tile.s32 @!p0 $0x1;
	_ =	shalt  }
.Lfunc_end2:
_tile_overlayer_lowered:
.L_overlay_start_2:
0x36: {  	(tag) =	ssettag $0x2  }
0x37: {  	s0 =	rddreg [dreg:$0x0];
	s2 =	stileid.u32  }
0x38: {  	s1 =	rddreg [dreg:$0x1];
	p0 =	sne.s32 s2, $0x0  }
0x39: {  	s3 =	rddreg [dreg:$0x2];
	[bflag:$0x3] =	sbarrier.arrive $0xFFFF;
	s2 =	simm.s32 @!p0 $0x1C01  }
0x3a: {  	[timem:s3], [sflag:s2] =	dma.local @!p0 [hbm:s0], s1  }
0x3b: {  	s0 =	simm.s32 @!p0 $0x1  }
0x3c: {  	_ =	swait.ge @!p0 [sflag:s0], s1  }
0x3d: {  	s1 =	ssub.s32 @!p0 $0x0, s1;
	[sflag:s0] =	ssyncset.done @!p0 $0x0  }
0x3e: {  	[sflag:s0] =	ssyncadd.s32 @!p0 s1  }
0x3f: {  	[bflag:$0x3] =	sbarrier.arrive $0xFFFF  }
0x40: {  	_ =	shalt  }

// kernel: kernel.13.cloned.1.call-start
scs
__scs_entry_jumppad:
0x0: {  	(pc) =	sbr.rel $0x88, $3  }
0x1: {  	(tag) =	ssettag $0x0;
	lr =	simm.s32 $0x1  }
0x2: {  	[smem:$0x3F99] =	sst lr;
	_ =	strace $0xD0000000  }
0x3: {  	_ = 	snop  }
0x4: {  	_ = 	snop  }
0x5: {  	_ = 	snop  }
0x6: {  	_ = 	snop  }
0x7: {  	_ = 	snop  }
__scs_overlays_trampoline_lowered:
0x8: {  	[smem:$0x3FA8] =	sst s0  }
0x9: {  	[smem:$0x3FA9] =	sst s1  }
0xa: {  	[smem:$0x3FAA] =	sst s2  }
0xb: {  	[smem:$0x3FAB] =	sst s3  }
0xc: {  	[smem:$0x3FAC] =	sst s4  }
0xd: {  	[smem:$0x3FAD] =	sst s5  }
0xe: {  	[smem:$0x3FAE] =	sst s6  }
0xf: {  	[smem:$0x3FAF] =	sst s7  }
0x10: {  	[smem:$0x3FB0] =	sst s8  }
0x11: {  	[smem:$0x3FB1] =	sst s9;
	s0 =	simm.s32 @!p0 $0x0  }
0x12: {  	s1 =	sld [smem:$0x3F97];
	s0 =	simm.s32 @p0 $0x1  }
0x13: {  	[smem:$0x3FB2] =	sst s0;
	s0 =	simm.s32 @!p1 $0x0  }
0x14: {  	s2 =	sld [smem:$0x3F96];
	s0 =	simm.s32 @p1 $0x1  }
0x15: {  	[smem:$0x3FB3] =	sst s0;
	s0 =	simm.s32 @!p2 $0x0  }
0x16: {  	s3 =	sld [smem:$0x3FDB];
	s0 =	simm.s32 @p2 $0x1  }
0x17: {  	s4 =	simm.s32 $0x1BF5;
	[smem:$0x3FB5] =	sst s0  }
0x18: {  	s0 =	sld [smem:$0x3F98];
	_ =	swait.ge [sflag:s4], $0x0  }
0x19: {  	s7 =	sld [smem:$0x3F99]  }
0x1a: {  	s8 =	sadd.s32 $0xFFFFE003, lr  }
0x1b: {  	s9 =	sadd.s32 $0xFFFFFEF7, lr;
	s5 =	simm.s32 $0xFFFFFFFF;
	p2 =	slt.u32 s8, $0xFFFFF086  }
0x1c: {  	p1 =	slt.u32 s9, $0xF7A;
	s5 =	simm.s32 @!p2 $0x0  }
0x1d: {  	s5 =	simm.s32 @p1 $0x1;
	p0 =	seq.s32 s7, s2  }
0x1e: {  	s7 =	smul.u32 @!p0 $0xF7A, s2;
	p2 =	seq.s32 @!p0 s5, $0x0  }
0x1f: {  	s9 =	smul.u32 $0xF7A, s1;
	s8 =	simm.s32 @!p0 $0x1BF5;
	p2 =	por !p2, p0  }
0x20: {  	[sflag:s8] =	ssyncset.s32 @!p0 $0xFFFFF086;
	s6 =	sadd.s32 @!p0 s3, s7;
	s7 =	simm.s32 @!p0 $0x108  }
0x21: {  	s3 =	sadd.s32 s3, s9;
	s6 =	sadd.s32 @!p0 $0x88, s6;
	s7 =	simm.s32 @p2 $0x1082  }
0x22: {  	[simem:s7], [sflag:s8] =	dma.local @!p0 [hbm:s6], $0xF7A  }
0x23: {  	s9 =	sor.u32 $0xD0000000, s2;
	s6 =	simm.s32 $0x108;
	_ =	swait.ge @!p0 [sflag:s8], $0x0  }
0x24: {  	s3 =	sadd.s32 $0x88, s3;
	s6 =	simm.s32 @!p1 $0x1082;
	[sflag:s4] =	ssyncset.s32 $0xFFFFF086  }
0x25: {  	[simem:s6], [sflag:s4] =	dma.local [hbm:s3], $0xF7A  }
0x26: {  	[smem:$0x3F99] =	sst s1;
	(tag) =	ssettag s2;
	_ =	strace s9  }
0x27: {  	s1 =	sld [smem:$0x3FA9]  }
0x28: {  	s2 =	sld [smem:$0x3FAA]  }
0x29: {  	s4 =	sld [smem:$0x3FAC]  }
0x2a: {  	p0 =	seq.s32 s5, $0x0;
	s5 =	sld [smem:$0x3FAD]  }
0x2b: {  	s6 =	sld [smem:$0x3FAE]  }
0x2c: {  	s7 =	sld [smem:$0x3FAF]  }
0x2d: {  	s3 =	simm.s32 $0x108;
	s8 =	sld [smem:$0x3FB0]  }
0x2e: {  	s3 =	simm.s32 @!p0 $0x1082;
	s9 =	sld [smem:$0x3FB1]  }
0x2f: {  	lr =	sadd.s32 s0, s3;
	s0 =	sld [smem:$0x3FA8]  }
0x30: {  	s3 =	sld [smem:$0x3FAB]  }
0x31: {  	[smem:$0x3FB4] =	sst s10  }
0x32: {  	s10 =	sld [smem:$0x3FB2];
	_ =	sdelay $0x3  }
0x33: {  	p0 =	seq.s32 s10, $0x1;
	s10 =	sld [smem:$0x3FB4];
	_ =	sdelay $0x3  }
0x34: {  	[smem:$0x3FB4] =	sst s10  }
0x35: {  	s10 =	sld [smem:$0x3FB3];
	_ =	sdelay $0x3  }
0x36: {  	p1 =	seq.s32 s10, $0x1;
	s10 =	sld [smem:$0x3FB4];
	_ =	sdelay $0x3  }
0x37: {  	[smem:$0x3FB4] =	sst s10  }
0x38: {  	s10 =	sld [smem:$0x3FB5]  }
0x39: {  	_ = 	snop;
	(pc) =	sbr.ind lr, $3  }
0x3a: {  	_ = 	snop  }
0x3b: {  	_ = 	snop  }
0x3c: {  	p2 =	seq.s32 s10, $0x1;
	s10 =	sld [smem:$0x3FB4]  }
0x3d: {  	_ =	shalt  }
0x3e: {  	_ =	shalt  }
0x3f: {  	_ =	shalt  }
0x40: {  	_ =	shalt  }
0x41: {  	_ =	shalt  }
0x42: {  	_ =	shalt  }
0x43: {  	_ =	shalt  }
0x44: {  	_ =	shalt  }
0x45: {  	_ =	shalt  }
0x46: {  	_ =	shalt  }
0x47: {  	_ =	shalt  }
0x48: {  	_ =	shalt  }
0x49: {  	_ =	shalt  }
0x4a: {  	_ =	shalt  }
0x4b: {  	_ =	shalt  }
0x4c: {  	_ =	shalt  }
0x4d: {  	_ =	shalt  }
0x4e: {  	_ =	shalt  }
0x4f: {  	_ =	shalt  }
0x50: {  	_ =	shalt  }
0x51: {  	_ =	shalt  }
0x52: {  	_ =	shalt  }
0x53: {  	_ =	shalt  }
0x54: {  	_ =	shalt  }
0x55: {  	_ =	shalt  }
0x56: {  	_ =	shalt  }
0x57: {  	_ =	shalt  }
0x58: {  	_ =	shalt  }
0x59: {  	_ =	shalt  }
0x5a: {  	_ =	shalt  }
0x5b: {  	_ =	shalt  }
0x5c: {  	_ =	shalt  }
0x5d: {  	_ =	shalt  }
0x5e: {  	_ =	shalt  }
0x5f: {  	_ =	shalt  }
0x60: {  	_ =	shalt  }
0x61: {  	_ =	shalt  }
0x62: {  	_ =	shalt  }
0x63: {  	_ =	shalt  }
0x64: {  	_ =	shalt  }
0x65: {  	_ =	shalt  }
0x66: {  	_ =	shalt  }
0x67: {  	_ =	shalt  }
0x68: {  	_ =	shalt  }
0x69: {  	_ =	shalt  }
0x6a: {  	_ =	shalt  }
0x6b: {  	_ =	shalt  }
0x6c: {  	_ =	shalt  }
0x6d: {  	_ =	shalt  }
0x6e: {  	_ =	shalt  }
0x6f: {  	_ =	shalt  }
0x70: {  	_ =	shalt  }
0x71: {  	_ =	shalt  }
0x72: {  	_ =	shalt  }
0x73: {  	_ =	shalt  }
0x74: {  	_ =	shalt  }
0x75: {  	_ =	shalt  }
0x76: {  	_ =	shalt  }
0x77: {  	_ =	shalt  }
0x78: {  	_ =	shalt  }
0x79: {  	_ =	shalt  }
0x7a: {  	_ =	shalt  }
0x7b: {  	_ =	shalt  }
0x7c: {  	_ =	shalt  }
0x7d: {  	_ =	shalt  }
0x7e: {  	_ =	shalt  }
0x7f: {  	_ =	shalt  }
0x80: {  	_ =	shalt  }
0x81: {  	_ =	shalt  }
0x82: {  	_ =	shalt  }
0x83: {  	_ =	shalt  }
0x84: {  	_ =	shalt  }
0x85: {  	_ =	shalt  }
0x86: {  	_ =	shalt  }
0x87: {  	_ =	shalt  }
.Lfunc_end0:
.L_simem_size_0:
called_computation.1_lowered:
.L_overlay_start_0:
0x88: {  	s2 =	sld [smem:$0x3FD9]  }
0x89: {  	s3 =	sld [smem:$0x3FFE];
	_ =	sdelay $0x1  }
0x8a: {  	s1 =	srdreg.scid  }
0x8b: {  	s0 =	sand.u32 $0x1, s1  }
0x8c: {  	s17 =	sshll.u32 s0, $0xA;
	s2 =	sadd.s32 s3, s2  }
0x8d: {  	s2 =	sadd.s32 s2, s17  }
0x8e: {  	[smem:$0x3FC0] =	sst s2  }
0x8f: {  	_ = 	snop  }
0x90: {  	s2 =	sld [smem:$0x3FD0];
	(tm) =	ssettm $0x1  }
0x91: {  	s18 =	sld [smem:$0x3FFB];
	_ =	sdelay $0x3  }
0x92: {  	_ =	strace s18  }
0x93: {  	s3 =	sld [smem:$0x3FFC];
	_ =	sdelay $0x3  }
0x94: {  	_ =	strace s3  }
0x95: {  	s3 =	sld [smem:$0x3FFD];
	_ =	sdelay $0x3  }
0x96: {  	_ =	strace s3  }
0x97: {  	_ =	strace $0x8FFFFFFF  }
0x98: {  	s19 =	sld [smem:$0x3FDB];
	_ =	sdelay $0x1  }
0x99: {  	s4 =	simm.s32 $_scs_section_size  }
0x9a: {  	s5 =	simm.s32 $_size__tile_overlayer_lowered;
	s6 =	simm.s32 $_tile_overlayer_lowered  }
0x9b: {  	s22 =	simm.s32 $0x1BFF;
	s21 =	sshll.u32 s6, $0x1;
	s3 =	sadd.s32 s4, s19  }
0x9c: {  	s7 =	simm.s32 $0x0;
	s20 =	sshll.u32 s5, $0x1;
	s5 =	sadd.s32 s21, s3  }
0x9d: {  	[timem:s7], [sflag:s22] =	dma.local [hbm:s5], s20  }
0x9e: {  	_ =	swait.ge [sflag:s22], s20  }
0x9f: {  	s4 =	ssub.s32 $0x0, s20;
	[sflag:s22] =	ssyncset.done $0x0  }
0xa0: {  	[sflag:s22] =	ssyncadd.s32 s4;
	_ =	sdelay $0x1  }
0xa1: {  	s23 =	simm.s32 $0x1B8B  }
0xa2: {  	_ =	swait.ge [sflag:s23], $0x1  }
0xa3: {  	[sflag:s23] =	ssyncset.done $0x0  }
0xa4: {  	s25 =	simm.s32 $0x1B8E;
	s24 =	sld [smem:$0x3FFE];
	[sflag:s23] =	ssyncadd.s32 $0xFFFFFFFF  }
0xa5: {  	s26 =	simm.s32 $execute0_lowered;
	[smem:$0x3FD2] =	sst s25  }
0xa6: {  	s5 =	sshll.u32 s26, $0x1;
	_ =	strace $0x80000049;
	[dreg:$0x1] =	wrdreg $0xFFFFFFFF  }
0xa7: {  	s28 =	simm.s32 $_size_execute0_lowered;
	s3 =	sadd.s32 s3, s5;
	[dreg:$0x0] =	wrdreg $0x0  }
0xa8: {  	s5 =	sshll.u32 s28, $0x1;
	[dreg:$0x2] =	wrdreg s3  }
0xa9: {  	[dreg:$0x3] =	wrdreg s5  }
0xaa: {  	[dreg:$0x4] =	wrdreg $0xC0  }
0xab: {  	_ =	task [dreg:s7], $0x5FFFF  }
0xac: {  	[dreg:$0x1] =	wrdreg $0xFFFFFFFF  }
0xad: {  	[dreg:$0x0] =	wrdreg $0x60  }
0xae: {  	[dreg:$0x2] =	wrdreg s24  }
0xaf: {  	[dreg:$0x3] =	wrdreg s2  }
0xb0: {  	[dreg:$0x4] =	wrdreg $0x40000  }
0xb1: {  	[dreg:$0x5] =	wrdreg $0x9  }
0xb2: {  	_ =	task.clear_ibuf [dreg:s7], $0x6FFFF;
	_ =	strace $0x90000049  }
0xb3: {  	s29 =	simm.s32 $0x9;
	_ =	strace $0x8000004B  }
0xb4: {  	_ =	swait.ge [sflag:s29], $0x1  }
0xb5: {  	[sflag:s29] =	ssyncadd.s32 $0xFFFFFFFF  }
0xb6: {  	_ =	strace $0x9000004B  }
0xb7: {  	_ =	sfence  }
0xb8: {  	s30 =	sld [smem:$0x0];
	_ =	sdelay $0x2  }
0xb9: {  	s31 =	sshll.u32 s1, $0xD;
	s1 =	sshrl.u32 s1, $0x2  }
0xba: {  	s3 =	sand.u32 $0x4000, s31;
	s1 =	sadd.s32 s1, s30  }
0xbb: {  	s0 =	sor.u32 s3, s0;
	s1 =	sshll.u32 s1, $0x11  }
0xbc: {  	s0 =	sor.u32 s1, s0  }
0xbd: {  	s0 =	sadd.s32 $0x8F2B, s0  }
0xbe: {  	[sflag:s0] =	ssyncadd.remote.s32 $0x1  }
0xbf: {  	_ =	sfence.sel $0xFFFF  }
0xc0: {  	[dreg:$0x0] =	wrdreg $0xFFFFFFFF;
	(pc) =	sbr.abs _section_cstart, $3  }
0xc1: {  	[dreg:$0x1] =	wrdreg $0xFFFFFFFF  }
0xc2: {  	_ =	task.clear_ibuf [dreg:s7], $0x2FFFF;
	_ =	strace $0x9FFFFFFF  }
0xc3: {  	(tm) =	ssettm $0x7FFFFFFF  }
tec
execute0_lowered:
.L_overlay_start_1:
0x0: {  	(tag) =	ssettag $0x1  }
0x1: {  	s0 =	rddreg [dreg:$0x0]  }
0x2: {  	s2 =	rddreg [dreg:$0x1]  }
0x3: {  	s1 =	rddreg [dreg:$0x2];
	s3 =	srdreg.scid;
	s17 =	simm.s32 $0x0  }
0x4: {  	s12 =	stileid.u32;
	s29 =	simm.s32 $0x4;
	s31 =	simm.s32 $0x2080  }
0x5: {  	s16 =	simm.s32 $0x100;
	s28 =	simm.s32 $0x300;
	s15 =	simm.s32 $0x380  }
0x6: {  	s7 =	sand.u32 $0x1, s3;
	[smem:$0x7FF] =	sst s17;
	s6 =	smul.u32 $0x280, s12  }
0x7: {  	s4 =	sadd.s32 $0x20C00, s0;
	s8 =	smul.u32 $0x50000, s12;
	s9 =	sadd.s32 $0x16C00, s0  }
0x8: {  	s20 =	sshll.u32 s12, $0x6;
	s21 =	sshll.u32 s12, $0xB;
	s12 =	sshll.u32 s12, $0x9  }
0x9: {  	s3 =	simm.s32 $0x2000;
	s17 =	simm.s32 $0x2000;
	s5 =	smul.u32 $0x2800, s7  }
0xa: {  	_ =	strace $0x8000004A;
	s18 =	ssub.s32 $0x2, s7;
	p0 =	seq.s32 s7, $0x1  }
0xb: {  	s11 =	sadd.s32 s9, s21;
	s22 =	sor.u32 $0x400, s21;
	s7 =	sadd.s32 s2, s21  }
0xc: {  	s24 =	sor.u32 $0x8000, s12;
	s26 =	sor.u32 $0x8100, s12;
	s21 =	simm.s32 $0x18000  }
0xd: {  	s12 =	simm.s32 $0x0;
	s10 =	sshrl.u32 s18, $0x1;
	[dreg:$0x4] =	wrdreg s11  }
0xe: {  	s19 =	sshrl.u32 s8, $0x2;
	[dreg:$0x5] =	wrdreg s7;
	s23 =	sadd.s32 s9, s22  }
0xf: {  	s11 =	sadd.s32 s2, s22;
	s25 =	sadd.s32 s9, s24;
	s7 =	sadd.s32 s2, s24  }
0x10: {  	s30 =	sadd.s32 s9, s26;
	s2 =	sadd.s32 s2, s26;
	[dreg:$0x6] =	wrdreg s23  }
0x11: {  	s22 =	simm.s32 $0x1C000;
	s24 =	simm.s32 $0x2;
	[dreg:$0x7] =	wrdreg s11  }
0x12: {  	s26 =	simm.s32 $0x3;
	s9 =	simm.s32 $0x200;
	[dreg:$0x8] =	wrdreg s25  }
0x13: {  	s5 =	sadd.s32 s6, s5;
	s10 =	ssub.s32 s18, s10;
	[dreg:$0x9] =	wrdreg s7  }
0x14: {  	s8 =	sadd.s32 s19, s1;
	s6 =	sor.u32 $0x1C05, s20;
	[dreg:$0xa] =	wrdreg s30  }
.Ltmp0:
0x15: {  	[dreg:$0xb] =	wrdreg s2;
	s18 =	simm.s32 $0x5;
	(pc) =	sbr.rel .LBB2_1-.Ltmp0, $4  }
0x16: {  	s20 =	simm.s32 $0x80;
	s23 =	simm.s32 $0x1;
	s19 =	simm.s32 $0x0  }
0x17: {  	s25 =	simm.s32 $0x2200;
	s11 =	simm.s32 $0x2280;
	s5 =	sshll.u32 s5, $0x4  }
0x18: {  	s2 =	smax.u32 s10, $0x1;
	s7 =	sshrl.u32 s8, $0x3;
	s0 =	sadd.s32 s5, s0  }
0x19: {  	s10 =	simm.s32 $0x280;
	s5 =	sadd.s32 $0x48C00, s0;
	s0 =	sadd.s32 $0x98C00, s0  }
.LBB2_7:
0x1a: {  	s13 =	rddreg [dreg:$0x8]  }
0x1b: {  	[tilespmem:s19], [sflag:$0x5] =	stream.linear.gather [hbm4b:s13+s19], $0x800, $0x38;
	v63 =	vld [tilespmem:$0x0]  }
0x1c: {  	_ =	swait.ge [sflag:s18], $0x800  }
0x1d: {  	[sflag:s18] =	ssyncset.done $0x0  }
0x1e: {  	s8 =	rddreg [dreg:$0x9];
	[sflag:s18] =	ssyncadd.s32 $0xFFFFF800  }
0x1f: {  	[tilespmem:s3], [sflag:$0x5] =	stream.linear.gather [hbm4b:s8+s19], $0x800, $0x38;
	v63 =	vld [tilespmem:$0x0]  }
0x20: {  	_ =	swait.ge [sflag:s18], $0x800  }
0x21: {  	[sflag:s18] =	ssyncset.done $0x0  }
0x22: {  	[sflag:s18] =	ssyncadd.s32 $0xFFFFF800  }
0x23: {  	[tilespmem:s21], [sflag:$0x1] =	stream.indirect.gather [hbm4b:s4+s20], $0x80, s19, s20, $0xb8;
	v63 =	vld [tilespmem:$0x0]  }
0x24: {  	_ = 	snop  }
0x25: {  	[tilespmem:s22], [sflag:$0x2] =	stream.indirect.gather [hbm4b:s4+s20], $0x80, s20, s20, $0xb8;
	v63 =	vld [tilespmem:$0x0]  }
0x26: {  	_ =	swait.ge [sflag:s23], $0x4000  }
0x27: {  	[sflag:s23] =	ssyncset.done $0x0  }
0x28: {  	[sflag:s23] =	ssyncadd.s32 $0xFFFFC000  }
0x29: {  	[spmem:s1] =	stream.indirect.scatter.add.f32 [tilespmem:s21], [sflag:$0x3], $0x80, s3, s20, $0xb8;
	v63 =	vld [tilespmem:$0x0]  }
0x2a: {  	_ =	swait.ge [sflag:s24], $0x4000  }
0x2b: {  	[sflag:s24] =	ssyncset.done $0x0  }
0x2c: {  	[sflag:s24] =	ssyncadd.s32 $0xFFFFC000  }
0x2d: {  	[spmem:s1] =	stream.indirect.scatter.add.f32 [tilespmem:s22], [sflag:$0x4], $0x80, s31, s20, $0xb8;
	v63 =	vld [tilespmem:$0x0]  }
0x2e: {  	_ =	swait.ge [sflag:s26], $0x4000  }
0x2f: {  	[sflag:s26] =	ssyncset.done $0x0  }
0x30: {  	[sflag:s26] =	ssyncadd.s32 $0xFFFFC000  }
0x31: {  	[tilespmem:s21], [sflag:$0x1] =	stream.indirect.gather [hbm4b:s4+s20], $0x80, s16, s20, $0xb8;
	v63 =	vld [tilespmem:$0x0]  }
0x32: {  	_ =	swait.ge [sflag:s29], $0x4000  }
0x33: {  	[sflag:s29] =	ssyncset.done $0x0  }
0x34: {  	s3 =	simm.s32 $0x180;
	[sflag:s29] =	ssyncadd.s32 $0xFFFFC000  }
0x35: {  	[tilespmem:s22], [sflag:$0x2] =	stream.indirect.gather [hbm4b:s4+s20], $0x80, s3, s20, $0xb8;
	v63 =	vld [tilespmem:$0x0]  }
0x36: {  	_ =	swait.ge [sflag:s23], $0x4000  }
0x37: {  	[sflag:s23] =	ssyncset.done $0x0  }
0x38: {  	s8 =	simm.s32 $0x2100;
	[sflag:s23] =	ssyncadd.s32 $0xFFFFC000  }
0x39: {  	[spmem:s1] =	stream.indirect.scatter.add.f32 [tilespmem:s21], [sflag:$0x3], $0x80, s8, s20, $0xb8;
	v63 =	vld [tilespmem:$0x0]  }
0x3a: {  	_ =	swait.ge [sflag:s24], $0x4000  }
0x3b: {  	[sflag:s24] =	ssyncset.done $0x0  }
0x3c: {  	s8 =	simm.s32 $0x2180;
	[sflag:s24] =	ssyncadd.s32 $0xFFFFC000  }
0x3d: {  	[spmem:s1] =	stream.indirect.scatter.add.f32 [tilespmem:s22], [sflag:$0x4], $0x80, s8, s20, $0xb8;
	v63 =	vld [tilespmem:$0x0]  }
0x3e: {  	_ =	swait.ge [sflag:s26], $0x4000  }
0x3f: {  	[sflag:s26] =	ssyncset.done $0x0  }
0x40: {  	[sflag:s26] =	ssyncadd.s32 $0xFFFFC000  }
0x41: {  	[tilespmem:s21], [sflag:$0x1] =	stream.indirect.gather [hbm4b:s4+s20], $0x80, s9, s20, $0xb8;
	v63 =	vld [tilespmem:$0x0]  }
0x42: {  	_ =	swait.ge [sflag:s29], $0x4000  }
0x43: {  	[sflag:s29] =	ssyncset.done $0x0  }
0x44: {  	[sflag:s29] =	ssyncadd.s32 $0xFFFFC000  }
0x45: {  	[tilespmem:s22], [sflag:$0x2] =	stream.indirect.gather [hbm4b:s4+s20], $0x80, s10, s20, $0xb8;
	v63 =	vld [tilespmem:$0x0]  }
0x46: {  	_ =	swait.ge [sflag:s23], $0x4000  }
0x47: {  	[sflag:s23] =	ssyncset.done $0x0  }
0x48: {  	[sflag:s23] =	ssyncadd.s32 $0xFFFFC000  }
0x49: {  	[spmem:s1] =	stream.indirect.scatter.add.f32 [tilespmem:s21], [sflag:$0x3], $0x80, s25, s20, $0xb8;
	v63 =	vld [tilespmem:$0x0]  }
0x4a: {  	_ =	swait.ge [sflag:s24], $0x4000  }
0x4b: {  	[sflag:s24] =	ssyncset.done $0x0  }
0x4c: {  	[sflag:s24] =	ssyncadd.s32 $0xFFFFC000  }
0x4d: {  	[spmem:s1] =	stream.indirect.scatter.add.f32 [tilespmem:s22], [sflag:$0x4], $0x80, s11, s20, $0xb8;
	v63 =	vld [tilespmem:$0x0]  }
0x4e: {  	_ =	swait.ge [sflag:s26], $0x4000  }
0x4f: {  	[sflag:s26] =	ssyncset.done $0x0  }
0x50: {  	[sflag:s26] =	ssyncadd.s32 $0xFFFFC000  }
0x51: {  	[tilespmem:s21], [sflag:$0x1] =	stream.indirect.gather [hbm4b:s4+s20], $0x80, s28, s20, $0xb8;
	v63 =	vld [tilespmem:$0x0]  }
0x52: {  	_ =	swait.ge [sflag:s29], $0x4000  }
0x53: {  	[sflag:s29] =	ssyncset.done $0x0  }
0x54: {  	[sflag:s29] =	ssyncadd.s32 $0xFFFFC000  }
0x55: {  	[tilespmem:s22], [sflag:$0x2] =	stream.indirect.gather [hbm4b:s4+s20], $0x80, s15, s20, $0xb8;
	v63 =	vld [tilespmem:$0x0]  }
0x56: {  	_ =	swait.ge [sflag:s23], $0x4000  }
0x57: {  	[sflag:s23] =	ssyncset.done $0x0  }
0x58: {  	s14 =	simm.s32 $0x2300;
	[sflag:s23] =	ssyncadd.s32 $0xFFFFC000  }
0x59: {  	[spmem:s1] =	stream.indirect.scatter.add.f32 [tilespmem:s21], [sflag:$0x3], $0x80, s14, s20, $0xb8;
	v63 =	vld [tilespmem:$0x0]  }
0x5a: {  	_ =	swait.ge [sflag:s24], $0x4000  }
0x5b: {  	[sflag:s24] =	ssyncset.done $0x0  }
0x5c: {  	s14 =	simm.s32 $0x2380;
	[sflag:s24] =	ssyncadd.s32 $0xFFFFC000  }
0x5d: {  	[spmem:s1] =	stream.indirect.scatter.add.f32 [tilespmem:s22], [sflag:$0x4], $0x80, s14, s20, $0xb8;
	v63 =	vld [tilespmem:$0x0]  }
0x5e: {  	_ =	swait.ge [sflag:s26], $0x4000  }
0x5f: {  	[sflag:s26] =	ssyncset.done $0x0  }
0x60: {  	s14 =	simm.s32 $0x400;
	[sflag:s26] =	ssyncadd.s32 $0xFFFFC000  }
0x61: {  	[tilespmem:s21], [sflag:$0x1] =	stream.indirect.gather [hbm4b:s4+s20], $0x80, s14, s20, $0xb8;
	v63 =	vld [tilespmem:$0x0]  }
0x62: {  	_ =	swait.ge [sflag:s29], $0x4000  }
0x63: {  	[sflag:s29] =	ssyncset.done $0x0  }
0x64: {  	s14 =	simm.s32 $0x480;
	[sflag:s29] =	ssyncadd.s32 $0xFFFFC000  }
0x65: {  	[tilespmem:s22], [sflag:$0x2] =	stream.indirect.gather [hbm4b:s4+s20], $0x80, s14, s20, $0xb8;
	v63 =	vld [tilespmem:$0x0]  }
0x66: {  	_ =	swait.ge [sflag:s23], $0x4000  }
0x67: {  	[sflag:s23] =	ssyncset.done $0x0  }
0x68: {  	s14 =	simm.s32 $0x2400;
	[sflag:s23] =	ssyncadd.s32 $0xFFFFC000  }
0x69: {  	[spmem:s1] =	stream.indirect.scatter.add.f32 [tilespmem:s21], [sflag:$0x3], $0x80, s14, s20, $0xb8;
	v63 =	vld [tilespmem:$0x0]  }
0x6a: {  	_ =	swait.ge [sflag:s24], $0x4000  }
0x6b: {  	[sflag:s24] =	ssyncset.done $0x0  }
0x6c: {  	s14 =	simm.s32 $0x2480;
	[sflag:s24] =	ssyncadd.s32 $0xFFFFC000  }
0x6d: {  	[spmem:s1] =	stream.indirect.scatter.add.f32 [tilespmem:s22], [sflag:$0x4], $0x80, s14, s20, $0xb8;
	v63 =	vld [tilespmem:$0x0]  }
0x6e: {  	_ =	swait.ge [sflag:s26], $0x4000  }
0x6f: {  	[sflag:s26] =	ssyncset.done $0x0  }
0x70: {  	s14 =	simm.s32 $0x500;
	[sflag:s26] =	ssyncadd.s32 $0xFFFFC000  }
0x71: {  	[tilespmem:s21], [sflag:$0x1] =	stream.indirect.gather [hbm4b:s4+s20], $0x80, s14, s20, $0xb8;
	v63 =	vld [tilespmem:$0x0]  }
0x72: {  	_ =	swait.ge [sflag:s29], $0x4000  }
0x73: {  	[sflag:s29] =	ssyncset.done $0x0  }
0x74: {  	s14 =	simm.s32 $0x580;
	[sflag:s29] =	ssyncadd.s32 $0xFFFFC000  }
0x75: {  	[tilespmem:s22], [sflag:$0x2] =	stream.indirect.gather [hbm4b:s4+s20], $0x80, s14, s20, $0xb8;
	v63 =	vld [tilespmem:$0x0]  }
0x76: {  	_ =	swait.ge [sflag:s23], $0x4000  }
0x77: {  	[sflag:s23] =	ssyncset.done $0x0  }
0x78: {  	s14 =	simm.s32 $0x2500;
	[sflag:s23] =	ssyncadd.s32 $0xFFFFC000  }
0x79: {  	[spmem:s1] =	stream.indirect.scatter.add.f32 [tilespmem:s21], [sflag:$0x3], $0x80, s14, s20, $0xb8;
	v63 =	vld [tilespmem:$0x0]  }
0x7a: {  	_ =	swait.ge [sflag:s24], $0x4000  }
0x7b: {  	[sflag:s24] =	ssyncset.done $0x0  }
0x7c: {  	s14 =	simm.s32 $0x2580;
	[sflag:s24] =	ssyncadd.s32 $0xFFFFC000  }
0x7d: {  	[spmem:s1] =	stream.indirect.scatter.add.f32 [tilespmem:s22], [sflag:$0x4], $0x80, s14, s20, $0xb8;
	v63 =	vld [tilespmem:$0x0]  }
0x7e: {  	_ =	swait.ge [sflag:s26], $0x4000  }
0x7f: {  	[sflag:s26] =	ssyncset.done $0x0  }
0x80: {  	s14 =	simm.s32 $0x600;
	[sflag:s26] =	ssyncadd.s32 $0xFFFFC000  }
0x81: {  	[tilespmem:s21], [sflag:$0x1] =	stream.indirect.gather [hbm4b:s4+s20], $0x80, s14, s20, $0xb8;
	v63 =	vld [tilespmem:$0x0]  }
0x82: {  	_ =	swait.ge [sflag:s29], $0x4000  }
0x83: {  	[sflag:s29] =	ssyncset.done $0x0  }
0x84: {  	s14 =	simm.s32 $0x680;
	[sflag:s29] =	ssyncadd.s32 $0xFFFFC000  }
0x85: {  	[tilespmem:s22], [sflag:$0x2] =	stream.indirect.gather [hbm4b:s4+s20], $0x80, s14, s20, $0xb8;
	v63 =	vld [tilespmem:$0x0]  }
0x86: {  	_ =	swait.ge [sflag:s23], $0x4000  }
0x87: {  	[sflag:s23] =	ssyncset.done $0x0  }
0x88: {  	s14 =	simm.s32 $0x2600;
	[sflag:s23] =	ssyncadd.s32 $0xFFFFC000  }
0x89: {  	[spmem:s1] =	stream.indirect.scatter.add.f32 [tilespmem:s21], [sflag:$0x3], $0x80, s14, s20, $0xb8;
	v63 =	vld [tilespmem:$0x0]  }
0x8a: {  	_ =	swait.ge [sflag:s24], $0x4000  }
0x8b: {  	[sflag:s24] =	ssyncset.done $0x0  }
0x8c: {  	s14 =	simm.s32 $0x2680;
	[sflag:s24] =	ssyncadd.s32 $0xFFFFC000  }
0x8d: {  	[spmem:s1] =	stream.indirect.scatter.add.f32 [tilespmem:s22], [sflag:$0x4], $0x80, s14, s20, $0xb8;
	v63 =	vld [tilespmem:$0x0]  }
0x8e: {  	_ =	swait.ge [sflag:s26], $0x4000  }
0x8f: {  	[sflag:s26] =	ssyncset.done $0x0  }
0x90: {  	s14 =	simm.s32 $0x700;
	[sflag:s26] =	ssyncadd.s32 $0xFFFFC000  }
0x91: {  	[tilespmem:s21], [sflag:$0x1] =	stream.indirect.gather [hbm4b:s4+s20], $0x80, s14, s20, $0xb8;
	v63 =	vld [tilespmem:$0x0]  }
0x92: {  	_ =	swait.ge [sflag:s29], $0x4000  }
0x93: {  	[sflag:s29] =	ssyncset.done $0x0  }
0x94: {  	s14 =	simm.s32 $0x780;
	[sflag:s29] =	ssyncadd.s32 $0xFFFFC000  }
0x95: {  	[tilespmem:s22], [sflag:$0x2] =	stream.indirect.gather [hbm4b:s4+s20], $0x80, s14, s20, $0xb8;
	v63 =	vld [tilespmem:$0x0]  }
0x96: {  	_ =	swait.ge [sflag:s23], $0x4000  }
0x97: {  	[sflag:s23] =	ssyncset.done $0x0  }
0x98: {  	s13 =	simm.s32 $0x2700;
	[sflag:s23] =	ssyncadd.s32 $0xFFFFC000  }
0x99: {  	[spmem:s1] =	stream.indirect.scatter.add.f32 [tilespmem:s21], [sflag:$0x3], $0x80, s13, s20, $0xb8;
	v63 =	vld [tilespmem:$0x0]  }
0x9a: {  	_ =	swait.ge [sflag:s24], $0x4000  }
0x9b: {  	[sflag:s24] =	ssyncset.done $0x0  }
0x9c: {  	s30 =	simm.s32 $0x2780;
	[sflag:s24] =	ssyncadd.s32 $0xFFFFC000  }
0x9d: {  	[spmem:s1] =	stream.indirect.scatter.add.f32 [tilespmem:s22], [sflag:$0x4], $0x80, s30, s20, $0xb8;
	v63 =	vld [tilespmem:$0x0]  }
0x9e: {  	_ =	swait.ge [sflag:s26], $0x4000  }
0x9f: {  	[sflag:s26] =	ssyncset.done $0x0  }
0xa0: {  	[sflag:s26] =	ssyncadd.s32 $0xFFFFC000  }
0xa1: {  	_ =	swait.ge [sflag:s29], $0x4000  }
0xa2: {  	[sflag:s29] =	ssyncset.done $0x0  }
0xa3: {  	s14 =	rddreg [dreg:$0xa];
	[sflag:s29] =	ssyncadd.s32 $0xFFFFC000  }
0xa4: {  	[tilespmem:s19], [sflag:$0x5] =	stream.linear.gather [hbm4b:s14+s19], $0x800, $0x38;
	v63 =	vld [tilespmem:$0x0]  }
0xa5: {  	_ =	swait.ge [sflag:s18], $0x800  }
0xa6: {  	[sflag:s18] =	ssyncset.done $0x0  }
0xa7: {  	s14 =	rddreg [dreg:$0xb];
	[sflag:s18] =	ssyncadd.s32 $0xFFFFF800  }
0xa8: {  	[tilespmem:s17], [sflag:$0x5] =	stream.linear.gather [hbm4b:s14+s19], $0x800, $0x38;
	v63 =	vld [tilespmem:$0x0]  }
0xa9: {  	_ =	swait.ge [sflag:s18], $0x800  }
0xaa: {  	[sflag:s18] =	ssyncset.done $0x0  }
0xab: {  	[sflag:s18] =	ssyncadd.s32 $0xFFFFF800  }
0xac: {  	[tilespmem:s21], [sflag:$0x1] =	stream.indirect.gather [hbm4b:s4+s20], $0x80, s19, s20, $0xb8;
	v63 =	vld [tilespmem:$0x0]  }
0xad: {  	_ = 	snop  }
0xae: {  	[tilespmem:s22], [sflag:$0x2] =	stream.indirect.gather [hbm4b:s4+s20], $0x80, s20, s20, $0xb8;
	v63 =	vld [tilespmem:$0x0]  }
0xaf: {  	_ =	swait.ge [sflag:s23], $0x4000  }
0xb0: {  	[sflag:s23] =	ssyncset.done $0x0  }
0xb1: {  	[sflag:s23] =	ssyncadd.s32 $0xFFFFC000  }
0xb2: {  	[spmem:s1] =	stream.indirect.scatter.add.f32 [tilespmem:s21], [sflag:$0x3], $0x80, s17, s20, $0xb8;
	v63 =	vld [tilespmem:$0x0]  }
0xb3: {  	_ =	swait.ge [sflag:s24], $0x4000  }
0xb4: {  	[sflag:s24] =	ssyncset.done $0x0  }
0xb5: {  	[sflag:s24] =	ssyncadd.s32 $0xFFFFC000  }
0xb6: {  	[spmem:s1] =	stream.indirect.scatter.add.f32 [tilespmem:s22], [sflag:$0x4], $0x80, s31, s20, $0xb8;
	v63 =	vld [tilespmem:$0x0]  }
0xb7: {  	_ =	swait.ge [sflag:s26], $0x4000  }
0xb8: {  	[sflag:s26] =	ssyncset.done $0x0  }
0xb9: {  	[sflag:s26] =	ssyncadd.s32 $0xFFFFC000  }
0xba: {  	[tilespmem:s21], [sflag:$0x1] =	stream.indirect.gather [hbm4b:s4+s20], $0x80, s16, s20, $0xb8;
	v63 =	vld [tilespmem:$0x0]  }
0xbb: {  	_ =	swait.ge [sflag:s29], $0x4000  }
0xbc: {  	[sflag:s29] =	ssyncset.done $0x0  }
0xbd: {  	[sflag:s29] =	ssyncadd.s32 $0xFFFFC000  }
0xbe: {  	[tilespmem:s22], [sflag:$0x2] =	stream.indirect.gather [hbm4b:s4+s20], $0x80, s3, s20, $0xb8;
	v63 =	vld [tilespmem:$0x0]  }
0xbf: {  	_ =	swait.ge [sflag:s23], $0x4000  }
0xc0: {  	[sflag:s23] =	ssyncset.done $0x0  }
0xc1: {  	s14 =	simm.s32 $0x2100;
	[sflag:s23] =	ssyncadd.s32 $0xFFFFC000  }
0xc2: {  	[spmem:s1] =	stream.indirect.scatter.add.f32 [tilespmem:s21], [sflag:$0x3], $0x80, s14, s20, $0xb8;
	v63 =	vld [tilespmem:$0x0]  }
0xc3: {  	_ =	swait.ge [sflag:s24], $0x4000  }
0xc4: {  	[sflag:s24] =	ssyncset.done $0x0  }
0xc5: {  	[sflag:s24] =	ssyncadd.s32 $0xFFFFC000  }
0xc6: {  	[spmem:s1] =	stream.indirect.scatter.add.f32 [tilespmem:s22], [sflag:$0x4], $0x80, s8, s20, $0xb8;
	v63 =	vld [tilespmem:$0x0]  }
0xc7: {  	_ =	swait.ge [sflag:s26], $0x4000  }
0xc8: {  	[sflag:s26] =	ssyncset.done $0x0  }
0xc9: {  	[sflag:s26] =	ssyncadd.s32 $0xFFFFC000  }
0xca: {  	[tilespmem:s21], [sflag:$0x1] =	stream.indirect.gather [hbm4b:s4+s20], $0x80, s9, s20, $0xb8;
	v63 =	vld [tilespmem:$0x0]  }
0xcb: {  	_ =	swait.ge [sflag:s29], $0x4000  }
0xcc: {  	[sflag:s29] =	ssyncset.done $0x0  }
0xcd: {  	[sflag:s29] =	ssyncadd.s32 $0xFFFFC000  }
0xce: {  	[tilespmem:s22], [sflag:$0x2] =	stream.indirect.gather [hbm4b:s4+s20], $0x80, s10, s20, $0xb8;
	v63 =	vld [tilespmem:$0x0]  }
0xcf: {  	_ =	swait.ge [sflag:s23], $0x4000  }
0xd0: {  	[sflag:s23] =	ssyncset.done $0x0  }
0xd1: {  	[sflag:s23] =	ssyncadd.s32 $0xFFFFC000  }
0xd2: {  	[spmem:s1] =	stream.indirect.scatter.add.f32 [tilespmem:s21], [sflag:$0x3], $0x80, s25, s20, $0xb8;
	v63 =	vld [tilespmem:$0x0]  }
0xd3: {  	_ =	swait.ge [sflag:s24], $0x4000  }
0xd4: {  	[sflag:s24] =	ssyncset.done $0x0  }
0xd5: {  	[sflag:s24] =	ssyncadd.s32 $0xFFFFC000  }
0xd6: {  	[spmem:s1] =	stream.indirect.scatter.add.f32 [tilespmem:s22], [sflag:$0x4], $0x80, s11, s20, $0xb8;
	v63 =	vld [tilespmem:$0x0]  }
0xd7: {  	_ =	swait.ge [sflag:s26], $0x4000  }
0xd8: {  	[sflag:s26] =	ssyncset.done $0x0  }
0xd9: {  	[sflag:s26] =	ssyncadd.s32 $0xFFFFC000  }
0xda: {  	[tilespmem:s21], [sflag:$0x1] =	stream.indirect.gather [hbm4b:s4+s20], $0x80, s28, s20, $0xb8;
	v63 =	vld [tilespmem:$0x0]  }
0xdb: {  	_ =	swait.ge [sflag:s29], $0x4000  }
0xdc: {  	[sflag:s29] =	ssyncset.done $0x0  }
0xdd: {  	[sflag:s29] =	ssyncadd.s32 $0xFFFFC000  }
0xde: {  	[tilespmem:s22], [sflag:$0x2] =	stream.indirect.gather [hbm4b:s4+s20], $0x80, s15, s20, $0xb8;
	v63 =	vld [tilespmem:$0x0]  }
0xdf: {  	_ =	swait.ge [sflag:s23], $0x4000  }
0xe0: {  	[sflag:s23] =	ssyncset.done $0x0  }
0xe1: {  	s14 =	simm.s32 $0x2300;
	[sflag:s23] =	ssyncadd.s32 $0xFFFFC000  }
0xe2: {  	[spmem:s1] =	stream.indirect.scatter.add.f32 [tilespmem:s21], [sflag:$0x3], $0x80, s14, s20, $0xb8;
	v63 =	vld [tilespmem:$0x0]  }
0xe3: {  	_ =	swait.ge [sflag:s24], $0x4000  }
0xe4: {  	[sflag:s24] =	ssyncset.done $0x0  }
0xe5: {  	s14 =	simm.s32 $0x2380;
	[sflag:s24] =	ssyncadd.s32 $0xFFFFC000  }
0xe6: {  	[spmem:s1] =	stream.indirect.scatter.add.f32 [tilespmem:s22], [sflag:$0x4], $0x80, s14, s20, $0xb8;
	v63 =	vld [tilespmem:$0x0]  }
0xe7: {  	_ =	swait.ge [sflag:s26], $0x4000  }
0xe8: {  	[sflag:s26] =	ssyncset.done $0x0  }
0xe9: {  	s14 =	simm.s32 $0x400;
	[sflag:s26] =	ssyncadd.s32 $0xFFFFC000  }
0xea: {  	[tilespmem:s21], [sflag:$0x1] =	stream.indirect.gather [hbm4b:s4+s20], $0x80, s14, s20, $0xb8;
	v63 =	vld [tilespmem:$0x0]  }
0xeb: {  	_ =	swait.ge [sflag:s29], $0x4000  }
0xec: {  	[sflag:s29] =	ssyncset.done $0x0  }
0xed: {  	s14 =	simm.s32 $0x480;
	[sflag:s29] =	ssyncadd.s32 $0xFFFFC000  }
0xee: {  	[tilespmem:s22], [sflag:$0x2] =	stream.indirect.gather [hbm4b:s4+s20], $0x80, s14, s20, $0xb8;
	v63 =	vld [tilespmem:$0x0]  }
0xef: {  	_ =	swait.ge [sflag:s23], $0x4000  }
0xf0: {  	[sflag:s23] =	ssyncset.done $0x0  }
0xf1: {  	s14 =	simm.s32 $0x2400;
	[sflag:s23] =	ssyncadd.s32 $0xFFFFC000  }
0xf2: {  	[spmem:s1] =	stream.indirect.scatter.add.f32 [tilespmem:s21], [sflag:$0x3], $0x80, s14, s20, $0xb8;
	v63 =	vld [tilespmem:$0x0]  }
0xf3: {  	_ =	swait.ge [sflag:s24], $0x4000  }
0xf4: {  	[sflag:s24] =	ssyncset.done $0x0  }
0xf5: {  	s14 =	simm.s32 $0x2480;
	[sflag:s24] =	ssyncadd.s32 $0xFFFFC000  }
0xf6: {  	[spmem:s1] =	stream.indirect.scatter.add.f32 [tilespmem:s22], [sflag:$0x4], $0x80, s14, s20, $0xb8;
	v63 =	vld [tilespmem:$0x0]  }
0xf7: {  	_ =	swait.ge [sflag:s26], $0x4000  }
0xf8: {  	[sflag:s26] =	ssyncset.done $0x0  }
0xf9: {  	s14 =	simm.s32 $0x500;
	[sflag:s26] =	ssyncadd.s32 $0xFFFFC000  }
0xfa: {  	[tilespmem:s21], [sflag:$0x1] =	stream.indirect.gather [hbm4b:s4+s20], $0x80, s14, s20, $0xb8;
	v63 =	vld [tilespmem:$0x0]  }
0xfb: {  	_ =	swait.ge [sflag:s29], $0x4000  }
0xfc: {  	[sflag:s29] =	ssyncset.done $0x0  }
0xfd: {  	s14 =	simm.s32 $0x580;
	[sflag:s29] =	ssyncadd.s32 $0xFFFFC000  }
0xfe: {  	[tilespmem:s22], [sflag:$0x2] =	stream.indirect.gather [hbm4b:s4+s20], $0x80, s14, s20, $0xb8;
	v63 =	vld [tilespmem:$0x0]  }
0xff: {  	_ =	swait.ge [sflag:s23], $0x4000  }
0x100: {  	[sflag:s23] =	ssyncset.done $0x0  }
0x101: {  	s14 =	simm.s32 $0x2500;
	[sflag:s23] =	ssyncadd.s32 $0xFFFFC000  }
0x102: {  	[spmem:s1] =	stream.indirect.scatter.add.f32 [tilespmem:s21], [sflag:$0x3], $0x80, s14, s20, $0xb8;
	v63 =	vld [tilespmem:$0x0]  }
0x103: {  	_ =	swait.ge [sflag:s24], $0x4000  }
0x104: {  	[sflag:s24] =	ssyncset.done $0x0  }
0x105: {  	s14 =	simm.s32 $0x2580;
	[sflag:s24] =	ssyncadd.s32 $0xFFFFC000  }
0x106: {  	[spmem:s1] =	stream.indirect.scatter.add.f32 [tilespmem:s22], [sflag:$0x4], $0x80, s14, s20, $0xb8;
	v63 =	vld [tilespmem:$0x0]  }
0x107: {  	_ =	swait.ge [sflag:s26], $0x4000  }
0x108: {  	[sflag:s26] =	ssyncset.done $0x0  }
0x109: {  	s14 =	simm.s32 $0x600;
	[sflag:s26] =	ssyncadd.s32 $0xFFFFC000  }
0x10a: {  	[tilespmem:s21], [sflag:$0x1] =	stream.indirect.gather [hbm4b:s4+s20], $0x80, s14, s20, $0xb8;
	v63 =	vld [tilespmem:$0x0]  }
0x10b: {  	_ =	swait.ge [sflag:s29], $0x4000  }
0x10c: {  	[sflag:s29] =	ssyncset.done $0x0  }
0x10d: {  	s14 =	simm.s32 $0x680;
	[sflag:s29] =	ssyncadd.s32 $0xFFFFC000  }
0x10e: {  	[tilespmem:s22], [sflag:$0x2] =	stream.indirect.gather [hbm4b:s4+s20], $0x80, s14, s20, $0xb8;
	v63 =	vld [tilespmem:$0x0]  }
0x10f: {  	_ =	swait.ge [sflag:s23], $0x4000  }
0x110: {  	[sflag:s23] =	ssyncset.done $0x0  }
0x111: {  	s14 =	simm.s32 $0x2600;
	[sflag:s23] =	ssyncadd.s32 $0xFFFFC000  }
0x112: {  	[spmem:s1] =	stream.indirect.scatter.add.f32 [tilespmem:s21], [sflag:$0x3], $0x80, s14, s20, $0xb8;
	v63 =	vld [tilespmem:$0x0]  }
0x113: {  	_ =	swait.ge [sflag:s24], $0x4000  }
0x114: {  	[sflag:s24] =	ssyncset.done $0x0  }
0x115: {  	s14 =	simm.s32 $0x2680;
	[sflag:s24] =	ssyncadd.s32 $0xFFFFC000  }
0x116: {  	[spmem:s1] =	stream.indirect.scatter.add.f32 [tilespmem:s22], [sflag:$0x4], $0x80, s14, s20, $0xb8;
	v63 =	vld [tilespmem:$0x0]  }
0x117: {  	_ =	swait.ge [sflag:s26], $0x4000  }
0x118: {  	[sflag:s26] =	ssyncset.done $0x0  }
0x119: {  	s14 =	simm.s32 $0x700;
	[sflag:s26] =	ssyncadd.s32 $0xFFFFC000  }
0x11a: {  	[tilespmem:s21], [sflag:$0x1] =	stream.indirect.gather [hbm4b:s4+s20], $0x80, s14, s20, $0xb8;
	v63 =	vld [tilespmem:$0x0]  }
0x11b: {  	_ =	swait.ge [sflag:s29], $0x4000  }
0x11c: {  	[sflag:s29] =	ssyncset.done $0x0  }
0x11d: {  	s3 =	simm.s32 $0x2000;
	s14 =	simm.s32 $0x780;
	[sflag:s29] =	ssyncadd.s32 $0xFFFFC000  }
0x11e: {  	[tilespmem:s22], [sflag:$0x2] =	stream.indirect.gather [hbm4b:s4+s20], $0x80, s14, s20, $0xb8;
	v63 =	vld [tilespmem:$0x0]  }
.LBB2_8:
0x11f: {  	_ =	swait.ge [sflag:s23], $0x4000  }
0x120: {  	[sflag:s23] =	ssyncset.done $0x0  }
0x121: {  	[sflag:s23] =	ssyncadd.s32 $0xFFFFC000  }
0x122: {  	[spmem:s1] =	stream.indirect.scatter.add.f32 [tilespmem:s21], [sflag:$0x3], $0x80, s13, s20, $0xb8;
	v63 =	vld [tilespmem:$0x0]  }
0x123: {  	_ =	swait.ge [sflag:s24], $0x4000  }
0x124: {  	[sflag:s24] =	ssyncset.done $0x0  }
0x125: {  	[sflag:s24] =	ssyncadd.s32 $0xFFFFC000  }
0x126: {  	[spmem:s1] =	stream.indirect.scatter.add.f32 [tilespmem:s22], [sflag:$0x4], $0x80, s30, s20, $0xb8;
	v63 =	vld [tilespmem:$0x0]  }
0x127: {  	_ =	swait.ge [sflag:s26], $0x4000  }
0x128: {  	[sflag:s26] =	ssyncset.done $0x0  }
0x129: {  	[sflag:s26] =	ssyncadd.s32 $0xFFFFC000  }
0x12a: {  	_ =	swait.ge [sflag:s29], $0x4000  }
0x12b: {  	s12 =	sadd.s32 $0x1, s12;
	[sflag:s29] =	ssyncset.done $0x0  }
0x12c: {  	p1 =	sne.s32 s12, s2;
	[sflag:s29] =	ssyncadd.s32 $0xFFFFC000  }
.Ltmp1:
0x12d: {  	[bflag:$0x0] =	sbarrier.arrive $0xFFFF;
	(pc) =	sbr.rel @!p1 .LBB2_9-.Ltmp1, $4  }
0x12e: {  	[hbm:s0], [sflag:s6] =	dma.local [spmem:s7], $0x2800  }
0x12f: {  	_ =	swait.ge [sflag:s18], $0x2800  }
0x130: {  	[sflag:s18] =	ssyncset.done $0x0  }
0x131: {  	[sflag:s18] =	ssyncadd.s32 $0xFFFFD800  }
.LBB2_1:
0x132: {  	[spmem:s7], [sflag:s6] =	dma.local [hbm:s5], $0x2800  }
.Ltmp2:
0x133: {  	_ =	swait.ge [sflag:s18], $0x2800;
	(pc) =	sbr.rel @p0 .LBB2_7-.Ltmp2, $3  }
0x134: {  	[sflag:s18] =	ssyncset.done $0x0  }
0x135: {  	[sflag:s18] =	ssyncadd.s32 $0xFFFFD800  }
0x136: {  	[bflag:$0x0] =	sbarrier.arrive $0xFFFF;
	_ =	sdelay $0x1  }
0x137: {  	s13 =	simm.s32 $0x0;
	s14 =	rddreg [dreg:$0x4]  }
0x138: {  	[tilespmem:s13], [sflag:$0x5] =	stream.linear.gather [hbm4b:s14+s13], $0x2000, $0x38;
	v63 =	vld [tilespmem:$0x0]  }
0x139: {  	_ =	swait.ge [sflag:s18], $0x2000  }
0x13a: {  	[sflag:s18] =	ssyncset.done $0x0  }
0x13b: {  	s8 =	rddreg [dreg:$0x5];
	[sflag:s18] =	ssyncadd.s32 $0xFFFFE000  }
0x13c: {  	[tilespmem:s3], [sflag:$0x5] =	stream.linear.gather [hbm4b:s8+s13], $0x2000, $0x38;
	v63 =	vld [tilespmem:$0x0]  }
0x13d: {  	_ =	swait.ge [sflag:s18], $0x2000  }
0x13e: {  	[sflag:s18] =	ssyncset.done $0x0  }
0x13f: {  	[sflag:s18] =	ssyncadd.s32 $0xFFFFE000  }
0x140: {  	[tilespmem:s21], [sflag:$0x1] =	stream.indirect.gather [hbm4b:s4+s20], $0x80, s13, s20, $0xb8;
	v63 =	vld [tilespmem:$0x0]  }
0x141: {  	_ = 	snop  }
0x142: {  	[tilespmem:s22], [sflag:$0x2] =	stream.indirect.gather [hbm4b:s4+s20], $0x80, s20, s20, $0xb8;
	v63 =	vld [tilespmem:$0x0]  }
0x143: {  	_ =	swait.ge [sflag:s23], $0x4000  }
0x144: {  	[sflag:s23] =	ssyncset.done $0x0  }
0x145: {  	s14 =	simm.s32 $0x2000;
	[sflag:s23] =	ssyncadd.s32 $0xFFFFC000  }
0x146: {  	[spmem:s1] =	stream.indirect.scatter.add.f32 [tilespmem:s21], [sflag:$0x3], $0x80, s14, s20, $0xb8;
	v63 =	vld [tilespmem:$0x0]  }
0x147: {  	_ =	swait.ge [sflag:s24], $0x4000  }
0x148: {  	[sflag:s24] =	ssyncset.done $0x0  }
0x149: {  	s8 =	simm.s32 $0x2080;
	[sflag:s24] =	ssyncadd.s32 $0xFFFFC000  }
0x14a: {  	[spmem:s1] =	stream.indirect.scatter.add.f32 [tilespmem:s22], [sflag:$0x4], $0x80, s8, s20, $0xb8;
	v63 =	vld [tilespmem:$0x0]  }
0x14b: {  	_ =	swait.ge [sflag:s26], $0x4000  }
0x14c: {  	[sflag:s26] =	ssyncset.done $0x0  }
0x14d: {  	s14 =	simm.s32 $0x100;
	[sflag:s26] =	ssyncadd.s32 $0xFFFFC000  }
0x14e: {  	[tilespmem:s21], [sflag:$0x1] =	stream.indirect.gather [hbm4b:s4+s20], $0x80, s14, s20, $0xb8;
	v63 =	vld [tilespmem:$0x0]  }
0x14f: {  	_ =	swait.ge [sflag:s29], $0x4000  }
0x150: {  	[sflag:s29] =	ssyncset.done $0x0  }
0x151: {  	s30 =	simm.s32 $0x180;
	s13 =	simm.s32 $0x400;
	[sflag:s29] =	ssyncadd.s32 $0xFFFFC000  }
.LBB2_3:
0x152: {  	[tilespmem:s22], [sflag:$0x2] =	stream.indirect.gather [hbm4b:s4+s20], $0x80, s30, s20, $0xb8;
	v63 =	vld [tilespmem:$0x0]  }
0x153: {  	s30 =	smov.u32 s13  }
0x154: {  	p1 =	sne.s32 s13, $0x7800;
	s13 =	sadd.s32 $0x400, s13;
	_ =	swait.ge [sflag:s23], $0x4000  }
0x155: {  	s30 =	sshra.s32 s30, $0x2;
	[sflag:s23] =	ssyncset.done $0x0  }
0x156: {  	s14 =	sadd.s32 $0x2000, s30;
	[sflag:s23] =	ssyncadd.s32 $0xFFFFC000  }
0x157: {  	[spmem:s1] =	stream.indirect.scatter.add.f32 [tilespmem:s21], [sflag:$0x3], $0x80, s14, s20, $0xb8;
	v63 =	vld [tilespmem:$0x0]  }
0x158: {  	_ =	swait.ge [sflag:s24], $0x4000  }
0x159: {  	[sflag:s24] =	ssyncset.done $0x0  }
0x15a: {  	s14 =	sadd.s32 $0x2080, s30;
	[sflag:s24] =	ssyncadd.s32 $0xFFFFC000  }
0x15b: {  	[spmem:s1] =	stream.indirect.scatter.add.f32 [tilespmem:s22], [sflag:$0x4], $0x80, s14, s20, $0xb8;
	v63 =	vld [tilespmem:$0x0]  }
0x15c: {  	_ =	swait.ge [sflag:s26], $0x4000  }
0x15d: {  	[sflag:s26] =	ssyncset.done $0x0  }
.Ltmp3:
0x15e: {  	s14 =	sadd.s32 $0x100, s30;
	[sflag:s26] =	ssyncadd.s32 $0xFFFFC000;
	(pc) =	sbr.rel @p1 .LBB2_3-.Ltmp3, $4  }
0x15f: {  	[tilespmem:s21], [sflag:$0x1] =	stream.indirect.gather [hbm4b:s4+s20], $0x80, s14, s20, $0xb8;
	v63 =	vld [tilespmem:$0x0]  }
0x160: {  	_ =	swait.ge [sflag:s29], $0x4000  }
0x161: {  	[sflag:s29] =	ssyncset.done $0x0  }
0x162: {  	s30 =	sadd.s32 $0x180, s30;
	[sflag:s29] =	ssyncadd.s32 $0xFFFFC000  }
0x163: {  	[tilespmem:s22], [sflag:$0x2] =	stream.indirect.gather [hbm4b:s4+s20], $0x80, s30, s20, $0xb8;
	v63 =	vld [tilespmem:$0x0]  }
0x164: {  	_ =	swait.ge [sflag:s23], $0x4000  }
0x165: {  	[sflag:s23] =	ssyncset.done $0x0  }
0x166: {  	s8 =	simm.s32 $0x3F00;
	[sflag:s23] =	ssyncadd.s32 $0xFFFFC000  }
0x167: {  	[spmem:s1] =	stream.indirect.scatter.add.f32 [tilespmem:s21], [sflag:$0x3], $0x80, s8, s20, $0xb8;
	v63 =	vld [tilespmem:$0x0]  }
0x168: {  	_ =	swait.ge [sflag:s24], $0x4000  }
0x169: {  	[sflag:s24] =	ssyncset.done $0x0  }
0x16a: {  	s14 =	simm.s32 $0x3F80;
	[sflag:s24] =	ssyncadd.s32 $0xFFFFC000  }
0x16b: {  	[spmem:s1] =	stream.indirect.scatter.add.f32 [tilespmem:s22], [sflag:$0x4], $0x80, s14, s20, $0xb8;
	v63 =	vld [tilespmem:$0x0]  }
0x16c: {  	_ =	swait.ge [sflag:s26], $0x4000  }
0x16d: {  	[sflag:s26] =	ssyncset.done $0x0  }
0x16e: {  	[sflag:s26] =	ssyncadd.s32 $0xFFFFC000  }
0x16f: {  	_ =	swait.ge [sflag:s29], $0x4000  }
0x170: {  	[sflag:s29] =	ssyncset.done $0x0  }
0x171: {  	s13 =	simm.s32 $0x0;
	s14 =	rddreg [dreg:$0x6];
	[sflag:s29] =	ssyncadd.s32 $0xFFFFC000  }
0x172: {  	[tilespmem:s13], [sflag:$0x5] =	stream.linear.gather [hbm4b:s14+s13], $0x2000, $0x38;
	v63 =	vld [tilespmem:$0x0]  }
0x173: {  	_ =	swait.ge [sflag:s18], $0x2000  }
0x174: {  	[sflag:s18] =	ssyncset.done $0x0  }
0x175: {  	s8 =	rddreg [dreg:$0x7];
	[sflag:s18] =	ssyncadd.s32 $0xFFFFE000  }
0x176: {  	[tilespmem:s3], [sflag:$0x5] =	stream.linear.gather [hbm4b:s8+s13], $0x2000, $0x38;
	v63 =	vld [tilespmem:$0x0]  }
0x177: {  	_ =	swait.ge [sflag:s18], $0x2000  }
0x178: {  	[sflag:s18] =	ssyncset.done $0x0  }
0x179: {  	[sflag:s18] =	ssyncadd.s32 $0xFFFFE000  }
0x17a: {  	[tilespmem:s21], [sflag:$0x1] =	stream.indirect.gather [hbm4b:s4+s20], $0x80, s13, s20, $0xb8;
	v63 =	vld [tilespmem:$0x0]  }
0x17b: {  	_ = 	snop  }
0x17c: {  	[tilespmem:s22], [sflag:$0x2] =	stream.indirect.gather [hbm4b:s4+s20], $0x80, s20, s20, $0xb8;
	v63 =	vld [tilespmem:$0x0]  }
0x17d: {  	_ =	swait.ge [sflag:s23], $0x4000  }
0x17e: {  	[sflag:s23] =	ssyncset.done $0x0  }
0x17f: {  	s14 =	simm.s32 $0x2000;
	[sflag:s23] =	ssyncadd.s32 $0xFFFFC000  }
0x180: {  	[spmem:s1] =	stream.indirect.scatter.add.f32 [tilespmem:s21], [sflag:$0x3], $0x80, s14, s20, $0xb8;
	v63 =	vld [tilespmem:$0x0]  }
0x181: {  	_ =	swait.ge [sflag:s24], $0x4000  }
0x182: {  	[sflag:s24] =	ssyncset.done $0x0  }
0x183: {  	s8 =	simm.s32 $0x2080;
	[sflag:s24] =	ssyncadd.s32 $0xFFFFC000  }
0x184: {  	[spmem:s1] =	stream.indirect.scatter.add.f32 [tilespmem:s22], [sflag:$0x4], $0x80, s8, s20, $0xb8;
	v63 =	vld [tilespmem:$0x0]  }
0x185: {  	_ =	swait.ge [sflag:s26], $0x4000  }
0x186: {  	p1 =	por $0x0, $0x0;
	[sflag:s26] =	ssyncset.done $0x0  }
.Ltmp4:
0x187: {  	s14 =	simm.s32 $0x100;
	[sflag:s26] =	ssyncadd.s32 $0xFFFFC000;
	(pc) =	sbr.rel @p1 .LBB2_6-.Ltmp4, $4  }
0x188: {  	[tilespmem:s21], [sflag:$0x1] =	stream.indirect.gather [hbm4b:s4+s20], $0x80, s14, s20, $0xb8;
	v63 =	vld [tilespmem:$0x0]  }
0x189: {  	_ =	swait.ge [sflag:s29], $0x4000  }
0x18a: {  	[sflag:s29] =	ssyncset.done $0x0  }
0x18b: {  	s30 =	simm.s32 $0x180;
	s13 =	simm.s32 $0x400;
	[sflag:s29] =	ssyncadd.s32 $0xFFFFC000  }
.LBB2_5:
0x18c: {  	[tilespmem:s22], [sflag:$0x2] =	stream.indirect.gather [hbm4b:s4+s20], $0x80, s30, s20, $0xb8;
	v63 =	vld [tilespmem:$0x0]  }
0x18d: {  	s14 =	smov.u32 s13  }
0x18e: {  	p1 =	seq.s32 s13, $0x7800;
	s13 =	sadd.s32 $0x400, s13;
	_ =	swait.ge [sflag:s23], $0x4000  }
0x18f: {  	s14 =	sshra.s32 s14, $0x2;
	[sflag:s23] =	ssyncset.done $0x0  }
0x190: {  	s30 =	sadd.s32 $0x2000, s14;
	[sflag:s23] =	ssyncadd.s32 $0xFFFFC000  }
0x191: {  	[spmem:s1] =	stream.indirect.scatter.add.f32 [tilespmem:s21], [sflag:$0x3], $0x80, s30, s20, $0xb8;
	v63 =	vld [tilespmem:$0x0]  }
0x192: {  	_ =	swait.ge [sflag:s24], $0x4000  }
0x193: {  	[sflag:s24] =	ssyncset.done $0x0  }
0x194: {  	s30 =	sadd.s32 $0x2080, s14;
	[sflag:s24] =	ssyncadd.s32 $0xFFFFC000  }
0x195: {  	[spmem:s1] =	stream.indirect.scatter.add.f32 [tilespmem:s22], [sflag:$0x4], $0x80, s30, s20, $0xb8;
	v63 =	vld [tilespmem:$0x0]  }
0x196: {  	_ =	swait.ge [sflag:s26], $0x4000  }
0x197: {  	[sflag:s26] =	ssyncset.done $0x0  }
.Ltmp5:
0x198: {  	s30 =	sadd.s32 $0x100, s14;
	[sflag:s26] =	ssyncadd.s32 $0xFFFFC000;
	(pc) =	sbr.rel @!p1 .LBB2_5-.Ltmp5, $4  }
0x199: {  	[tilespmem:s21], [sflag:$0x1] =	stream.indirect.gather [hbm4b:s4+s20], $0x80, s30, s20, $0xb8;
	v63 =	vld [tilespmem:$0x0]  }
0x19a: {  	_ =	swait.ge [sflag:s29], $0x4000  }
0x19b: {  	[sflag:s29] =	ssyncset.done $0x0  }
0x19c: {  	s30 =	sadd.s32 $0x180, s14;
	[sflag:s29] =	ssyncadd.s32 $0xFFFFC000  }
.LBB2_6:
.Ltmp6:
0x19d: {  	(pc) =	sbr.rel .LBB2_8-.Ltmp6, $3  }
0x19e: {  	_ =	sdelay $0x1  }
0x19f: {  	[tilespmem:s22], [sflag:$0x2] =	stream.indirect.gather [hbm4b:s4+s20], $0x80, s30, s20, $0xb8;
	v63 =	vld [tilespmem:$0x0]  }
0x1a0: {  	s30 =	simm.s32 $0x3F80;
	s13 =	simm.s32 $0x3F00  }
.LBB2_9:
0x1a1: {  	_ =	sfence.sel $0x180000  }
0x1a2: {  	[bflag:$0x0] =	sbarrier.arrive $0xFFFF  }
0x1a3: {  	_ =	strace $0x9000004A  }
0x1a4: {  	s0 =	stileid.u32;
	[bflag:$0x2] =	sbarrier.arrive $0xFFFF  }
0x1a5: {  	p0 =	sne.s32 s0, $0x0;
	s0 =	rddreg [dreg:$0x3]  }
0x1a6: {  	s0 =	sadd.s32 @!p0 $0x100000, s0  }
0x1a7: {  	[sflag:s0] =	ssyncadd.tile.s32 @!p0 $0x1;
	_ =	shalt  }
.Lfunc_end2:
_tile_overlayer_lowered:
.L_overlay_start_2:
0x1a8: {  	(tag) =	ssettag $0x2  }
0x1a9: {  	s0 =	rddreg [dreg:$0x0];
	s2 =	stileid.u32  }
0x1aa: {  	s1 =	rddreg [dreg:$0x1];
	p0 =	sne.s32 s2, $0x0  }
0x1ab: {  	s3 =	rddreg [dreg:$0x2];
	[bflag:$0x3] =	sbarrier.arrive $0xFFFF;
	s2 =	simm.s32 @!p0 $0x1C05  }
0x1ac: {  	[timem:s3], [sflag:s2] =	dma.local @!p0 [hbm:s0], s1  }
0x1ad: {  	s0 =	simm.s32 @!p0 $0x5  }
0x1ae: {  	_ =	swait.ge @!p0 [sflag:s0], s1  }
0x1af: {  	s1 =	ssub.s32 @!p0 $0x0, s1;
	[sflag:s0] =	ssyncset.done @!p0 $0x0  }
0x1b0: {  	[sflag:s0] =	ssyncadd.s32 @!p0 s1  }
0x1b1: {  	[bflag:$0x3] =	sbarrier.arrive $0xFFFF  }
0x1b2: {  	_ =	shalt  }

// kernel: kernel.16.cloned.1.call-start
scs
__scs_entry_jumppad:
0x0: {  	(pc) =	sbr.rel $0x88, $3  }
0x1: {  	(tag) =	ssettag $0x0;
	lr =	simm.s32 $0x1  }
0x2: {  	[smem:$0x3F99] =	sst lr;
	_ =	strace $0xD0000000  }
0x3: {  	_ = 	snop  }
0x4: {  	_ = 	snop  }
0x5: {  	_ = 	snop  }
0x6: {  	_ = 	snop  }
0x7: {  	_ = 	snop  }
__scs_overlays_trampoline_lowered:
0x8: {  	[smem:$0x3FA8] =	sst s0  }
0x9: {  	[smem:$0x3FA9] =	sst s1  }
0xa: {  	[smem:$0x3FAA] =	sst s2  }
0xb: {  	[smem:$0x3FAB] =	sst s3  }
0xc: {  	[smem:$0x3FAC] =	sst s4  }
0xd: {  	[smem:$0x3FAD] =	sst s5  }
0xe: {  	[smem:$0x3FAE] =	sst s6  }
0xf: {  	[smem:$0x3FAF] =	sst s7  }
0x10: {  	[smem:$0x3FB0] =	sst s8  }
0x11: {  	[smem:$0x3FB1] =	sst s9;
	s0 =	simm.s32 @!p0 $0x0  }
0x12: {  	s1 =	sld [smem:$0x3F97];
	s0 =	simm.s32 @p0 $0x1  }
0x13: {  	[smem:$0x3FB2] =	sst s0;
	s0 =	simm.s32 @!p1 $0x0  }
0x14: {  	s2 =	sld [smem:$0x3F96];
	s0 =	simm.s32 @p1 $0x1  }
0x15: {  	[smem:$0x3FB3] =	sst s0;
	s0 =	simm.s32 @!p2 $0x0  }
0x16: {  	s3 =	sld [smem:$0x3FDB];
	s0 =	simm.s32 @p2 $0x1  }
0x17: {  	s4 =	simm.s32 $0x1BF5;
	[smem:$0x3FB5] =	sst s0  }
0x18: {  	s0 =	sld [smem:$0x3F98];
	_ =	swait.ge [sflag:s4], $0x0  }
0x19: {  	s7 =	sld [smem:$0x3F99]  }
0x1a: {  	s8 =	sadd.s32 $0xFFFFE003, lr  }
0x1b: {  	s9 =	sadd.s32 $0xFFFFFEF7, lr;
	s5 =	simm.s32 $0xFFFFFFFF;
	p2 =	slt.u32 s8, $0xFFFFF086  }
0x1c: {  	p1 =	slt.u32 s9, $0xF7A;
	s5 =	simm.s32 @!p2 $0x0  }
0x1d: {  	s5 =	simm.s32 @p1 $0x1;
	p0 =	seq.s32 s7, s2  }
0x1e: {  	s7 =	smul.u32 @!p0 $0xF7A, s2;
	p2 =	seq.s32 @!p0 s5, $0x0  }
0x1f: {  	s9 =	smul.u32 $0xF7A, s1;
	s8 =	simm.s32 @!p0 $0x1BF5;
	p2 =	por !p2, p0  }
0x20: {  	[sflag:s8] =	ssyncset.s32 @!p0 $0xFFFFF086;
	s6 =	sadd.s32 @!p0 s3, s7;
	s7 =	simm.s32 @!p0 $0x108  }
0x21: {  	s3 =	sadd.s32 s3, s9;
	s6 =	sadd.s32 @!p0 $0x88, s6;
	s7 =	simm.s32 @p2 $0x1082  }
0x22: {  	[simem:s7], [sflag:s8] =	dma.local @!p0 [hbm:s6], $0xF7A  }
0x23: {  	s9 =	sor.u32 $0xD0000000, s2;
	s6 =	simm.s32 $0x108;
	_ =	swait.ge @!p0 [sflag:s8], $0x0  }
0x24: {  	s3 =	sadd.s32 $0x88, s3;
	s6 =	simm.s32 @!p1 $0x1082;
	[sflag:s4] =	ssyncset.s32 $0xFFFFF086  }
0x25: {  	[simem:s6], [sflag:s4] =	dma.local [hbm:s3], $0xF7A  }
0x26: {  	[smem:$0x3F99] =	sst s1;
	(tag) =	ssettag s2;
	_ =	strace s9  }
0x27: {  	s1 =	sld [smem:$0x3FA9]  }
0x28: {  	s2 =	sld [smem:$0x3FAA]  }
0x29: {  	s4 =	sld [smem:$0x3FAC]  }
0x2a: {  	p0 =	seq.s32 s5, $0x0;
	s5 =	sld [smem:$0x3FAD]  }
0x2b: {  	s6 =	sld [smem:$0x3FAE]  }
0x2c: {  	s7 =	sld [smem:$0x3FAF]  }
0x2d: {  	s3 =	simm.s32 $0x108;
	s8 =	sld [smem:$0x3FB0]  }
0x2e: {  	s3 =	simm.s32 @!p0 $0x1082;
	s9 =	sld [smem:$0x3FB1]  }
0x2f: {  	lr =	sadd.s32 s0, s3;
	s0 =	sld [smem:$0x3FA8]  }
0x30: {  	s3 =	sld [smem:$0x3FAB]  }
0x31: {  	[smem:$0x3FB4] =	sst s10  }
0x32: {  	s10 =	sld [smem:$0x3FB2];
	_ =	sdelay $0x3  }
0x33: {  	p0 =	seq.s32 s10, $0x1;
	s10 =	sld [smem:$0x3FB4];
	_ =	sdelay $0x3  }
0x34: {  	[smem:$0x3FB4] =	sst s10  }
0x35: {  	s10 =	sld [smem:$0x3FB3];
	_ =	sdelay $0x3  }
0x36: {  	p1 =	seq.s32 s10, $0x1;
	s10 =	sld [smem:$0x3FB4];
	_ =	sdelay $0x3  }
0x37: {  	[smem:$0x3FB4] =	sst s10  }
0x38: {  	s10 =	sld [smem:$0x3FB5]  }
0x39: {  	_ = 	snop;
	(pc) =	sbr.ind lr, $3  }
0x3a: {  	_ = 	snop  }
0x3b: {  	_ = 	snop  }
0x3c: {  	p2 =	seq.s32 s10, $0x1;
	s10 =	sld [smem:$0x3FB4]  }
0x3d: {  	_ =	shalt  }
0x3e: {  	_ =	shalt  }
0x3f: {  	_ =	shalt  }
0x40: {  	_ =	shalt  }
0x41: {  	_ =	shalt  }
0x42: {  	_ =	shalt  }
0x43: {  	_ =	shalt  }
0x44: {  	_ =	shalt  }
0x45: {  	_ =	shalt  }
0x46: {  	_ =	shalt  }
0x47: {  	_ =	shalt  }
0x48: {  	_ =	shalt  }
0x49: {  	_ =	shalt  }
0x4a: {  	_ =	shalt  }
0x4b: {  	_ =	shalt  }
0x4c: {  	_ =	shalt  }
0x4d: {  	_ =	shalt  }
0x4e: {  	_ =	shalt  }
0x4f: {  	_ =	shalt  }
0x50: {  	_ =	shalt  }
0x51: {  	_ =	shalt  }
0x52: {  	_ =	shalt  }
0x53: {  	_ =	shalt  }
0x54: {  	_ =	shalt  }
0x55: {  	_ =	shalt  }
0x56: {  	_ =	shalt  }
0x57: {  	_ =	shalt  }
0x58: {  	_ =	shalt  }
0x59: {  	_ =	shalt  }
0x5a: {  	_ =	shalt  }
0x5b: {  	_ =	shalt  }
0x5c: {  	_ =	shalt  }
0x5d: {  	_ =	shalt  }
0x5e: {  	_ =	shalt  }
0x5f: {  	_ =	shalt  }
0x60: {  	_ =	shalt  }
0x61: {  	_ =	shalt  }
0x62: {  	_ =	shalt  }
0x63: {  	_ =	shalt  }
0x64: {  	_ =	shalt  }
0x65: {  	_ =	shalt  }
0x66: {  	_ =	shalt  }
0x67: {  	_ =	shalt  }
0x68: {  	_ =	shalt  }
0x69: {  	_ =	shalt  }
0x6a: {  	_ =	shalt  }
0x6b: {  	_ =	shalt  }
0x6c: {  	_ =	shalt  }
0x6d: {  	_ =	shalt  }
0x6e: {  	_ =	shalt  }
0x6f: {  	_ =	shalt  }
0x70: {  	_ =	shalt  }
0x71: {  	_ =	shalt  }
0x72: {  	_ =	shalt  }
0x73: {  	_ =	shalt  }
0x74: {  	_ =	shalt  }
0x75: {  	_ =	shalt  }
0x76: {  	_ =	shalt  }
0x77: {  	_ =	shalt  }
0x78: {  	_ =	shalt  }
0x79: {  	_ =	shalt  }
0x7a: {  	_ =	shalt  }
0x7b: {  	_ =	shalt  }
0x7c: {  	_ =	shalt  }
0x7d: {  	_ =	shalt  }
0x7e: {  	_ =	shalt  }
0x7f: {  	_ =	shalt  }
0x80: {  	_ =	shalt  }
0x81: {  	_ =	shalt  }
0x82: {  	_ =	shalt  }
0x83: {  	_ =	shalt  }
0x84: {  	_ =	shalt  }
0x85: {  	_ =	shalt  }
0x86: {  	_ =	shalt  }
0x87: {  	_ =	shalt  }
.Lfunc_end0:
.L_simem_size_0:
called_computation.2_lowered:
.L_overlay_start_0:
0x88: {  	s2 =	sld [smem:$0x3FD9]  }
0x89: {  	s3 =	sld [smem:$0x3FFE];
	_ =	sdelay $0x1  }
0x8a: {  	s1 =	srdreg.scid  }
0x8b: {  	s0 =	sand.u32 $0x1, s1  }
0x8c: {  	s17 =	sshll.u32 s0, $0xA;
	s2 =	sadd.s32 s3, s2  }
0x8d: {  	s2 =	sadd.s32 s2, s17  }
0x8e: {  	[smem:$0x3FC0] =	sst s2  }
0x8f: {  	_ = 	snop  }
0x90: {  	s2 =	sld [smem:$0x3FD0];
	(tm) =	ssettm $0x1  }
0x91: {  	s18 =	sld [smem:$0x3FFB];
	_ =	sdelay $0x3  }
0x92: {  	_ =	strace s18  }
0x93: {  	s3 =	sld [smem:$0x3FFC];
	_ =	sdelay $0x3  }
0x94: {  	_ =	strace s3  }
0x95: {  	s3 =	sld [smem:$0x3FFD];
	_ =	sdelay $0x3  }
0x96: {  	_ =	strace s3  }
0x97: {  	_ =	strace $0x8FFFFFFF  }
0x98: {  	s19 =	sld [smem:$0x3FDB];
	_ =	sdelay $0x1  }
0x99: {  	s4 =	simm.s32 $_scs_section_size  }
0x9a: {  	s5 =	simm.s32 $_size__tile_overlayer_lowered;
	s6 =	simm.s32 $_tile_overlayer_lowered  }
0x9b: {  	s22 =	simm.s32 $0x1BFF;
	s21 =	sshll.u32 s6, $0x1;
	s3 =	sadd.s32 s4, s19  }
0x9c: {  	s7 =	simm.s32 $0x0;
	s20 =	sshll.u32 s5, $0x1;
	s5 =	sadd.s32 s21, s3  }
0x9d: {  	[timem:s7], [sflag:s22] =	dma.local [hbm:s5], s20  }
0x9e: {  	_ =	swait.ge [sflag:s22], s20  }
0x9f: {  	s4 =	ssub.s32 $0x0, s20;
	[sflag:s22] =	ssyncset.done $0x0  }
0xa0: {  	[sflag:s22] =	ssyncadd.s32 s4;
	_ =	sdelay $0x1  }
0xa1: {  	s23 =	simm.s32 $0x1B8B  }
0xa2: {  	_ =	swait.ge [sflag:s23], $0x1  }
0xa3: {  	[sflag:s23] =	ssyncset.done $0x0  }
0xa4: {  	s25 =	simm.s32 $0x1B8E;
	s24 =	sld [smem:$0x3FFE];
	[sflag:s23] =	ssyncadd.s32 $0xFFFFFFFF  }
0xa5: {  	s26 =	simm.s32 $execute0_lowered;
	[smem:$0x3FD2] =	sst s25  }
0xa6: {  	s5 =	sshll.u32 s26, $0x1;
	_ =	strace $0x8000004C;
	[dreg:$0x1] =	wrdreg $0xFFFFFFFF  }
0xa7: {  	s28 =	simm.s32 $_size_execute0_lowered;
	s3 =	sadd.s32 s3, s5;
	[dreg:$0x0] =	wrdreg $0x0  }
0xa8: {  	s5 =	sshll.u32 s28, $0x1;
	[dreg:$0x2] =	wrdreg s3  }
0xa9: {  	[dreg:$0x3] =	wrdreg s5  }
0xaa: {  	[dreg:$0x4] =	wrdreg $0xC0  }
0xab: {  	_ =	task [dreg:s7], $0x5FFFF  }
0xac: {  	[dreg:$0x1] =	wrdreg $0xFFFFFFFF  }
0xad: {  	[dreg:$0x0] =	wrdreg $0x60  }
0xae: {  	[dreg:$0x2] =	wrdreg s24  }
0xaf: {  	[dreg:$0x3] =	wrdreg s2  }
0xb0: {  	[dreg:$0x4] =	wrdreg $0x40000  }
0xb1: {  	[dreg:$0x5] =	wrdreg $0x9  }
0xb2: {  	_ =	task.clear_ibuf [dreg:s7], $0x6FFFF;
	_ =	strace $0x9000004C  }
0xb3: {  	s29 =	simm.s32 $0x9;
	_ =	strace $0x8000004E  }
0xb4: {  	_ =	swait.ge [sflag:s29], $0x1  }
0xb5: {  	[sflag:s29] =	ssyncadd.s32 $0xFFFFFFFF  }
0xb6: {  	_ =	strace $0x9000004E  }
0xb7: {  	_ =	sfence  }
0xb8: {  	s30 =	sld [smem:$0x0];
	_ =	sdelay $0x2  }
0xb9: {  	s31 =	sshll.u32 s1, $0xD;
	s1 =	sshrl.u32 s1, $0x2  }
0xba: {  	s3 =	sand.u32 $0x4000, s31;
	s1 =	sadd.s32 s1, s30  }
0xbb: {  	s0 =	sor.u32 s3, s0;
	s1 =	sshll.u32 s1, $0x11  }
0xbc: {  	s0 =	sor.u32 s1, s0  }
0xbd: {  	s0 =	sadd.s32 $0x8F2B, s0  }
0xbe: {  	[sflag:s0] =	ssyncadd.remote.s32 $0x1  }
0xbf: {  	_ =	sfence.sel $0xFFFF  }
0xc0: {  	[dreg:$0x0] =	wrdreg $0xFFFFFFFF;
	(pc) =	sbr.abs _section_cstart, $3  }
0xc1: {  	[dreg:$0x1] =	wrdreg $0xFFFFFFFF  }
0xc2: {  	_ =	task.clear_ibuf [dreg:s7], $0x2FFFF;
	_ =	strace $0x9FFFFFFF  }
0xc3: {  	(tm) =	ssettm $0x7FFFFFFF  }
tec
execute0_lowered:
.L_overlay_start_1:
0x0: {  	(tag) =	ssettag $0x1  }
0x1: {  	s0 =	rddreg [dreg:$0x0]  }
0x2: {  	s2 =	rddreg [dreg:$0x1]  }
0x3: {  	s1 =	rddreg [dreg:$0x2];
	s3 =	srdreg.scid;
	s17 =	simm.s32 $0x0  }
0x4: {  	s12 =	stileid.u32;
	s29 =	simm.s32 $0x4;
	s31 =	simm.s32 $0x2080  }
0x5: {  	s16 =	simm.s32 $0x100;
	s28 =	simm.s32 $0x300;
	s15 =	simm.s32 $0x380  }
0x6: {  	s7 =	sand.u32 $0x1, s3;
	[smem:$0x7FF] =	sst s17;
	s6 =	smul.u32 $0x280, s12  }
0x7: {  	s4 =	sadd.s32 $0x20C00, s0;
	s8 =	smul.u32 $0x50000, s12;
	s9 =	sadd.s32 $0x16C00, s0  }
0x8: {  	s20 =	sshll.u32 s12, $0x6;
	s21 =	sshll.u32 s12, $0xB;
	s12 =	sshll.u32 s12, $0x9  }
0x9: {  	s3 =	simm.s32 $0x2000;
	s17 =	simm.s32 $0x2000;
	s5 =	smul.u32 $0x2800, s7  }
0xa: {  	_ =	strace $0x8000004D;
	s18 =	ssub.s32 $0x2, s7;
	p0 =	seq.s32 s7, $0x1  }
0xb: {  	s11 =	sadd.s32 s9, s21;
	s22 =	sor.u32 $0x400, s21;
	s7 =	sadd.s32 s2, s21  }
0xc: {  	s24 =	sor.u32 $0x8000, s12;
	s26 =	sor.u32 $0x8100, s12;
	s21 =	simm.s32 $0x18000  }
0xd: {  	s12 =	simm.s32 $0x0;
	s10 =	sshrl.u32 s18, $0x1;
	[dreg:$0x4] =	wrdreg s11  }
0xe: {  	s19 =	sshrl.u32 s8, $0x2;
	[dreg:$0x5] =	wrdreg s7;
	s23 =	sadd.s32 s9, s22  }
0xf: {  	s11 =	sadd.s32 s2, s22;
	s25 =	sadd.s32 s9, s24;
	s7 =	sadd.s32 s2, s24  }
0x10: {  	s30 =	sadd.s32 s9, s26;
	s2 =	sadd.s32 s2, s26;
	[dreg:$0x6] =	wrdreg s23  }
0x11: {  	s22 =	simm.s32 $0x1C000;
	s24 =	simm.s32 $0x2;
	[dreg:$0x7] =	wrdreg s11  }
0x12: {  	s26 =	simm.s32 $0x3;
	s9 =	simm.s32 $0x200;
	[dreg:$0x8] =	wrdreg s25  }
0x13: {  	s5 =	sadd.s32 s6, s5;
	s10 =	ssub.s32 s18, s10;
	[dreg:$0x9] =	wrdreg s7  }
0x14: {  	s8 =	sadd.s32 s19, s1;
	s6 =	sor.u32 $0x1C05, s20;
	[dreg:$0xa] =	wrdreg s30  }
.Ltmp0:
0x15: {  	[dreg:$0xb] =	wrdreg s2;
	s18 =	simm.s32 $0x5;
	(pc) =	sbr.rel .LBB2_1-.Ltmp0, $4  }
0x16: {  	s20 =	simm.s32 $0x80;
	s23 =	simm.s32 $0x1;
	s19 =	simm.s32 $0x0  }
0x17: {  	s25 =	simm.s32 $0x2200;
	s11 =	simm.s32 $0x2280;
	s5 =	sshll.u32 s5, $0x4  }
0x18: {  	s2 =	smax.u32 s10, $0x1;
	s7 =	sshrl.u32 s8, $0x3;
	s0 =	sadd.s32 s5, s0  }
0x19: {  	s10 =	simm.s32 $0x280;
	s5 =	sadd.s32 $0x48C00, s0;
	s0 =	sadd.s32 $0x98C00, s0  }
.LBB2_7:
0x1a: {  	s13 =	rddreg [dreg:$0x8]  }
0x1b: {  	[tilespmem:s19], [sflag:$0x5] =	stream.linear.gather [hbm4b:s13+s19], $0x800, $0x38;
	v63 =	vld [tilespmem:$0x0]  }
0x1c: {  	_ =	swait.ge [sflag:s18], $0x800  }
0x1d: {  	[sflag:s18] =	ssyncset.done $0x0  }
0x1e: {  	s8 =	rddreg [dreg:$0x9];
	[sflag:s18] =	ssyncadd.s32 $0xFFFFF800  }
0x1f: {  	[tilespmem:s3], [sflag:$0x5] =	stream.linear.gather [hbm4b:s8+s19], $0x800, $0x38;
	v63 =	vld [tilespmem:$0x0]  }
0x20: {  	_ =	swait.ge [sflag:s18], $0x800  }
0x21: {  	[sflag:s18] =	ssyncset.done $0x0  }
0x22: {  	[sflag:s18] =	ssyncadd.s32 $0xFFFFF800  }
0x23: {  	[tilespmem:s21], [sflag:$0x1] =	stream.indirect.gather [hbm4b:s4+s20], $0x80, s19, s20, $0xb8;
	v63 =	vld [tilespmem:$0x0]  }
0x24: {  	_ = 	snop  }
0x25: {  	[tilespmem:s22], [sflag:$0x2] =	stream.indirect.gather [hbm4b:s4+s20], $0x80, s20, s20, $0xb8;
	v63 =	vld [tilespmem:$0x0]  }
0x26: {  	_ =	swait.ge [sflag:s23], $0x4000  }
0x27: {  	[sflag:s23] =	ssyncset.done $0x0  }
0x28: {  	[sflag:s23] =	ssyncadd.s32 $0xFFFFC000  }
0x29: {  	[spmem:s1] =	stream.indirect.scatter.add.f32 [tilespmem:s21], [sflag:$0x3], $0x80, s3, s20, $0xb8;
	v63 =	vld [tilespmem:$0x0]  }
0x2a: {  	_ =	swait.ge [sflag:s24], $0x4000  }
0x2b: {  	[sflag:s24] =	ssyncset.done $0x0  }
0x2c: {  	[sflag:s24] =	ssyncadd.s32 $0xFFFFC000  }
0x2d: {  	[spmem:s1] =	stream.indirect.scatter.add.f32 [tilespmem:s22], [sflag:$0x4], $0x80, s31, s20, $0xb8;
	v63 =	vld [tilespmem:$0x0]  }
0x2e: {  	_ =	swait.ge [sflag:s26], $0x4000  }
0x2f: {  	[sflag:s26] =	ssyncset.done $0x0  }
0x30: {  	[sflag:s26] =	ssyncadd.s32 $0xFFFFC000  }
0x31: {  	[tilespmem:s21], [sflag:$0x1] =	stream.indirect.gather [hbm4b:s4+s20], $0x80, s16, s20, $0xb8;
	v63 =	vld [tilespmem:$0x0]  }
0x32: {  	_ =	swait.ge [sflag:s29], $0x4000  }
0x33: {  	[sflag:s29] =	ssyncset.done $0x0  }
0x34: {  	s3 =	simm.s32 $0x180;
	[sflag:s29] =	ssyncadd.s32 $0xFFFFC000  }
0x35: {  	[tilespmem:s22], [sflag:$0x2] =	stream.indirect.gather [hbm4b:s4+s20], $0x80, s3, s20, $0xb8;
	v63 =	vld [tilespmem:$0x0]  }
0x36: {  	_ =	swait.ge [sflag:s23], $0x4000  }
0x37: {  	[sflag:s23] =	ssyncset.done $0x0  }
0x38: {  	s8 =	simm.s32 $0x2100;
	[sflag:s23] =	ssyncadd.s32 $0xFFFFC000  }
0x39: {  	[spmem:s1] =	stream.indirect.scatter.add.f32 [tilespmem:s21], [sflag:$0x3], $0x80, s8, s20, $0xb8;
	v63 =	vld [tilespmem:$0x0]  }
0x3a: {  	_ =	swait.ge [sflag:s24], $0x4000  }
0x3b: {  	[sflag:s24] =	ssyncset.done $0x0  }
0x3c: {  	s8 =	simm.s32 $0x2180;
	[sflag:s24] =	ssyncadd.s32 $0xFFFFC000  }
0x3d: {  	[spmem:s1] =	stream.indirect.scatter.add.f32 [tilespmem:s22], [sflag:$0x4], $0x80, s8, s20, $0xb8;
	v63 =	vld [tilespmem:$0x0]  }
0x3e: {  	_ =	swait.ge [sflag:s26], $0x4000  }
0x3f: {  	[sflag:s26] =	ssyncset.done $0x0  }
0x40: {  	[sflag:s26] =	ssyncadd.s32 $0xFFFFC000  }
0x41: {  	[tilespmem:s21], [sflag:$0x1] =	stream.indirect.gather [hbm4b:s4+s20], $0x80, s9, s20, $0xb8;
	v63 =	vld [tilespmem:$0x0]  }
0x42: {  	_ =	swait.ge [sflag:s29], $0x4000  }
0x43: {  	[sflag:s29] =	ssyncset.done $0x0  }
0x44: {  	[sflag:s29] =	ssyncadd.s32 $0xFFFFC000  }
0x45: {  	[tilespmem:s22], [sflag:$0x2] =	stream.indirect.gather [hbm4b:s4+s20], $0x80, s10, s20, $0xb8;
	v63 =	vld [tilespmem:$0x0]  }
0x46: {  	_ =	swait.ge [sflag:s23], $0x4000  }
0x47: {  	[sflag:s23] =	ssyncset.done $0x0  }
0x48: {  	[sflag:s23] =	ssyncadd.s32 $0xFFFFC000  }
0x49: {  	[spmem:s1] =	stream.indirect.scatter.add.f32 [tilespmem:s21], [sflag:$0x3], $0x80, s25, s20, $0xb8;
	v63 =	vld [tilespmem:$0x0]  }
0x4a: {  	_ =	swait.ge [sflag:s24], $0x4000  }
0x4b: {  	[sflag:s24] =	ssyncset.done $0x0  }
0x4c: {  	[sflag:s24] =	ssyncadd.s32 $0xFFFFC000  }
0x4d: {  	[spmem:s1] =	stream.indirect.scatter.add.f32 [tilespmem:s22], [sflag:$0x4], $0x80, s11, s20, $0xb8;
	v63 =	vld [tilespmem:$0x0]  }
0x4e: {  	_ =	swait.ge [sflag:s26], $0x4000  }
0x4f: {  	[sflag:s26] =	ssyncset.done $0x0  }
0x50: {  	[sflag:s26] =	ssyncadd.s32 $0xFFFFC000  }
0x51: {  	[tilespmem:s21], [sflag:$0x1] =	stream.indirect.gather [hbm4b:s4+s20], $0x80, s28, s20, $0xb8;
	v63 =	vld [tilespmem:$0x0]  }
0x52: {  	_ =	swait.ge [sflag:s29], $0x4000  }
0x53: {  	[sflag:s29] =	ssyncset.done $0x0  }
0x54: {  	[sflag:s29] =	ssyncadd.s32 $0xFFFFC000  }
0x55: {  	[tilespmem:s22], [sflag:$0x2] =	stream.indirect.gather [hbm4b:s4+s20], $0x80, s15, s20, $0xb8;
	v63 =	vld [tilespmem:$0x0]  }
0x56: {  	_ =	swait.ge [sflag:s23], $0x4000  }
0x57: {  	[sflag:s23] =	ssyncset.done $0x0  }
0x58: {  	s14 =	simm.s32 $0x2300;
	[sflag:s23] =	ssyncadd.s32 $0xFFFFC000  }
0x59: {  	[spmem:s1] =	stream.indirect.scatter.add.f32 [tilespmem:s21], [sflag:$0x3], $0x80, s14, s20, $0xb8;
	v63 =	vld [tilespmem:$0x0]  }
0x5a: {  	_ =	swait.ge [sflag:s24], $0x4000  }
0x5b: {  	[sflag:s24] =	ssyncset.done $0x0  }
0x5c: {  	s14 =	simm.s32 $0x2380;
	[sflag:s24] =	ssyncadd.s32 $0xFFFFC000  }
0x5d: {  	[spmem:s1] =	stream.indirect.scatter.add.f32 [tilespmem:s22], [sflag:$0x4], $0x80, s14, s20, $0xb8;
	v63 =	vld [tilespmem:$0x0]  }
0x5e: {  	_ =	swait.ge [sflag:s26], $0x4000  }
0x5f: {  	[sflag:s26] =	ssyncset.done $0x0  }
0x60: {  	s14 =	simm.s32 $0x400;
	[sflag:s26] =	ssyncadd.s32 $0xFFFFC000  }
0x61: {  	[tilespmem:s21], [sflag:$0x1] =	stream.indirect.gather [hbm4b:s4+s20], $0x80, s14, s20, $0xb8;
	v63 =	vld [tilespmem:$0x0]  }
0x62: {  	_ =	swait.ge [sflag:s29], $0x4000  }
0x63: {  	[sflag:s29] =	ssyncset.done $0x0  }
0x64: {  	s14 =	simm.s32 $0x480;
	[sflag:s29] =	ssyncadd.s32 $0xFFFFC000  }
0x65: {  	[tilespmem:s22], [sflag:$0x2] =	stream.indirect.gather [hbm4b:s4+s20], $0x80, s14, s20, $0xb8;
	v63 =	vld [tilespmem:$0x0]  }
0x66: {  	_ =	swait.ge [sflag:s23], $0x4000  }
0x67: {  	[sflag:s23] =	ssyncset.done $0x0  }
0x68: {  	s14 =	simm.s32 $0x2400;
	[sflag:s23] =	ssyncadd.s32 $0xFFFFC000  }
0x69: {  	[spmem:s1] =	stream.indirect.scatter.add.f32 [tilespmem:s21], [sflag:$0x3], $0x80, s14, s20, $0xb8;
	v63 =	vld [tilespmem:$0x0]  }
0x6a: {  	_ =	swait.ge [sflag:s24], $0x4000  }
0x6b: {  	[sflag:s24] =	ssyncset.done $0x0  }
0x6c: {  	s14 =	simm.s32 $0x2480;
	[sflag:s24] =	ssyncadd.s32 $0xFFFFC000  }
0x6d: {  	[spmem:s1] =	stream.indirect.scatter.add.f32 [tilespmem:s22], [sflag:$0x4], $0x80, s14, s20, $0xb8;
	v63 =	vld [tilespmem:$0x0]  }
0x6e: {  	_ =	swait.ge [sflag:s26], $0x4000  }
0x6f: {  	[sflag:s26] =	ssyncset.done $0x0  }
0x70: {  	s14 =	simm.s32 $0x500;
	[sflag:s26] =	ssyncadd.s32 $0xFFFFC000  }
0x71: {  	[tilespmem:s21], [sflag:$0x1] =	stream.indirect.gather [hbm4b:s4+s20], $0x80, s14, s20, $0xb8;
	v63 =	vld [tilespmem:$0x0]  }
0x72: {  	_ =	swait.ge [sflag:s29], $0x4000  }
0x73: {  	[sflag:s29] =	ssyncset.done $0x0  }
0x74: {  	s14 =	simm.s32 $0x580;
	[sflag:s29] =	ssyncadd.s32 $0xFFFFC000  }
0x75: {  	[tilespmem:s22], [sflag:$0x2] =	stream.indirect.gather [hbm4b:s4+s20], $0x80, s14, s20, $0xb8;
	v63 =	vld [tilespmem:$0x0]  }
0x76: {  	_ =	swait.ge [sflag:s23], $0x4000  }
0x77: {  	[sflag:s23] =	ssyncset.done $0x0  }
0x78: {  	s14 =	simm.s32 $0x2500;
	[sflag:s23] =	ssyncadd.s32 $0xFFFFC000  }
0x79: {  	[spmem:s1] =	stream.indirect.scatter.add.f32 [tilespmem:s21], [sflag:$0x3], $0x80, s14, s20, $0xb8;
	v63 =	vld [tilespmem:$0x0]  }
0x7a: {  	_ =	swait.ge [sflag:s24], $0x4000  }
0x7b: {  	[sflag:s24] =	ssyncset.done $0x0  }
0x7c: {  	s14 =	simm.s32 $0x2580;
	[sflag:s24] =	ssyncadd.s32 $0xFFFFC000  }
0x7d: {  	[spmem:s1] =	stream.indirect.scatter.add.f32 [tilespmem:s22], [sflag:$0x4], $0x80, s14, s20, $0xb8;
	v63 =	vld [tilespmem:$0x0]  }
0x7e: {  	_ =	swait.ge [sflag:s26], $0x4000  }
0x7f: {  	[sflag:s26] =	ssyncset.done $0x0  }
0x80: {  	s14 =	simm.s32 $0x600;
	[sflag:s26] =	ssyncadd.s32 $0xFFFFC000  }
0x81: {  	[tilespmem:s21], [sflag:$0x1] =	stream.indirect.gather [hbm4b:s4+s20], $0x80, s14, s20, $0xb8;
	v63 =	vld [tilespmem:$0x0]  }
0x82: {  	_ =	swait.ge [sflag:s29], $0x4000  }
0x83: {  	[sflag:s29] =	ssyncset.done $0x0  }
0x84: {  	s14 =	simm.s32 $0x680;
	[sflag:s29] =	ssyncadd.s32 $0xFFFFC000  }
0x85: {  	[tilespmem:s22], [sflag:$0x2] =	stream.indirect.gather [hbm4b:s4+s20], $0x80, s14, s20, $0xb8;
	v63 =	vld [tilespmem:$0x0]  }
0x86: {  	_ =	swait.ge [sflag:s23], $0x4000  }
0x87: {  	[sflag:s23] =	ssyncset.done $0x0  }
0x88: {  	s14 =	simm.s32 $0x2600;
	[sflag:s23] =	ssyncadd.s32 $0xFFFFC000  }
0x89: {  	[spmem:s1] =	stream.indirect.scatter.add.f32 [tilespmem:s21], [sflag:$0x3], $0x80, s14, s20, $0xb8;
	v63 =	vld [tilespmem:$0x0]  }
0x8a: {  	_ =	swait.ge [sflag:s24], $0x4000  }
0x8b: {  	[sflag:s24] =	ssyncset.done $0x0  }
0x8c: {  	s14 =	simm.s32 $0x2680;
	[sflag:s24] =	ssyncadd.s32 $0xFFFFC000  }
0x8d: {  	[spmem:s1] =	stream.indirect.scatter.add.f32 [tilespmem:s22], [sflag:$0x4], $0x80, s14, s20, $0xb8;
	v63 =	vld [tilespmem:$0x0]  }
0x8e: {  	_ =	swait.ge [sflag:s26], $0x4000  }
0x8f: {  	[sflag:s26] =	ssyncset.done $0x0  }
0x90: {  	s14 =	simm.s32 $0x700;
	[sflag:s26] =	ssyncadd.s32 $0xFFFFC000  }
0x91: {  	[tilespmem:s21], [sflag:$0x1] =	stream.indirect.gather [hbm4b:s4+s20], $0x80, s14, s20, $0xb8;
	v63 =	vld [tilespmem:$0x0]  }
0x92: {  	_ =	swait.ge [sflag:s29], $0x4000  }
0x93: {  	[sflag:s29] =	ssyncset.done $0x0  }
0x94: {  	s14 =	simm.s32 $0x780;
	[sflag:s29] =	ssyncadd.s32 $0xFFFFC000  }
0x95: {  	[tilespmem:s22], [sflag:$0x2] =	stream.indirect.gather [hbm4b:s4+s20], $0x80, s14, s20, $0xb8;
	v63 =	vld [tilespmem:$0x0]  }
0x96: {  	_ =	swait.ge [sflag:s23], $0x4000  }
0x97: {  	[sflag:s23] =	ssyncset.done $0x0  }
0x98: {  	s13 =	simm.s32 $0x2700;
	[sflag:s23] =	ssyncadd.s32 $0xFFFFC000  }
0x99: {  	[spmem:s1] =	stream.indirect.scatter.add.f32 [tilespmem:s21], [sflag:$0x3], $0x80, s13, s20, $0xb8;
	v63 =	vld [tilespmem:$0x0]  }
0x9a: {  	_ =	swait.ge [sflag:s24], $0x4000  }
0x9b: {  	[sflag:s24] =	ssyncset.done $0x0  }
0x9c: {  	s30 =	simm.s32 $0x2780;
	[sflag:s24] =	ssyncadd.s32 $0xFFFFC000  }
0x9d: {  	[spmem:s1] =	stream.indirect.scatter.add.f32 [tilespmem:s22], [sflag:$0x4], $0x80, s30, s20, $0xb8;
	v63 =	vld [tilespmem:$0x0]  }
0x9e: {  	_ =	swait.ge [sflag:s26], $0x4000  }
0x9f: {  	[sflag:s26] =	ssyncset.done $0x0  }
0xa0: {  	[sflag:s26] =	ssyncadd.s32 $0xFFFFC000  }
0xa1: {  	_ =	swait.ge [sflag:s29], $0x4000  }
0xa2: {  	[sflag:s29] =	ssyncset.done $0x0  }
0xa3: {  	s14 =	rddreg [dreg:$0xa];
	[sflag:s29] =	ssyncadd.s32 $0xFFFFC000  }
0xa4: {  	[tilespmem:s19], [sflag:$0x5] =	stream.linear.gather [hbm4b:s14+s19], $0x800, $0x38;
	v63 =	vld [tilespmem:$0x0]  }
0xa5: {  	_ =	swait.ge [sflag:s18], $0x800  }
0xa6: {  	[sflag:s18] =	ssyncset.done $0x0  }
0xa7: {  	s14 =	rddreg [dreg:$0xb];
	[sflag:s18] =	ssyncadd.s32 $0xFFFFF800  }
0xa8: {  	[tilespmem:s17], [sflag:$0x5] =	stream.linear.gather [hbm4b:s14+s19], $0x800, $0x38;
	v63 =	vld [tilespmem:$0x0]  }
0xa9: {  	_ =	swait.ge [sflag:s18], $0x800  }
0xaa: {  	[sflag:s18] =	ssyncset.done $0x0  }
0xab: {  	[sflag:s18] =	ssyncadd.s32 $0xFFFFF800  }
0xac: {  	[tilespmem:s21], [sflag:$0x1] =	stream.indirect.gather [hbm4b:s4+s20], $0x80, s19, s20, $0xb8;
	v63 =	vld [tilespmem:$0x0]  }
0xad: {  	_ = 	snop  }
0xae: {  	[tilespmem:s22], [sflag:$0x2] =	stream.indirect.gather [hbm4b:s4+s20], $0x80, s20, s20, $0xb8;
	v63 =	vld [tilespmem:$0x0]  }
0xaf: {  	_ =	swait.ge [sflag:s23], $0x4000  }
0xb0: {  	[sflag:s23] =	ssyncset.done $0x0  }
0xb1: {  	[sflag:s23] =	ssyncadd.s32 $0xFFFFC000  }
0xb2: {  	[spmem:s1] =	stream.indirect.scatter.add.f32 [tilespmem:s21], [sflag:$0x3], $0x80, s17, s20, $0xb8;
	v63 =	vld [tilespmem:$0x0]  }
0xb3: {  	_ =	swait.ge [sflag:s24], $0x4000  }
0xb4: {  	[sflag:s24] =	ssyncset.done $0x0  }
0xb5: {  	[sflag:s24] =	ssyncadd.s32 $0xFFFFC000  }
0xb6: {  	[spmem:s1] =	stream.indirect.scatter.add.f32 [tilespmem:s22], [sflag:$0x4], $0x80, s31, s20, $0xb8;
	v63 =	vld [tilespmem:$0x0]  }
0xb7: {  	_ =	swait.ge [sflag:s26], $0x4000  }
0xb8: {  	[sflag:s26] =	ssyncset.done $0x0  }
0xb9: {  	[sflag:s26] =	ssyncadd.s32 $0xFFFFC000  }
0xba: {  	[tilespmem:s21], [sflag:$0x1] =	stream.indirect.gather [hbm4b:s4+s20], $0x80, s16, s20, $0xb8;
	v63 =	vld [tilespmem:$0x0]  }
0xbb: {  	_ =	swait.ge [sflag:s29], $0x4000  }
0xbc: {  	[sflag:s29] =	ssyncset.done $0x0  }
0xbd: {  	[sflag:s29] =	ssyncadd.s32 $0xFFFFC000  }
0xbe: {  	[tilespmem:s22], [sflag:$0x2] =	stream.indirect.gather [hbm4b:s4+s20], $0x80, s3, s20, $0xb8;
	v63 =	vld [tilespmem:$0x0]  }
0xbf: {  	_ =	swait.ge [sflag:s23], $0x4000  }
0xc0: {  	[sflag:s23] =	ssyncset.done $0x0  }
0xc1: {  	s14 =	simm.s32 $0x2100;
	[sflag:s23] =	ssyncadd.s32 $0xFFFFC000  }
0xc2: {  	[spmem:s1] =	stream.indirect.scatter.add.f32 [tilespmem:s21], [sflag:$0x3], $0x80, s14, s20, $0xb8;
	v63 =	vld [tilespmem:$0x0]  }
0xc3: {  	_ =	swait.ge [sflag:s24], $0x4000  }
0xc4: {  	[sflag:s24] =	ssyncset.done $0x0  }
0xc5: {  	[sflag:s24] =	ssyncadd.s32 $0xFFFFC000  }
0xc6: {  	[spmem:s1] =	stream.indirect.scatter.add.f32 [tilespmem:s22], [sflag:$0x4], $0x80, s8, s20, $0xb8;
	v63 =	vld [tilespmem:$0x0]  }
0xc7: {  	_ =	swait.ge [sflag:s26], $0x4000  }
0xc8: {  	[sflag:s26] =	ssyncset.done $0x0  }
0xc9: {  	[sflag:s26] =	ssyncadd.s32 $0xFFFFC000  }
0xca: {  	[tilespmem:s21], [sflag:$0x1] =	stream.indirect.gather [hbm4b:s4+s20], $0x80, s9, s20, $0xb8;
	v63 =	vld [tilespmem:$0x0]  }
0xcb: {  	_ =	swait.ge [sflag:s29], $0x4000  }
0xcc: {  	[sflag:s29] =	ssyncset.done $0x0  }
0xcd: {  	[sflag:s29] =	ssyncadd.s32 $0xFFFFC000  }
0xce: {  	[tilespmem:s22], [sflag:$0x2] =	stream.indirect.gather [hbm4b:s4+s20], $0x80, s10, s20, $0xb8;
	v63 =	vld [tilespmem:$0x0]  }
0xcf: {  	_ =	swait.ge [sflag:s23], $0x4000  }
0xd0: {  	[sflag:s23] =	ssyncset.done $0x0  }
0xd1: {  	[sflag:s23] =	ssyncadd.s32 $0xFFFFC000  }
0xd2: {  	[spmem:s1] =	stream.indirect.scatter.add.f32 [tilespmem:s21], [sflag:$0x3], $0x80, s25, s20, $0xb8;
	v63 =	vld [tilespmem:$0x0]  }
0xd3: {  	_ =	swait.ge [sflag:s24], $0x4000  }
0xd4: {  	[sflag:s24] =	ssyncset.done $0x0  }
0xd5: {  	[sflag:s24] =	ssyncadd.s32 $0xFFFFC000  }
0xd6: {  	[spmem:s1] =	stream.indirect.scatter.add.f32 [tilespmem:s22], [sflag:$0x4], $0x80, s11, s20, $0xb8;
	v63 =	vld [tilespmem:$0x0]  }
0xd7: {  	_ =	swait.ge [sflag:s26], $0x4000  }
0xd8: {  	[sflag:s26] =	ssyncset.done $0x0  }
0xd9: {  	[sflag:s26] =	ssyncadd.s32 $0xFFFFC000  }
0xda: {  	[tilespmem:s21], [sflag:$0x1] =	stream.indirect.gather [hbm4b:s4+s20], $0x80, s28, s20, $0xb8;
	v63 =	vld [tilespmem:$0x0]  }
0xdb: {  	_ =	swait.ge [sflag:s29], $0x4000  }
0xdc: {  	[sflag:s29] =	ssyncset.done $0x0  }
0xdd: {  	[sflag:s29] =	ssyncadd.s32 $0xFFFFC000  }
0xde: {  	[tilespmem:s22], [sflag:$0x2] =	stream.indirect.gather [hbm4b:s4+s20], $0x80, s15, s20, $0xb8;
	v63 =	vld [tilespmem:$0x0]  }
0xdf: {  	_ =	swait.ge [sflag:s23], $0x4000  }
0xe0: {  	[sflag:s23] =	ssyncset.done $0x0  }
0xe1: {  	s14 =	simm.s32 $0x2300;
	[sflag:s23] =	ssyncadd.s32 $0xFFFFC000  }
0xe2: {  	[spmem:s1] =	stream.indirect.scatter.add.f32 [tilespmem:s21], [sflag:$0x3], $0x80, s14, s20, $0xb8;
	v63 =	vld [tilespmem:$0x0]  }
0xe3: {  	_ =	swait.ge [sflag:s24], $0x4000  }
0xe4: {  	[sflag:s24] =	ssyncset.done $0x0  }
0xe5: {  	s14 =	simm.s32 $0x2380;
	[sflag:s24] =	ssyncadd.s32 $0xFFFFC000  }
0xe6: {  	[spmem:s1] =	stream.indirect.scatter.add.f32 [tilespmem:s22], [sflag:$0x4], $0x80, s14, s20, $0xb8;
	v63 =	vld [tilespmem:$0x0]  }
0xe7: {  	_ =	swait.ge [sflag:s26], $0x4000  }
0xe8: {  	[sflag:s26] =	ssyncset.done $0x0  }
0xe9: {  	s14 =	simm.s32 $0x400;
	[sflag:s26] =	ssyncadd.s32 $0xFFFFC000  }
0xea: {  	[tilespmem:s21], [sflag:$0x1] =	stream.indirect.gather [hbm4b:s4+s20], $0x80, s14, s20, $0xb8;
	v63 =	vld [tilespmem:$0x0]  }
0xeb: {  	_ =	swait.ge [sflag:s29], $0x4000  }
0xec: {  	[sflag:s29] =	ssyncset.done $0x0  }
0xed: {  	s14 =	simm.s32 $0x480;
	[sflag:s29] =	ssyncadd.s32 $0xFFFFC000  }
0xee: {  	[tilespmem:s22], [sflag:$0x2] =	stream.indirect.gather [hbm4b:s4+s20], $0x80, s14, s20, $0xb8;
	v63 =	vld [tilespmem:$0x0]  }
0xef: {  	_ =	swait.ge [sflag:s23], $0x4000  }
0xf0: {  	[sflag:s23] =	ssyncset.done $0x0  }
0xf1: {  	s14 =	simm.s32 $0x2400;
	[sflag:s23] =	ssyncadd.s32 $0xFFFFC000  }
0xf2: {  	[spmem:s1] =	stream.indirect.scatter.add.f32 [tilespmem:s21], [sflag:$0x3], $0x80, s14, s20, $0xb8;
	v63 =	vld [tilespmem:$0x0]  }
0xf3: {  	_ =	swait.ge [sflag:s24], $0x4000  }
0xf4: {  	[sflag:s24] =	ssyncset.done $0x0  }
0xf5: {  	s14 =	simm.s32 $0x2480;
	[sflag:s24] =	ssyncadd.s32 $0xFFFFC000  }
0xf6: {  	[spmem:s1] =	stream.indirect.scatter.add.f32 [tilespmem:s22], [sflag:$0x4], $0x80, s14, s20, $0xb8;
	v63 =	vld [tilespmem:$0x0]  }
0xf7: {  	_ =	swait.ge [sflag:s26], $0x4000  }
0xf8: {  	[sflag:s26] =	ssyncset.done $0x0  }
0xf9: {  	s14 =	simm.s32 $0x500;
	[sflag:s26] =	ssyncadd.s32 $0xFFFFC000  }
0xfa: {  	[tilespmem:s21], [sflag:$0x1] =	stream.indirect.gather [hbm4b:s4+s20], $0x80, s14, s20, $0xb8;
	v63 =	vld [tilespmem:$0x0]  }
0xfb: {  	_ =	swait.ge [sflag:s29], $0x4000  }
0xfc: {  	[sflag:s29] =	ssyncset.done $0x0  }
0xfd: {  	s14 =	simm.s32 $0x580;
	[sflag:s29] =	ssyncadd.s32 $0xFFFFC000  }
0xfe: {  	[tilespmem:s22], [sflag:$0x2] =	stream.indirect.gather [hbm4b:s4+s20], $0x80, s14, s20, $0xb8;
	v63 =	vld [tilespmem:$0x0]  }
0xff: {  	_ =	swait.ge [sflag:s23], $0x4000  }
0x100: {  	[sflag:s23] =	ssyncset.done $0x0  }
0x101: {  	s14 =	simm.s32 $0x2500;
	[sflag:s23] =	ssyncadd.s32 $0xFFFFC000  }
0x102: {  	[spmem:s1] =	stream.indirect.scatter.add.f32 [tilespmem:s21], [sflag:$0x3], $0x80, s14, s20, $0xb8;
	v63 =	vld [tilespmem:$0x0]  }
0x103: {  	_ =	swait.ge [sflag:s24], $0x4000  }
0x104: {  	[sflag:s24] =	ssyncset.done $0x0  }
0x105: {  	s14 =	simm.s32 $0x2580;
	[sflag:s24] =	ssyncadd.s32 $0xFFFFC000  }
0x106: {  	[spmem:s1] =	stream.indirect.scatter.add.f32 [tilespmem:s22], [sflag:$0x4], $0x80, s14, s20, $0xb8;
	v63 =	vld [tilespmem:$0x0]  }
0x107: {  	_ =	swait.ge [sflag:s26], $0x4000  }
0x108: {  	[sflag:s26] =	ssyncset.done $0x0  }
0x109: {  	s14 =	simm.s32 $0x600;
	[sflag:s26] =	ssyncadd.s32 $0xFFFFC000  }
0x10a: {  	[tilespmem:s21], [sflag:$0x1] =	stream.indirect.gather [hbm4b:s4+s20], $0x80, s14, s20, $0xb8;
	v63 =	vld [tilespmem:$0x0]  }
0x10b: {  	_ =	swait.ge [sflag:s29], $0x4000  }
0x10c: {  	[sflag:s29] =	ssyncset.done $0x0  }
0x10d: {  	s14 =	simm.s32 $0x680;
	[sflag:s29] =	ssyncadd.s32 $0xFFFFC000  }
0x10e: {  	[tilespmem:s22], [sflag:$0x2] =	stream.indirect.gather [hbm4b:s4+s20], $0x80, s14, s20, $0xb8;
	v63 =	vld [tilespmem:$0x0]  }
0x10f: {  	_ =	swait.ge [sflag:s23], $0x4000  }
0x110: {  	[sflag:s23] =	ssyncset.done $0x0  }
0x111: {  	s14 =	simm.s32 $0x2600;
	[sflag:s23] =	ssyncadd.s32 $0xFFFFC000  }
0x112: {  	[spmem:s1] =	stream.indirect.scatter.add.f32 [tilespmem:s21], [sflag:$0x3], $0x80, s14, s20, $0xb8;
	v63 =	vld [tilespmem:$0x0]  }
0x113: {  	_ =	swait.ge [sflag:s24], $0x4000  }
0x114: {  	[sflag:s24] =	ssyncset.done $0x0  }
0x115: {  	s14 =	simm.s32 $0x2680;
	[sflag:s24] =	ssyncadd.s32 $0xFFFFC000  }
0x116: {  	[spmem:s1] =	stream.indirect.scatter.add.f32 [tilespmem:s22], [sflag:$0x4], $0x80, s14, s20, $0xb8;
	v63 =	vld [tilespmem:$0x0]  }
0x117: {  	_ =	swait.ge [sflag:s26], $0x4000  }
0x118: {  	[sflag:s26] =	ssyncset.done $0x0  }
0x119: {  	s14 =	simm.s32 $0x700;
	[sflag:s26] =	ssyncadd.s32 $0xFFFFC000  }
0x11a: {  	[tilespmem:s21], [sflag:$0x1] =	stream.indirect.gather [hbm4b:s4+s20], $0x80, s14, s20, $0xb8;
	v63 =	vld [tilespmem:$0x0]  }
0x11b: {  	_ =	swait.ge [sflag:s29], $0x4000  }
0x11c: {  	[sflag:s29] =	ssyncset.done $0x0  }
0x11d: {  	s3 =	simm.s32 $0x2000;
	s14 =	simm.s32 $0x780;
	[sflag:s29] =	ssyncadd.s32 $0xFFFFC000  }
0x11e: {  	[tilespmem:s22], [sflag:$0x2] =	stream.indirect.gather [hbm4b:s4+s20], $0x80, s14, s20, $0xb8;
	v63 =	vld [tilespmem:$0x0]  }
.LBB2_8:
0x11f: {  	_ =	swait.ge [sflag:s23], $0x4000  }
0x120: {  	[sflag:s23] =	ssyncset.done $0x0  }
0x121: {  	[sflag:s23] =	ssyncadd.s32 $0xFFFFC000  }
0x122: {  	[spmem:s1] =	stream.indirect.scatter.add.f32 [tilespmem:s21], [sflag:$0x3], $0x80, s13, s20, $0xb8;
	v63 =	vld [tilespmem:$0x0]  }
0x123: {  	_ =	swait.ge [sflag:s24], $0x4000  }
0x124: {  	[sflag:s24] =	ssyncset.done $0x0  }
0x125: {  	[sflag:s24] =	ssyncadd.s32 $0xFFFFC000  }
0x126: {  	[spmem:s1] =	stream.indirect.scatter.add.f32 [tilespmem:s22], [sflag:$0x4], $0x80, s30, s20, $0xb8;
	v63 =	vld [tilespmem:$0x0]  }
0x127: {  	_ =	swait.ge [sflag:s26], $0x4000  }
0x128: {  	[sflag:s26] =	ssyncset.done $0x0  }
0x129: {  	[sflag:s26] =	ssyncadd.s32 $0xFFFFC000  }
0x12a: {  	_ =	swait.ge [sflag:s29], $0x4000  }
0x12b: {  	s12 =	sadd.s32 $0x1, s12;
	[sflag:s29] =	ssyncset.done $0x0  }
0x12c: {  	p1 =	sne.s32 s12, s2;
	[sflag:s29] =	ssyncadd.s32 $0xFFFFC000  }
.Ltmp1:
0x12d: {  	[bflag:$0x0] =	sbarrier.arrive $0xFFFF;
	(pc) =	sbr.rel @!p1 .LBB2_9-.Ltmp1, $4  }
0x12e: {  	[hbm:s0], [sflag:s6] =	dma.local [spmem:s7], $0x2800  }
0x12f: {  	_ =	swait.ge [sflag:s18], $0x2800  }
0x130: {  	[sflag:s18] =	ssyncset.done $0x0  }
0x131: {  	[sflag:s18] =	ssyncadd.s32 $0xFFFFD800  }
.LBB2_1:
0x132: {  	[spmem:s7], [sflag:s6] =	dma.local [hbm:s5], $0x2800  }
.Ltmp2:
0x133: {  	_ =	swait.ge [sflag:s18], $0x2800;
	(pc) =	sbr.rel @p0 .LBB2_7-.Ltmp2, $3  }
0x134: {  	[sflag:s18] =	ssyncset.done $0x0  }
0x135: {  	[sflag:s18] =	ssyncadd.s32 $0xFFFFD800  }
0x136: {  	[bflag:$0x0] =	sbarrier.arrive $0xFFFF;
	_ =	sdelay $0x1  }
0x137: {  	s13 =	simm.s32 $0x0;
	s14 =	rddreg [dreg:$0x4]  }
0x138: {  	[tilespmem:s13], [sflag:$0x5] =	stream.linear.gather [hbm4b:s14+s13], $0x2000, $0x38;
	v63 =	vld [tilespmem:$0x0]  }
0x139: {  	_ =	swait.ge [sflag:s18], $0x2000  }
0x13a: {  	[sflag:s18] =	ssyncset.done $0x0  }
0x13b: {  	s8 =	rddreg [dreg:$0x5];
	[sflag:s18] =	ssyncadd.s32 $0xFFFFE000  }
0x13c: {  	[tilespmem:s3], [sflag:$0x5] =	stream.linear.gather [hbm4b:s8+s13], $0x2000, $0x38;
	v63 =	vld [tilespmem:$0x0]  }
0x13d: {  	_ =	swait.ge [sflag:s18], $0x2000  }
0x13e: {  	[sflag:s18] =	ssyncset.done $0x0  }
0x13f: {  	[sflag:s18] =	ssyncadd.s32 $0xFFFFE000  }
0x140: {  	[tilespmem:s21], [sflag:$0x1] =	stream.indirect.gather [hbm4b:s4+s20], $0x80, s13, s20, $0xb8;
	v63 =	vld [tilespmem:$0x0]  }
0x141: {  	_ = 	snop  }
0x142: {  	[tilespmem:s22], [sflag:$0x2] =	stream.indirect.gather [hbm4b:s4+s20], $0x80, s20, s20, $0xb8;
	v63 =	vld [tilespmem:$0x0]  }
0x143: {  	_ =	swait.ge [sflag:s23], $0x4000  }
0x144: {  	[sflag:s23] =	ssyncset.done $0x0  }
0x145: {  	s14 =	simm.s32 $0x2000;
	[sflag:s23] =	ssyncadd.s32 $0xFFFFC000  }
0x146: {  	[spmem:s1] =	stream.indirect.scatter.add.f32 [tilespmem:s21], [sflag:$0x3], $0x80, s14, s20, $0xb8;
	v63 =	vld [tilespmem:$0x0]  }
0x147: {  	_ =	swait.ge [sflag:s24], $0x4000  }
0x148: {  	[sflag:s24] =	ssyncset.done $0x0  }
0x149: {  	s8 =	simm.s32 $0x2080;
	[sflag:s24] =	ssyncadd.s32 $0xFFFFC000  }
0x14a: {  	[spmem:s1] =	stream.indirect.scatter.add.f32 [tilespmem:s22], [sflag:$0x4], $0x80, s8, s20, $0xb8;
	v63 =	vld [tilespmem:$0x0]  }
0x14b: {  	_ =	swait.ge [sflag:s26], $0x4000  }
0x14c: {  	[sflag:s26] =	ssyncset.done $0x0  }
0x14d: {  	s14 =	simm.s32 $0x100;
	[sflag:s26] =	ssyncadd.s32 $0xFFFFC000  }
0x14e: {  	[tilespmem:s21], [sflag:$0x1] =	stream.indirect.gather [hbm4b:s4+s20], $0x80, s14, s20, $0xb8;
	v63 =	vld [tilespmem:$0x0]  }
0x14f: {  	_ =	swait.ge [sflag:s29], $0x4000  }
0x150: {  	[sflag:s29] =	ssyncset.done $0x0  }
0x151: {  	s30 =	simm.s32 $0x180;
	s13 =	simm.s32 $0x400;
	[sflag:s29] =	ssyncadd.s32 $0xFFFFC000  }
.LBB2_3:
0x152: {  	[tilespmem:s22], [sflag:$0x2] =	stream.indirect.gather [hbm4b:s4+s20], $0x80, s30, s20, $0xb8;
	v63 =	vld [tilespmem:$0x0]  }
0x153: {  	s30 =	smov.u32 s13  }
0x154: {  	p1 =	sne.s32 s13, $0x7800;
	s13 =	sadd.s32 $0x400, s13;
	_ =	swait.ge [sflag:s23], $0x4000  }
0x155: {  	s30 =	sshra.s32 s30, $0x2;
	[sflag:s23] =	ssyncset.done $0x0  }
0x156: {  	s14 =	sadd.s32 $0x2000, s30;
	[sflag:s23] =	ssyncadd.s32 $0xFFFFC000  }
0x157: {  	[spmem:s1] =	stream.indirect.scatter.add.f32 [tilespmem:s21], [sflag:$0x3], $0x80, s14, s20, $0xb8;
	v63 =	vld [tilespmem:$0x0]  }
0x158: {  	_ =	swait.ge [sflag:s24], $0x4000  }
0x159: {  	[sflag:s24] =	ssyncset.done $0x0  }
0x15a: {  	s14 =	sadd.s32 $0x2080, s30;
	[sflag:s24] =	ssyncadd.s32 $0xFFFFC000  }
0x15b: {  	[spmem:s1] =	stream.indirect.scatter.add.f32 [tilespmem:s22], [sflag:$0x4], $0x80, s14, s20, $0xb8;
	v63 =	vld [tilespmem:$0x0]  }
0x15c: {  	_ =	swait.ge [sflag:s26], $0x4000  }
0x15d: {  	[sflag:s26] =	ssyncset.done $0x0  }
.Ltmp3:
0x15e: {  	s14 =	sadd.s32 $0x100, s30;
	[sflag:s26] =	ssyncadd.s32 $0xFFFFC000;
	(pc) =	sbr.rel @p1 .LBB2_3-.Ltmp3, $4  }
0x15f: {  	[tilespmem:s21], [sflag:$0x1] =	stream.indirect.gather [hbm4b:s4+s20], $0x80, s14, s20, $0xb8;
	v63 =	vld [tilespmem:$0x0]  }
0x160: {  	_ =	swait.ge [sflag:s29], $0x4000  }
0x161: {  	[sflag:s29] =	ssyncset.done $0x0  }
0x162: {  	s30 =	sadd.s32 $0x180, s30;
	[sflag:s29] =	ssyncadd.s32 $0xFFFFC000  }
0x163: {  	[tilespmem:s22], [sflag:$0x2] =	stream.indirect.gather [hbm4b:s4+s20], $0x80, s30, s20, $0xb8;
	v63 =	vld [tilespmem:$0x0]  }
0x164: {  	_ =	swait.ge [sflag:s23], $0x4000  }
0x165: {  	[sflag:s23] =	ssyncset.done $0x0  }
0x166: {  	s8 =	simm.s32 $0x3F00;
	[sflag:s23] =	ssyncadd.s32 $0xFFFFC000  }
0x167: {  	[spmem:s1] =	stream.indirect.scatter.add.f32 [tilespmem:s21], [sflag:$0x3], $0x80, s8, s20, $0xb8;
	v63 =	vld [tilespmem:$0x0]  }
0x168: {  	_ =	swait.ge [sflag:s24], $0x4000  }
0x169: {  	[sflag:s24] =	ssyncset.done $0x0  }
0x16a: {  	s14 =	simm.s32 $0x3F80;
	[sflag:s24] =	ssyncadd.s32 $0xFFFFC000  }
0x16b: {  	[spmem:s1] =	stream.indirect.scatter.add.f32 [tilespmem:s22], [sflag:$0x4], $0x80, s14, s20, $0xb8;
	v63 =	vld [tilespmem:$0x0]  }
0x16c: {  	_ =	swait.ge [sflag:s26], $0x4000  }
0x16d: {  	[sflag:s26] =	ssyncset.done $0x0  }
0x16e: {  	[sflag:s26] =	ssyncadd.s32 $0xFFFFC000  }
0x16f: {  	_ =	swait.ge [sflag:s29], $0x4000  }
0x170: {  	[sflag:s29] =	ssyncset.done $0x0  }
0x171: {  	s13 =	simm.s32 $0x0;
	s14 =	rddreg [dreg:$0x6];
	[sflag:s29] =	ssyncadd.s32 $0xFFFFC000  }
0x172: {  	[tilespmem:s13], [sflag:$0x5] =	stream.linear.gather [hbm4b:s14+s13], $0x2000, $0x38;
	v63 =	vld [tilespmem:$0x0]  }
0x173: {  	_ =	swait.ge [sflag:s18], $0x2000  }
0x174: {  	[sflag:s18] =	ssyncset.done $0x0  }
0x175: {  	s8 =	rddreg [dreg:$0x7];
	[sflag:s18] =	ssyncadd.s32 $0xFFFFE000  }
0x176: {  	[tilespmem:s3], [sflag:$0x5] =	stream.linear.gather [hbm4b:s8+s13], $0x2000, $0x38;
	v63 =	vld [tilespmem:$0x0]  }
0x177: {  	_ =	swait.ge [sflag:s18], $0x2000  }
0x178: {  	[sflag:s18] =	ssyncset.done $0x0  }
0x179: {  	[sflag:s18] =	ssyncadd.s32 $0xFFFFE000  }
0x17a: {  	[tilespmem:s21], [sflag:$0x1] =	stream.indirect.gather [hbm4b:s4+s20], $0x80, s13, s20, $0xb8;
	v63 =	vld [tilespmem:$0x0]  }
0x17b: {  	_ = 	snop  }
0x17c: {  	[tilespmem:s22], [sflag:$0x2] =	stream.indirect.gather [hbm4b:s4+s20], $0x80, s20, s20, $0xb8;
	v63 =	vld [tilespmem:$0x0]  }
0x17d: {  	_ =	swait.ge [sflag:s23], $0x4000  }
0x17e: {  	[sflag:s23] =	ssyncset.done $0x0  }
0x17f: {  	s14 =	simm.s32 $0x2000;
	[sflag:s23] =	ssyncadd.s32 $0xFFFFC000  }
0x180: {  	[spmem:s1] =	stream.indirect.scatter.add.f32 [tilespmem:s21], [sflag:$0x3], $0x80, s14, s20, $0xb8;
	v63 =	vld [tilespmem:$0x0]  }
0x181: {  	_ =	swait.ge [sflag:s24], $0x4000  }
0x182: {  	[sflag:s24] =	ssyncset.done $0x0  }
0x183: {  	s8 =	simm.s32 $0x2080;
	[sflag:s24] =	ssyncadd.s32 $0xFFFFC000  }
0x184: {  	[spmem:s1] =	stream.indirect.scatter.add.f32 [tilespmem:s22], [sflag:$0x4], $0x80, s8, s20, $0xb8;
	v63 =	vld [tilespmem:$0x0]  }
0x185: {  	_ =	swait.ge [sflag:s26], $0x4000  }
0x186: {  	p1 =	por $0x0, $0x0;
	[sflag:s26] =	ssyncset.done $0x0  }
.Ltmp4:
0x187: {  	s14 =	simm.s32 $0x100;
	[sflag:s26] =	ssyncadd.s32 $0xFFFFC000;
	(pc) =	sbr.rel @p1 .LBB2_6-.Ltmp4, $4  }
0x188: {  	[tilespmem:s21], [sflag:$0x1] =	stream.indirect.gather [hbm4b:s4+s20], $0x80, s14, s20, $0xb8;
	v63 =	vld [tilespmem:$0x0]  }
0x189: {  	_ =	swait.ge [sflag:s29], $0x4000  }
0x18a: {  	[sflag:s29] =	ssyncset.done $0x0  }
0x18b: {  	s30 =	simm.s32 $0x180;
	s13 =	simm.s32 $0x400;
	[sflag:s29] =	ssyncadd.s32 $0xFFFFC000  }
.LBB2_5:
0x18c: {  	[tilespmem:s22], [sflag:$0x2] =	stream.indirect.gather [hbm4b:s4+s20], $0x80, s30, s20, $0xb8;
	v63 =	vld [tilespmem:$0x0]  }
0x18d: {  	s14 =	smov.u32 s13  }
0x18e: {  	p1 =	seq.s32 s13, $0x7800;
	s13 =	sadd.s32 $0x400, s13;
	_ =	swait.ge [sflag:s23], $0x4000  }
0x18f: {  	s14 =	sshra.s32 s14, $0x2;
	[sflag:s23] =	ssyncset.done $0x0  }
0x190: {  	s30 =	sadd.s32 $0x2000, s14;
	[sflag:s23] =	ssyncadd.s32 $0xFFFFC000  }
0x191: {  	[spmem:s1] =	stream.indirect.scatter.add.f32 [tilespmem:s21], [sflag:$0x3], $0x80, s30, s20, $0xb8;
	v63 =	vld [tilespmem:$0x0]  }
0x192: {  	_ =	swait.ge [sflag:s24], $0x4000  }
0x193: {  	[sflag:s24] =	ssyncset.done $0x0  }
0x194: {  	s30 =	sadd.s32 $0x2080, s14;
	[sflag:s24] =	ssyncadd.s32 $0xFFFFC000  }
0x195: {  	[spmem:s1] =	stream.indirect.scatter.add.f32 [tilespmem:s22], [sflag:$0x4], $0x80, s30, s20, $0xb8;
	v63 =	vld [tilespmem:$0x0]  }
0x196: {  	_ =	swait.ge [sflag:s26], $0x4000  }
0x197: {  	[sflag:s26] =	ssyncset.done $0x0  }
.Ltmp5:
0x198: {  	s30 =	sadd.s32 $0x100, s14;
	[sflag:s26] =	ssyncadd.s32 $0xFFFFC000;
	(pc) =	sbr.rel @!p1 .LBB2_5-.Ltmp5, $4  }
0x199: {  	[tilespmem:s21], [sflag:$0x1] =	stream.indirect.gather [hbm4b:s4+s20], $0x80, s30, s20, $0xb8;
	v63 =	vld [tilespmem:$0x0]  }
0x19a: {  	_ =	swait.ge [sflag:s29], $0x4000  }
0x19b: {  	[sflag:s29] =	ssyncset.done $0x0  }
0x19c: {  	s30 =	sadd.s32 $0x180, s14;
	[sflag:s29] =	ssyncadd.s32 $0xFFFFC000  }
.LBB2_6:
.Ltmp6:
0x19d: {  	(pc) =	sbr.rel .LBB2_8-.Ltmp6, $3  }
0x19e: {  	_ =	sdelay $0x1  }
0x19f: {  	[tilespmem:s22], [sflag:$0x2] =	stream.indirect.gather [hbm4b:s4+s20], $0x80, s30, s20, $0xb8;
	v63 =	vld [tilespmem:$0x0]  }
0x1a0: {  	s30 =	simm.s32 $0x3F80;
	s13 =	simm.s32 $0x3F00  }
.LBB2_9:
0x1a1: {  	_ =	sfence.sel $0x180000  }
0x1a2: {  	[bflag:$0x0] =	sbarrier.arrive $0xFFFF  }
0x1a3: {  	_ =	strace $0x9000004D  }
0x1a4: {  	s0 =	stileid.u32;
	[bflag:$0x2] =	sbarrier.arrive $0xFFFF  }
0x1a5: {  	p0 =	sne.s32 s0, $0x0;
	s0 =	rddreg [dreg:$0x3]  }
0x1a6: {  	s0 =	sadd.s32 @!p0 $0x100000, s0  }
0x1a7: {  	[sflag:s0] =	ssyncadd.tile.s32 @!p0 $0x1;
	_ =	shalt  }
.Lfunc_end2:
_tile_overlayer_lowered:
.L_overlay_start_2:
0x1a8: {  	(tag) =	ssettag $0x2  }
0x1a9: {  	s0 =	rddreg [dreg:$0x0];
	s2 =	stileid.u32  }
0x1aa: {  	s1 =	rddreg [dreg:$0x1];
	p0 =	sne.s32 s2, $0x0  }
0x1ab: {  	s3 =	rddreg [dreg:$0x2];
	[bflag:$0x3] =	sbarrier.arrive $0xFFFF;
	s2 =	simm.s32 @!p0 $0x1C05  }
0x1ac: {  	[timem:s3], [sflag:s2] =	dma.local @!p0 [hbm:s0], s1  }
0x1ad: {  	s0 =	simm.s32 @!p0 $0x5  }
0x1ae: {  	_ =	swait.ge @!p0 [sflag:s0], s1  }
0x1af: {  	s1 =	ssub.s32 @!p0 $0x0, s1;
	[sflag:s0] =	ssyncset.done @!p0 $0x0  }
0x1b0: {  	[sflag:s0] =	ssyncadd.s32 @!p0 s1  }
0x1b1: {  	[bflag:$0x3] =	sbarrier.arrive $0xFFFF  }
0x1b2: {  	_ =	shalt  }

// kernel: kernel.19.cloned.1.call-start
scs
__scs_entry_jumppad:
0x0: {  	(pc) =	sbr.rel $0x88, $3  }
0x1: {  	(tag) =	ssettag $0x0;
	lr =	simm.s32 $0x1  }
0x2: {  	[smem:$0x3F99] =	sst lr;
	_ =	strace $0xD0000000  }
0x3: {  	_ = 	snop  }
0x4: {  	_ = 	snop  }
0x5: {  	_ = 	snop  }
0x6: {  	_ = 	snop  }
0x7: {  	_ = 	snop  }
__scs_overlays_trampoline_lowered:
0x8: {  	[smem:$0x3FA8] =	sst s0  }
0x9: {  	[smem:$0x3FA9] =	sst s1  }
0xa: {  	[smem:$0x3FAA] =	sst s2  }
0xb: {  	[smem:$0x3FAB] =	sst s3  }
0xc: {  	[smem:$0x3FAC] =	sst s4  }
0xd: {  	[smem:$0x3FAD] =	sst s5  }
0xe: {  	[smem:$0x3FAE] =	sst s6  }
0xf: {  	[smem:$0x3FAF] =	sst s7  }
0x10: {  	[smem:$0x3FB0] =	sst s8  }
0x11: {  	[smem:$0x3FB1] =	sst s9;
	s0 =	simm.s32 @!p0 $0x0  }
0x12: {  	s1 =	sld [smem:$0x3F97];
	s0 =	simm.s32 @p0 $0x1  }
0x13: {  	[smem:$0x3FB2] =	sst s0;
	s0 =	simm.s32 @!p1 $0x0  }
0x14: {  	s2 =	sld [smem:$0x3F96];
	s0 =	simm.s32 @p1 $0x1  }
0x15: {  	[smem:$0x3FB3] =	sst s0;
	s0 =	simm.s32 @!p2 $0x0  }
0x16: {  	s3 =	sld [smem:$0x3FDB];
	s0 =	simm.s32 @p2 $0x1  }
0x17: {  	s4 =	simm.s32 $0x1BF5;
	[smem:$0x3FB5] =	sst s0  }
0x18: {  	s0 =	sld [smem:$0x3F98];
	_ =	swait.ge [sflag:s4], $0x0  }
0x19: {  	s7 =	sld [smem:$0x3F99]  }
0x1a: {  	s8 =	sadd.s32 $0xFFFFE003, lr  }
0x1b: {  	s9 =	sadd.s32 $0xFFFFFEF7, lr;
	s5 =	simm.s32 $0xFFFFFFFF;
	p2 =	slt.u32 s8, $0xFFFFF086  }
0x1c: {  	p1 =	slt.u32 s9, $0xF7A;
	s5 =	simm.s32 @!p2 $0x0  }
0x1d: {  	s5 =	simm.s32 @p1 $0x1;
	p0 =	seq.s32 s7, s2  }
0x1e: {  	s7 =	smul.u32 @!p0 $0xF7A, s2;
	p2 =	seq.s32 @!p0 s5, $0x0  }
0x1f: {  	s9 =	smul.u32 $0xF7A, s1;
	s8 =	simm.s32 @!p0 $0x1BF5;
	p2 =	por !p2, p0  }
0x20: {  	[sflag:s8] =	ssyncset.s32 @!p0 $0xFFFFF086;
	s6 =	sadd.s32 @!p0 s3, s7;
	s7 =	simm.s32 @!p0 $0x108  }
0x21: {  	s3 =	sadd.s32 s3, s9;
	s6 =	sadd.s32 @!p0 $0x88, s6;
	s7 =	simm.s32 @p2 $0x1082  }
0x22: {  	[simem:s7], [sflag:s8] =	dma.local @!p0 [hbm:s6], $0xF7A  }
0x23: {  	s9 =	sor.u32 $0xD0000000, s2;
	s6 =	simm.s32 $0x108;
	_ =	swait.ge @!p0 [sflag:s8], $0x0  }
0x24: {  	s3 =	sadd.s32 $0x88, s3;
	s6 =	simm.s32 @!p1 $0x1082;
	[sflag:s4] =	ssyncset.s32 $0xFFFFF086  }
0x25: {  	[simem:s6], [sflag:s4] =	dma.local [hbm:s3], $0xF7A  }
0x26: {  	[smem:$0x3F99] =	sst s1;
	(tag) =	ssettag s2;
	_ =	strace s9  }
0x27: {  	s1 =	sld [smem:$0x3FA9]  }
0x28: {  	s2 =	sld [smem:$0x3FAA]  }
0x29: {  	s4 =	sld [smem:$0x3FAC]  }
0x2a: {  	p0 =	seq.s32 s5, $0x0;
	s5 =	sld [smem:$0x3FAD]  }
0x2b: {  	s6 =	sld [smem:$0x3FAE]  }
0x2c: {  	s7 =	sld [smem:$0x3FAF]  }
0x2d: {  	s3 =	simm.s32 $0x108;
	s8 =	sld [smem:$0x3FB0]  }
0x2e: {  	s3 =	simm.s32 @!p0 $0x1082;
	s9 =	sld [smem:$0x3FB1]  }
0x2f: {  	lr =	sadd.s32 s0, s3;
	s0 =	sld [smem:$0x3FA8]  }
0x30: {  	s3 =	sld [smem:$0x3FAB]  }
0x31: {  	[smem:$0x3FB4] =	sst s10  }
0x32: {  	s10 =	sld [smem:$0x3FB2];
	_ =	sdelay $0x3  }
0x33: {  	p0 =	seq.s32 s10, $0x1;
	s10 =	sld [smem:$0x3FB4];
	_ =	sdelay $0x3  }
0x34: {  	[smem:$0x3FB4] =	sst s10  }
0x35: {  	s10 =	sld [smem:$0x3FB3];
	_ =	sdelay $0x3  }
0x36: {  	p1 =	seq.s32 s10, $0x1;
	s10 =	sld [smem:$0x3FB4];
	_ =	sdelay $0x3  }
0x37: {  	[smem:$0x3FB4] =	sst s10  }
0x38: {  	s10 =	sld [smem:$0x3FB5]  }
0x39: {  	_ = 	snop;
	(pc) =	sbr.ind lr, $3  }
0x3a: {  	_ = 	snop  }
0x3b: {  	_ = 	snop  }
0x3c: {  	p2 =	seq.s32 s10, $0x1;
	s10 =	sld [smem:$0x3FB4]  }
0x3d: {  	_ =	shalt  }
0x3e: {  	_ =	shalt  }
0x3f: {  	_ =	shalt  }
0x40: {  	_ =	shalt  }
0x41: {  	_ =	shalt  }
0x42: {  	_ =	shalt  }
0x43: {  	_ =	shalt  }
0x44: {  	_ =	shalt  }
0x45: {  	_ =	shalt  }
0x46: {  	_ =	shalt  }
0x47: {  	_ =	shalt  }
0x48: {  	_ =	shalt  }
0x49: {  	_ =	shalt  }
0x4a: {  	_ =	shalt  }
0x4b: {  	_ =	shalt  }
0x4c: {  	_ =	shalt  }
0x4d: {  	_ =	shalt  }
0x4e: {  	_ =	shalt  }
0x4f: {  	_ =	shalt  }
0x50: {  	_ =	shalt  }
0x51: {  	_ =	shalt  }
0x52: {  	_ =	shalt  }
0x53: {  	_ =	shalt  }
0x54: {  	_ =	shalt  }
0x55: {  	_ =	shalt  }
0x56: {  	_ =	shalt  }
0x57: {  	_ =	shalt  }
0x58: {  	_ =	shalt  }
0x59: {  	_ =	shalt  }
0x5a: {  	_ =	shalt  }
0x5b: {  	_ =	shalt  }
0x5c: {  	_ =	shalt  }
0x5d: {  	_ =	shalt  }
0x5e: {  	_ =	shalt  }
0x5f: {  	_ =	shalt  }
0x60: {  	_ =	shalt  }
0x61: {  	_ =	shalt  }
0x62: {  	_ =	shalt  }
0x63: {  	_ =	shalt  }
0x64: {  	_ =	shalt  }
0x65: {  	_ =	shalt  }
0x66: {  	_ =	shalt  }
0x67: {  	_ =	shalt  }
0x68: {  	_ =	shalt  }
0x69: {  	_ =	shalt  }
0x6a: {  	_ =	shalt  }
0x6b: {  	_ =	shalt  }
0x6c: {  	_ =	shalt  }
0x6d: {  	_ =	shalt  }
0x6e: {  	_ =	shalt  }
0x6f: {  	_ =	shalt  }
0x70: {  	_ =	shalt  }
0x71: {  	_ =	shalt  }
0x72: {  	_ =	shalt  }
0x73: {  	_ =	shalt  }
0x74: {  	_ =	shalt  }
0x75: {  	_ =	shalt  }
0x76: {  	_ =	shalt  }
0x77: {  	_ =	shalt  }
0x78: {  	_ =	shalt  }
0x79: {  	_ =	shalt  }
0x7a: {  	_ =	shalt  }
0x7b: {  	_ =	shalt  }
0x7c: {  	_ =	shalt  }
0x7d: {  	_ =	shalt  }
0x7e: {  	_ =	shalt  }
0x7f: {  	_ =	shalt  }
0x80: {  	_ =	shalt  }
0x81: {  	_ =	shalt  }
0x82: {  	_ =	shalt  }
0x83: {  	_ =	shalt  }
0x84: {  	_ =	shalt  }
0x85: {  	_ =	shalt  }
0x86: {  	_ =	shalt  }
0x87: {  	_ =	shalt  }
.Lfunc_end0:
.L_simem_size_0:
called_computation.3_lowered:
.L_overlay_start_0:
0x88: {  	s2 =	sld [smem:$0x3FD9]  }
0x89: {  	s3 =	sld [smem:$0x3FFE];
	_ =	sdelay $0x1  }
0x8a: {  	s1 =	srdreg.scid  }
0x8b: {  	s0 =	sand.u32 $0x1, s1  }
0x8c: {  	s17 =	sshll.u32 s0, $0xA;
	s2 =	sadd.s32 s3, s2  }
0x8d: {  	s2 =	sadd.s32 s2, s17  }
0x8e: {  	[smem:$0x3FC0] =	sst s2  }
0x8f: {  	_ = 	snop  }
0x90: {  	s2 =	sld [smem:$0x3FD0];
	(tm) =	ssettm $0x1  }
0x91: {  	s18 =	sld [smem:$0x3FFB];
	_ =	sdelay $0x3  }
0x92: {  	_ =	strace s18  }
0x93: {  	s3 =	sld [smem:$0x3FFC];
	_ =	sdelay $0x3  }
0x94: {  	_ =	strace s3  }
0x95: {  	s3 =	sld [smem:$0x3FFD];
	_ =	sdelay $0x3  }
0x96: {  	_ =	strace s3  }
0x97: {  	_ =	strace $0x8FFFFFFF  }
0x98: {  	s19 =	sld [smem:$0x3FDB];
	_ =	sdelay $0x1  }
0x99: {  	s4 =	simm.s32 $_scs_section_size  }
0x9a: {  	s5 =	simm.s32 $_size__tile_overlayer_lowered;
	s6 =	simm.s32 $_tile_overlayer_lowered  }
0x9b: {  	s22 =	simm.s32 $0x1BFF;
	s21 =	sshll.u32 s6, $0x1;
	s3 =	sadd.s32 s4, s19  }
0x9c: {  	s7 =	simm.s32 $0x0;
	s20 =	sshll.u32 s5, $0x1;
	s5 =	sadd.s32 s21, s3  }
0x9d: {  	[timem:s7], [sflag:s22] =	dma.local [hbm:s5], s20  }
0x9e: {  	_ =	swait.ge [sflag:s22], s20  }
0x9f: {  	s4 =	ssub.s32 $0x0, s20;
	[sflag:s22] =	ssyncset.done $0x0  }
0xa0: {  	[sflag:s22] =	ssyncadd.s32 s4;
	_ =	sdelay $0x1  }
0xa1: {  	s23 =	simm.s32 $0x1B8B  }
0xa2: {  	_ =	swait.ge [sflag:s23], $0x1  }
0xa3: {  	[sflag:s23] =	ssyncset.done $0x0  }
0xa4: {  	s25 =	simm.s32 $0x1B8E;
	s24 =	sld [smem:$0x3FFE];
	[sflag:s23] =	ssyncadd.s32 $0xFFFFFFFF  }
0xa5: {  	s26 =	simm.s32 $execute0_lowered;
	[smem:$0x3FD2] =	sst s25  }
0xa6: {  	s5 =	sshll.u32 s26, $0x1;
	_ =	strace $0x8000004F;
	[dreg:$0x1] =	wrdreg $0xFFFFFFFF  }
0xa7: {  	s28 =	simm.s32 $_size_execute0_lowered;
	s3 =	sadd.s32 s3, s5;
	[dreg:$0x0] =	wrdreg $0x0  }
0xa8: {  	s5 =	sshll.u32 s28, $0x1;
	[dreg:$0x2] =	wrdreg s3  }
0xa9: {  	[dreg:$0x3] =	wrdreg s5  }
0xaa: {  	[dreg:$0x4] =	wrdreg $0xC0  }
0xab: {  	_ =	task [dreg:s7], $0x5FFFF  }
0xac: {  	[dreg:$0x1] =	wrdreg $0xFFFFFFFF  }
0xad: {  	[dreg:$0x0] =	wrdreg $0x60  }
0xae: {  	[dreg:$0x2] =	wrdreg s24  }
0xaf: {  	[dreg:$0x3] =	wrdreg s2  }
0xb0: {  	[dreg:$0x4] =	wrdreg $0x40000  }
0xb1: {  	[dreg:$0x5] =	wrdreg $0x9  }
0xb2: {  	_ =	task.clear_ibuf [dreg:s7], $0x6FFFF;
	_ =	strace $0x9000004F  }
0xb3: {  	s29 =	simm.s32 $0x9;
	_ =	strace $0x80000051  }
0xb4: {  	_ =	swait.ge [sflag:s29], $0x1  }
0xb5: {  	[sflag:s29] =	ssyncadd.s32 $0xFFFFFFFF  }
0xb6: {  	_ =	strace $0x90000051  }
0xb7: {  	_ =	sfence  }
0xb8: {  	s30 =	sld [smem:$0x0];
	_ =	sdelay $0x2  }
0xb9: {  	s31 =	sshll.u32 s1, $0xD;
	s1 =	sshrl.u32 s1, $0x2  }
0xba: {  	s3 =	sand.u32 $0x4000, s31;
	s1 =	sadd.s32 s1, s30  }
0xbb: {  	s0 =	sor.u32 s3, s0;
	s1 =	sshll.u32 s1, $0x11  }
0xbc: {  	s0 =	sor.u32 s1, s0  }
0xbd: {  	s0 =	sadd.s32 $0x8F2B, s0  }
0xbe: {  	[sflag:s0] =	ssyncadd.remote.s32 $0x1  }
0xbf: {  	_ =	sfence.sel $0xFFFF  }
0xc0: {  	[dreg:$0x0] =	wrdreg $0xFFFFFFFF;
	(pc) =	sbr.abs _section_cstart, $3  }
0xc1: {  	[dreg:$0x1] =	wrdreg $0xFFFFFFFF  }
0xc2: {  	_ =	task.clear_ibuf [dreg:s7], $0x2FFFF;
	_ =	strace $0x9FFFFFFF  }
0xc3: {  	(tm) =	ssettm $0x7FFFFFFF  }
tec
execute0_lowered:
.L_overlay_start_1:
0x0: {  	(tag) =	ssettag $0x1  }
0x1: {  	s0 =	rddreg [dreg:$0x0]  }
0x2: {  	s2 =	rddreg [dreg:$0x1]  }
0x3: {  	s1 =	rddreg [dreg:$0x2];
	s3 =	srdreg.scid;
	s17 =	simm.s32 $0x0  }
0x4: {  	s12 =	stileid.u32;
	s29 =	simm.s32 $0x4;
	s31 =	simm.s32 $0x2080  }
0x5: {  	s16 =	simm.s32 $0x100;
	s28 =	simm.s32 $0x300;
	s15 =	simm.s32 $0x380  }
0x6: {  	s7 =	sand.u32 $0x1, s3;
	[smem:$0x7FF] =	sst s17;
	s6 =	smul.u32 $0x280, s12  }
0x7: {  	s4 =	sadd.s32 $0x20C00, s0;
	s8 =	smul.u32 $0x50000, s12;
	s9 =	sadd.s32 $0x16C00, s0  }
0x8: {  	s20 =	sshll.u32 s12, $0x6;
	s21 =	sshll.u32 s12, $0xB;
	s12 =	sshll.u32 s12, $0x9  }
0x9: {  	s3 =	simm.s32 $0x2000;
	s17 =	simm.s32 $0x2000;
	s5 =	smul.u32 $0x2800, s7  }
0xa: {  	_ =	strace $0x80000050;
	s18 =	ssub.s32 $0x2, s7;
	p0 =	seq.s32 s7, $0x1  }
0xb: {  	s11 =	sadd.s32 s9, s21;
	s22 =	sor.u32 $0x400, s21;
	s7 =	sadd.s32 s2, s21  }
0xc: {  	s24 =	sor.u32 $0x8000, s12;
	s26 =	sor.u32 $0x8100, s12;
	s21 =	simm.s32 $0x18000  }
0xd: {  	s12 =	simm.s32 $0x0;
	s10 =	sshrl.u32 s18, $0x1;
	[dreg:$0x4] =	wrdreg s11  }
0xe: {  	s19 =	sshrl.u32 s8, $0x2;
	[dreg:$0x5] =	wrdreg s7;
	s23 =	sadd.s32 s9, s22  }
0xf: {  	s11 =	sadd.s32 s2, s22;
	s25 =	sadd.s32 s9, s24;
	s7 =	sadd.s32 s2, s24  }
0x10: {  	s30 =	sadd.s32 s9, s26;
	s2 =	sadd.s32 s2, s26;
	[dreg:$0x6] =	wrdreg s23  }
0x11: {  	s22 =	simm.s32 $0x1C000;
	s24 =	simm.s32 $0x2;
	[dreg:$0x7] =	wrdreg s11  }
0x12: {  	s26 =	simm.s32 $0x3;
	s9 =	simm.s32 $0x200;
	[dreg:$0x8] =	wrdreg s25  }
0x13: {  	s5 =	sadd.s32 s6, s5;
	s10 =	ssub.s32 s18, s10;
	[dreg:$0x9] =	wrdreg s7  }
0x14: {  	s8 =	sadd.s32 s19, s1;
	s6 =	sor.u32 $0x1C05, s20;
	[dreg:$0xa] =	wrdreg s30  }
.Ltmp0:
0x15: {  	[dreg:$0xb] =	wrdreg s2;
	s18 =	simm.s32 $0x5;
	(pc) =	sbr.rel .LBB2_1-.Ltmp0, $4  }
0x16: {  	s20 =	simm.s32 $0x80;
	s23 =	simm.s32 $0x1;
	s19 =	simm.s32 $0x0  }
0x17: {  	s25 =	simm.s32 $0x2200;
	s11 =	simm.s32 $0x2280;
	s5 =	sshll.u32 s5, $0x4  }
0x18: {  	s2 =	smax.u32 s10, $0x1;
	s7 =	sshrl.u32 s8, $0x3;
	s0 =	sadd.s32 s5, s0  }
0x19: {  	s10 =	simm.s32 $0x280;
	s5 =	sadd.s32 $0x48C00, s0;
	s0 =	sadd.s32 $0x98C00, s0  }
.LBB2_7:
0x1a: {  	s13 =	rddreg [dreg:$0x8]  }
0x1b: {  	[tilespmem:s19], [sflag:$0x5] =	stream.linear.gather [hbm4b:s13+s19], $0x800, $0x38;
	v63 =	vld [tilespmem:$0x0]  }
0x1c: {  	_ =	swait.ge [sflag:s18], $0x800  }
0x1d: {  	[sflag:s18] =	ssyncset.done $0x0  }
0x1e: {  	s8 =	rddreg [dreg:$0x9];
	[sflag:s18] =	ssyncadd.s32 $0xFFFFF800  }
0x1f: {  	[tilespmem:s3], [sflag:$0x5] =	stream.linear.gather [hbm4b:s8+s19], $0x800, $0x38;
	v63 =	vld [tilespmem:$0x0]  }
0x20: {  	_ =	swait.ge [sflag:s18], $0x800  }
0x21: {  	[sflag:s18] =	ssyncset.done $0x0  }
0x22: {  	[sflag:s18] =	ssyncadd.s32 $0xFFFFF800  }
0x23: {  	[tilespmem:s21], [sflag:$0x1] =	stream.indirect.gather [hbm4b:s4+s20], $0x80, s19, s20, $0xb8;
	v63 =	vld [tilespmem:$0x0]  }
0x24: {  	_ = 	snop  }
0x25: {  	[tilespmem:s22], [sflag:$0x2] =	stream.indirect.gather [hbm4b:s4+s20], $0x80, s20, s20, $0xb8;
	v63 =	vld [tilespmem:$0x0]  }
0x26: {  	_ =	swait.ge [sflag:s23], $0x4000  }
0x27: {  	[sflag:s23] =	ssyncset.done $0x0  }
0x28: {  	[sflag:s23] =	ssyncadd.s32 $0xFFFFC000  }
0x29: {  	[spmem:s1] =	stream.indirect.scatter.add.f32 [tilespmem:s21], [sflag:$0x3], $0x80, s3, s20, $0xb8;
	v63 =	vld [tilespmem:$0x0]  }
0x2a: {  	_ =	swait.ge [sflag:s24], $0x4000  }
0x2b: {  	[sflag:s24] =	ssyncset.done $0x0  }
0x2c: {  	[sflag:s24] =	ssyncadd.s32 $0xFFFFC000  }
0x2d: {  	[spmem:s1] =	stream.indirect.scatter.add.f32 [tilespmem:s22], [sflag:$0x4], $0x80, s31, s20, $0xb8;
	v63 =	vld [tilespmem:$0x0]  }
0x2e: {  	_ =	swait.ge [sflag:s26], $0x4000  }
0x2f: {  	[sflag:s26] =	ssyncset.done $0x0  }
0x30: {  	[sflag:s26] =	ssyncadd.s32 $0xFFFFC000  }
0x31: {  	[tilespmem:s21], [sflag:$0x1] =	stream.indirect.gather [hbm4b:s4+s20], $0x80, s16, s20, $0xb8;
	v63 =	vld [tilespmem:$0x0]  }
0x32: {  	_ =	swait.ge [sflag:s29], $0x4000  }
0x33: {  	[sflag:s29] =	ssyncset.done $0x0  }
0x34: {  	s3 =	simm.s32 $0x180;
	[sflag:s29] =	ssyncadd.s32 $0xFFFFC000  }
0x35: {  	[tilespmem:s22], [sflag:$0x2] =	stream.indirect.gather [hbm4b:s4+s20], $0x80, s3, s20, $0xb8;
	v63 =	vld [tilespmem:$0x0]  }
0x36: {  	_ =	swait.ge [sflag:s23], $0x4000  }
0x37: {  	[sflag:s23] =	ssyncset.done $0x0  }
0x38: {  	s8 =	simm.s32 $0x2100;
	[sflag:s23] =	ssyncadd.s32 $0xFFFFC000  }
0x39: {  	[spmem:s1] =	stream.indirect.scatter.add.f32 [tilespmem:s21], [sflag:$0x3], $0x80, s8, s20, $0xb8;
	v63 =	vld [tilespmem:$0x0]  }
0x3a: {  	_ =	swait.ge [sflag:s24], $0x4000  }
0x3b: {  	[sflag:s24] =	ssyncset.done $0x0  }
0x3c: {  	s8 =	simm.s32 $0x2180;
	[sflag:s24] =	ssyncadd.s32 $0xFFFFC000  }
0x3d: {  	[spmem:s1] =	stream.indirect.scatter.add.f32 [tilespmem:s22], [sflag:$0x4], $0x80, s8, s20, $0xb8;
	v63 =	vld [tilespmem:$0x0]  }
0x3e: {  	_ =	swait.ge [sflag:s26], $0x4000  }
0x3f: {  	[sflag:s26] =	ssyncset.done $0x0  }
0x40: {  	[sflag:s26] =	ssyncadd.s32 $0xFFFFC000  }
0x41: {  	[tilespmem:s21], [sflag:$0x1] =	stream.indirect.gather [hbm4b:s4+s20], $0x80, s9, s20, $0xb8;
	v63 =	vld [tilespmem:$0x0]  }
0x42: {  	_ =	swait.ge [sflag:s29], $0x4000  }
0x43: {  	[sflag:s29] =	ssyncset.done $0x0  }
0x44: {  	[sflag:s29] =	ssyncadd.s32 $0xFFFFC000  }
0x45: {  	[tilespmem:s22], [sflag:$0x2] =	stream.indirect.gather [hbm4b:s4+s20], $0x80, s10, s20, $0xb8;
	v63 =	vld [tilespmem:$0x0]  }
0x46: {  	_ =	swait.ge [sflag:s23], $0x4000  }
0x47: {  	[sflag:s23] =	ssyncset.done $0x0  }
0x48: {  	[sflag:s23] =	ssyncadd.s32 $0xFFFFC000  }
0x49: {  	[spmem:s1] =	stream.indirect.scatter.add.f32 [tilespmem:s21], [sflag:$0x3], $0x80, s25, s20, $0xb8;
	v63 =	vld [tilespmem:$0x0]  }
0x4a: {  	_ =	swait.ge [sflag:s24], $0x4000  }
0x4b: {  	[sflag:s24] =	ssyncset.done $0x0  }
0x4c: {  	[sflag:s24] =	ssyncadd.s32 $0xFFFFC000  }
0x4d: {  	[spmem:s1] =	stream.indirect.scatter.add.f32 [tilespmem:s22], [sflag:$0x4], $0x80, s11, s20, $0xb8;
	v63 =	vld [tilespmem:$0x0]  }
0x4e: {  	_ =	swait.ge [sflag:s26], $0x4000  }
0x4f: {  	[sflag:s26] =	ssyncset.done $0x0  }
0x50: {  	[sflag:s26] =	ssyncadd.s32 $0xFFFFC000  }
0x51: {  	[tilespmem:s21], [sflag:$0x1] =	stream.indirect.gather [hbm4b:s4+s20], $0x80, s28, s20, $0xb8;
	v63 =	vld [tilespmem:$0x0]  }
0x52: {  	_ =	swait.ge [sflag:s29], $0x4000  }
0x53: {  	[sflag:s29] =	ssyncset.done $0x0  }
0x54: {  	[sflag:s29] =	ssyncadd.s32 $0xFFFFC000  }
0x55: {  	[tilespmem:s22], [sflag:$0x2] =	stream.indirect.gather [hbm4b:s4+s20], $0x80, s15, s20, $0xb8;
	v63 =	vld [tilespmem:$0x0]  }
0x56: {  	_ =	swait.ge [sflag:s23], $0x4000  }
0x57: {  	[sflag:s23] =	ssyncset.done $0x0  }
0x58: {  	s14 =	simm.s32 $0x2300;
	[sflag:s23] =	ssyncadd.s32 $0xFFFFC000  }
0x59: {  	[spmem:s1] =	stream.indirect.scatter.add.f32 [tilespmem:s21], [sflag:$0x3], $0x80, s14, s20, $0xb8;
	v63 =	vld [tilespmem:$0x0]  }
0x5a: {  	_ =	swait.ge [sflag:s24], $0x4000  }
0x5b: {  	[sflag:s24] =	ssyncset.done $0x0  }
0x5c: {  	s14 =	simm.s32 $0x2380;
	[sflag:s24] =	ssyncadd.s32 $0xFFFFC000  }
0x5d: {  	[spmem:s1] =	stream.indirect.scatter.add.f32 [tilespmem:s22], [sflag:$0x4], $0x80, s14, s20, $0xb8;
	v63 =	vld [tilespmem:$0x0]  }
0x5e: {  	_ =	swait.ge [sflag:s26], $0x4000  }
0x5f: {  	[sflag:s26] =	ssyncset.done $0x0  }
0x60: {  	s14 =	simm.s32 $0x400;
	[sflag:s26] =	ssyncadd.s32 $0xFFFFC000  }
0x61: {  	[tilespmem:s21], [sflag:$0x1] =	stream.indirect.gather [hbm4b:s4+s20], $0x80, s14, s20, $0xb8;
	v63 =	vld [tilespmem:$0x0]  }
0x62: {  	_ =	swait.ge [sflag:s29], $0x4000  }
0x63: {  	[sflag:s29] =	ssyncset.done $0x0  }
0x64: {  	s14 =	simm.s32 $0x480;
	[sflag:s29] =	ssyncadd.s32 $0xFFFFC000  }
0x65: {  	[tilespmem:s22], [sflag:$0x2] =	stream.indirect.gather [hbm4b:s4+s20], $0x80, s14, s20, $0xb8;
	v63 =	vld [tilespmem:$0x0]  }
0x66: {  	_ =	swait.ge [sflag:s23], $0x4000  }
0x67: {  	[sflag:s23] =	ssyncset.done $0x0  }
0x68: {  	s14 =	simm.s32 $0x2400;
	[sflag:s23] =	ssyncadd.s32 $0xFFFFC000  }
0x69: {  	[spmem:s1] =	stream.indirect.scatter.add.f32 [tilespmem:s21], [sflag:$0x3], $0x80, s14, s20, $0xb8;
	v63 =	vld [tilespmem:$0x0]  }
0x6a: {  	_ =	swait.ge [sflag:s24], $0x4000  }
0x6b: {  	[sflag:s24] =	ssyncset.done $0x0  }
0x6c: {  	s14 =	simm.s32 $0x2480;
	[sflag:s24] =	ssyncadd.s32 $0xFFFFC000  }
0x6d: {  	[spmem:s1] =	stream.indirect.scatter.add.f32 [tilespmem:s22], [sflag:$0x4], $0x80, s14, s20, $0xb8;
	v63 =	vld [tilespmem:$0x0]  }
0x6e: {  	_ =	swait.ge [sflag:s26], $0x4000  }
0x6f: {  	[sflag:s26] =	ssyncset.done $0x0  }
0x70: {  	s14 =	simm.s32 $0x500;
	[sflag:s26] =	ssyncadd.s32 $0xFFFFC000  }
0x71: {  	[tilespmem:s21], [sflag:$0x1] =	stream.indirect.gather [hbm4b:s4+s20], $0x80, s14, s20, $0xb8;
	v63 =	vld [tilespmem:$0x0]  }
0x72: {  	_ =	swait.ge [sflag:s29], $0x4000  }
0x73: {  	[sflag:s29] =	ssyncset.done $0x0  }
0x74: {  	s14 =	simm.s32 $0x580;
	[sflag:s29] =	ssyncadd.s32 $0xFFFFC000  }
0x75: {  	[tilespmem:s22], [sflag:$0x2] =	stream.indirect.gather [hbm4b:s4+s20], $0x80, s14, s20, $0xb8;
	v63 =	vld [tilespmem:$0x0]  }
0x76: {  	_ =	swait.ge [sflag:s23], $0x4000  }
0x77: {  	[sflag:s23] =	ssyncset.done $0x0  }
0x78: {  	s14 =	simm.s32 $0x2500;
	[sflag:s23] =	ssyncadd.s32 $0xFFFFC000  }
0x79: {  	[spmem:s1] =	stream.indirect.scatter.add.f32 [tilespmem:s21], [sflag:$0x3], $0x80, s14, s20, $0xb8;
	v63 =	vld [tilespmem:$0x0]  }
0x7a: {  	_ =	swait.ge [sflag:s24], $0x4000  }
0x7b: {  	[sflag:s24] =	ssyncset.done $0x0  }
0x7c: {  	s14 =	simm.s32 $0x2580;
	[sflag:s24] =	ssyncadd.s32 $0xFFFFC000  }
0x7d: {  	[spmem:s1] =	stream.indirect.scatter.add.f32 [tilespmem:s22], [sflag:$0x4], $0x80, s14, s20, $0xb8;
	v63 =	vld [tilespmem:$0x0]  }
0x7e: {  	_ =	swait.ge [sflag:s26], $0x4000  }
0x7f: {  	[sflag:s26] =	ssyncset.done $0x0  }
0x80: {  	s14 =	simm.s32 $0x600;
	[sflag:s26] =	ssyncadd.s32 $0xFFFFC000  }
0x81: {  	[tilespmem:s21], [sflag:$0x1] =	stream.indirect.gather [hbm4b:s4+s20], $0x80, s14, s20, $0xb8;
	v63 =	vld [tilespmem:$0x0]  }
0x82: {  	_ =	swait.ge [sflag:s29], $0x4000  }
0x83: {  	[sflag:s29] =	ssyncset.done $0x0  }
0x84: {  	s14 =	simm.s32 $0x680;
	[sflag:s29] =	ssyncadd.s32 $0xFFFFC000  }
0x85: {  	[tilespmem:s22], [sflag:$0x2] =	stream.indirect.gather [hbm4b:s4+s20], $0x80, s14, s20, $0xb8;
	v63 =	vld [tilespmem:$0x0]  }
0x86: {  	_ =	swait.ge [sflag:s23], $0x4000  }
0x87: {  	[sflag:s23] =	ssyncset.done $0x0  }
0x88: {  	s14 =	simm.s32 $0x2600;
	[sflag:s23] =	ssyncadd.s32 $0xFFFFC000  }
0x89: {  	[spmem:s1] =	stream.indirect.scatter.add.f32 [tilespmem:s21], [sflag:$0x3], $0x80, s14, s20, $0xb8;
	v63 =	vld [tilespmem:$0x0]  }
0x8a: {  	_ =	swait.ge [sflag:s24], $0x4000  }
0x8b: {  	[sflag:s24] =	ssyncset.done $0x0  }
0x8c: {  	s14 =	simm.s32 $0x2680;
	[sflag:s24] =	ssyncadd.s32 $0xFFFFC000  }
0x8d: {  	[spmem:s1] =	stream.indirect.scatter.add.f32 [tilespmem:s22], [sflag:$0x4], $0x80, s14, s20, $0xb8;
	v63 =	vld [tilespmem:$0x0]  }
0x8e: {  	_ =	swait.ge [sflag:s26], $0x4000  }
0x8f: {  	[sflag:s26] =	ssyncset.done $0x0  }
0x90: {  	s14 =	simm.s32 $0x700;
	[sflag:s26] =	ssyncadd.s32 $0xFFFFC000  }
0x91: {  	[tilespmem:s21], [sflag:$0x1] =	stream.indirect.gather [hbm4b:s4+s20], $0x80, s14, s20, $0xb8;
	v63 =	vld [tilespmem:$0x0]  }
0x92: {  	_ =	swait.ge [sflag:s29], $0x4000  }
0x93: {  	[sflag:s29] =	ssyncset.done $0x0  }
0x94: {  	s14 =	simm.s32 $0x780;
	[sflag:s29] =	ssyncadd.s32 $0xFFFFC000  }
0x95: {  	[tilespmem:s22], [sflag:$0x2] =	stream.indirect.gather [hbm4b:s4+s20], $0x80, s14, s20, $0xb8;
	v63 =	vld [tilespmem:$0x0]  }
0x96: {  	_ =	swait.ge [sflag:s23], $0x4000  }
0x97: {  	[sflag:s23] =	ssyncset.done $0x0  }
0x98: {  	s13 =	simm.s32 $0x2700;
	[sflag:s23] =	ssyncadd.s32 $0xFFFFC000  }
0x99: {  	[spmem:s1] =	stream.indirect.scatter.add.f32 [tilespmem:s21], [sflag:$0x3], $0x80, s13, s20, $0xb8;
	v63 =	vld [tilespmem:$0x0]  }
0x9a: {  	_ =	swait.ge [sflag:s24], $0x4000  }
0x9b: {  	[sflag:s24] =	ssyncset.done $0x0  }
0x9c: {  	s30 =	simm.s32 $0x2780;
	[sflag:s24] =	ssyncadd.s32 $0xFFFFC000  }
0x9d: {  	[spmem:s1] =	stream.indirect.scatter.add.f32 [tilespmem:s22], [sflag:$0x4], $0x80, s30, s20, $0xb8;
	v63 =	vld [tilespmem:$0x0]  }
0x9e: {  	_ =	swait.ge [sflag:s26], $0x4000  }
0x9f: {  	[sflag:s26] =	ssyncset.done $0x0  }
0xa0: {  	[sflag:s26] =	ssyncadd.s32 $0xFFFFC000  }
0xa1: {  	_ =	swait.ge [sflag:s29], $0x4000  }
0xa2: {  	[sflag:s29] =	ssyncset.done $0x0  }
0xa3: {  	s14 =	rddreg [dreg:$0xa];
	[sflag:s29] =	ssyncadd.s32 $0xFFFFC000  }
0xa4: {  	[tilespmem:s19], [sflag:$0x5] =	stream.linear.gather [hbm4b:s14+s19], $0x800, $0x38;
	v63 =	vld [tilespmem:$0x0]  }
0xa5: {  	_ =	swait.ge [sflag:s18], $0x800  }
0xa6: {  	[sflag:s18] =	ssyncset.done $0x0  }
0xa7: {  	s14 =	rddreg [dreg:$0xb];
	[sflag:s18] =	ssyncadd.s32 $0xFFFFF800  }
0xa8: {  	[tilespmem:s17], [sflag:$0x5] =	stream.linear.gather [hbm4b:s14+s19], $0x800, $0x38;
	v63 =	vld [tilespmem:$0x0]  }
0xa9: {  	_ =	swait.ge [sflag:s18], $0x800  }
0xaa: {  	[sflag:s18] =	ssyncset.done $0x0  }
0xab: {  	[sflag:s18] =	ssyncadd.s32 $0xFFFFF800  }
0xac: {  	[tilespmem:s21], [sflag:$0x1] =	stream.indirect.gather [hbm4b:s4+s20], $0x80, s19, s20, $0xb8;
	v63 =	vld [tilespmem:$0x0]  }
0xad: {  	_ = 	snop  }
0xae: {  	[tilespmem:s22], [sflag:$0x2] =	stream.indirect.gather [hbm4b:s4+s20], $0x80, s20, s20, $0xb8;
	v63 =	vld [tilespmem:$0x0]  }
0xaf: {  	_ =	swait.ge [sflag:s23], $0x4000  }
0xb0: {  	[sflag:s23] =	ssyncset.done $0x0  }
0xb1: {  	[sflag:s23] =	ssyncadd.s32 $0xFFFFC000  }
0xb2: {  	[spmem:s1] =	stream.indirect.scatter.add.f32 [tilespmem:s21], [sflag:$0x3], $0x80, s17, s20, $0xb8;
	v63 =	vld [tilespmem:$0x0]  }
0xb3: {  	_ =	swait.ge [sflag:s24], $0x4000  }
0xb4: {  	[sflag:s24] =	ssyncset.done $0x0  }
0xb5: {  	[sflag:s24] =	ssyncadd.s32 $0xFFFFC000  }
0xb6: {  	[spmem:s1] =	stream.indirect.scatter.add.f32 [tilespmem:s22], [sflag:$0x4], $0x80, s31, s20, $0xb8;
	v63 =	vld [tilespmem:$0x0]  }
0xb7: {  	_ =	swait.ge [sflag:s26], $0x4000  }
0xb8: {  	[sflag:s26] =	ssyncset.done $0x0  }
0xb9: {  	[sflag:s26] =	ssyncadd.s32 $0xFFFFC000  }
0xba: {  	[tilespmem:s21], [sflag:$0x1] =	stream.indirect.gather [hbm4b:s4+s20], $0x80, s16, s20, $0xb8;
	v63 =	vld [tilespmem:$0x0]  }
0xbb: {  	_ =	swait.ge [sflag:s29], $0x4000  }
0xbc: {  	[sflag:s29] =	ssyncset.done $0x0  }
0xbd: {  	[sflag:s29] =	ssyncadd.s32 $0xFFFFC000  }
0xbe: {  	[tilespmem:s22], [sflag:$0x2] =	stream.indirect.gather [hbm4b:s4+s20], $0x80, s3, s20, $0xb8;
	v63 =	vld [tilespmem:$0x0]  }
0xbf: {  	_ =	swait.ge [sflag:s23], $0x4000  }
0xc0: {  	[sflag:s23] =	ssyncset.done $0x0  }
0xc1: {  	s14 =	simm.s32 $0x2100;
	[sflag:s23] =	ssyncadd.s32 $0xFFFFC000  }
0xc2: {  	[spmem:s1] =	stream.indirect.scatter.add.f32 [tilespmem:s21], [sflag:$0x3], $0x80, s14, s20, $0xb8;
	v63 =	vld [tilespmem:$0x0]  }
0xc3: {  	_ =	swait.ge [sflag:s24], $0x4000  }
0xc4: {  	[sflag:s24] =	ssyncset.done $0x0  }
0xc5: {  	[sflag:s24] =	ssyncadd.s32 $0xFFFFC000  }
0xc6: {  	[spmem:s1] =	stream.indirect.scatter.add.f32 [tilespmem:s22], [sflag:$0x4], $0x80, s8, s20, $0xb8;
	v63 =	vld [tilespmem:$0x0]  }
0xc7: {  	_ =	swait.ge [sflag:s26], $0x4000  }
0xc8: {  	[sflag:s26] =	ssyncset.done $0x0  }
0xc9: {  	[sflag:s26] =	ssyncadd.s32 $0xFFFFC000  }
0xca: {  	[tilespmem:s21], [sflag:$0x1] =	stream.indirect.gather [hbm4b:s4+s20], $0x80, s9, s20, $0xb8;
	v63 =	vld [tilespmem:$0x0]  }
0xcb: {  	_ =	swait.ge [sflag:s29], $0x4000  }
0xcc: {  	[sflag:s29] =	ssyncset.done $0x0  }
0xcd: {  	[sflag:s29] =	ssyncadd.s32 $0xFFFFC000  }
0xce: {  	[tilespmem:s22], [sflag:$0x2] =	stream.indirect.gather [hbm4b:s4+s20], $0x80, s10, s20, $0xb8;
	v63 =	vld [tilespmem:$0x0]  }
0xcf: {  	_ =	swait.ge [sflag:s23], $0x4000  }
0xd0: {  	[sflag:s23] =	ssyncset.done $0x0  }
0xd1: {  	[sflag:s23] =	ssyncadd.s32 $0xFFFFC000  }
0xd2: {  	[spmem:s1] =	stream.indirect.scatter.add.f32 [tilespmem:s21], [sflag:$0x3], $0x80, s25, s20, $0xb8;
	v63 =	vld [tilespmem:$0x0]  }
0xd3: {  	_ =	swait.ge [sflag:s24], $0x4000  }
0xd4: {  	[sflag:s24] =	ssyncset.done $0x0  }
0xd5: {  	[sflag:s24] =	ssyncadd.s32 $0xFFFFC000  }
0xd6: {  	[spmem:s1] =	stream.indirect.scatter.add.f32 [tilespmem:s22], [sflag:$0x4], $0x80, s11, s20, $0xb8;
	v63 =	vld [tilespmem:$0x0]  }
0xd7: {  	_ =	swait.ge [sflag:s26], $0x4000  }
0xd8: {  	[sflag:s26] =	ssyncset.done $0x0  }
0xd9: {  	[sflag:s26] =	ssyncadd.s32 $0xFFFFC000  }
0xda: {  	[tilespmem:s21], [sflag:$0x1] =	stream.indirect.gather [hbm4b:s4+s20], $0x80, s28, s20, $0xb8;
	v63 =	vld [tilespmem:$0x0]  }
0xdb: {  	_ =	swait.ge [sflag:s29], $0x4000  }
0xdc: {  	[sflag:s29] =	ssyncset.done $0x0  }
0xdd: {  	[sflag:s29] =	ssyncadd.s32 $0xFFFFC000  }
0xde: {  	[tilespmem:s22], [sflag:$0x2] =	stream.indirect.gather [hbm4b:s4+s20], $0x80, s15, s20, $0xb8;
	v63 =	vld [tilespmem:$0x0]  }
0xdf: {  	_ =	swait.ge [sflag:s23], $0x4000  }
0xe0: {  	[sflag:s23] =	ssyncset.done $0x0  }
0xe1: {  	s14 =	simm.s32 $0x2300;
	[sflag:s23] =	ssyncadd.s32 $0xFFFFC000  }
0xe2: {  	[spmem:s1] =	stream.indirect.scatter.add.f32 [tilespmem:s21], [sflag:$0x3], $0x80, s14, s20, $0xb8;
	v63 =	vld [tilespmem:$0x0]  }
0xe3: {  	_ =	swait.ge [sflag:s24], $0x4000  }
0xe4: {  	[sflag:s24] =	ssyncset.done $0x0  }
0xe5: {  	s14 =	simm.s32 $0x2380;
	[sflag:s24] =	ssyncadd.s32 $0xFFFFC000  }
0xe6: {  	[spmem:s1] =	stream.indirect.scatter.add.f32 [tilespmem:s22], [sflag:$0x4], $0x80, s14, s20, $0xb8;
	v63 =	vld [tilespmem:$0x0]  }
0xe7: {  	_ =	swait.ge [sflag:s26], $0x4000  }
0xe8: {  	[sflag:s26] =	ssyncset.done $0x0  }
0xe9: {  	s14 =	simm.s32 $0x400;
	[sflag:s26] =	ssyncadd.s32 $0xFFFFC000  }
0xea: {  	[tilespmem:s21], [sflag:$0x1] =	stream.indirect.gather [hbm4b:s4+s20], $0x80, s14, s20, $0xb8;
	v63 =	vld [tilespmem:$0x0]  }
0xeb: {  	_ =	swait.ge [sflag:s29], $0x4000  }
0xec: {  	[sflag:s29] =	ssyncset.done $0x0  }
0xed: {  	s14 =	simm.s32 $0x480;
	[sflag:s29] =	ssyncadd.s32 $0xFFFFC000  }
0xee: {  	[tilespmem:s22], [sflag:$0x2] =	stream.indirect.gather [hbm4b:s4+s20], $0x80, s14, s20, $0xb8;
	v63 =	vld [tilespmem:$0x0]  }
0xef: {  	_ =	swait.ge [sflag:s23], $0x4000  }
0xf0: {  	[sflag:s23] =	ssyncset.done $0x0  }
0xf1: {  	s14 =	simm.s32 $0x2400;
	[sflag:s23] =	ssyncadd.s32 $0xFFFFC000  }
0xf2: {  	[spmem:s1] =	stream.indirect.scatter.add.f32 [tilespmem:s21], [sflag:$0x3], $0x80, s14, s20, $0xb8;
	v63 =	vld [tilespmem:$0x0]  }
0xf3: {  	_ =	swait.ge [sflag:s24], $0x4000  }
0xf4: {  	[sflag:s24] =	ssyncset.done $0x0  }
0xf5: {  	s14 =	simm.s32 $0x2480;
	[sflag:s24] =	ssyncadd.s32 $0xFFFFC000  }
0xf6: {  	[spmem:s1] =	stream.indirect.scatter.add.f32 [tilespmem:s22], [sflag:$0x4], $0x80, s14, s20, $0xb8;
	v63 =	vld [tilespmem:$0x0]  }
0xf7: {  	_ =	swait.ge [sflag:s26], $0x4000  }
0xf8: {  	[sflag:s26] =	ssyncset.done $0x0  }
0xf9: {  	s14 =	simm.s32 $0x500;
	[sflag:s26] =	ssyncadd.s32 $0xFFFFC000  }
0xfa: {  	[tilespmem:s21], [sflag:$0x1] =	stream.indirect.gather [hbm4b:s4+s20], $0x80, s14, s20, $0xb8;
	v63 =	vld [tilespmem:$0x0]  }
0xfb: {  	_ =	swait.ge [sflag:s29], $0x4000  }
0xfc: {  	[sflag:s29] =	ssyncset.done $0x0  }
0xfd: {  	s14 =	simm.s32 $0x580;
	[sflag:s29] =	ssyncadd.s32 $0xFFFFC000  }
0xfe: {  	[tilespmem:s22], [sflag:$0x2] =	stream.indirect.gather [hbm4b:s4+s20], $0x80, s14, s20, $0xb8;
	v63 =	vld [tilespmem:$0x0]  }
0xff: {  	_ =	swait.ge [sflag:s23], $0x4000  }
0x100: {  	[sflag:s23] =	ssyncset.done $0x0  }
0x101: {  	s14 =	simm.s32 $0x2500;
	[sflag:s23] =	ssyncadd.s32 $0xFFFFC000  }
0x102: {  	[spmem:s1] =	stream.indirect.scatter.add.f32 [tilespmem:s21], [sflag:$0x3], $0x80, s14, s20, $0xb8;
	v63 =	vld [tilespmem:$0x0]  }
0x103: {  	_ =	swait.ge [sflag:s24], $0x4000  }
0x104: {  	[sflag:s24] =	ssyncset.done $0x0  }
0x105: {  	s14 =	simm.s32 $0x2580;
	[sflag:s24] =	ssyncadd.s32 $0xFFFFC000  }
0x106: {  	[spmem:s1] =	stream.indirect.scatter.add.f32 [tilespmem:s22], [sflag:$0x4], $0x80, s14, s20, $0xb8;
	v63 =	vld [tilespmem:$0x0]  }
0x107: {  	_ =	swait.ge [sflag:s26], $0x4000  }
0x108: {  	[sflag:s26] =	ssyncset.done $0x0  }
0x109: {  	s14 =	simm.s32 $0x600;
	[sflag:s26] =	ssyncadd.s32 $0xFFFFC000  }
0x10a: {  	[tilespmem:s21], [sflag:$0x1] =	stream.indirect.gather [hbm4b:s4+s20], $0x80, s14, s20, $0xb8;
	v63 =	vld [tilespmem:$0x0]  }
0x10b: {  	_ =	swait.ge [sflag:s29], $0x4000  }
0x10c: {  	[sflag:s29] =	ssyncset.done $0x0  }
0x10d: {  	s14 =	simm.s32 $0x680;
	[sflag:s29] =	ssyncadd.s32 $0xFFFFC000  }
0x10e: {  	[tilespmem:s22], [sflag:$0x2] =	stream.indirect.gather [hbm4b:s4+s20], $0x80, s14, s20, $0xb8;
	v63 =	vld [tilespmem:$0x0]  }
0x10f: {  	_ =	swait.ge [sflag:s23], $0x4000  }
0x110: {  	[sflag:s23] =	ssyncset.done $0x0  }
0x111: {  	s14 =	simm.s32 $0x2600;
	[sflag:s23] =	ssyncadd.s32 $0xFFFFC000  }
0x112: {  	[spmem:s1] =	stream.indirect.scatter.add.f32 [tilespmem:s21], [sflag:$0x3], $0x80, s14, s20, $0xb8;
	v63 =	vld [tilespmem:$0x0]  }
0x113: {  	_ =	swait.ge [sflag:s24], $0x4000  }
0x114: {  	[sflag:s24] =	ssyncset.done $0x0  }
0x115: {  	s14 =	simm.s32 $0x2680;
	[sflag:s24] =	ssyncadd.s32 $0xFFFFC000  }
0x116: {  	[spmem:s1] =	stream.indirect.scatter.add.f32 [tilespmem:s22], [sflag:$0x4], $0x80, s14, s20, $0xb8;
	v63 =	vld [tilespmem:$0x0]  }
0x117: {  	_ =	swait.ge [sflag:s26], $0x4000  }
0x118: {  	[sflag:s26] =	ssyncset.done $0x0  }
0x119: {  	s14 =	simm.s32 $0x700;
	[sflag:s26] =	ssyncadd.s32 $0xFFFFC000  }
0x11a: {  	[tilespmem:s21], [sflag:$0x1] =	stream.indirect.gather [hbm4b:s4+s20], $0x80, s14, s20, $0xb8;
	v63 =	vld [tilespmem:$0x0]  }
0x11b: {  	_ =	swait.ge [sflag:s29], $0x4000  }
0x11c: {  	[sflag:s29] =	ssyncset.done $0x0  }
0x11d: {  	s3 =	simm.s32 $0x2000;
	s14 =	simm.s32 $0x780;
	[sflag:s29] =	ssyncadd.s32 $0xFFFFC000  }
0x11e: {  	[tilespmem:s22], [sflag:$0x2] =	stream.indirect.gather [hbm4b:s4+s20], $0x80, s14, s20, $0xb8;
	v63 =	vld [tilespmem:$0x0]  }
.LBB2_8:
0x11f: {  	_ =	swait.ge [sflag:s23], $0x4000  }
0x120: {  	[sflag:s23] =	ssyncset.done $0x0  }
0x121: {  	[sflag:s23] =	ssyncadd.s32 $0xFFFFC000  }
0x122: {  	[spmem:s1] =	stream.indirect.scatter.add.f32 [tilespmem:s21], [sflag:$0x3], $0x80, s13, s20, $0xb8;
	v63 =	vld [tilespmem:$0x0]  }
0x123: {  	_ =	swait.ge [sflag:s24], $0x4000  }
0x124: {  	[sflag:s24] =	ssyncset.done $0x0  }
0x125: {  	[sflag:s24] =	ssyncadd.s32 $0xFFFFC000  }
0x126: {  	[spmem:s1] =	stream.indirect.scatter.add.f32 [tilespmem:s22], [sflag:$0x4], $0x80, s30, s20, $0xb8;
	v63 =	vld [tilespmem:$0x0]  }
0x127: {  	_ =	swait.ge [sflag:s26], $0x4000  }
0x128: {  	[sflag:s26] =	ssyncset.done $0x0  }
0x129: {  	[sflag:s26] =	ssyncadd.s32 $0xFFFFC000  }
0x12a: {  	_ =	swait.ge [sflag:s29], $0x4000  }
0x12b: {  	s12 =	sadd.s32 $0x1, s12;
	[sflag:s29] =	ssyncset.done $0x0  }
0x12c: {  	p1 =	sne.s32 s12, s2;
	[sflag:s29] =	ssyncadd.s32 $0xFFFFC000  }
.Ltmp1:
0x12d: {  	[bflag:$0x0] =	sbarrier.arrive $0xFFFF;
	(pc) =	sbr.rel @!p1 .LBB2_9-.Ltmp1, $4  }
0x12e: {  	[hbm:s0], [sflag:s6] =	dma.local [spmem:s7], $0x2800  }
0x12f: {  	_ =	swait.ge [sflag:s18], $0x2800  }
0x130: {  	[sflag:s18] =	ssyncset.done $0x0  }
0x131: {  	[sflag:s18] =	ssyncadd.s32 $0xFFFFD800  }
.LBB2_1:
0x132: {  	[spmem:s7], [sflag:s6] =	dma.local [hbm:s5], $0x2800  }
.Ltmp2:
0x133: {  	_ =	swait.ge [sflag:s18], $0x2800;
	(pc) =	sbr.rel @p0 .LBB2_7-.Ltmp2, $3  }
0x134: {  	[sflag:s18] =	ssyncset.done $0x0  }
0x135: {  	[sflag:s18] =	ssyncadd.s32 $0xFFFFD800  }
0x136: {  	[bflag:$0x0] =	sbarrier.arrive $0xFFFF;
	_ =	sdelay $0x1  }
0x137: {  	s13 =	simm.s32 $0x0;
	s14 =	rddreg [dreg:$0x4]  }
0x138: {  	[tilespmem:s13], [sflag:$0x5] =	stream.linear.gather [hbm4b:s14+s13], $0x2000, $0x38;
	v63 =	vld [tilespmem:$0x0]  }
0x139: {  	_ =	swait.ge [sflag:s18], $0x2000  }
0x13a: {  	[sflag:s18] =	ssyncset.done $0x0  }
0x13b: {  	s8 =	rddreg [dreg:$0x5];
	[sflag:s18] =	ssyncadd.s32 $0xFFFFE000  }
0x13c: {  	[tilespmem:s3], [sflag:$0x5] =	stream.linear.gather [hbm4b:s8+s13], $0x2000, $0x38;
	v63 =	vld [tilespmem:$0x0]  }
0x13d: {  	_ =	swait.ge [sflag:s18], $0x2000  }
0x13e: {  	[sflag:s18] =	ssyncset.done $0x0  }
0x13f: {  	[sflag:s18] =	ssyncadd.s32 $0xFFFFE000  }
0x140: {  	[tilespmem:s21], [sflag:$0x1] =	stream.indirect.gather [hbm4b:s4+s20], $0x80, s13, s20, $0xb8;
	v63 =	vld [tilespmem:$0x0]  }
0x141: {  	_ = 	snop  }
0x142: {  	[tilespmem:s22], [sflag:$0x2] =	stream.indirect.gather [hbm4b:s4+s20], $0x80, s20, s20, $0xb8;
	v63 =	vld [tilespmem:$0x0]  }
0x143: {  	_ =	swait.ge [sflag:s23], $0x4000  }
0x144: {  	[sflag:s23] =	ssyncset.done $0x0  }
0x145: {  	s14 =	simm.s32 $0x2000;
	[sflag:s23] =	ssyncadd.s32 $0xFFFFC000  }
0x146: {  	[spmem:s1] =	stream.indirect.scatter.add.f32 [tilespmem:s21], [sflag:$0x3], $0x80, s14, s20, $0xb8;
	v63 =	vld [tilespmem:$0x0]  }
0x147: {  	_ =	swait.ge [sflag:s24], $0x4000  }
0x148: {  	[sflag:s24] =	ssyncset.done $0x0  }
0x149: {  	s8 =	simm.s32 $0x2080;
	[sflag:s24] =	ssyncadd.s32 $0xFFFFC000  }
0x14a: {  	[spmem:s1] =	stream.indirect.scatter.add.f32 [tilespmem:s22], [sflag:$0x4], $0x80, s8, s20, $0xb8;
	v63 =	vld [tilespmem:$0x0]  }
0x14b: {  	_ =	swait.ge [sflag:s26], $0x4000  }
0x14c: {  	[sflag:s26] =	ssyncset.done $0x0  }
0x14d: {  	s14 =	simm.s32 $0x100;
	[sflag:s26] =	ssyncadd.s32 $0xFFFFC000  }
0x14e: {  	[tilespmem:s21], [sflag:$0x1] =	stream.indirect.gather [hbm4b:s4+s20], $0x80, s14, s20, $0xb8;
	v63 =	vld [tilespmem:$0x0]  }
0x14f: {  	_ =	swait.ge [sflag:s29], $0x4000  }
0x150: {  	[sflag:s29] =	ssyncset.done $0x0  }
0x151: {  	s30 =	simm.s32 $0x180;
	s13 =	simm.s32 $0x400;
	[sflag:s29] =	ssyncadd.s32 $0xFFFFC000  }
.LBB2_3:
0x152: {  	[tilespmem:s22], [sflag:$0x2] =	stream.indirect.gather [hbm4b:s4+s20], $0x80, s30, s20, $0xb8;
	v63 =	vld [tilespmem:$0x0]  }
0x153: {  	s30 =	smov.u32 s13  }
0x154: {  	p1 =	sne.s32 s13, $0x7800;
	s13 =	sadd.s32 $0x400, s13;
	_ =	swait.ge [sflag:s23], $0x4000  }
0x155: {  	s30 =	sshra.s32 s30, $0x2;
	[sflag:s23] =	ssyncset.done $0x0  }
0x156: {  	s14 =	sadd.s32 $0x2000, s30;
	[sflag:s23] =	ssyncadd.s32 $0xFFFFC000  }
0x157: {  	[spmem:s1] =	stream.indirect.scatter.add.f32 [tilespmem:s21], [sflag:$0x3], $0x80, s14, s20, $0xb8;
	v63 =	vld [tilespmem:$0x0]  }
0x158: {  	_ =	swait.ge [sflag:s24], $0x4000  }
0x159: {  	[sflag:s24] =	ssyncset.done $0x0  }
0x15a: {  	s14 =	sadd.s32 $0x2080, s30;
	[sflag:s24] =	ssyncadd.s32 $0xFFFFC000  }
0x15b: {  	[spmem:s1] =	stream.indirect.scatter.add.f32 [tilespmem:s22], [sflag:$0x4], $0x80, s14, s20, $0xb8;
	v63 =	vld [tilespmem:$0x0]  }
0x15c: {  	_ =	swait.ge [sflag:s26], $0x4000  }
0x15d: {  	[sflag:s26] =	ssyncset.done $0x0  }
.Ltmp3:
0x15e: {  	s14 =	sadd.s32 $0x100, s30;
	[sflag:s26] =	ssyncadd.s32 $0xFFFFC000;
	(pc) =	sbr.rel @p1 .LBB2_3-.Ltmp3, $4  }
0x15f: {  	[tilespmem:s21], [sflag:$0x1] =	stream.indirect.gather [hbm4b:s4+s20], $0x80, s14, s20, $0xb8;
	v63 =	vld [tilespmem:$0x0]  }
0x160: {  	_ =	swait.ge [sflag:s29], $0x4000  }
0x161: {  	[sflag:s29] =	ssyncset.done $0x0  }
0x162: {  	s30 =	sadd.s32 $0x180, s30;
	[sflag:s29] =	ssyncadd.s32 $0xFFFFC000  }
0x163: {  	[tilespmem:s22], [sflag:$0x2] =	stream.indirect.gather [hbm4b:s4+s20], $0x80, s30, s20, $0xb8;
	v63 =	vld [tilespmem:$0x0]  }
0x164: {  	_ =	swait.ge [sflag:s23], $0x4000  }
0x165: {  	[sflag:s23] =	ssyncset.done $0x0  }
0x166: {  	s8 =	simm.s32 $0x3F00;
	[sflag:s23] =	ssyncadd.s32 $0xFFFFC000  }
0x167: {  	[spmem:s1] =	stream.indirect.scatter.add.f32 [tilespmem:s21], [sflag:$0x3], $0x80, s8, s20, $0xb8;
	v63 =	vld [tilespmem:$0x0]  }
0x168: {  	_ =	swait.ge [sflag:s24], $0x4000  }
0x169: {  	[sflag:s24] =	ssyncset.done $0x0  }
0x16a: {  	s14 =	simm.s32 $0x3F80;
	[sflag:s24] =	ssyncadd.s32 $0xFFFFC000  }
0x16b: {  	[spmem:s1] =	stream.indirect.scatter.add.f32 [tilespmem:s22], [sflag:$0x4], $0x80, s14, s20, $0xb8;
	v63 =	vld [tilespmem:$0x0]  }
0x16c: {  	_ =	swait.ge [sflag:s26], $0x4000  }
0x16d: {  	[sflag:s26] =	ssyncset.done $0x0  }
0x16e: {  	[sflag:s26] =	ssyncadd.s32 $0xFFFFC000  }
0x16f: {  	_ =	swait.ge [sflag:s29], $0x4000  }
0x170: {  	[sflag:s29] =	ssyncset.done $0x0  }
0x171: {  	s13 =	simm.s32 $0x0;
	s14 =	rddreg [dreg:$0x6];
	[sflag:s29] =	ssyncadd.s32 $0xFFFFC000  }
0x172: {  	[tilespmem:s13], [sflag:$0x5] =	stream.linear.gather [hbm4b:s14+s13], $0x2000, $0x38;
	v63 =	vld [tilespmem:$0x0]  }
0x173: {  	_ =	swait.ge [sflag:s18], $0x2000  }
0x174: {  	[sflag:s18] =	ssyncset.done $0x0  }
0x175: {  	s8 =	rddreg [dreg:$0x7];
	[sflag:s18] =	ssyncadd.s32 $0xFFFFE000  }
0x176: {  	[tilespmem:s3], [sflag:$0x5] =	stream.linear.gather [hbm4b:s8+s13], $0x2000, $0x38;
	v63 =	vld [tilespmem:$0x0]  }
0x177: {  	_ =	swait.ge [sflag:s18], $0x2000  }
0x178: {  	[sflag:s18] =	ssyncset.done $0x0  }
0x179: {  	[sflag:s18] =	ssyncadd.s32 $0xFFFFE000  }
0x17a: {  	[tilespmem:s21], [sflag:$0x1] =	stream.indirect.gather [hbm4b:s4+s20], $0x80, s13, s20, $0xb8;
	v63 =	vld [tilespmem:$0x0]  }
0x17b: {  	_ = 	snop  }
0x17c: {  	[tilespmem:s22], [sflag:$0x2] =	stream.indirect.gather [hbm4b:s4+s20], $0x80, s20, s20, $0xb8;
	v63 =	vld [tilespmem:$0x0]  }
0x17d: {  	_ =	swait.ge [sflag:s23], $0x4000  }
0x17e: {  	[sflag:s23] =	ssyncset.done $0x0  }
0x17f: {  	s14 =	simm.s32 $0x2000;
	[sflag:s23] =	ssyncadd.s32 $0xFFFFC000  }
0x180: {  	[spmem:s1] =	stream.indirect.scatter.add.f32 [tilespmem:s21], [sflag:$0x3], $0x80, s14, s20, $0xb8;
	v63 =	vld [tilespmem:$0x0]  }
0x181: {  	_ =	swait.ge [sflag:s24], $0x4000  }
0x182: {  	[sflag:s24] =	ssyncset.done $0x0  }
0x183: {  	s8 =	simm.s32 $0x2080;
	[sflag:s24] =	ssyncadd.s32 $0xFFFFC000  }
0x184: {  	[spmem:s1] =	stream.indirect.scatter.add.f32 [tilespmem:s22], [sflag:$0x4], $0x80, s8, s20, $0xb8;
	v63 =	vld [tilespmem:$0x0]  }
0x185: {  	_ =	swait.ge [sflag:s26], $0x4000  }
0x186: {  	p1 =	por $0x0, $0x0;
	[sflag:s26] =	ssyncset.done $0x0  }
.Ltmp4:
0x187: {  	s14 =	simm.s32 $0x100;
	[sflag:s26] =	ssyncadd.s32 $0xFFFFC000;
	(pc) =	sbr.rel @p1 .LBB2_6-.Ltmp4, $4  }
0x188: {  	[tilespmem:s21], [sflag:$0x1] =	stream.indirect.gather [hbm4b:s4+s20], $0x80, s14, s20, $0xb8;
	v63 =	vld [tilespmem:$0x0]  }
0x189: {  	_ =	swait.ge [sflag:s29], $0x4000  }
0x18a: {  	[sflag:s29] =	ssyncset.done $0x0  }
0x18b: {  	s30 =	simm.s32 $0x180;
	s13 =	simm.s32 $0x400;
	[sflag:s29] =	ssyncadd.s32 $0xFFFFC000  }
.LBB2_5:
0x18c: {  	[tilespmem:s22], [sflag:$0x2] =	stream.indirect.gather [hbm4b:s4+s20], $0x80, s30, s20, $0xb8;
	v63 =	vld [tilespmem:$0x0]  }
0x18d: {  	s14 =	smov.u32 s13  }
0x18e: {  	p1 =	seq.s32 s13, $0x7800;
	s13 =	sadd.s32 $0x400, s13;
	_ =	swait.ge [sflag:s23], $0x4000  }
0x18f: {  	s14 =	sshra.s32 s14, $0x2;
	[sflag:s23] =	ssyncset.done $0x0  }
0x190: {  	s30 =	sadd.s32 $0x2000, s14;
	[sflag:s23] =	ssyncadd.s32 $0xFFFFC000  }
0x191: {  	[spmem:s1] =	stream.indirect.scatter.add.f32 [tilespmem:s21], [sflag:$0x3], $0x80, s30, s20, $0xb8;
	v63 =	vld [tilespmem:$0x0]  }
0x192: {  	_ =	swait.ge [sflag:s24], $0x4000  }
0x193: {  	[sflag:s24] =	ssyncset.done $0x0  }
0x194: {  	s30 =	sadd.s32 $0x2080, s14;
	[sflag:s24] =	ssyncadd.s32 $0xFFFFC000  }
0x195: {  	[spmem:s1] =	stream.indirect.scatter.add.f32 [tilespmem:s22], [sflag:$0x4], $0x80, s30, s20, $0xb8;
	v63 =	vld [tilespmem:$0x0]  }
0x196: {  	_ =	swait.ge [sflag:s26], $0x4000  }
0x197: {  	[sflag:s26] =	ssyncset.done $0x0  }
.Ltmp5:
0x198: {  	s30 =	sadd.s32 $0x100, s14;
	[sflag:s26] =	ssyncadd.s32 $0xFFFFC000;
	(pc) =	sbr.rel @!p1 .LBB2_5-.Ltmp5, $4  }
0x199: {  	[tilespmem:s21], [sflag:$0x1] =	stream.indirect.gather [hbm4b:s4+s20], $0x80, s30, s20, $0xb8;
	v63 =	vld [tilespmem:$0x0]  }
0x19a: {  	_ =	swait.ge [sflag:s29], $0x4000  }
0x19b: {  	[sflag:s29] =	ssyncset.done $0x0  }
0x19c: {  	s30 =	sadd.s32 $0x180, s14;
	[sflag:s29] =	ssyncadd.s32 $0xFFFFC000  }
.LBB2_6:
.Ltmp6:
0x19d: {  	(pc) =	sbr.rel .LBB2_8-.Ltmp6, $3  }
0x19e: {  	_ =	sdelay $0x1  }
0x19f: {  	[tilespmem:s22], [sflag:$0x2] =	stream.indirect.gather [hbm4b:s4+s20], $0x80, s30, s20, $0xb8;
	v63 =	vld [tilespmem:$0x0]  }
0x1a0: {  	s30 =	simm.s32 $0x3F80;
	s13 =	simm.s32 $0x3F00  }
.LBB2_9:
0x1a1: {  	_ =	sfence.sel $0x180000  }
0x1a2: {  	[bflag:$0x0] =	sbarrier.arrive $0xFFFF  }
0x1a3: {  	_ =	strace $0x90000050  }
0x1a4: {  	s0 =	stileid.u32;
	[bflag:$0x2] =	sbarrier.arrive $0xFFFF  }
0x1a5: {  	p0 =	sne.s32 s0, $0x0;
	s0 =	rddreg [dreg:$0x3]  }
0x1a6: {  	s0 =	sadd.s32 @!p0 $0x100000, s0  }
0x1a7: {  	[sflag:s0] =	ssyncadd.tile.s32 @!p0 $0x1;
	_ =	shalt  }
.Lfunc_end2:
_tile_overlayer_lowered:
.L_overlay_start_2:
0x1a8: {  	(tag) =	ssettag $0x2  }
0x1a9: {  	s0 =	rddreg [dreg:$0x0];
	s2 =	stileid.u32  }
0x1aa: {  	s1 =	rddreg [dreg:$0x1];
	p0 =	sne.s32 s2, $0x0  }
0x1ab: {  	s3 =	rddreg [dreg:$0x2];
	[bflag:$0x3] =	sbarrier.arrive $0xFFFF;
	s2 =	simm.s32 @!p0 $0x1C05  }
0x1ac: {  	[timem:s3], [sflag:s2] =	dma.local @!p0 [hbm:s0], s1  }
0x1ad: {  	s0 =	simm.s32 @!p0 $0x5  }
0x1ae: {  	_ =	swait.ge @!p0 [sflag:s0], s1  }
0x1af: {  	s1 =	ssub.s32 @!p0 $0x0, s1;
	[sflag:s0] =	ssyncset.done @!p0 $0x0  }
0x1b0: {  	[sflag:s0] =	ssyncadd.s32 @!p0 s1  }
0x1b1: {  	[bflag:$0x3] =	sbarrier.arrive $0xFFFF  }
0x1b2: {  	_ =	shalt  }

</sc_bundles>
